<compile_context>
chip_gen: v7x
topology: tpu7x:2x2x1
jax: 0.10.2.dev20260603
libtpu: 0.0.44.dev20260713+nightly
codegen_flags: <defaults>
</compile_context>

<pallas_src>
import functools

import jax
import jax.numpy as jnp
from jax import lax
from jax.experimental import pallas as pl
from jax.experimental.pallas import tpu as pltpu
from jax.experimental.pallas import tpu_sc as plsc

N = 4096
E = 65536
B = 8
DIN = 128
H = 256
LAT = 64
C = 3
TL = 512
FD = 32
P = 7
NL = 3

BM = 256
NBLK = N // BM
NC, NS = 2, 16
CH = 128


def _leaky(x):
    return jnp.where(x > 0, x, 0.2 * x)



@functools.lru_cache(maxsize=None)
def _sc_call(f, mode):
    col = mode == 'col'
    ones = mode == 'ones'
    fh = 128
    nsplit = f // fh if col else 2
    npass = (f // fh) // NC if col else 1
    nw = NS if col else NC * NS
    epw = E // nw
    nch = epw // CH
    rpw = N // NS
    mesh = plsc.VectorSubcoreMesh(core_axis_name="c", subcore_axis_name="s",
                                  num_cores=NC, num_subcores=NS)

    scratch = [
        pltpu.VMEM((nch, 1, CH), jnp.int32),
        pltpu.VMEM((CH, fh), jnp.float32),
        pltpu.VMEM((rpw // 2, fh), jnp.float32),
        pltpu.VMEM_SHARED((N, fh), jnp.float32),
    ]
    if not ones:
        scratch = ([pltpu.VMEM((nch, 1, CH), jnp.int32)] + scratch
                   + [pltpu.VMEM((CH, fh), jnp.float32),
                      pltpu.SemaphoreType.DMA, pltpu.SemaphoreType.DMA])

    @functools.partial(
        pl.kernel,
        out_type=[jax.ShapeDtypeStruct((nsplit * N, fh), jnp.float32)],
        mesh=mesh,
        scratch_types=scratch,
    )
    def seg(*refs):
        it = iter(refs)
        tab = next(it) if not ones else None
        if not ones:
            src2d = next(it)
        dst2d = next(it)
        out = next(it)
        if not ones:
            src_all = next(it)
        dst_all, rows0, stage_v, acc = next(it), next(it), next(it), next(it)
        if not ones:
            rows1, sem0, sem1 = next(it), next(it), next(it)

        cid = lax.axis_index("c")
        sid = lax.axis_index("s")

        if col:
            e0 = sid * epw
        else:
            e0 = (sid * NC + cid) * epw
        row0 = e0 // CH

        pltpu.sync_copy(dst2d.at[pl.ds(row0, nch)], dst_all)
        if not ones:
            pltpu.sync_copy(src2d.at[pl.ds(row0, nch)], src_all)

        def _bump_src(off):
            def body(r, carry):
                for jj in range(CH // 16):
                    v = src_all[r, 0, pl.ds(jj * 16, 16)]
                    src_all[r, 0, pl.ds(jj * 16, 16)] = v + off
                return carry

            lax.fori_loop(0, nch, body, 0)

        if col:
            _bump_src(cid * npass * N)

        z16 = jnp.zeros((16,), jnp.float32)
        o16 = jnp.ones((16,), jnp.float32)

        def zrow(r, carry):
            for j in range(fh // 16):
                stage_v[r, pl.ds(j * 16, 16)] = z16
            return carry

        lax.fori_loop(0, rpw // 2, zrow, 0)
        if ones:
            def orow(r, carry):
                for j in range(fh // 16):
                    rows0[r, pl.ds(j * 16, 16)] = o16
                return carry

            lax.fori_loop(0, CH, orow, 0)

        r0 = sid * rpw
        drain = tab.at[pl.ds(0, CH)] if not ones else None

        for q in range(npass):
            if q:
                _bump_src(N)
            pltpu.sync_copy(stage_v, acc.at[pl.ds(r0, rpw // 2)])
            pltpu.sync_copy(stage_v, acc.at[pl.ds(r0 + rpw // 2, rpw // 2)])
            plsc.subcore_barrier()

            if ones:
                def chunk(j, carry):
                    pltpu.sync_copy(rows0, acc.at[dst_all.at[j, 0]], add=True)
                    return carry

                lax.fori_loop(0, nch, chunk, 0)
            else:
                pltpu.async_copy(tab.at[src_all.at[0, 0]], rows0, sem0)

                def chunk(j, carry):
                    pltpu.async_copy(tab.at[src_all.at[2 * j + 1, 0]], rows1,
                                     sem1)
                    pltpu.make_async_copy(drain, rows0, sem0).wait()
                    pltpu.sync_copy(rows0, acc.at[dst_all.at[2 * j, 0]],
                                    add=True)
                    pltpu.async_copy(tab.at[src_all.at[2 * j + 2, 0]], rows0,
                                     sem0)
                    pltpu.make_async_copy(drain, rows1, sem1).wait()
                    pltpu.sync_copy(rows1, acc.at[dst_all.at[2 * j + 1, 0]],
                                    add=True)
                    return carry

                lax.fori_loop(0, nch // 2 - 1, chunk, 0)
                pltpu.async_copy(tab.at[src_all.at[nch - 1, 0]], rows1, sem1)
                pltpu.make_async_copy(drain, rows0, sem0).wait()
                pltpu.sync_copy(rows0, acc.at[dst_all.at[nch - 2, 0]], add=True)
                pltpu.make_async_copy(drain, rows1, sem1).wait()
                pltpu.sync_copy(rows1, acc.at[dst_all.at[nch - 1, 0]], add=True)

            plsc.subcore_barrier()
            ioff = (cid * npass + q) * N if col else cid * N
            wbuf = stage_v if ones else rows1
            for half in range(2):
                ro = r0 + half * (rpw // 2)
                pltpu.sync_copy(acc.at[pl.ds(ro, rpw // 2)], wbuf)
                pltpu.sync_copy(wbuf, out.at[pl.ds(ioff + ro, rpw // 2)])

    return seg


def _segsum2(table, src2d, dst2d):
    f = table.shape[1]
    if f % 256 == 0:
        nq = f // 128
        tab2 = jnp.concatenate(
            [table[:, i * 128:(i + 1) * 128] for i in range(nq)], axis=0)
        out = _sc_call(f, 'col')(tab2, src2d, dst2d)[0]
        return [out[i * N:(i + 1) * N] for i in range(nq)]
    out = _sc_call(f, 'edge')(table, src2d, dst2d)[0]
    return out[:N], out[N:]


def _degree2(dst2d):
    out = _sc_call(128, 'ones')(dst2d)[0]
    return out[:N], out[N:]



def _row_spec(d):
    return pl.BlockSpec((BM, d), lambda i: (i, 0))


def _full_spec(shape):
    nd = len(shape)
    return pl.BlockSpec(shape, lambda i: (0,) * nd)


def _gin_tc(h, aggA, aggB, cat, batchf, gsp, statWp, W1, W2, aux):
    fin = h.shape[1]

    def body(h_ref, aA_ref, aB_ref, b_ref, gs_ref, sw_ref, w1_ref, w2_ref,
             aux_ref, o_ref):
        if cat:
            agg = jnp.concatenate([aA_ref[...], aB_ref[...]], axis=1)
        else:
            agg = aA_ref[...] + aB_ref[...]
        t = h_ref[...] + agg
        a = _leaky(jnp.dot(t, w1_ref[...],
                           preferred_element_type=jnp.float32, precision=lax.Precision.HIGHEST) + aux_ref[0:1, :])
        a = a * aux_ref[2:3, :] + aux_ref[3:4, :]
        a = _leaky(jnp.dot(a, w2_ref[...],
                           preferred_element_type=jnp.float32, precision=lax.Precision.HIGHEST) + aux_ref[1:2, :])
        g = gs_ref[...]
        g = jnp.where(g != g, -100.0, g)
        sp8 = jnp.dot(g, sw_ref[...], preferred_element_type=jnp.float32, precision=lax.Precision.HIGHEST)
        lane = lax.broadcasted_iota(jnp.int32, (1, 128), 1).astype(jnp.float32)
        oh = (b_ref[...] == lane).astype(jnp.float32)
        sp = jnp.dot(oh, sp8, preferred_element_type=jnp.float32, precision=lax.Precision.HIGHEST)
        o_ref[...] = a + sp + aux_ref[4:5, :]

    return pl.pallas_call(
        body,
        grid=(NBLK,),
        in_specs=[
            _row_spec(fin), _row_spec(128), _row_spec(128), _row_spec(1),
            _full_spec((128, 128)), _full_spec((128, H)),
            _full_spec((fin, H)), _full_spec((H, H)), _full_spec((8, H)),
        ],
        out_specs=_row_spec(H),
        out_shape=jax.ShapeDtypeStruct((N, H), jnp.float32),
    )(h, aggA, aggB, batchf, gsp, statWp, W1, W2, aux)


def _head_tc(h, aggA, aggB, batchf, gsp, statWp, W1, W2, aux,
             eps, fcoW, muW, lvW, ld1W, ld2p, bm2p, aux64, aux128):
    def body(h_ref, aA_ref, aB_ref, b_ref, gs_ref, sw_ref, w1_ref, w2_ref,
             aux_ref, eps_ref, fco_ref, mu_ref, lv_ref, ld1_ref, ld2_ref,
             bm2_ref, a64_ref, a128_ref,
             mu_o, lv_o, z_o, y_o, yoh_o, brow_o, l_o):
        agg = jnp.concatenate([aA_ref[...], aB_ref[...]], axis=1)
        t = h_ref[...] + agg
        a = _leaky(jnp.dot(t, w1_ref[...],
                           preferred_element_type=jnp.float32, precision=lax.Precision.HIGHEST) + aux_ref[0:1, :])
        a = a * aux_ref[2:3, :] + aux_ref[3:4, :]
        a = _leaky(jnp.dot(a, w2_ref[...],
                           preferred_element_type=jnp.float32, precision=lax.Precision.HIGHEST) + aux_ref[1:2, :])
        g = gs_ref[...]
        g = jnp.where(g != g, -100.0, g)
        sp8 = jnp.dot(g, sw_ref[...], preferred_element_type=jnp.float32, precision=lax.Precision.HIGHEST)
        lane = lax.broadcasted_iota(jnp.int32, (1, 128), 1).astype(jnp.float32)
        oh = (b_ref[...] == lane).astype(jnp.float32)
        sp = jnp.dot(oh, sp8, preferred_element_type=jnp.float32, precision=lax.Precision.HIGHEST)
        h3 = a + sp + aux_ref[4:5, :]

        hc = jnp.dot(h3, fco_ref[...],
                     preferred_element_type=jnp.float32, precision=lax.Precision.HIGHEST) + aux_ref[5:6, :]
        mu = jnp.dot(hc, mu_ref[...],
                     preferred_element_type=jnp.float32, precision=lax.Precision.HIGHEST) + a64_ref[0:1, :]
        lv = jnp.dot(hc, lv_ref[...],
                     preferred_element_type=jnp.float32, precision=lax.Precision.HIGHEST) + a64_ref[1:2, :]
        z = mu + jnp.exp(0.5 * lv) * eps_ref[...]
        l1 = jnp.maximum(
            jnp.dot(z, ld1_ref[...],
                    preferred_element_type=jnp.float32, precision=lax.Precision.HIGHEST) + a64_ref[2:3, :], 0.0)
        logit = jnp.dot(l1, ld2_ref[...],
                        preferred_element_type=jnp.float32, precision=lax.Precision.HIGHEST) + a128_ref[0:1, :]
        mask3 = lane < float(C)
        lm = jnp.where(mask3, logit, -1e30)
        m = jnp.max(lm, axis=1, keepdims=True)
        ex = jnp.where(mask3, jnp.exp(lm - m), 0.0)
        s = jnp.sum(ex, axis=1, keepdims=True)
        y = ex / s

        def colv(j):
            sel = lane == float(j)
            return jnp.sum(jnp.where(sel, y, 0.0), axis=1, keepdims=True)

        y0, y1, y2 = colv(0), colv(1), colv(2)
        p0 = (y0 >= y1) & (y0 >= y2)
        p1 = jnp.logical_not(p0) & (y1 >= y2)
        p2 = jnp.logical_not(p0) & jnp.logical_not(p1)
        yoh = (p0.astype(jnp.float32) * (lane == 0.0).astype(jnp.float32)
               + p1.astype(jnp.float32) * (lane == 1.0).astype(jnp.float32)
               + p2.astype(jnp.float32) * (lane == 2.0).astype(jnp.float32))
        brow = jnp.dot(yoh, bm2_ref[...], preferred_element_type=jnp.float32, precision=lax.Precision.HIGHEST)

        mu_o[...] = mu
        lv_o[...] = lv
        z_o[...] = z
        y_o[...] = y
        yoh_o[...] = yoh
        brow_o[...] = brow
        l_o[...] = logit

    return pl.pallas_call(
        body,
        grid=(NBLK,),
        in_specs=[
            _row_spec(H), _row_spec(128), _row_spec(128), _row_spec(1),
            _full_spec((128, 128)), _full_spec((128, H)),
            _full_spec((H, H)), _full_spec((H, H)), _full_spec((8, H)),
            _row_spec(LAT), _full_spec((H, H)),
            _full_spec((H, LAT)), _full_spec((H, LAT)),
            _full_spec((LAT, LAT)), _full_spec((LAT, 128)),
            _full_spec((128, 128)), _full_spec((8, LAT)),
            _full_spec((8, 128)),
        ],
        out_specs=[
            _row_spec(LAT), _row_spec(LAT), _row_spec(LAT),
            _row_spec(128), _row_spec(128), _row_spec(128), _row_spec(128),
        ],
        out_shape=[
            jax.ShapeDtypeStruct((N, LAT), jnp.float32),
            jax.ShapeDtypeStruct((N, LAT), jnp.float32),
            jax.ShapeDtypeStruct((N, LAT), jnp.float32),
            jax.ShapeDtypeStruct((N, 128), jnp.float32),
            jax.ShapeDtypeStruct((N, 128), jnp.float32),
            jax.ShapeDtypeStruct((N, 128), jnp.float32),
            jax.ShapeDtypeStruct((N, 128), jnp.float32),
        ],
    )(h, aggA, aggB, batchf, gsp, statWp, W1, W2, aux,
      eps, fcoW, muW, lvW, ld1W, ld2p, bm2p, aux64, aux128)


def _dec_tc(z, ypad, degA, degB, st1a, st1bp, st2, fp1a, fp1bp, fp2, gcnW,
            aux64d, aux512):
    def body(z_ref, y_ref, dA_ref, dB_ref, s1a_ref, s1b_ref, s2_ref, f1a_ref,
             f1b_ref, f2_ref, gw_ref, a64_ref, a512_ref, zs_o, zf_o, xwp_o):
        z = z_ref[...]
        y = y_ref[...]
        t = jnp.maximum(
            jnp.dot(z, s1a_ref[...], preferred_element_type=jnp.float32, precision=lax.Precision.HIGHEST)
            + jnp.dot(y, s1b_ref[...], preferred_element_type=jnp.float32, precision=lax.Precision.HIGHEST)
            + a64_ref[0:1, :], 0.0)
        zs = jnp.dot(t, s2_ref[...],
                     preferred_element_type=jnp.float32, precision=lax.Precision.HIGHEST) + a64_ref[1:2, :]
        t2 = jnp.maximum(
            jnp.dot(z, f1a_ref[...], preferred_element_type=jnp.float32, precision=lax.Precision.HIGHEST)
            + jnp.dot(y, f1b_ref[...], preferred_element_type=jnp.float32, precision=lax.Precision.HIGHEST)
            + a64_ref[2:3, :], 0.0)
        zf = jnp.dot(t2, f2_ref[...],
                     preferred_element_type=jnp.float32, precision=lax.Precision.HIGHEST) + a512_ref[0:1, :]
        d = jnp.max(dA_ref[...] + dB_ref[...], axis=1, keepdims=True) + 1.0
        dis = lax.rsqrt(d)
        xwp = dis * jnp.dot(zf, gw_ref[...], preferred_element_type=jnp.float32, precision=lax.Precision.HIGHEST)
        zs_o[...] = zs
        zf_o[...] = zf
        xwp_o[...] = xwp

    return pl.pallas_call(
        body,
        grid=(NBLK,),
        in_specs=[
            _row_spec(LAT), _row_spec(128), _row_spec(128), _row_spec(128),
            _full_spec((LAT, LAT)), _full_spec((128, LAT)),
            _full_spec((LAT, LAT)), _full_spec((LAT, LAT)),
            _full_spec((128, LAT)), _full_spec((LAT, TL)),
            _full_spec((TL, TL)), _full_spec((8, LAT)), _full_spec((8, TL)),
        ],
        out_specs=[_row_spec(LAT), _row_spec(TL), _row_spec(TL)],
        out_shape=[
            jax.ShapeDtypeStruct((N, LAT), jnp.float32),
            jax.ShapeDtypeStruct((N, TL), jnp.float32),
            jax.ShapeDtypeStruct((N, TL), jnp.float32),
        ],
    )(z, ypad, degA, degB, st1a, st1bp, st2, fp1a, fp1bp, fp2, gcnW,
      aux64d, aux512)


def _adj_tc(zs, brow, yoh, batchf, batchc3):
    def body(zr_ref, zc_ref, br_ref, yc_ref, bfr_ref, bfc_ref, o_ref):
        i = pl.program_id(0)
        j = pl.program_id(1)
        s = lax.dot_general(zr_ref[...], zc_ref[...],
                            (((1,), (1,)), ((), ())),
                            preferred_element_type=jnp.float32, precision=lax.Precision.HIGHEST)
        a = jax.nn.sigmoid(s)
        bmv = lax.dot_general(br_ref[...], yc_ref[...],
                              (((1,), (1,)), ((), ())),
                              preferred_element_type=jnp.float32, precision=lax.Precision.HIGHEST)
        bc = bfc_ref[0]
        msk = (bfr_ref[...] == bc).astype(jnp.float32)
        gr = lax.broadcasted_iota(jnp.int32, (BM, 1), 0) + i * BM
        gc = lax.broadcasted_iota(jnp.int32, (1, BM), 1) + j * BM
        neq = (gr != gc).astype(jnp.float32)
        o_ref[...] = a * bmv * msk * neq

    return pl.pallas_call(
        body,
        grid=(NBLK, NBLK),
        in_specs=[
            pl.BlockSpec((BM, LAT), lambda i, j: (i, 0)),
            pl.BlockSpec((BM, LAT), lambda i, j: (j, 0)),
            pl.BlockSpec((BM, 128), lambda i, j: (i, 0)),
            pl.BlockSpec((BM, 128), lambda i, j: (j, 0)),
            pl.BlockSpec((BM, 1), lambda i, j: (i, 0)),
            pl.BlockSpec((1, 1, BM), lambda i, j: (j, 0, 0)),
        ],
        out_specs=pl.BlockSpec((BM, BM), lambda i, j: (i, j)),
        out_shape=jax.ShapeDtypeStruct((N, N), jnp.float32),
    )(zs, zs, brow, yoh, batchf, batchc3)


def _fin_tc(s0, s1, s2, s3, xwp, degA, degB, fbWp, aux512f, aux128f):
    def body(s0_ref, s1_ref, s2_ref, s3_ref, xw_ref, dA_ref, dB_ref, fbw_ref,
             a512_ref, a128_ref, o_ref):
        sm = jnp.concatenate([s0_ref[...], s1_ref[...], s2_ref[...],
                              s3_ref[...]], axis=1) + xw_ref[...]
        d = jnp.max(dA_ref[...] + dB_ref[...], axis=1, keepdims=True) + 1.0
        dis = lax.rsqrt(d)
        smn = dis * sm + a512_ref[0:1, :]
        zfr = jnp.maximum(smn, 0.0)
        o_ref[...] = jnp.dot(zfr, fbw_ref[...],
                             preferred_element_type=jnp.float32, precision=lax.Precision.HIGHEST) + a128_ref[0:1, :]

    return pl.pallas_call(
        body,
        grid=(NBLK,),
        in_specs=[
            _row_spec(128), _row_spec(128), _row_spec(128), _row_spec(128),
            _row_spec(TL), _row_spec(128), _row_spec(128),
            _full_spec((TL, 128)), _full_spec((8, TL)), _full_spec((8, 128)),
        ],
        out_specs=_row_spec(128),
        out_shape=jax.ShapeDtypeStruct((N, 128), jnp.float32),
    )(s0, s1, s2, s3, xwp, degA, degB, fbWp, aux512f, aux128f)



def kernel(x, edge_index, batch, graph_stats, eps, params):
    p = params
    src = edge_index[0].astype(jnp.int32)
    dst = edge_index[1].astype(jnp.int32)
    batchf = batch.astype(jnp.float32).reshape(N, 1)
    batchc3 = batchf.reshape(NBLK, 1, BM)
    gsp = jnp.zeros((128, 128), jnp.float32).at[:B, :P].set(graph_stats)

    auxs, statWps = [], []
    for i in range(NL):
        scale = p[f'gin{i}_g'] / jnp.sqrt(p[f'gin{i}_v'] + 1e-5)
        shift = p[f'gin{i}_be'] - p[f'gin{i}_m'] * scale
        rows = [p[f'gin{i}_b1'], p[f'gin{i}_b2'], scale, shift,
                p[f'stat{i}_b'], jnp.zeros(H, jnp.float32),
                jnp.zeros(H, jnp.float32), jnp.zeros(H, jnp.float32)]
        auxs.append(jnp.stack(rows))
        statWps.append(jnp.zeros((128, H), jnp.float32).at[:P].set(p[f'stat{i}_W']))
    auxs[2] = auxs[2].at[5].set(p['fco_b'])

    aux64 = jnp.zeros((8, LAT), jnp.float32)
    aux64 = aux64.at[0].set(p['mu_b']).at[1].set(p['lv_b']).at[2].set(p['ld1_b'])
    ld2p = jnp.zeros((LAT, 128), jnp.float32).at[:, :C].set(p['ld2_W'])
    aux128 = jnp.zeros((8, 128), jnp.float32).at[0, :C].set(p['ld2_b'])
    bmx = jax.nn.softmax(p['hb'], axis=1)
    bm2 = 0.5 * (bmx + bmx.T)
    bm2p = jnp.zeros((128, 128), jnp.float32).at[:C, :C].set(bm2)

    st1a = p['st1_W'][:LAT]
    st1bp = jnp.zeros((128, LAT), jnp.float32).at[:C].set(p['st1_W'][LAT:])
    fp1a = p['fp1_W'][:LAT]
    fp1bp = jnp.zeros((128, LAT), jnp.float32).at[:C].set(p['fp1_W'][LAT:])
    aux64d = jnp.zeros((8, LAT), jnp.float32)
    aux64d = aux64d.at[0].set(p['st1_b']).at[1].set(p['st2_b']).at[2].set(p['fp1_b'])
    aux512 = jnp.zeros((8, TL), jnp.float32).at[0].set(p['fp2_b'])
    aux512f = jnp.zeros((8, TL), jnp.float32).at[0].set(p['gcn_b'])
    fbWp = jnp.zeros((TL, 128), jnp.float32).at[:, :FD].set(p['fb_W'])
    aux128f = jnp.zeros((8, 128), jnp.float32).at[0, :FD].set(p['fb_b'])

    src2d = src.reshape(E // CH, 1, CH)
    dst2d = dst.reshape(E // CH, 1, CH)
    degA, degB = _degree2(dst2d)

    h = x
    for i in range(2):
        aA, aB = _segsum2(h, src2d, dst2d)
        h = _gin_tc(h, aA, aB, i > 0, batchf, gsp, statWps[i],
                    p[f'gin{i}_W1'], p[f'gin{i}_W2'], auxs[i])
    aA, aB = _segsum2(h, src2d, dst2d)
    mu, lv, z, ypad, yoh, brow, lpad = _head_tc(
        h, aA, aB, batchf, gsp, statWps[2], p['gin2_W1'], p['gin2_W2'],
        auxs[2], eps, p['fco_W'], p['mu_W'], p['lv_W'], p['ld1_W'], ld2p,
        bm2p, aux64, aux128)

    zs, zf, xwp = _dec_tc(z, ypad, degA, degB, st1a, st1bp, p['st2_W'],
                          fp1a, fp1bp, p['fp2_W'], p['gcn_W'], aux64d, aux512)
    adj = _adj_tc(zs, brow, yoh, batchf, batchc3)
    s0, s1, s2, s3 = _segsum2(xwp, src2d, dst2d)
    featsp = _fin_tc(s0, s1, s2, s3, xwp, degA, degB, fbWp, aux512f, aux128f)

    logits = lpad[:, :C]
    feats = featsp[:, :FD]
    return adj, logits, feats, mu, lv

# --- scband reference (transcript-rebuilt; emitter-appended) ---
"""Pipeline reference for scband-hierarchical-vae-87729001988306 (READ-ONLY COPY).

The authoritative reference and input builder live on the scoring server;
editing this copy changes nothing except your own understanding.
"""

import jax, jax.numpy as jnp
import numpy as np

N = 4096; E = 65536; B = 8; DIN = 128; H = 256; LAT = 64; C = 3; TL = 512; FD = 32; P = 7; NL = 3

def _lin(key, i, o, s=0.05):
    return jax.random.normal(key, (i, o), dtype=jnp.float32) * s

def _leaky(x):
    return jnp.where(x > 0, x, 0.2 * x)

def setup_inputs(seed: int = 0) -> dict:
    key = jax.random.key(seed)
    ks = jax.random.split(key, 64)
    x = jax.random.normal(ks[0], (N, DIN), dtype=jnp.float32)
    edge_index = jax.random.randint(ks[1], (2, E), 0, N, dtype=jnp.int64) if jax.config.jax_enable_x64 else jax.random.randint(ks[1], (2, E), 0, N).astype(jnp.int32)
    batch = jnp.sort(jax.random.randint(ks[2], (N,), 0, B)).astype(jnp.int32)
    graph_stats = jax.random.normal(ks[3], (B, P), dtype=jnp.float32)
    eps = jax.random.normal(ks[4], (N, LAT), dtype=jnp.float32)
    p = {}
    dims = [DIN, H, H]
    ki = 5
    for i in range(NL):
        p[f'gin{i}_W1'] = _lin(ks[ki], dims[i], H); ki += 1
        p[f'gin{i}_b1'] = jnp.zeros(H, jnp.float32)
        p[f'gin{i}_W2'] = _lin(ks[ki], H, H); ki += 1
        p[f'gin{i}_b2'] = jnp.zeros(H, jnp.float32)
        p[f'gin{i}_g'] = jnp.ones(H, jnp.float32)
        p[f'gin{i}_be'] = jnp.zeros(H, jnp.float32)
        p[f'gin{i}_m'] = jnp.zeros(H, jnp.float32)
        p[f'gin{i}_v'] = jnp.ones(H, jnp.float32)
        p[f'stat{i}_W'] = _lin(ks[ki], P, H); ki += 1
        p[f'stat{i}_b'] = jnp.zeros(H, jnp.float32)
    p['fco_W'] = _lin(ks[ki], H, H); ki += 1
    p['fco_b'] = jnp.zeros(H, jnp.float32)
    p['mu_W'] = _lin(ks[ki], H, LAT); ki += 1
    p['mu_b'] = jnp.zeros(LAT, jnp.float32)
    p['lv_W'] = _lin(ks[ki], H, LAT); ki += 1
    p['lv_b'] = jnp.zeros(LAT, jnp.float32)
    p['ld1_W'] = _lin(ks[ki], LAT, 64); ki += 1
    p['ld1_b'] = jnp.zeros(64, jnp.float32)
    p['ld2_W'] = _lin(ks[ki], 64, C); ki += 1
    p['ld2_b'] = jnp.zeros(C, jnp.float32)
    p['st1_W'] = _lin(ks[ki], LAT + C, 64); ki += 1
    p['st1_b'] = jnp.zeros(64, jnp.float32)
    p['st2_W'] = _lin(ks[ki], 64, LAT); ki += 1
    p['st2_b'] = jnp.zeros(LAT, jnp.float32)
    p['hb'] = jnp.ones((C, C), jnp.float32)
    p['fp1_W'] = _lin(ks[ki], LAT + C, 64); ki += 1
    p['fp1_b'] = jnp.zeros(64, jnp.float32)
    p['fp2_W'] = _lin(ks[ki], 64, TL); ki += 1
    p['fp2_b'] = jnp.zeros(TL, jnp.float32)
    p['gcn_W'] = _lin(ks[ki], TL, TL); ki += 1
    p['gcn_b'] = jnp.zeros(TL, jnp.float32)
    p['fb_W'] = _lin(ks[ki], TL, FD); ki += 1
    p['fb_b'] = jnp.zeros(FD, jnp.float32)
    return {'x': x, 'edge_index': edge_index, 'batch': batch, 'graph_stats': graph_stats, 'eps': eps, 'params': p}

def _forward(x, graph_stats, eps, edge_index, batch, p):
    src, dst = edge_index[0], edge_index[1]
    gs = jnp.nan_to_num(graph_stats, nan=-100.0)
    node_stats = gs[batch]
    # GIN encoder (eval mode: dropout off, batchnorm uses running stats)
    h = x
    for i in range(NL):
        agg = jnp.zeros((N, h.shape[1]), h.dtype).at[dst].add(h[src])
        t = h + agg  # (1 + eps)*x + sum_neighbors, GIN eps = 0
        t = _leaky(t @ p[f'gin{i}_W1'] + p[f'gin{i}_b1'])
        t = (t - p[f'gin{i}_m']) / jnp.sqrt(p[f'gin{i}_v'] + 1e-5) * p[f'gin{i}_g'] + p[f'gin{i}_be']
        t = _leaky(t @ p[f'gin{i}_W2'] + p[f'gin{i}_b2'])
        h = t + (node_stats @ p[f'stat{i}_W'] + p[f'stat{i}_b'])
    h = h @ p['fco_W'] + p['fco_b']
    mu = h @ p['mu_W'] + p['mu_b']
    lv = h @ p['lv_W'] + p['lv_b']
    z = mu + jnp.exp(0.5 * lv) * eps
    # LabelDecoder
    logits = jax.nn.relu(z @ p['ld1_W'] + p['ld1_b']) @ p['ld2_W'] + p['ld2_b']
    y = jax.nn.softmax(logits, axis=1)  # soft one-hot passed down the hierarchy
    zc = jnp.concatenate([z, y], axis=1)
    # StructureDecoder
    zs = jax.nn.relu(zc @ p['st1_W'] + p['st1_b']) @ p['st2_W'] + p['st2_b']
    adj = jax.nn.sigmoid(zs @ zs.T)
    yi = jnp.argmax(y, axis=1)
    bm = jax.nn.softmax(p['hb'], axis=1)
    bm = 0.5 * (bm + bm.T)
    adj = adj * bm[yi[:, None], yi[None, :]]
    adj = 0.5 * (adj + adj.T)
    adj = adj * (batch[:, None] == batch[None, :]).astype(adj.dtype)
    adj = adj * (1.0 - jnp.eye(N, dtype=adj.dtype))
    # FeatureDecoder: project to teacher latent, GCN smoothing, fallback projection
    zf = jax.nn.relu(zc @ p['fp1_W'] + p['fp1_b']) @ p['fp2_W'] + p['fp2_b']
    loop = jnp.arange(N, dtype=src.dtype)
    s2 = jnp.concatenate([src, loop])
    d2 = jnp.concatenate([dst, loop])
    deg = jnp.zeros(N, jnp.float32).at[d2].add(1.0)
    dis = 1.0 / jnp.sqrt(deg)
    norm = dis[s2] * dis[d2]
    xw = zf @ p['gcn_W']
    sm = jnp.zeros((N, TL), jnp.float32).at[d2].add(norm[:, None] * xw[s2]) + p['gcn_b']
    zf = jax.nn.relu(sm)
    feats = zf @ p['fb_W'] + p['fb_b']
    return adj, logits, feats, mu, lv

def reference(x, edge_index, batch, graph_stats, eps, params):
    return _forward(x, graph_stats, eps, edge_index, batch, params)

if __name__ == "__main__":
    import jax
    _d = setup_inputs()
    print(jax.jit(kernel)(*tuple(_d.values())))

</pallas_src>

<mosaic_0001>
#map = affine_map<(d0, d1) -> (0, 0)>
#map1 = affine_map<(d0, d1) -> (0, 0, 0)>
module attributes {stable_mosaic.version = 14 : i64} {
  func.func @seg(%arg0: i32, %arg1: i32, %arg2: memref<4096x128xf32, #tpu.memory_space<hbm>>, %arg3: memref<512x1x128xi32, #tpu.memory_space<hbm>>, %arg4: memref<512x1x128xi32, #tpu.memory_space<hbm>>, %arg5: memref<8192x128xf32, #tpu.memory_space<hbm>>, %arg6: memref<16x1x128xi32, #tpu.memory_space<vmem>>, %arg7: memref<16x1x128xi32, #tpu.memory_space<vmem>>, %arg8: memref<128x128xf32, #tpu.memory_space<vmem>>, %arg9: memref<128x128xf32, #tpu.memory_space<vmem>>, %arg10: memref<4096x128xf32, #tpu.memory_space<vmem_shared>>, %arg11: memref<128x128xf32, #tpu.memory_space<vmem>>, %arg12: memref<!tpu.dma_semaphore, #tpu.memory_space<semaphore_mem>>, %arg13: memref<!tpu.dma_semaphore, #tpu.memory_space<semaphore_mem>>) attributes {dimension_semantics = [#tpu.dimension_semantics<core_parallel>, #tpu.dimension_semantics<subcore_parallel>], iteration_bounds = array<i64: 2, 16>, scalar_prefetch = 0 : i64, scratch_operands = 8 : i64, tpu.core_type = #tpu.core_type<sc_vector_subcore>, window_params = [{transform_indices = #map}, {transform_indices = #map1}, {transform_indices = #map1}, {transform_indices = #map}]} {
    %mul3A = arith.constant 2 : i32
    %mul3A_0 = arith.muli %arg1, %mul3A : i32
    %add3A = arith.addi %mul3A_0, %arg0 : i32
    %mul3A_1 = arith.constant 2048 : i32
    %mul3A_2 = arith.muli %add3A, %mul3A_1 : i32
    %jit3A = arith.constant 128 : i32
    %div3A = arith.divsi %mul3A_2, %jit3A : i32
    %sign3A = arith.constant 0 : i32
    %sign3A_3 = arith.cmpi sgt, %mul3A_2, %sign3A : i32
    %sign3A_4 = arith.extui %sign3A_3 : i1 to i32
    %sign3A_5 = arith.constant 0 : i32
    %sign3A_6 = arith.cmpi slt, %mul3A_2, %sign3A_5 : i32
    %sign3A_7 = arith.extui %sign3A_6 : i1 to i32
    %sign3A_8 = arith.subi %sign3A_4, %sign3A_7 : i32
    %sign3A_9 = arith.constant 0 : i32
    %sign3A_10 = arith.cmpi sgt, %jit3A, %sign3A_9 : i32
    %sign3A_11 = arith.extui %sign3A_10 : i1 to i32
    %sign3A_12 = arith.constant 0 : i32
    %sign3A_13 = arith.cmpi slt, %jit3A, %sign3A_12 : i32
    %sign3A_14 = arith.extui %sign3A_13 : i1 to i32
    %sign3A_15 = arith.subi %sign3A_11, %sign3A_14 : i32
    %ne3A = arith.cmpi ne, %sign3A_8, %sign3A_15 : i32
    %rem3A = arith.remsi %mul3A_2, %jit3A : i32
    %ne3A_16 = arith.constant 0 : i32
    %ne3A_17 = arith.cmpi ne, %rem3A, %ne3A_16 : i32
    %and3A = arith.andi %ne3A, %ne3A_17 : i1
    %sub3A = arith.constant 1 : i32
    %sub3A_18 = arith.subi %div3A, %sub3A : i32
    %select_n3A = arith.select %and3A, %sub3A_18, %div3A : i32
    "tpu.region"() ({
      %run_scoped3A_75 = tpu.sem_alloc : memref<!tpu.dma_semaphore, #tpu.memory_space<semaphore_mem>>
      %dma_start3A_76 = arith.constant 0 : i32
      %dma_start3A_77 = arith.constant 0 : i32
      %dma_start3A_78 = tpu.memref_slice %arg4[%select_n3A, %dma_start3A_76, %dma_start3A_77] : memref<512x1x128xi32, #tpu.memory_space<hbm>> -> memref<16x1x128xi32, #tpu.memory_space<hbm>>
      %dma_start3A_79 = arith.constant 0 : i32
      %dma_start3A_80 = arith.constant 0 : i32
      %dma_start3A_81 = tpu.memref_slice %arg4[%select_n3A, %dma_start3A_79, %dma_start3A_80] : memref<512x1x128xi32, #tpu.memory_space<hbm>> -> memref<16x1x128xi32, #tpu.memory_space<hbm>>
      tpu.enqueue_dma source(%dma_start3A_81 : memref<16x1x128xi32, #tpu.memory_space<hbm>>) target(%arg7 : memref<16x1x128xi32, #tpu.memory_space<vmem>>) target_semaphore(%run_scoped3A_75 : memref<!tpu.dma_semaphore, #tpu.memory_space<semaphore_mem>>)
      %dma_wait3A_82 = arith.constant 0 : i32
      %dma_wait3A_83 = arith.constant 0 : i32
      %dma_wait3A_84 = tpu.memref_slice %arg4[%select_n3A, %dma_wait3A_82, %dma_wait3A_83] : memref<512x1x128xi32, #tpu.memory_space<hbm>> -> memref<16x1x128xi32, #tpu.memory_space<hbm>>
      %dma_wait3A_85 = arith.constant 0 : i32
      %dma_wait3A_86 = arith.constant 0 : i32
      %dma_wait3A_87 = tpu.memref_slice %arg4[%select_n3A, %dma_wait3A_85, %dma_wait3A_86] : memref<512x1x128xi32, #tpu.memory_space<hbm>> -> memref<16x1x128xi32, #tpu.memory_space<hbm>>
      tpu.wait_dma2 semaphore(%run_scoped3A_75 : memref<!tpu.dma_semaphore, #tpu.memory_space<semaphore_mem>>) src(%dma_wait3A_87 : memref<16x1x128xi32, #tpu.memory_space<hbm>>) dst(%arg7 : memref<16x1x128xi32, #tpu.memory_space<vmem>>)
      tpu.yield
    }) : () -> ()
    "tpu.region"() ({
      %run_scoped3A_75 = tpu.sem_alloc : memref<!tpu.dma_semaphore, #tpu.memory_space<semaphore_mem>>
      %dma_start3A_76 = arith.constant 0 : i32
      %dma_start3A_77 = arith.constant 0 : i32
      %dma_start3A_78 = tpu.memref_slice %arg3[%select_n3A, %dma_start3A_76, %dma_start3A_77] : memref<512x1x128xi32, #tpu.memory_space<hbm>> -> memref<16x1x128xi32, #tpu.memory_space<hbm>>
      %dma_start3A_79 = arith.constant 0 : i32
      %dma_start3A_80 = arith.constant 0 : i32
      %dma_start3A_81 = tpu.memref_slice %arg3[%select_n3A, %dma_start3A_79, %dma_start3A_80] : memref<512x1x128xi32, #tpu.memory_space<hbm>> -> memref<16x1x128xi32, #tpu.memory_space<hbm>>
      tpu.enqueue_dma source(%dma_start3A_81 : memref<16x1x128xi32, #tpu.memory_space<hbm>>) target(%arg6 : memref<16x1x128xi32, #tpu.memory_space<vmem>>) target_semaphore(%run_scoped3A_75 : memref<!tpu.dma_semaphore, #tpu.memory_space<semaphore_mem>>)
      %dma_wait3A_82 = arith.constant 0 : i32
      %dma_wait3A_83 = arith.constant 0 : i32
      %dma_wait3A_84 = tpu.memref_slice %arg3[%select_n3A, %dma_wait3A_82, %dma_wait3A_83] : memref<512x1x128xi32, #tpu.memory_space<hbm>> -> memref<16x1x128xi32, #tpu.memory_space<hbm>>
      %dma_wait3A_85 = arith.constant 0 : i32
      %dma_wait3A_86 = arith.constant 0 : i32
      %dma_wait3A_87 = tpu.memref_slice %arg3[%select_n3A, %dma_wait3A_85, %dma_wait3A_86] : memref<512x1x128xi32, #tpu.memory_space<hbm>> -> memref<16x1x128xi32, #tpu.memory_space<hbm>>
      tpu.wait_dma2 semaphore(%run_scoped3A_75 : memref<!tpu.dma_semaphore, #tpu.memory_space<semaphore_mem>>) src(%dma_wait3A_87 : memref<16x1x128xi32, #tpu.memory_space<hbm>>) dst(%arg6 : memref<16x1x128xi32, #tpu.memory_space<vmem>>)
      tpu.yield
    }) : () -> ()
    %broadcast_in_dim3A = arith.constant 0.000000e+00 : f32
    %broadcast_in_dim3A_19 = vector.broadcast %broadcast_in_dim3A : f32 to vector<16xf32>
    %broadcast_in_dim3A_20 = arith.constant 1.000000e+00 : f32
    %broadcast_in_dim3A_21 = vector.broadcast %broadcast_in_dim3A_20 : f32 to vector<16xf32>
    %scan3A = arith.constant 0 : i32
    %scan3A_22 = arith.constant 0 : i32
    %scan3A_23 = arith.constant 128 : i32
    %scan3A_24 = arith.addi %scan3A_22, %scan3A_23 : i32
    %scan3A_25 = arith.constant 1 : i32
    scf.for %scan3A_75 = %scan3A_22 to %scan3A_24 step %scan3A_25  : i32 {
      %swap3A = arith.index_cast %scan3A_75 : i32 to index
      %swap3A_76 = arith.constant 0 : index
      %swap3A_77 = tpu.vector_load %arg9[%swap3A, %swap3A_76] {strides = array<i32>} : memref<128x128xf32, #tpu.memory_space<vmem>>, vector<1x16xf32>,
      %swap3A_78 = vector.shape_cast %swap3A_77 : vector<1x16xf32> to vector<16xf32>
      %swap3A_79 = vector.shape_cast %broadcast_in_dim3A_19 : vector<16xf32> to vector<1x16xf32>
      tpu.vector_store %arg9[%swap3A, %swap3A_76], %swap3A_79 {strides = array<i32>} : memref<128x128xf32, #tpu.memory_space<vmem>>, vector<1x16xf32>,
      %swap3A_80 = arith.index_cast %scan3A_75 : i32 to index
      %swap3A_81 = arith.constant 16 : index
      %swap3A_82 = tpu.vector_load %arg9[%swap3A_80, %swap3A_81] {strides = array<i32>} : memref<128x128xf32, #tpu.memory_space<vmem>>, vector<1x16xf32>,
      %swap3A_83 = vector.shape_cast %swap3A_82 : vector<1x16xf32> to vector<16xf32>
      %swap3A_84 = vector.shape_cast %broadcast_in_dim3A_19 : vector<16xf32> to vector<1x16xf32>
      tpu.vector_store %arg9[%swap3A_80, %swap3A_81], %swap3A_84 {strides = array<i32>} : memref<128x128xf32, #tpu.memory_space<vmem>>, vector<1x16xf32>,
      %swap3A_85 = arith.index_cast %scan3A_75 : i32 to index
      %swap3A_86 = arith.constant 32 : index
      %swap3A_87 = tpu.vector_load %arg9[%swap3A_85, %swap3A_86] {strides = array<i32>} : memref<128x128xf32, #tpu.memory_space<vmem>>, vector<1x16xf32>,
      %swap3A_88 = vector.shape_cast %swap3A_87 : vector<1x16xf32> to vector<16xf32>
      %swap3A_89 = vector.shape_cast %broadcast_in_dim3A_19 : vector<16xf32> to vector<1x16xf32>
      tpu.vector_store %arg9[%swap3A_85, %swap3A_86], %swap3A_89 {strides = array<i32>} : memref<128x128xf32, #tpu.memory_space<vmem>>, vector<1x16xf32>,
      %swap3A_90 = arith.index_cast %scan3A_75 : i32 to index
      %swap3A_91 = arith.constant 48 : index
      %swap3A_92 = tpu.vector_load %arg9[%swap3A_90, %swap3A_91] {strides = array<i32>} : memref<128x128xf32, #tpu.memory_space<vmem>>, vector<1x16xf32>,
      %swap3A_93 = vector.shape_cast %swap3A_92 : vector<1x16xf32> to vector<16xf32>
      %swap3A_94 = vector.shape_cast %broadcast_in_dim3A_19 : vector<16xf32> to vector<1x16xf32>
      tpu.vector_store %arg9[%swap3A_90, %swap3A_91], %swap3A_94 {strides = array<i32>} : memref<128x128xf32, #tpu.memory_space<vmem>>, vector<1x16xf32>,
      %swap3A_95 = arith.index_cast %scan3A_75 : i32 to index
      %swap3A_96 = arith.constant 64 : index
      %swap3A_97 = tpu.vector_load %arg9[%swap3A_95, %swap3A_96] {strides = array<i32>} : memref<128x128xf32, #tpu.memory_space<vmem>>, vector<1x16xf32>,
      %swap3A_98 = vector.shape_cast %swap3A_97 : vector<1x16xf32> to vector<16xf32>
      %swap3A_99 = vector.shape_cast %broadcast_in_dim3A_19 : vector<16xf32> to vector<1x16xf32>
      tpu.vector_store %arg9[%swap3A_95, %swap3A_96], %swap3A_99 {strides = array<i32>} : memref<128x128xf32, #tpu.memory_space<vmem>>, vector<1x16xf32>,
      %swap3A_100 = arith.index_cast %scan3A_75 : i32 to index
      %swap3A_101 = arith.constant 80 : index
      %swap3A_102 = tpu.vector_load %arg9[%swap3A_100, %swap3A_101] {strides = array<i32>} : memref<128x128xf32, #tpu.memory_space<vmem>>, vector<1x16xf32>,
      %swap3A_103 = vector.shape_cast %swap3A_102 : vector<1x16xf32> to vector<16xf32>
      %swap3A_104 = vector.shape_cast %broadcast_in_dim3A_19 : vector<16xf32> to vector<1x16xf32>
      tpu.vector_store %arg9[%swap3A_100, %swap3A_101], %swap3A_104 {strides = array<i32>} : memref<128x128xf32, #tpu.memory_space<vmem>>, vector<1x16xf32>,
      %swap3A_105 = arith.index_cast %scan3A_75 : i32 to index
      %swap3A_106 = arith.constant 96 : index
      %swap3A_107 = tpu.vector_load %arg9[%swap3A_105, %swap3A_106] {strides = array<i32>} : memref<128x128xf32, #tpu.memory_space<vmem>>, vector<1x16xf32>,
      %swap3A_108 = vector.shape_cast %swap3A_107 : vector<1x16xf32> to vector<16xf32>
      %swap3A_109 = vector.shape_cast %broadcast_in_dim3A_19 : vector<16xf32> to vector<1x16xf32>
      tpu.vector_store %arg9[%swap3A_105, %swap3A_106], %swap3A_109 {strides = array<i32>} : memref<128x128xf32, #tpu.memory_space<vmem>>, vector<1x16xf32>,
      %swap3A_110 = arith.index_cast %scan3A_75 : i32 to index
      %swap3A_111 = arith.constant 112 : index
      %swap3A_112 = tpu.vector_load %arg9[%swap3A_110, %swap3A_111] {strides = array<i32>} : memref<128x128xf32, #tpu.memory_space<vmem>>, vector<1x16xf32>,
      %swap3A_113 = vector.shape_cast %swap3A_112 : vector<1x16xf32> to vector<16xf32>
      %swap3A_114 = vector.shape_cast %broadcast_in_dim3A_19 : vector<16xf32> to vector<1x16xf32>
      tpu.vector_store %arg9[%swap3A_110, %swap3A_111], %swap3A_114 {strides = array<i32>} : memref<128x128xf32, #tpu.memory_space<vmem>>, vector<1x16xf32>,
    }
    %scan3A_26 = arith.constant 128 : i32
    %mul3A_27 = arith.constant 256 : i32
    %mul3A_28 = arith.muli %arg1, %mul3A_27 : i32
    "tpu.region"() ({
      %run_scoped3A_75 = tpu.sem_alloc : memref<!tpu.dma_semaphore, #tpu.memory_space<semaphore_mem>>
      %dma_start3A_76 = arith.constant 0 : i32
      %dma_start3A_77 = tpu.memref_slice %arg10[%mul3A_28, %dma_start3A_76] : memref<4096x128xf32, #tpu.memory_space<vmem_shared>> -> memref<128x128xf32, #tpu.memory_space<vmem_shared>>
      %dma_start3A_78 = arith.constant 0 : i32
      %dma_start3A_79 = tpu.memref_slice %arg10[%mul3A_28, %dma_start3A_78] : memref<4096x128xf32, #tpu.memory_space<vmem_shared>> -> memref<128x128xf32, #tpu.memory_space<vmem_shared>>
      tpu.enqueue_dma source(%arg9 : memref<128x128xf32, #tpu.memory_space<vmem>>) target(%dma_start3A_79 : memref<128x128xf32, #tpu.memory_space<vmem_shared>>) target_semaphore(%run_scoped3A_75 : memref<!tpu.dma_semaphore, #tpu.memory_space<semaphore_mem>>)
      %dma_wait3A_80 = arith.constant 0 : i32
      %dma_wait3A_81 = tpu.memref_slice %arg10[%mul3A_28, %dma_wait3A_80] : memref<4096x128xf32, #tpu.memory_space<vmem_shared>> -> memref<128x128xf32, #tpu.memory_space<vmem_shared>>
      %dma_wait3A_82 = arith.constant 0 : i32
      %dma_wait3A_83 = tpu.memref_slice %arg10[%mul3A_28, %dma_wait3A_82] : memref<4096x128xf32, #tpu.memory_space<vmem_shared>> -> memref<128x128xf32, #tpu.memory_space<vmem_shared>>
      tpu.wait_dma2 semaphore(%run_scoped3A_75 : memref<!tpu.dma_semaphore, #tpu.memory_space<semaphore_mem>>) src(%arg9 : memref<128x128xf32, #tpu.memory_space<vmem>>) dst(%dma_wait3A_83 : memref<128x128xf32, #tpu.memory_space<vmem_shared>>)
      tpu.yield
    }) : () -> ()
    %add3A_29 = arith.constant 128 : i32
    %add3A_30 = arith.addi %mul3A_28, %add3A_29 : i32
    "tpu.region"() ({
      %run_scoped3A_75 = tpu.sem_alloc : memref<!tpu.dma_semaphore, #tpu.memory_space<semaphore_mem>>
      %dma_start3A_76 = arith.constant 0 : i32
      %dma_start3A_77 = tpu.memref_slice %arg10[%add3A_30, %dma_start3A_76] : memref<4096x128xf32, #tpu.memory_space<vmem_shared>> -> memref<128x128xf32, #tpu.memory_space<vmem_shared>>
      %dma_start3A_78 = arith.constant 0 : i32
      %dma_start3A_79 = tpu.memref_slice %arg10[%add3A_30, %dma_start3A_78] : memref<4096x128xf32, #tpu.memory_space<vmem_shared>> -> memref<128x128xf32, #tpu.memory_space<vmem_shared>>
      tpu.enqueue_dma source(%arg9 : memref<128x128xf32, #tpu.memory_space<vmem>>) target(%dma_start3A_79 : memref<128x128xf32, #tpu.memory_space<vmem_shared>>) target_semaphore(%run_scoped3A_75 : memref<!tpu.dma_semaphore, #tpu.memory_space<semaphore_mem>>)
      %dma_wait3A_80 = arith.constant 0 : i32
      %dma_wait3A_81 = tpu.memref_slice %arg10[%add3A_30, %dma_wait3A_80] : memref<4096x128xf32, #tpu.memory_space<vmem_shared>> -> memref<128x128xf32, #tpu.memory_space<vmem_shared>>
      %dma_wait3A_82 = arith.constant 0 : i32
      %dma_wait3A_83 = tpu.memref_slice %arg10[%add3A_30, %dma_wait3A_82] : memref<4096x128xf32, #tpu.memory_space<vmem_shared>> -> memref<128x128xf32, #tpu.memory_space<vmem_shared>>
      tpu.wait_dma2 semaphore(%run_scoped3A_75 : memref<!tpu.dma_semaphore, #tpu.memory_space<semaphore_mem>>) src(%arg9 : memref<128x128xf32, #tpu.memory_space<vmem>>) dst(%dma_wait3A_83 : memref<128x128xf32, #tpu.memory_space<vmem_shared>>)
      tpu.yield
    }) : () -> ()
    %barrier3A = arith.constant 0 : index
    tpu.barrier barrier_id(%barrier3A)
    %dma_start3A = arith.constant 0 : i32
    %dma_start3A_31 = arith.constant 0 : i32
    %dma_start3A_32 = arith.constant 0 : i32
    %dma_start3A_33 = tpu.memref_slice %arg6[%dma_start3A, %dma_start3A_31, %dma_start3A_32] : memref<16x1x128xi32, #tpu.memory_space<vmem>> -> memref<1x1x128xi32, #tpu.memory_space<vmem>>
    %dma_start3A_34 = tpu.memref_squeeze %dma_start3A_33 : memref<1x1x128xi32, #tpu.memory_space<vmem>> -> memref<128xi32, #tpu.memory_space<vmem>>
    %dma_start3A_35 = arith.constant 0 : i32
    %dma_start3A_36 = arith.constant 0 : i32
    %dma_start3A_37 = tpu.memref_slice %arg2[%dma_start3A_35, %dma_start3A_36] : memref<4096x128xf32, #tpu.memory_space<hbm>> -> memref<4096x128xf32, #tpu.memory_space<hbm>>
    tpu.enqueue_indirect_dma source(%dma_start3A_37 : memref<4096x128xf32, #tpu.memory_space<hbm>>) target(%arg8 : memref<128x128xf32, #tpu.memory_space<vmem>>) offsets(%dma_start3A_34 : memref<128xi32, #tpu.memory_space<vmem>>) semaphore(%arg12 : memref<!tpu.dma_semaphore, #tpu.memory_space<semaphore_mem>>)
    %scan3A_38 = arith.constant 0 : i32
    %scan3A_39 = arith.constant 0 : i32
    %scan3A_40 = arith.constant 7 : i32
    %scan3A_41 = arith.addi %scan3A_39, %scan3A_40 : i32
    %scan3A_42 = arith.constant 1 : i32
    scf.for %scan3A_75 = %scan3A_39 to %scan3A_41 step %scan3A_42  : i32 {
      %mul3A_76 = arith.constant 2 : i32
      %mul3A_77 = arith.muli %mul3A_76, %scan3A_75 : i32
      %add3A_78 = arith.constant 1 : i32
      %add3A_79 = arith.addi %mul3A_77, %add3A_78 : i32
      %dma_start3A_80 = arith.constant 0 : i32
      %dma_start3A_81 = arith.constant 0 : i32
      %dma_start3A_82 = tpu.memref_slice %arg6[%add3A_79, %dma_start3A_80, %dma_start3A_81] : memref<16x1x128xi32, #tpu.memory_space<vmem>> -> memref<1x1x128xi32, #tpu.memory_space<vmem>>
      %dma_start3A_83 = tpu.memref_squeeze %dma_start3A_82 : memref<1x1x128xi32, #tpu.memory_space<vmem>> -> memref<128xi32, #tpu.memory_space<vmem>>
      %dma_start3A_84 = arith.constant 0 : i32
      %dma_start3A_85 = arith.constant 0 : i32
      %dma_start3A_86 = tpu.memref_slice %arg2[%dma_start3A_84, %dma_start3A_85] : memref<4096x128xf32, #tpu.memory_space<hbm>> -> memref<4096x128xf32, #tpu.memory_space<hbm>>
      tpu.enqueue_indirect_dma source(%dma_start3A_86 : memref<4096x128xf32, #tpu.memory_space<hbm>>) target(%arg11 : memref<128x128xf32, #tpu.memory_space<vmem>>) offsets(%dma_start3A_83 : memref<128xi32, #tpu.memory_space<vmem>>) semaphore(%arg13 : memref<!tpu.dma_semaphore, #tpu.memory_space<semaphore_mem>>)
      %dma_wait3A_87 = arith.constant 0 : i32
      %dma_wait3A_88 = arith.constant 0 : i32
      %dma_wait3A_89 = tpu.memref_slice %arg2[%dma_wait3A_87, %dma_wait3A_88] : memref<4096x128xf32, #tpu.memory_space<hbm>> -> memref<128x128xf32, #tpu.memory_space<hbm>>
      %dma_wait3A_90 = arith.constant 0 : i32
      %dma_wait3A_91 = arith.constant 0 : i32
      %dma_wait3A_92 = tpu.memref_slice %arg2[%dma_wait3A_90, %dma_wait3A_91] : memref<4096x128xf32, #tpu.memory_space<hbm>> -> memref<128x128xf32, #tpu.memory_space<hbm>>
      tpu.wait_dma2 semaphore(%arg12 : memref<!tpu.dma_semaphore, #tpu.memory_space<semaphore_mem>>) src(%dma_wait3A_92 : memref<128x128xf32, #tpu.memory_space<hbm>>) dst(%arg8 : memref<128x128xf32, #tpu.memory_space<vmem>>)
      %mul3A_93 = arith.constant 2 : i32
      %mul3A_94 = arith.muli %mul3A_93, %scan3A_75 : i32
      %run_scoped3A_95 = arith.constant 0 : i32
      "tpu.region"() ({
        %run_scoped3A_118 = tpu.sem_alloc : memref<!tpu.dma_semaphore, #tpu.memory_space<semaphore_mem>>
        %dma_start3A_119 = arith.constant 0 : i32
        %dma_start3A_120 = tpu.memref_slice %arg7[%mul3A_94, %run_scoped3A_95, %dma_start3A_119] : memref<16x1x128xi32, #tpu.memory_space<vmem>> -> memref<1x1x128xi32, #tpu.memory_space<vmem>>
        %dma_start3A_121 = tpu.memref_squeeze %dma_start3A_120 : memref<1x1x128xi32, #tpu.memory_space<vmem>> -> memref<128xi32, #tpu.memory_space<vmem>>
        %dma_start3A_122 = arith.constant 0 : i32
        %dma_start3A_123 = arith.constant 0 : i32
        %dma_start3A_124 = tpu.memref_slice %arg10[%dma_start3A_122, %dma_start3A_123] : memref<4096x128xf32, #tpu.memory_space<vmem_shared>> -> memref<4096x128xf32, #tpu.memory_space<vmem_shared>>
        tpu.enqueue_indirect_dma source(%arg8 : memref<128x128xf32, #tpu.memory_space<vmem>>) target(%dma_start3A_124 : memref<4096x128xf32, #tpu.memory_space<vmem_shared>>) offsets(%dma_start3A_121 : memref<128xi32, #tpu.memory_space<vmem>>) semaphore(%run_scoped3A_118 : memref<!tpu.dma_semaphore, #tpu.memory_space<semaphore_mem>>) {add = true}
        %dma_wait3A_125 = arith.constant 0 : i32
        %dma_wait3A_126 = tpu.memref_slice %arg7[%mul3A_94, %run_scoped3A_95, %dma_wait3A_125] : memref<16x1x128xi32, #tpu.memory_space<vmem>> -> memref<1x1x128xi32, #tpu.memory_space<vmem>>
        %dma_wait3A_127 = tpu.memref_squeeze %dma_wait3A_126 : memref<1x1x128xi32, #tpu.memory_space<vmem>> -> memref<128xi32, #tpu.memory_space<vmem>>
        %dma_wait3A_128 = arith.constant 0 : i32
        %dma_wait3A_129 = arith.constant 0 : i32
        %dma_wait3A_130 = tpu.memref_slice %arg10[%dma_wait3A_128, %dma_wait3A_129] : memref<4096x128xf32, #tpu.memory_space<vmem_shared>> -> memref<4096x128xf32, #tpu.memory_space<vmem_shared>>
        tpu.wait_indirect_dma semaphore(%run_scoped3A_118 : memref<!tpu.dma_semaphore, #tpu.memory_space<semaphore_mem>>) src(%arg8 : memref<128x128xf32, #tpu.memory_space<vmem>>) dst(%dma_wait3A_130 : memref<4096x128xf32, #tpu.memory_space<vmem_shared>>)
        tpu.yield
      }) : () -> ()
      %mul3A_96 = arith.constant 2 : i32
      %mul3A_97 = arith.muli %mul3A_96, %scan3A_75 : i32
      %add3A_98 = arith.constant 2 : i32
      %add3A_99 = arith.addi %mul3A_97, %add3A_98 : i32
      %dma_start3A_100 = arith.constant 0 : i32
      %dma_start3A_101 = arith.constant 0 : i32
      %dma_start3A_102 = tpu.memref_slice %arg6[%add3A_99, %dma_start3A_100, %dma_start3A_101] : memref<16x1x128xi32, #tpu.memory_space<vmem>> -> memref<1x1x128xi32, #tpu.memory_space<vmem>>
      %dma_start3A_103 = tpu.memref_squeeze %dma_start3A_102 : memref<1x1x128xi32, #tpu.memory_space<vmem>> -> memref<128xi32, #tpu.memory_space<vmem>>
      %dma_start3A_104 = arith.constant 0 : i32
      %dma_start3A_105 = arith.constant 0 : i32
      %dma_start3A_106 = tpu.memref_slice %arg2[%dma_start3A_104, %dma_start3A_105] : memref<4096x128xf32, #tpu.memory_space<hbm>> -> memref<4096x128xf32, #tpu.memory_space<hbm>>
      tpu.enqueue_indirect_dma source(%dma_start3A_106 : memref<4096x128xf32, #tpu.memory_space<hbm>>) target(%arg8 : memref<128x128xf32, #tpu.memory_space<vmem>>) offsets(%dma_start3A_103 : memref<128xi32, #tpu.memory_space<vmem>>) semaphore(%arg12 : memref<!tpu.dma_semaphore, #tpu.memory_space<semaphore_mem>>)
      %dma_wait3A_107 = arith.constant 0 : i32
      %dma_wait3A_108 = arith.constant 0 : i32
      %dma_wait3A_109 = tpu.memref_slice %arg2[%dma_wait3A_107, %dma_wait3A_108] : memref<4096x128xf32, #tpu.memory_space<hbm>> -> memref<128x128xf32, #tpu.memory_space<hbm>>
      %dma_wait3A_110 = arith.constant 0 : i32
      %dma_wait3A_111 = arith.constant 0 : i32
      %dma_wait3A_112 = tpu.memref_slice %arg2[%dma_wait3A_110, %dma_wait3A_111] : memref<4096x128xf32, #tpu.memory_space<hbm>> -> memref<128x128xf32, #tpu.memory_space<hbm>>
      tpu.wait_dma2 semaphore(%arg13 : memref<!tpu.dma_semaphore, #tpu.memory_space<semaphore_mem>>) src(%dma_wait3A_112 : memref<128x128xf32, #tpu.memory_space<hbm>>) dst(%arg11 : memref<128x128xf32, #tpu.memory_space<vmem>>)
      %mul3A_113 = arith.constant 2 : i32
      %mul3A_114 = arith.muli %mul3A_113, %scan3A_75 : i32
      %add3A_115 = arith.constant 1 : i32
      %add3A_116 = arith.addi %mul3A_114, %add3A_115 : i32
      %run_scoped3A_117 = arith.constant 0 : i32
      "tpu.region"() ({
        %run_scoped3A_118 = tpu.sem_alloc : memref<!tpu.dma_semaphore, #tpu.memory_space<semaphore_mem>>
        %dma_start3A_119 = arith.constant 0 : i32
        %dma_start3A_120 = tpu.memref_slice %arg7[%add3A_116, %run_scoped3A_117, %dma_start3A_119] : memref<16x1x128xi32, #tpu.memory_space<vmem>> -> memref<1x1x128xi32, #tpu.memory_space<vmem>>
        %dma_start3A_121 = tpu.memref_squeeze %dma_start3A_120 : memref<1x1x128xi32, #tpu.memory_space<vmem>> -> memref<128xi32, #tpu.memory_space<vmem>>
        %dma_start3A_122 = arith.constant 0 : i32
        %dma_start3A_123 = arith.constant 0 : i32
        %dma_start3A_124 = tpu.memref_slice %arg10[%dma_start3A_122, %dma_start3A_123] : memref<4096x128xf32, #tpu.memory_space<vmem_shared>> -> memref<4096x128xf32, #tpu.memory_space<vmem_shared>>
        tpu.enqueue_indirect_dma source(%arg11 : memref<128x128xf32, #tpu.memory_space<vmem>>) target(%dma_start3A_124 : memref<4096x128xf32, #tpu.memory_space<vmem_shared>>) offsets(%dma_start3A_121 : memref<128xi32, #tpu.memory_space<vmem>>) semaphore(%run_scoped3A_118 : memref<!tpu.dma_semaphore, #tpu.memory_space<semaphore_mem>>) {add = true}
        %dma_wait3A_125 = arith.constant 0 : i32
        %dma_wait3A_126 = tpu.memref_slice %arg7[%add3A_116, %run_scoped3A_117, %dma_wait3A_125] : memref<16x1x128xi32, #tpu.memory_space<vmem>> -> memref<1x1x128xi32, #tpu.memory_space<vmem>>
        %dma_wait3A_127 = tpu.memref_squeeze %dma_wait3A_126 : memref<1x1x128xi32, #tpu.memory_space<vmem>> -> memref<128xi32, #tpu.memory_space<vmem>>
        %dma_wait3A_128 = arith.constant 0 : i32
        %dma_wait3A_129 = arith.constant 0 : i32
        %dma_wait3A_130 = tpu.memref_slice %arg10[%dma_wait3A_128, %dma_wait3A_129] : memref<4096x128xf32, #tpu.memory_space<vmem_shared>> -> memref<4096x128xf32, #tpu.memory_space<vmem_shared>>
        tpu.wait_indirect_dma semaphore(%run_scoped3A_118 : memref<!tpu.dma_semaphore, #tpu.memory_space<semaphore_mem>>) src(%arg11 : memref<128x128xf32, #tpu.memory_space<vmem>>) dst(%dma_wait3A_130 : memref<4096x128xf32, #tpu.memory_space<vmem_shared>>)
        tpu.yield
      }) : () -> ()
    }
    %scan3A_43 = arith.constant 7 : i32
    %dma_start3A_44 = arith.constant 15 : i32
    %dma_start3A_45 = arith.constant 0 : i32
    %dma_start3A_46 = arith.constant 0 : i32
    %dma_start3A_47 = tpu.memref_slice %arg6[%dma_start3A_44, %dma_start3A_45, %dma_start3A_46] : memref<16x1x128xi32, #tpu.memory_space<vmem>> -> memref<1x1x128xi32, #tpu.memory_space<vmem>>
    %dma_start3A_48 = tpu.memref_squeeze %dma_start3A_47 : memref<1x1x128xi32, #tpu.memory_space<vmem>> -> memref<128xi32, #tpu.memory_space<vmem>>
    %dma_start3A_49 = arith.constant 0 : i32
    %dma_start3A_50 = arith.constant 0 : i32
    %dma_start3A_51 = tpu.memref_slice %arg2[%dma_start3A_49, %dma_start3A_50] : memref<4096x128xf32, #tpu.memory_space<hbm>> -> memref<4096x128xf32, #tpu.memory_space<hbm>>
    tpu.enqueue_indirect_dma source(%dma_start3A_51 : memref<4096x128xf32, #tpu.memory_space<hbm>>) target(%arg11 : memref<128x128xf32, #tpu.memory_space<vmem>>) offsets(%dma_start3A_48 : memref<128xi32, #tpu.memory_space<vmem>>) semaphore(%arg13 : memref<!tpu.dma_semaphore, #tpu.memory_space<semaphore_mem>>)
    %dma_wait3A = arith.constant 0 : i32
    %dma_wait3A_52 = arith.constant 0 : i32
    %dma_wait3A_53 = tpu.memref_slice %arg2[%dma_wait3A, %dma_wait3A_52] : memref<4096x128xf32, #tpu.memory_space<hbm>> -> memref<128x128xf32, #tpu.memory_space<hbm>>
    %dma_wait3A_54 = arith.constant 0 : i32
    %dma_wait3A_55 = arith.constant 0 : i32
    %dma_wait3A_56 = tpu.memref_slice %arg2[%dma_wait3A_54, %dma_wait3A_55] : memref<4096x128xf32, #tpu.memory_space<hbm>> -> memref<128x128xf32, #tpu.memory_space<hbm>>
    tpu.wait_dma2 semaphore(%arg12 : memref<!tpu.dma_semaphore, #tpu.memory_space<semaphore_mem>>) src(%dma_wait3A_56 : memref<128x128xf32, #tpu.memory_space<hbm>>) dst(%arg8 : memref<128x128xf32, #tpu.memory_space<vmem>>)
    %run_scoped3A = arith.constant 14 : i32
    %run_scoped3A_57 = arith.constant 0 : i32
    "tpu.region"() ({
      %run_scoped3A_75 = tpu.sem_alloc : memref<!tpu.dma_semaphore, #tpu.memory_space<semaphore_mem>>
      %dma_start3A_76 = arith.constant 0 : i32
      %dma_start3A_77 = tpu.memref_slice %arg7[%run_scoped3A, %run_scoped3A_57, %dma_start3A_76] : memref<16x1x128xi32, #tpu.memory_space<vmem>> -> memref<1x1x128xi32, #tpu.memory_space<vmem>>
      %dma_start3A_78 = tpu.memref_squeeze %dma_start3A_77 : memref<1x1x128xi32, #tpu.memory_space<vmem>> -> memref<128xi32, #tpu.memory_space<vmem>>
      %dma_start3A_79 = arith.constant 0 : i32
      %dma_start3A_80 = arith.constant 0 : i32
      %dma_start3A_81 = tpu.memref_slice %arg10[%dma_start3A_79, %dma_start3A_80] : memref<4096x128xf32, #tpu.memory_space<vmem_shared>> -> memref<4096x128xf32, #tpu.memory_space<vmem_shared>>
      tpu.enqueue_indirect_dma source(%arg8 : memref<128x128xf32, #tpu.memory_space<vmem>>) target(%dma_start3A_81 : memref<4096x128xf32, #tpu.memory_space<vmem_shared>>) offsets(%dma_start3A_78 : memref<128xi32, #tpu.memory_space<vmem>>) semaphore(%run_scoped3A_75 : memref<!tpu.dma_semaphore, #tpu.memory_space<semaphore_mem>>) {add = true}
      %dma_wait3A_82 = arith.constant 0 : i32
      %dma_wait3A_83 = tpu.memref_slice %arg7[%run_scoped3A, %run_scoped3A_57, %dma_wait3A_82] : memref<16x1x128xi32, #tpu.memory_space<vmem>> -> memref<1x1x128xi32, #tpu.memory_space<vmem>>
      %dma_wait3A_84 = tpu.memref_squeeze %dma_wait3A_83 : memref<1x1x128xi32, #tpu.memory_space<vmem>> -> memref<128xi32, #tpu.memory_space<vmem>>
      %dma_wait3A_85 = arith.constant 0 : i32
      %dma_wait3A_86 = arith.constant 0 : i32
      %dma_wait3A_87 = tpu.memref_slice %arg10[%dma_wait3A_85, %dma_wait3A_86] : memref<4096x128xf32, #tpu.memory_space<vmem_shared>> -> memref<4096x128xf32, #tpu.memory_space<vmem_shared>>
      tpu.wait_indirect_dma semaphore(%run_scoped3A_75 : memref<!tpu.dma_semaphore, #tpu.memory_space<semaphore_mem>>) src(%arg8 : memref<128x128xf32, #tpu.memory_space<vmem>>) dst(%dma_wait3A_87 : memref<4096x128xf32, #tpu.memory_space<vmem_shared>>)
      tpu.yield
    }) : () -> ()
    %dma_wait3A_58 = arith.constant 0 : i32
    %dma_wait3A_59 = arith.constant 0 : i32
    %dma_wait3A_60 = tpu.memref_slice %arg2[%dma_wait3A_58, %dma_wait3A_59] : memref<4096x128xf32, #tpu.memory_space<hbm>> -> memref<128x128xf32, #tpu.memory_space<hbm>>
    %dma_wait3A_61 = arith.constant 0 : i32
    %dma_wait3A_62 = arith.constant 0 : i32
    %dma_wait3A_63 = tpu.memref_slice %arg2[%dma_wait3A_61, %dma_wait3A_62] : memref<4096x128xf32, #tpu.memory_space<hbm>> -> memref<128x128xf32, #tpu.memory_space<hbm>>
    tpu.wait_dma2 semaphore(%arg13 : memref<!tpu.dma_semaphore, #tpu.memory_space<semaphore_mem>>) src(%dma_wait3A_63 : memref<128x128xf32, #tpu.memory_space<hbm>>) dst(%arg11 : memref<128x128xf32, #tpu.memory_space<vmem>>)
    %run_scoped3A_64 = arith.constant 15 : i32
    %run_scoped3A_65 = arith.constant 0 : i32
    "tpu.region"() ({
      %run_scoped3A_75 = tpu.sem_alloc : memref<!tpu.dma_semaphore, #tpu.memory_space<semaphore_mem>>
      %dma_start3A_76 = arith.constant 0 : i32
      %dma_start3A_77 = tpu.memref_slice %arg7[%run_scoped3A_64, %run_scoped3A_65, %dma_start3A_76] : memref<16x1x128xi32, #tpu.memory_space<vmem>> -> memref<1x1x128xi32, #tpu.memory_space<vmem>>
      %dma_start3A_78 = tpu.memref_squeeze %dma_start3A_77 : memref<1x1x128xi32, #tpu.memory_space<vmem>> -> memref<128xi32, #tpu.memory_space<vmem>>
      %dma_start3A_79 = arith.constant 0 : i32
      %dma_start3A_80 = arith.constant 0 : i32
      %dma_start3A_81 = tpu.memref_slice %arg10[%dma_start3A_79, %dma_start3A_80] : memref<4096x128xf32, #tpu.memory_space<vmem_shared>> -> memref<4096x128xf32, #tpu.memory_space<vmem_shared>>
      tpu.enqueue_indirect_dma source(%arg11 : memref<128x128xf32, #tpu.memory_space<vmem>>) target(%dma_start3A_81 : memref<4096x128xf32, #tpu.memory_space<vmem_shared>>) offsets(%dma_start3A_78 : memref<128xi32, #tpu.memory_space<vmem>>) semaphore(%run_scoped3A_75 : memref<!tpu.dma_semaphore, #tpu.memory_space<semaphore_mem>>) {add = true}
      %dma_wait3A_82 = arith.constant 0 : i32
      %dma_wait3A_83 = tpu.memref_slice %arg7[%run_scoped3A_64, %run_scoped3A_65, %dma_wait3A_82] : memref<16x1x128xi32, #tpu.memory_space<vmem>> -> memref<1x1x128xi32, #tpu.memory_space<vmem>>
      %dma_wait3A_84 = tpu.memref_squeeze %dma_wait3A_83 : memref<1x1x128xi32, #tpu.memory_space<vmem>> -> memref<128xi32, #tpu.memory_space<vmem>>
      %dma_wait3A_85 = arith.constant 0 : i32
      %dma_wait3A_86 = arith.constant 0 : i32
      %dma_wait3A_87 = tpu.memref_slice %arg10[%dma_wait3A_85, %dma_wait3A_86] : memref<4096x128xf32, #tpu.memory_space<vmem_shared>> -> memref<4096x128xf32, #tpu.memory_space<vmem_shared>>
      tpu.wait_indirect_dma semaphore(%run_scoped3A_75 : memref<!tpu.dma_semaphore, #tpu.memory_space<semaphore_mem>>) src(%arg11 : memref<128x128xf32, #tpu.memory_space<vmem>>) dst(%dma_wait3A_87 : memref<4096x128xf32, #tpu.memory_space<vmem_shared>>)
      tpu.yield
    }) : () -> ()
    %barrier3A_66 = arith.constant 0 : index
    tpu.barrier barrier_id(%barrier3A_66)
    %mul3A_67 = arith.constant 4096 : i32
    %mul3A_68 = arith.muli %arg0, %mul3A_67 : i32
    %add3A_69 = arith.constant 0 : i32
    %add3A_70 = arith.addi %mul3A_28, %add3A_69 : i32
    "tpu.region"() ({
      %run_scoped3A_75 = tpu.sem_alloc : memref<!tpu.dma_semaphore, #tpu.memory_space<semaphore_mem>>
      %dma_start3A_76 = arith.constant 0 : i32
      %dma_start3A_77 = tpu.memref_slice %arg10[%add3A_70, %dma_start3A_76] : memref<4096x128xf32, #tpu.memory_space<vmem_shared>> -> memref<128x128xf32, #tpu.memory_space<vmem_shared>>
      %dma_start3A_78 = arith.constant 0 : i32
      %dma_start3A_79 = tpu.memref_slice %arg10[%add3A_70, %dma_start3A_78] : memref<4096x128xf32, #tpu.memory_space<vmem_shared>> -> memref<128x128xf32, #tpu.memory_space<vmem_shared>>
      tpu.enqueue_dma source(%dma_start3A_79 : memref<128x128xf32, #tpu.memory_space<vmem_shared>>) target(%arg11 : memref<128x128xf32, #tpu.memory_space<vmem>>) target_semaphore(%run_scoped3A_75 : memref<!tpu.dma_semaphore, #tpu.memory_space<semaphore_mem>>)
      %dma_wait3A_80 = arith.constant 0 : i32
      %dma_wait3A_81 = tpu.memref_slice %arg10[%add3A_70, %dma_wait3A_80] : memref<4096x128xf32, #tpu.memory_space<vmem_shared>> -> memref<128x128xf32, #tpu.memory_space<vmem_shared>>
      %dma_wait3A_82 = arith.constant 0 : i32
      %dma_wait3A_83 = tpu.memref_slice %arg10[%add3A_70, %dma_wait3A_82] : memref<4096x128xf32, #tpu.memory_space<vmem_shared>> -> memref<128x128xf32, #tpu.memory_space<vmem_shared>>
      tpu.wait_dma2 semaphore(%run_scoped3A_75 : memref<!tpu.dma_semaphore, #tpu.memory_space<semaphore_mem>>) src(%dma_wait3A_83 : memref<128x128xf32, #tpu.memory_space<vmem_shared>>) dst(%arg11 : memref<128x128xf32, #tpu.memory_space<vmem>>)
      tpu.yield
    }) : () -> ()
    %add3A_71 = arith.addi %mul3A_68, %add3A_70 : i32
    "tpu.region"() ({
      %run_scoped3A_75 = tpu.sem_alloc : memref<!tpu.dma_semaphore, #tpu.memory_space<semaphore_mem>>
      %dma_start3A_76 = arith.constant 0 : i32
      %dma_start3A_77 = tpu.memref_slice %arg5[%add3A_71, %dma_start3A_76] : memref<8192x128xf32, #tpu.memory_space<hbm>> -> memref<128x128xf32, #tpu.memory_space<hbm>>
      %dma_start3A_78 = arith.constant 0 : i32
      %dma_start3A_79 = tpu.memref_slice %arg5[%add3A_71, %dma_start3A_78] : memref<8192x128xf32, #tpu.memory_space<hbm>> -> memref<128x128xf32, #tpu.memory_space<hbm>>
      tpu.enqueue_dma source(%arg11 : memref<128x128xf32, #tpu.memory_space<vmem>>) target(%dma_start3A_79 : memref<128x128xf32, #tpu.memory_space<hbm>>) target_semaphore(%run_scoped3A_75 : memref<!tpu.dma_semaphore, #tpu.memory_space<semaphore_mem>>)
      %dma_wait3A_80 = arith.constant 0 : i32
      %dma_wait3A_81 = tpu.memref_slice %arg5[%add3A_71, %dma_wait3A_80] : memref<8192x128xf32, #tpu.memory_space<hbm>> -> memref<128x128xf32, #tpu.memory_space<hbm>>
      %dma_wait3A_82 = arith.constant 0 : i32
      %dma_wait3A_83 = tpu.memref_slice %arg5[%add3A_71, %dma_wait3A_82] : memref<8192x128xf32, #tpu.memory_space<hbm>> -> memref<128x128xf32, #tpu.memory_space<hbm>>
      tpu.wait_dma2 semaphore(%run_scoped3A_75 : memref<!tpu.dma_semaphore, #tpu.memory_space<semaphore_mem>>) src(%arg11 : memref<128x128xf32, #tpu.memory_space<vmem>>) dst(%dma_wait3A_83 : memref<128x128xf32, #tpu.memory_space<hbm>>)
      tpu.yield
    }) : () -> ()
    %add3A_72 = arith.constant 128 : i32
    %add3A_73 = arith.addi %mul3A_28, %add3A_72 : i32
    "tpu.region"() ({
      %run_scoped3A_75 = tpu.sem_alloc : memref<!tpu.dma_semaphore, #tpu.memory_space<semaphore_mem>>
      %dma_start3A_76 = arith.constant 0 : i32
      %dma_start3A_77 = tpu.memref_slice %arg10[%add3A_73, %dma_start3A_76] : memref<4096x128xf32, #tpu.memory_space<vmem_shared>> -> memref<128x128xf32, #tpu.memory_space<vmem_shared>>
      %dma_start3A_78 = arith.constant 0 : i32
      %dma_start3A_79 = tpu.memref_slice %arg10[%add3A_73, %dma_start3A_78] : memref<4096x128xf32, #tpu.memory_space<vmem_shared>> -> memref<128x128xf32, #tpu.memory_space<vmem_shared>>
      tpu.enqueue_dma source(%dma_start3A_79 : memref<128x128xf32, #tpu.memory_space<vmem_shared>>) target(%arg11 : memref<128x128xf32, #tpu.memory_space<vmem>>) target_semaphore(%run_scoped3A_75 : memref<!tpu.dma_semaphore, #tpu.memory_space<semaphore_mem>>)
      %dma_wait3A_80 = arith.constant 0 : i32
      %dma_wait3A_81 = tpu.memref_slice %arg10[%add3A_73, %dma_wait3A_80] : memref<4096x128xf32, #tpu.memory_space<vmem_shared>> -> memref<128x128xf32, #tpu.memory_space<vmem_shared>>
      %dma_wait3A_82 = arith.constant 0 : i32
      %dma_wait3A_83 = tpu.memref_slice %arg10[%add3A_73, %dma_wait3A_82] : memref<4096x128xf32, #tpu.memory_space<vmem_shared>> -> memref<128x128xf32, #tpu.memory_space<vmem_shared>>
      tpu.wait_dma2 semaphore(%run_scoped3A_75 : memref<!tpu.dma_semaphore, #tpu.memory_space<semaphore_mem>>) src(%dma_wait3A_83 : memref<128x128xf32, #tpu.memory_space<vmem_shared>>) dst(%arg11 : memref<128x128xf32, #tpu.memory_space<vmem>>)
      tpu.yield
    }) : () -> ()
    %add3A_74 = arith.addi %mul3A_68, %add3A_73 : i32
    "tpu.region"() ({
      %run_scoped3A_75 = tpu.sem_alloc : memref<!tpu.dma_semaphore, #tpu.memory_space<semaphore_mem>>
      %dma_start3A_76 = arith.constant 0 : i32
      %dma_start3A_77 = tpu.memref_slice %arg5[%add3A_74, %dma_start3A_76] : memref<8192x128xf32, #tpu.memory_space<hbm>> -> memref<128x128xf32, #tpu.memory_space<hbm>>
      %dma_start3A_78 = arith.constant 0 : i32
      %dma_start3A_79 = tpu.memref_slice %arg5[%add3A_74, %dma_start3A_78] : memref<8192x128xf32, #tpu.memory_space<hbm>> -> memref<128x128xf32, #tpu.memory_space<hbm>>
      tpu.enqueue_dma source(%arg11 : memref<128x128xf32, #tpu.memory_space<vmem>>) target(%dma_start3A_79 : memref<128x128xf32, #tpu.memory_space<hbm>>) target_semaphore(%run_scoped3A_75 : memref<!tpu.dma_semaphore, #tpu.memory_space<semaphore_mem>>)
      %dma_wait3A_80 = arith.constant 0 : i32
      %dma_wait3A_81 = tpu.memref_slice %arg5[%add3A_74, %dma_wait3A_80] : memref<8192x128xf32, #tpu.memory_space<hbm>> -> memref<128x128xf32, #tpu.memory_space<hbm>>
      %dma_wait3A_82 = arith.constant 0 : i32
      %dma_wait3A_83 = tpu.memref_slice %arg5[%add3A_74, %dma_wait3A_82] : memref<8192x128xf32, #tpu.memory_space<hbm>> -> memref<128x128xf32, #tpu.memory_space<hbm>>
      tpu.wait_dma2 semaphore(%run_scoped3A_75 : memref<!tpu.dma_semaphore, #tpu.memory_space<semaphore_mem>>) src(%arg11 : memref<128x128xf32, #tpu.memory_space<vmem>>) dst(%dma_wait3A_83 : memref<128x128xf32, #tpu.memory_space<hbm>>)
      tpu.yield
    }) : () -> ()
    return
  }
}

#map = affine_map<(d0, d1) -> (0, 0, 0)>
#map1 = affine_map<(d0, d1) -> (0, 0)>
module attributes {stable_mosaic.version = 14 : i64} {
  func.func @seg(%arg0: i32, %arg1: i32, %arg2: memref<512x1x128xi32, #tpu.memory_space<hbm>>, %arg3: memref<8192x128xf32, #tpu.memory_space<hbm>>, %arg4: memref<16x1x128xi32, #tpu.memory_space<vmem>>, %arg5: memref<128x128xf32, #tpu.memory_space<vmem>>, %arg6: memref<128x128xf32, #tpu.memory_space<vmem>>, %arg7: memref<4096x128xf32, #tpu.memory_space<vmem_shared>>) attributes {dimension_semantics = [#tpu.dimension_semantics<core_parallel>, #tpu.dimension_semantics<subcore_parallel>], iteration_bounds = array<i64: 2, 16>, scalar_prefetch = 0 : i64, scratch_operands = 4 : i64, tpu.core_type = #tpu.core_type<sc_vector_subcore>, window_params = [{transform_indices = #map}, {transform_indices = #map1}]} {
    %mul3A = arith.constant 2 : i32
    %mul3A_0 = arith.muli %arg1, %mul3A : i32
    %add3A = arith.addi %mul3A_0, %arg0 : i32
    %mul3A_1 = arith.constant 2048 : i32
    %mul3A_2 = arith.muli %add3A, %mul3A_1 : i32
    %jit3A = arith.constant 128 : i32
    %div3A = arith.divsi %mul3A_2, %jit3A : i32
    %sign3A = arith.constant 0 : i32
    %sign3A_3 = arith.cmpi sgt, %mul3A_2, %sign3A : i32
    %sign3A_4 = arith.extui %sign3A_3 : i1 to i32
    %sign3A_5 = arith.constant 0 : i32
    %sign3A_6 = arith.cmpi slt, %mul3A_2, %sign3A_5 : i32
    %sign3A_7 = arith.extui %sign3A_6 : i1 to i32
    %sign3A_8 = arith.subi %sign3A_4, %sign3A_7 : i32
    %sign3A_9 = arith.constant 0 : i32
    %sign3A_10 = arith.cmpi sgt, %jit3A, %sign3A_9 : i32
    %sign3A_11 = arith.extui %sign3A_10 : i1 to i32
    %sign3A_12 = arith.constant 0 : i32
    %sign3A_13 = arith.cmpi slt, %jit3A, %sign3A_12 : i32
    %sign3A_14 = arith.extui %sign3A_13 : i1 to i32
    %sign3A_15 = arith.subi %sign3A_11, %sign3A_14 : i32
    %ne3A = arith.cmpi ne, %sign3A_8, %sign3A_15 : i32
    %rem3A = arith.remsi %mul3A_2, %jit3A : i32
    %ne3A_16 = arith.constant 0 : i32
    %ne3A_17 = arith.cmpi ne, %rem3A, %ne3A_16 : i32
    %and3A = arith.andi %ne3A, %ne3A_17 : i1
    %sub3A = arith.constant 1 : i32
    %sub3A_18 = arith.subi %div3A, %sub3A : i32
    %select_n3A = arith.select %and3A, %sub3A_18, %div3A : i32
    "tpu.region"() ({
      %run_scoped3A = tpu.sem_alloc : memref<!tpu.dma_semaphore, #tpu.memory_space<semaphore_mem>>
      %dma_start3A = arith.constant 0 : i32
      %dma_start3A_52 = arith.constant 0 : i32
      %dma_start3A_53 = tpu.memref_slice %arg2[%select_n3A, %dma_start3A, %dma_start3A_52] : memref<512x1x128xi32, #tpu.memory_space<hbm>> -> memref<16x1x128xi32, #tpu.memory_space<hbm>>
      %dma_start3A_54 = arith.constant 0 : i32
      %dma_start3A_55 = arith.constant 0 : i32
      %dma_start3A_56 = tpu.memref_slice %arg2[%select_n3A, %dma_start3A_54, %dma_start3A_55] : memref<512x1x128xi32, #tpu.memory_space<hbm>> -> memref<16x1x128xi32, #tpu.memory_space<hbm>>
      tpu.enqueue_dma source(%dma_start3A_56 : memref<16x1x128xi32, #tpu.memory_space<hbm>>) target(%arg4 : memref<16x1x128xi32, #tpu.memory_space<vmem>>) target_semaphore(%run_scoped3A : memref<!tpu.dma_semaphore, #tpu.memory_space<semaphore_mem>>)
      %dma_wait3A = arith.constant 0 : i32
      %dma_wait3A_57 = arith.constant 0 : i32
      %dma_wait3A_58 = tpu.memref_slice %arg2[%select_n3A, %dma_wait3A, %dma_wait3A_57] : memref<512x1x128xi32, #tpu.memory_space<hbm>> -> memref<16x1x128xi32, #tpu.memory_space<hbm>>
      %dma_wait3A_59 = arith.constant 0 : i32
      %dma_wait3A_60 = arith.constant 0 : i32
      %dma_wait3A_61 = tpu.memref_slice %arg2[%select_n3A, %dma_wait3A_59, %dma_wait3A_60] : memref<512x1x128xi32, #tpu.memory_space<hbm>> -> memref<16x1x128xi32, #tpu.memory_space<hbm>>
      tpu.wait_dma2 semaphore(%run_scoped3A : memref<!tpu.dma_semaphore, #tpu.memory_space<semaphore_mem>>) src(%dma_wait3A_61 : memref<16x1x128xi32, #tpu.memory_space<hbm>>) dst(%arg4 : memref<16x1x128xi32, #tpu.memory_space<vmem>>)
      tpu.yield
    }) : () -> ()
    %broadcast_in_dim3A = arith.constant 0.000000e+00 : f32
    %broadcast_in_dim3A_19 = vector.broadcast %broadcast_in_dim3A : f32 to vector<16xf32>
    %broadcast_in_dim3A_20 = arith.constant 1.000000e+00 : f32
    %broadcast_in_dim3A_21 = vector.broadcast %broadcast_in_dim3A_20 : f32 to vector<16xf32>
    %scan3A = arith.constant 0 : i32
    %scan3A_22 = arith.constant 0 : i32
    %scan3A_23 = arith.constant 128 : i32
    %scan3A_24 = arith.addi %scan3A_22, %scan3A_23 : i32
    %scan3A_25 = arith.constant 1 : i32
    scf.for %scan3A_52 = %scan3A_22 to %scan3A_24 step %scan3A_25  : i32 {
      %swap3A = arith.index_cast %scan3A_52 : i32 to index
      %swap3A_53 = arith.constant 0 : index
      %swap3A_54 = tpu.vector_load %arg6[%swap3A, %swap3A_53] {strides = array<i32>} : memref<128x128xf32, #tpu.memory_space<vmem>>, vector<1x16xf32>,
      %swap3A_55 = vector.shape_cast %swap3A_54 : vector<1x16xf32> to vector<16xf32>
      %swap3A_56 = vector.shape_cast %broadcast_in_dim3A_19 : vector<16xf32> to vector<1x16xf32>
      tpu.vector_store %arg6[%swap3A, %swap3A_53], %swap3A_56 {strides = array<i32>} : memref<128x128xf32, #tpu.memory_space<vmem>>, vector<1x16xf32>,
      %swap3A_57 = arith.index_cast %scan3A_52 : i32 to index
      %swap3A_58 = arith.constant 16 : index
      %swap3A_59 = tpu.vector_load %arg6[%swap3A_57, %swap3A_58] {strides = array<i32>} : memref<128x128xf32, #tpu.memory_space<vmem>>, vector<1x16xf32>,
      %swap3A_60 = vector.shape_cast %swap3A_59 : vector<1x16xf32> to vector<16xf32>
      %swap3A_61 = vector.shape_cast %broadcast_in_dim3A_19 : vector<16xf32> to vector<1x16xf32>
      tpu.vector_store %arg6[%swap3A_57, %swap3A_58], %swap3A_61 {strides = array<i32>} : memref<128x128xf32, #tpu.memory_space<vmem>>, vector<1x16xf32>,
      %swap3A_62 = arith.index_cast %scan3A_52 : i32 to index
      %swap3A_63 = arith.constant 32 : index
      %swap3A_64 = tpu.vector_load %arg6[%swap3A_62, %swap3A_63] {strides = array<i32>} : memref<128x128xf32, #tpu.memory_space<vmem>>, vector<1x16xf32>,
      %swap3A_65 = vector.shape_cast %swap3A_64 : vector<1x16xf32> to vector<16xf32>
      %swap3A_66 = vector.shape_cast %broadcast_in_dim3A_19 : vector<16xf32> to vector<1x16xf32>
      tpu.vector_store %arg6[%swap3A_62, %swap3A_63], %swap3A_66 {strides = array<i32>} : memref<128x128xf32, #tpu.memory_space<vmem>>, vector<1x16xf32>,
      %swap3A_67 = arith.index_cast %scan3A_52 : i32 to index
      %swap3A_68 = arith.constant 48 : index
      %swap3A_69 = tpu.vector_load %arg6[%swap3A_67, %swap3A_68] {strides = array<i32>} : memref<128x128xf32, #tpu.memory_space<vmem>>, vector<1x16xf32>,
      %swap3A_70 = vector.shape_cast %swap3A_69 : vector<1x16xf32> to vector<16xf32>
      %swap3A_71 = vector.shape_cast %broadcast_in_dim3A_19 : vector<16xf32> to vector<1x16xf32>
      tpu.vector_store %arg6[%swap3A_67, %swap3A_68], %swap3A_71 {strides = array<i32>} : memref<128x128xf32, #tpu.memory_space<vmem>>, vector<1x16xf32>,
      %swap3A_72 = arith.index_cast %scan3A_52 : i32 to index
      %swap3A_73 = arith.constant 64 : index
      %swap3A_74 = tpu.vector_load %arg6[%swap3A_72, %swap3A_73] {strides = array<i32>} : memref<128x128xf32, #tpu.memory_space<vmem>>, vector<1x16xf32>,
      %swap3A_75 = vector.shape_cast %swap3A_74 : vector<1x16xf32> to vector<16xf32>
      %swap3A_76 = vector.shape_cast %broadcast_in_dim3A_19 : vector<16xf32> to vector<1x16xf32>
      tpu.vector_store %arg6[%swap3A_72, %swap3A_73], %swap3A_76 {strides = array<i32>} : memref<128x128xf32, #tpu.memory_space<vmem>>, vector<1x16xf32>,
      %swap3A_77 = arith.index_cast %scan3A_52 : i32 to index
      %swap3A_78 = arith.constant 80 : index
      %swap3A_79 = tpu.vector_load %arg6[%swap3A_77, %swap3A_78] {strides = array<i32>} : memref<128x128xf32, #tpu.memory_space<vmem>>, vector<1x16xf32>,
      %swap3A_80 = vector.shape_cast %swap3A_79 : vector<1x16xf32> to vector<16xf32>
      %swap3A_81 = vector.shape_cast %broadcast_in_dim3A_19 : vector<16xf32> to vector<1x16xf32>
      tpu.vector_store %arg6[%swap3A_77, %swap3A_78], %swap3A_81 {strides = array<i32>} : memref<128x128xf32, #tpu.memory_space<vmem>>, vector<1x16xf32>,
      %swap3A_82 = arith.index_cast %scan3A_52 : i32 to index
      %swap3A_83 = arith.constant 96 : index
      %swap3A_84 = tpu.vector_load %arg6[%swap3A_82, %swap3A_83] {strides = array<i32>} : memref<128x128xf32, #tpu.memory_space<vmem>>, vector<1x16xf32>,
      %swap3A_85 = vector.shape_cast %swap3A_84 : vector<1x16xf32> to vector<16xf32>
      %swap3A_86 = vector.shape_cast %broadcast_in_dim3A_19 : vector<16xf32> to vector<1x16xf32>
      tpu.vector_store %arg6[%swap3A_82, %swap3A_83], %swap3A_86 {strides = array<i32>} : memref<128x128xf32, #tpu.memory_space<vmem>>, vector<1x16xf32>,
      %swap3A_87 = arith.index_cast %scan3A_52 : i32 to index
      %swap3A_88 = arith.constant 112 : index
      %swap3A_89 = tpu.vector_load %arg6[%swap3A_87, %swap3A_88] {strides = array<i32>} : memref<128x128xf32, #tpu.memory_space<vmem>>, vector<1x16xf32>,
      %swap3A_90 = vector.shape_cast %swap3A_89 : vector<1x16xf32> to vector<16xf32>
      %swap3A_91 = vector.shape_cast %broadcast_in_dim3A_19 : vector<16xf32> to vector<1x16xf32>
      tpu.vector_store %arg6[%swap3A_87, %swap3A_88], %swap3A_91 {strides = array<i32>} : memref<128x128xf32, #tpu.memory_space<vmem>>, vector<1x16xf32>,
    }
    %scan3A_26 = arith.constant 128 : i32
    %scan3A_27 = arith.constant 0 : i32
    %scan3A_28 = arith.constant 0 : i32
    %scan3A_29 = arith.constant 128 : i32
    %scan3A_30 = arith.addi %scan3A_28, %scan3A_29 : i32
    %scan3A_31 = arith.constant 1 : i32
    scf.for %scan3A_52 = %scan3A_28 to %scan3A_30 step %scan3A_31  : i32 {
      %swap3A = arith.index_cast %scan3A_52 : i32 to index
      %swap3A_53 = arith.constant 0 : index
      %swap3A_54 = tpu.vector_load %arg5[%swap3A, %swap3A_53] {strides = array<i32>} : memref<128x128xf32, #tpu.memory_space<vmem>>, vector<1x16xf32>,
      %swap3A_55 = vector.shape_cast %swap3A_54 : vector<1x16xf32> to vector<16xf32>
      %swap3A_56 = vector.shape_cast %broadcast_in_dim3A_21 : vector<16xf32> to vector<1x16xf32>
      tpu.vector_store %arg5[%swap3A, %swap3A_53], %swap3A_56 {strides = array<i32>} : memref<128x128xf32, #tpu.memory_space<vmem>>, vector<1x16xf32>,
      %swap3A_57 = arith.index_cast %scan3A_52 : i32 to index
      %swap3A_58 = arith.constant 16 : index
      %swap3A_59 = tpu.vector_load %arg5[%swap3A_57, %swap3A_58] {strides = array<i32>} : memref<128x128xf32, #tpu.memory_space<vmem>>, vector<1x16xf32>,
      %swap3A_60 = vector.shape_cast %swap3A_59 : vector<1x16xf32> to vector<16xf32>
      %swap3A_61 = vector.shape_cast %broadcast_in_dim3A_21 : vector<16xf32> to vector<1x16xf32>
      tpu.vector_store %arg5[%swap3A_57, %swap3A_58], %swap3A_61 {strides = array<i32>} : memref<128x128xf32, #tpu.memory_space<vmem>>, vector<1x16xf32>,
      %swap3A_62 = arith.index_cast %scan3A_52 : i32 to index
      %swap3A_63 = arith.constant 32 : index
      %swap3A_64 = tpu.vector_load %arg5[%swap3A_62, %swap3A_63] {strides = array<i32>} : memref<128x128xf32, #tpu.memory_space<vmem>>, vector<1x16xf32>,
      %swap3A_65 = vector.shape_cast %swap3A_64 : vector<1x16xf32> to vector<16xf32>
      %swap3A_66 = vector.shape_cast %broadcast_in_dim3A_21 : vector<16xf32> to vector<1x16xf32>
      tpu.vector_store %arg5[%swap3A_62, %swap3A_63], %swap3A_66 {strides = array<i32>} : memref<128x128xf32, #tpu.memory_space<vmem>>, vector<1x16xf32>,
      %swap3A_67 = arith.index_cast %scan3A_52 : i32 to index
      %swap3A_68 = arith.constant 48 : index
      %swap3A_69 = tpu.vector_load %arg5[%swap3A_67, %swap3A_68] {strides = array<i32>} : memref<128x128xf32, #tpu.memory_space<vmem>>, vector<1x16xf32>,
      %swap3A_70 = vector.shape_cast %swap3A_69 : vector<1x16xf32> to vector<16xf32>
      %swap3A_71 = vector.shape_cast %broadcast_in_dim3A_21 : vector<16xf32> to vector<1x16xf32>
      tpu.vector_store %arg5[%swap3A_67, %swap3A_68], %swap3A_71 {strides = array<i32>} : memref<128x128xf32, #tpu.memory_space<vmem>>, vector<1x16xf32>,
      %swap3A_72 = arith.index_cast %scan3A_52 : i32 to index
      %swap3A_73 = arith.constant 64 : index
      %swap3A_74 = tpu.vector_load %arg5[%swap3A_72, %swap3A_73] {strides = array<i32>} : memref<128x128xf32, #tpu.memory_space<vmem>>, vector<1x16xf32>,
      %swap3A_75 = vector.shape_cast %swap3A_74 : vector<1x16xf32> to vector<16xf32>
      %swap3A_76 = vector.shape_cast %broadcast_in_dim3A_21 : vector<16xf32> to vector<1x16xf32>
      tpu.vector_store %arg5[%swap3A_72, %swap3A_73], %swap3A_76 {strides = array<i32>} : memref<128x128xf32, #tpu.memory_space<vmem>>, vector<1x16xf32>,
      %swap3A_77 = arith.index_cast %scan3A_52 : i32 to index
      %swap3A_78 = arith.constant 80 : index
      %swap3A_79 = tpu.vector_load %arg5[%swap3A_77, %swap3A_78] {strides = array<i32>} : memref<128x128xf32, #tpu.memory_space<vmem>>, vector<1x16xf32>,
      %swap3A_80 = vector.shape_cast %swap3A_79 : vector<1x16xf32> to vector<16xf32>
      %swap3A_81 = vector.shape_cast %broadcast_in_dim3A_21 : vector<16xf32> to vector<1x16xf32>
      tpu.vector_store %arg5[%swap3A_77, %swap3A_78], %swap3A_81 {strides = array<i32>} : memref<128x128xf32, #tpu.memory_space<vmem>>, vector<1x16xf32>,
      %swap3A_82 = arith.index_cast %scan3A_52 : i32 to index
      %swap3A_83 = arith.constant 96 : index
      %swap3A_84 = tpu.vector_load %arg5[%swap3A_82, %swap3A_83] {strides = array<i32>} : memref<128x128xf32, #tpu.memory_space<vmem>>, vector<1x16xf32>,
      %swap3A_85 = vector.shape_cast %swap3A_84 : vector<1x16xf32> to vector<16xf32>
      %swap3A_86 = vector.shape_cast %broadcast_in_dim3A_21 : vector<16xf32> to vector<1x16xf32>
      tpu.vector_store %arg5[%swap3A_82, %swap3A_83], %swap3A_86 {strides = array<i32>} : memref<128x128xf32, #tpu.memory_space<vmem>>, vector<1x16xf32>,
      %swap3A_87 = arith.index_cast %scan3A_52 : i32 to index
      %swap3A_88 = arith.constant 112 : index
      %swap3A_89 = tpu.vector_load %arg5[%swap3A_87, %swap3A_88] {strides = array<i32>} : memref<128x128xf32, #tpu.memory_space<vmem>>, vector<1x16xf32>,
      %swap3A_90 = vector.shape_cast %swap3A_89 : vector<1x16xf32> to vector<16xf32>
      %swap3A_91 = vector.shape_cast %broadcast_in_dim3A_21 : vector<16xf32> to vector<1x16xf32>
      tpu.vector_store %arg5[%swap3A_87, %swap3A_88], %swap3A_91 {strides = array<i32>} : memref<128x128xf32, #tpu.memory_space<vmem>>, vector<1x16xf32>,
    }
    %scan3A_32 = arith.constant 128 : i32
    %mul3A_33 = arith.constant 256 : i32
    %mul3A_34 = arith.muli %arg1, %mul3A_33 : i32
    "tpu.region"() ({
      %run_scoped3A = tpu.sem_alloc : memref<!tpu.dma_semaphore, #tpu.memory_space<semaphore_mem>>
      %dma_start3A = arith.constant 0 : i32
      %dma_start3A_52 = tpu.memref_slice %arg7[%mul3A_34, %dma_start3A] : memref<4096x128xf32, #tpu.memory_space<vmem_shared>> -> memref<128x128xf32, #tpu.memory_space<vmem_shared>>
      %dma_start3A_53 = arith.constant 0 : i32
      %dma_start3A_54 = tpu.memref_slice %arg7[%mul3A_34, %dma_start3A_53] : memref<4096x128xf32, #tpu.memory_space<vmem_shared>> -> memref<128x128xf32, #tpu.memory_space<vmem_shared>>
      tpu.enqueue_dma source(%arg6 : memref<128x128xf32, #tpu.memory_space<vmem>>) target(%dma_start3A_54 : memref<128x128xf32, #tpu.memory_space<vmem_shared>>) target_semaphore(%run_scoped3A : memref<!tpu.dma_semaphore, #tpu.memory_space<semaphore_mem>>)
      %dma_wait3A = arith.constant 0 : i32
      %dma_wait3A_55 = tpu.memref_slice %arg7[%mul3A_34, %dma_wait3A] : memref<4096x128xf32, #tpu.memory_space<vmem_shared>> -> memref<128x128xf32, #tpu.memory_space<vmem_shared>>
      %dma_wait3A_56 = arith.constant 0 : i32
      %dma_wait3A_57 = tpu.memref_slice %arg7[%mul3A_34, %dma_wait3A_56] : memref<4096x128xf32, #tpu.memory_space<vmem_shared>> -> memref<128x128xf32, #tpu.memory_space<vmem_shared>>
      tpu.wait_dma2 semaphore(%run_scoped3A : memref<!tpu.dma_semaphore, #tpu.memory_space<semaphore_mem>>) src(%arg6 : memref<128x128xf32, #tpu.memory_space<vmem>>) dst(%dma_wait3A_57 : memref<128x128xf32, #tpu.memory_space<vmem_shared>>)
      tpu.yield
    }) : () -> ()
    %add3A_35 = arith.constant 128 : i32
    %add3A_36 = arith.addi %mul3A_34, %add3A_35 : i32
    "tpu.region"() ({
      %run_scoped3A = tpu.sem_alloc : memref<!tpu.dma_semaphore, #tpu.memory_space<semaphore_mem>>
      %dma_start3A = arith.constant 0 : i32
      %dma_start3A_52 = tpu.memref_slice %arg7[%add3A_36, %dma_start3A] : memref<4096x128xf32, #tpu.memory_space<vmem_shared>> -> memref<128x128xf32, #tpu.memory_space<vmem_shared>>
      %dma_start3A_53 = arith.constant 0 : i32
      %dma_start3A_54 = tpu.memref_slice %arg7[%add3A_36, %dma_start3A_53] : memref<4096x128xf32, #tpu.memory_space<vmem_shared>> -> memref<128x128xf32, #tpu.memory_space<vmem_shared>>
      tpu.enqueue_dma source(%arg6 : memref<128x128xf32, #tpu.memory_space<vmem>>) target(%dma_start3A_54 : memref<128x128xf32, #tpu.memory_space<vmem_shared>>) target_semaphore(%run_scoped3A : memref<!tpu.dma_semaphore, #tpu.memory_space<semaphore_mem>>)
      %dma_wait3A = arith.constant 0 : i32
      %dma_wait3A_55 = tpu.memref_slice %arg7[%add3A_36, %dma_wait3A] : memref<4096x128xf32, #tpu.memory_space<vmem_shared>> -> memref<128x128xf32, #tpu.memory_space<vmem_shared>>
      %dma_wait3A_56 = arith.constant 0 : i32
      %dma_wait3A_57 = tpu.memref_slice %arg7[%add3A_36, %dma_wait3A_56] : memref<4096x128xf32, #tpu.memory_space<vmem_shared>> -> memref<128x128xf32, #tpu.memory_space<vmem_shared>>
      tpu.wait_dma2 semaphore(%run_scoped3A : memref<!tpu.dma_semaphore, #tpu.memory_space<semaphore_mem>>) src(%arg6 : memref<128x128xf32, #tpu.memory_space<vmem>>) dst(%dma_wait3A_57 : memref<128x128xf32, #tpu.memory_space<vmem_shared>>)
      tpu.yield
    }) : () -> ()
    %barrier3A = arith.constant 0 : index
    tpu.barrier barrier_id(%barrier3A)
    %scan3A_37 = arith.constant 0 : i32
    %scan3A_38 = arith.constant 0 : i32
    %scan3A_39 = arith.constant 16 : i32
    %scan3A_40 = arith.addi %scan3A_38, %scan3A_39 : i32
    %scan3A_41 = arith.constant 1 : i32
    scf.for %scan3A_52 = %scan3A_38 to %scan3A_40 step %scan3A_41  : i32 {
      %run_scoped3A = arith.constant 0 : i32
      "tpu.region"() ({
        %run_scoped3A_53 = tpu.sem_alloc : memref<!tpu.dma_semaphore, #tpu.memory_space<semaphore_mem>>
        %dma_start3A = arith.constant 0 : i32
        %dma_start3A_54 = tpu.memref_slice %arg4[%scan3A_52, %run_scoped3A, %dma_start3A] : memref<16x1x128xi32, #tpu.memory_space<vmem>> -> memref<1x1x128xi32, #tpu.memory_space<vmem>>
        %dma_start3A_55 = tpu.memref_squeeze %dma_start3A_54 : memref<1x1x128xi32, #tpu.memory_space<vmem>> -> memref<128xi32, #tpu.memory_space<vmem>>
        %dma_start3A_56 = arith.constant 0 : i32
        %dma_start3A_57 = arith.constant 0 : i32
        %dma_start3A_58 = tpu.memref_slice %arg7[%dma_start3A_56, %dma_start3A_57] : memref<4096x128xf32, #tpu.memory_space<vmem_shared>> -> memref<4096x128xf32, #tpu.memory_space<vmem_shared>>
        tpu.enqueue_indirect_dma source(%arg5 : memref<128x128xf32, #tpu.memory_space<vmem>>) target(%dma_start3A_58 : memref<4096x128xf32, #tpu.memory_space<vmem_shared>>) offsets(%dma_start3A_55 : memref<128xi32, #tpu.memory_space<vmem>>) semaphore(%run_scoped3A_53 : memref<!tpu.dma_semaphore, #tpu.memory_space<semaphore_mem>>) {add = true}
        %dma_wait3A = arith.constant 0 : i32
        %dma_wait3A_59 = tpu.memref_slice %arg4[%scan3A_52, %run_scoped3A, %dma_wait3A] : memref<16x1x128xi32, #tpu.memory_space<vmem>> -> memref<1x1x128xi32, #tpu.memory_space<vmem>>
        %dma_wait3A_60 = tpu.memref_squeeze %dma_wait3A_59 : memref<1x1x128xi32, #tpu.memory_space<vmem>> -> memref<128xi32, #tpu.memory_space<vmem>>
        %dma_wait3A_61 = arith.constant 0 : i32
        %dma_wait3A_62 = arith.constant 0 : i32
        %dma_wait3A_63 = tpu.memref_slice %arg7[%dma_wait3A_61, %dma_wait3A_62] : memref<4096x128xf32, #tpu.memory_space<vmem_shared>> -> memref<4096x128xf32, #tpu.memory_space<vmem_shared>>
        tpu.wait_indirect_dma semaphore(%run_scoped3A_53 : memref<!tpu.dma_semaphore, #tpu.memory_space<semaphore_mem>>) src(%arg5 : memref<128x128xf32, #tpu.memory_space<vmem>>) dst(%dma_wait3A_63 : memref<4096x128xf32, #tpu.memory_space<vmem_shared>>)
        tpu.yield
      }) : () -> ()
    }
    %scan3A_42 = arith.constant 16 : i32
    %barrier3A_43 = arith.constant 0 : index
    tpu.barrier barrier_id(%barrier3A_43)
    %mul3A_44 = arith.constant 4096 : i32
    %mul3A_45 = arith.muli %arg0, %mul3A_44 : i32
    %add3A_46 = arith.constant 0 : i32
    %add3A_47 = arith.addi %mul3A_34, %add3A_46 : i32
    "tpu.region"() ({
      %run_scoped3A = tpu.sem_alloc : memref<!tpu.dma_semaphore, #tpu.memory_space<semaphore_mem>>
      %dma_start3A = arith.constant 0 : i32
      %dma_start3A_52 = tpu.memref_slice %arg7[%add3A_47, %dma_start3A] : memref<4096x128xf32, #tpu.memory_space<vmem_shared>> -> memref<128x128xf32, #tpu.memory_space<vmem_shared>>
      %dma_start3A_53 = arith.constant 0 : i32
      %dma_start3A_54 = tpu.memref_slice %arg7[%add3A_47, %dma_start3A_53] : memref<4096x128xf32, #tpu.memory_space<vmem_shared>> -> memref<128x128xf32, #tpu.memory_space<vmem_shared>>
      tpu.enqueue_dma source(%dma_start3A_54 : memref<128x128xf32, #tpu.memory_space<vmem_shared>>) target(%arg6 : memref<128x128xf32, #tpu.memory_space<vmem>>) target_semaphore(%run_scoped3A : memref<!tpu.dma_semaphore, #tpu.memory_space<semaphore_mem>>)
      %dma_wait3A = arith.constant 0 : i32
      %dma_wait3A_55 = tpu.memref_slice %arg7[%add3A_47, %dma_wait3A] : memref<4096x128xf32, #tpu.memory_space<vmem_shared>> -> memref<128x128xf32, #tpu.memory_space<vmem_shared>>
      %dma_wait3A_56 = arith.constant 0 : i32
      %dma_wait3A_57 = tpu.memref_slice %arg7[%add3A_47, %dma_wait3A_56] : memref<4096x128xf32, #tpu.memory_space<vmem_shared>> -> memref<128x128xf32, #tpu.memory_space<vmem_shared>>
      tpu.wait_dma2 semaphore(%run_scoped3A : memref<!tpu.dma_semaphore, #tpu.memory_space<semaphore_mem>>) src(%dma_wait3A_57 : memref<128x128xf32, #tpu.memory_space<vmem_shared>>) dst(%arg6 : memref<128x128xf32, #tpu.memory_space<vmem>>)
      tpu.yield
    }) : () -> ()
    %add3A_48 = arith.addi %mul3A_45, %add3A_47 : i32
    "tpu.region"() ({
      %run_scoped3A = tpu.sem_alloc : memref<!tpu.dma_semaphore, #tpu.memory_space<semaphore_mem>>
      %dma_start3A = arith.constant 0 : i32
      %dma_start3A_52 = tpu.memref_slice %arg3[%add3A_48, %dma_start3A] : memref<8192x128xf32, #tpu.memory_space<hbm>> -> memref<128x128xf32, #tpu.memory_space<hbm>>
      %dma_start3A_53 = arith.constant 0 : i32
      %dma_start3A_54 = tpu.memref_slice %arg3[%add3A_48, %dma_start3A_53] : memref<8192x128xf32, #tpu.memory_space<hbm>> -> memref<128x128xf32, #tpu.memory_space<hbm>>
      tpu.enqueue_dma source(%arg6 : memref<128x128xf32, #tpu.memory_space<vmem>>) target(%dma_start3A_54 : memref<128x128xf32, #tpu.memory_space<hbm>>) target_semaphore(%run_scoped3A : memref<!tpu.dma_semaphore, #tpu.memory_space<semaphore_mem>>)
      %dma_wait3A = arith.constant 0 : i32
      %dma_wait3A_55 = tpu.memref_slice %arg3[%add3A_48, %dma_wait3A] : memref<8192x128xf32, #tpu.memory_space<hbm>> -> memref<128x128xf32, #tpu.memory_space<hbm>>
      %dma_wait3A_56 = arith.constant 0 : i32
      %dma_wait3A_57 = tpu.memref_slice %arg3[%add3A_48, %dma_wait3A_56] : memref<8192x128xf32, #tpu.memory_space<hbm>> -> memref<128x128xf32, #tpu.memory_space<hbm>>
      tpu.wait_dma2 semaphore(%run_scoped3A : memref<!tpu.dma_semaphore, #tpu.memory_space<semaphore_mem>>) src(%arg6 : memref<128x128xf32, #tpu.memory_space<vmem>>) dst(%dma_wait3A_57 : memref<128x128xf32, #tpu.memory_space<hbm>>)
      tpu.yield
    }) : () -> ()
    %add3A_49 = arith.constant 128 : i32
    %add3A_50 = arith.addi %mul3A_34, %add3A_49 : i32
    "tpu.region"() ({
      %run_scoped3A = tpu.sem_alloc : memref<!tpu.dma_semaphore, #tpu.memory_space<semaphore_mem>>
      %dma_start3A = arith.constant 0 : i32
      %dma_start3A_52 = tpu.memref_slice %arg7[%add3A_50, %dma_start3A] : memref<4096x128xf32, #tpu.memory_space<vmem_shared>> -> memref<128x128xf32, #tpu.memory_space<vmem_shared>>
      %dma_start3A_53 = arith.constant 0 : i32
      %dma_start3A_54 = tpu.memref_slice %arg7[%add3A_50, %dma_start3A_53] : memref<4096x128xf32, #tpu.memory_space<vmem_shared>> -> memref<128x128xf32, #tpu.memory_space<vmem_shared>>
      tpu.enqueue_dma source(%dma_start3A_54 : memref<128x128xf32, #tpu.memory_space<vmem_shared>>) target(%arg6 : memref<128x128xf32, #tpu.memory_space<vmem>>) target_semaphore(%run_scoped3A : memref<!tpu.dma_semaphore, #tpu.memory_space<semaphore_mem>>)
      %dma_wait3A = arith.constant 0 : i32
      %dma_wait3A_55 = tpu.memref_slice %arg7[%add3A_50, %dma_wait3A] : memref<4096x128xf32, #tpu.memory_space<vmem_shared>> -> memref<128x128xf32, #tpu.memory_space<vmem_shared>>
      %dma_wait3A_56 = arith.constant 0 : i32
      %dma_wait3A_57 = tpu.memref_slice %arg7[%add3A_50, %dma_wait3A_56] : memref<4096x128xf32, #tpu.memory_space<vmem_shared>> -> memref<128x128xf32, #tpu.memory_space<vmem_shared>>
      tpu.wait_dma2 semaphore(%run_scoped3A : memref<!tpu.dma_semaphore, #tpu.memory_space<semaphore_mem>>) src(%dma_wait3A_57 : memref<128x128xf32, #tpu.memory_space<vmem_shared>>) dst(%arg6 : memref<128x128xf32, #tpu.memory_space<vmem>>)
      tpu.yield
    }) : () -> ()
    %add3A_51 = arith.addi %mul3A_45, %add3A_50 : i32
    "tpu.region"() ({
      %run_scoped3A = tpu.sem_alloc : memref<!tpu.dma_semaphore, #tpu.memory_space<semaphore_mem>>
      %dma_start3A = arith.constant 0 : i32
      %dma_start3A_52 = tpu.memref_slice %arg3[%add3A_51, %dma_start3A] : memref<8192x128xf32, #tpu.memory_space<hbm>> -> memref<128x128xf32, #tpu.memory_space<hbm>>
      %dma_start3A_53 = arith.constant 0 : i32
      %dma_start3A_54 = tpu.memref_slice %arg3[%add3A_51, %dma_start3A_53] : memref<8192x128xf32, #tpu.memory_space<hbm>> -> memref<128x128xf32, #tpu.memory_space<hbm>>
      tpu.enqueue_dma source(%arg6 : memref<128x128xf32, #tpu.memory_space<vmem>>) target(%dma_start3A_54 : memref<128x128xf32, #tpu.memory_space<hbm>>) target_semaphore(%run_scoped3A : memref<!tpu.dma_semaphore, #tpu.memory_space<semaphore_mem>>)
      %dma_wait3A = arith.constant 0 : i32
      %dma_wait3A_55 = tpu.memref_slice %arg3[%add3A_51, %dma_wait3A] : memref<8192x128xf32, #tpu.memory_space<hbm>> -> memref<128x128xf32, #tpu.memory_space<hbm>>
      %dma_wait3A_56 = arith.constant 0 : i32
      %dma_wait3A_57 = tpu.memref_slice %arg3[%add3A_51, %dma_wait3A_56] : memref<8192x128xf32, #tpu.memory_space<hbm>> -> memref<128x128xf32, #tpu.memory_space<hbm>>
      tpu.wait_dma2 semaphore(%run_scoped3A : memref<!tpu.dma_semaphore, #tpu.memory_space<semaphore_mem>>) src(%arg6 : memref<128x128xf32, #tpu.memory_space<vmem>>) dst(%dma_wait3A_57 : memref<128x128xf32, #tpu.memory_space<hbm>>)
      tpu.yield
    }) : () -> ()
    return
  }
}

#map = affine_map<(d0, d1) -> (0, 0)>
#map1 = affine_map<(d0, d1) -> (0, 0, 0)>
module attributes {stable_mosaic.version = 14 : i64} {
  func.func @seg(%arg0: i32, %arg1: i32, %arg2: memref<8192x128xf32, #tpu.memory_space<hbm>>, %arg3: memref<512x1x128xi32, #tpu.memory_space<hbm>>, %arg4: memref<512x1x128xi32, #tpu.memory_space<hbm>>, %arg5: memref<8192x128xf32, #tpu.memory_space<hbm>>, %arg6: memref<32x1x128xi32, #tpu.memory_space<vmem>>, %arg7: memref<32x1x128xi32, #tpu.memory_space<vmem>>, %arg8: memref<128x128xf32, #tpu.memory_space<vmem>>, %arg9: memref<128x128xf32, #tpu.memory_space<vmem>>, %arg10: memref<4096x128xf32, #tpu.memory_space<vmem_shared>>, %arg11: memref<128x128xf32, #tpu.memory_space<vmem>>, %arg12: memref<!tpu.dma_semaphore, #tpu.memory_space<semaphore_mem>>, %arg13: memref<!tpu.dma_semaphore, #tpu.memory_space<semaphore_mem>>) attributes {dimension_semantics = [#tpu.dimension_semantics<core_parallel>, #tpu.dimension_semantics<subcore_parallel>], iteration_bounds = array<i64: 2, 16>, scalar_prefetch = 0 : i64, scratch_operands = 8 : i64, tpu.core_type = #tpu.core_type<sc_vector_subcore>, window_params = [{transform_indices = #map}, {transform_indices = #map1}, {transform_indices = #map1}, {transform_indices = #map}]} {
    %mul3A = arith.constant 4096 : i32
    %mul3A_0 = arith.muli %arg1, %mul3A : i32
    %jit3A = arith.constant 128 : i32
    %div3A = arith.divsi %mul3A_0, %jit3A : i32
    %sign3A = arith.constant 0 : i32
    %sign3A_1 = arith.cmpi sgt, %mul3A_0, %sign3A : i32
    %sign3A_2 = arith.extui %sign3A_1 : i1 to i32
    %sign3A_3 = arith.constant 0 : i32
    %sign3A_4 = arith.cmpi slt, %mul3A_0, %sign3A_3 : i32
    %sign3A_5 = arith.extui %sign3A_4 : i1 to i32
    %sign3A_6 = arith.subi %sign3A_2, %sign3A_5 : i32
    %sign3A_7 = arith.constant 0 : i32
    %sign3A_8 = arith.cmpi sgt, %jit3A, %sign3A_7 : i32
    %sign3A_9 = arith.extui %sign3A_8 : i1 to i32
    %sign3A_10 = arith.constant 0 : i32
    %sign3A_11 = arith.cmpi slt, %jit3A, %sign3A_10 : i32
    %sign3A_12 = arith.extui %sign3A_11 : i1 to i32
    %sign3A_13 = arith.subi %sign3A_9, %sign3A_12 : i32
    %ne3A = arith.cmpi ne, %sign3A_6, %sign3A_13 : i32
    %rem3A = arith.remsi %mul3A_0, %jit3A : i32
    %ne3A_14 = arith.constant 0 : i32
    %ne3A_15 = arith.cmpi ne, %rem3A, %ne3A_14 : i32
    %and3A = arith.andi %ne3A, %ne3A_15 : i1
    %sub3A = arith.constant 1 : i32
    %sub3A_16 = arith.subi %div3A, %sub3A : i32
    %select_n3A = arith.select %and3A, %sub3A_16, %div3A : i32
    "tpu.region"() ({
      %run_scoped3A_86 = tpu.sem_alloc : memref<!tpu.dma_semaphore, #tpu.memory_space<semaphore_mem>>
      %dma_start3A_87 = arith.constant 0 : i32
      %dma_start3A_88 = arith.constant 0 : i32
      %dma_start3A_89 = tpu.memref_slice %arg4[%select_n3A, %dma_start3A_87, %dma_start3A_88] : memref<512x1x128xi32, #tpu.memory_space<hbm>> -> memref<32x1x128xi32, #tpu.memory_space<hbm>>
      %dma_start3A_90 = arith.constant 0 : i32
      %dma_start3A_91 = arith.constant 0 : i32
      %dma_start3A_92 = tpu.memref_slice %arg4[%select_n3A, %dma_start3A_90, %dma_start3A_91] : memref<512x1x128xi32, #tpu.memory_space<hbm>> -> memref<32x1x128xi32, #tpu.memory_space<hbm>>
      tpu.enqueue_dma source(%dma_start3A_92 : memref<32x1x128xi32, #tpu.memory_space<hbm>>) target(%arg7 : memref<32x1x128xi32, #tpu.memory_space<vmem>>) target_semaphore(%run_scoped3A_86 : memref<!tpu.dma_semaphore, #tpu.memory_space<semaphore_mem>>)
      %dma_wait3A_93 = arith.constant 0 : i32
      %dma_wait3A_94 = arith.constant 0 : i32
      %dma_wait3A_95 = tpu.memref_slice %arg4[%select_n3A, %dma_wait3A_93, %dma_wait3A_94] : memref<512x1x128xi32, #tpu.memory_space<hbm>> -> memref<32x1x128xi32, #tpu.memory_space<hbm>>
      %dma_wait3A_96 = arith.constant 0 : i32
      %dma_wait3A_97 = arith.constant 0 : i32
      %dma_wait3A_98 = tpu.memref_slice %arg4[%select_n3A, %dma_wait3A_96, %dma_wait3A_97] : memref<512x1x128xi32, #tpu.memory_space<hbm>> -> memref<32x1x128xi32, #tpu.memory_space<hbm>>
      tpu.wait_dma2 semaphore(%run_scoped3A_86 : memref<!tpu.dma_semaphore, #tpu.memory_space<semaphore_mem>>) src(%dma_wait3A_98 : memref<32x1x128xi32, #tpu.memory_space<hbm>>) dst(%arg7 : memref<32x1x128xi32, #tpu.memory_space<vmem>>)
      tpu.yield
    }) : () -> ()
    "tpu.region"() ({
      %run_scoped3A_86 = tpu.sem_alloc : memref<!tpu.dma_semaphore, #tpu.memory_space<semaphore_mem>>
      %dma_start3A_87 = arith.constant 0 : i32
      %dma_start3A_88 = arith.constant 0 : i32
      %dma_start3A_89 = tpu.memref_slice %arg3[%select_n3A, %dma_start3A_87, %dma_start3A_88] : memref<512x1x128xi32, #tpu.memory_space<hbm>> -> memref<32x1x128xi32, #tpu.memory_space<hbm>>
      %dma_start3A_90 = arith.constant 0 : i32
      %dma_start3A_91 = arith.constant 0 : i32
      %dma_start3A_92 = tpu.memref_slice %arg3[%select_n3A, %dma_start3A_90, %dma_start3A_91] : memref<512x1x128xi32, #tpu.memory_space<hbm>> -> memref<32x1x128xi32, #tpu.memory_space<hbm>>
      tpu.enqueue_dma source(%dma_start3A_92 : memref<32x1x128xi32, #tpu.memory_space<hbm>>) target(%arg6 : memref<32x1x128xi32, #tpu.memory_space<vmem>>) target_semaphore(%run_scoped3A_86 : memref<!tpu.dma_semaphore, #tpu.memory_space<semaphore_mem>>)
      %dma_wait3A_93 = arith.constant 0 : i32
      %dma_wait3A_94 = arith.constant 0 : i32
      %dma_wait3A_95 = tpu.memref_slice %arg3[%select_n3A, %dma_wait3A_93, %dma_wait3A_94] : memref<512x1x128xi32, #tpu.memory_space<hbm>> -> memref<32x1x128xi32, #tpu.memory_space<hbm>>
      %dma_wait3A_96 = arith.constant 0 : i32
      %dma_wait3A_97 = arith.constant 0 : i32
      %dma_wait3A_98 = tpu.memref_slice %arg3[%select_n3A, %dma_wait3A_96, %dma_wait3A_97] : memref<512x1x128xi32, #tpu.memory_space<hbm>> -> memref<32x1x128xi32, #tpu.memory_space<hbm>>
      tpu.wait_dma2 semaphore(%run_scoped3A_86 : memref<!tpu.dma_semaphore, #tpu.memory_space<semaphore_mem>>) src(%dma_wait3A_98 : memref<32x1x128xi32, #tpu.memory_space<hbm>>) dst(%arg6 : memref<32x1x128xi32, #tpu.memory_space<vmem>>)
      tpu.yield
    }) : () -> ()
    %mul3A_17 = arith.constant 1 : i32
    %mul3A_18 = arith.muli %arg0, %mul3A_17 : i32
    %mul3A_19 = arith.constant 4096 : i32
    %mul3A_20 = arith.muli %mul3A_18, %mul3A_19 : i32
    %scan3A = arith.constant 0 : i32
    %scan3A_21 = arith.constant 0 : i32
    %scan3A_22 = arith.constant 32 : i32
    %scan3A_23 = arith.addi %scan3A_21, %scan3A_22 : i32
    %scan3A_24 = arith.constant 1 : i32
    scf.for %scan3A_86 = %scan3A_21 to %scan3A_23 step %scan3A_24  : i32 {
      %get3A = arith.constant 0 : i32
      %get3A_87 = arith.index_cast %scan3A_86 : i32 to index
      %get3A_88 = arith.index_cast %get3A : i32 to index
      %get3A_89 = arith.constant 0 : index
      %get3A_90 = tpu.vector_load %arg6[%get3A_87, %get3A_88, %get3A_89] {strides = array<i32>} : memref<32x1x128xi32, #tpu.memory_space<vmem>>, vector<1x1x16xi32>,
      %get3A_91 = vector.shape_cast %get3A_90 : vector<1x1x16xi32> to vector<16xi32>
      %add3A_92 = vector.broadcast %mul3A_20 : i32 to vector<16xi32>
      %add3A_93 = arith.addi %get3A_91, %add3A_92 : vector<16xi32>
      %swap3A = arith.constant 0 : i32
      %swap3A_94 = arith.index_cast %scan3A_86 : i32 to index
      %swap3A_95 = arith.index_cast %swap3A : i32 to index
      %swap3A_96 = arith.constant 0 : index
      %swap3A_97 = tpu.vector_load %arg6[%swap3A_94, %swap3A_95, %swap3A_96] {strides = array<i32>} : memref<32x1x128xi32, #tpu.memory_space<vmem>>, vector<1x1x16xi32>,
      %swap3A_98 = vector.shape_cast %swap3A_97 : vector<1x1x16xi32> to vector<16xi32>
      %swap3A_99 = vector.shape_cast %add3A_93 : vector<16xi32> to vector<1x1x16xi32>
      tpu.vector_store %arg6[%swap3A_94, %swap3A_95, %swap3A_96], %swap3A_99 {strides = array<i32>} : memref<32x1x128xi32, #tpu.memory_space<vmem>>, vector<1x1x16xi32>,
      %get3A_100 = arith.constant 0 : i32
      %get3A_101 = arith.index_cast %scan3A_86 : i32 to index
      %get3A_102 = arith.index_cast %get3A_100 : i32 to index
      %get3A_103 = arith.constant 16 : index
      %get3A_104 = tpu.vector_load %arg6[%get3A_101, %get3A_102, %get3A_103] {strides = array<i32>} : memref<32x1x128xi32, #tpu.memory_space<vmem>>, vector<1x1x16xi32>,
      %get3A_105 = vector.shape_cast %get3A_104 : vector<1x1x16xi32> to vector<16xi32>
      %add3A_106 = vector.broadcast %mul3A_20 : i32 to vector<16xi32>
      %add3A_107 = arith.addi %get3A_105, %add3A_106 : vector<16xi32>
      %swap3A_108 = arith.constant 0 : i32
      %swap3A_109 = arith.index_cast %scan3A_86 : i32 to index
      %swap3A_110 = arith.index_cast %swap3A_108 : i32 to index
      %swap3A_111 = arith.constant 16 : index
      %swap3A_112 = tpu.vector_load %arg6[%swap3A_109, %swap3A_110, %swap3A_111] {strides = array<i32>} : memref<32x1x128xi32, #tpu.memory_space<vmem>>, vector<1x1x16xi32>,
      %swap3A_113 = vector.shape_cast %swap3A_112 : vector<1x1x16xi32> to vector<16xi32>
      %swap3A_114 = vector.shape_cast %add3A_107 : vector<16xi32> to vector<1x1x16xi32>
      tpu.vector_store %arg6[%swap3A_109, %swap3A_110, %swap3A_111], %swap3A_114 {strides = array<i32>} : memref<32x1x128xi32, #tpu.memory_space<vmem>>, vector<1x1x16xi32>,
      %get3A_115 = arith.constant 0 : i32
      %get3A_116 = arith.index_cast %scan3A_86 : i32 to index
      %get3A_117 = arith.index_cast %get3A_115 : i32 to index
      %get3A_118 = arith.constant 32 : index
      %get3A_119 = tpu.vector_load %arg6[%get3A_116, %get3A_117, %get3A_118] {strides = array<i32>} : memref<32x1x128xi32, #tpu.memory_space<vmem>>, vector<1x1x16xi32>,
      %get3A_120 = vector.shape_cast %get3A_119 : vector<1x1x16xi32> to vector<16xi32>
      %add3A_121 = vector.broadcast %mul3A_20 : i32 to vector<16xi32>
      %add3A_122 = arith.addi %get3A_120, %add3A_121 : vector<16xi32>
      %swap3A_123 = arith.constant 0 : i32
      %swap3A_124 = arith.index_cast %scan3A_86 : i32 to index
      %swap3A_125 = arith.index_cast %swap3A_123 : i32 to index
      %swap3A_126 = arith.constant 32 : index
      %swap3A_127 = tpu.vector_load %arg6[%swap3A_124, %swap3A_125, %swap3A_126] {strides = array<i32>} : memref<32x1x128xi32, #tpu.memory_space<vmem>>, vector<1x1x16xi32>,
      %swap3A_128 = vector.shape_cast %swap3A_127 : vector<1x1x16xi32> to vector<16xi32>
      %swap3A_129 = vector.shape_cast %add3A_122 : vector<16xi32> to vector<1x1x16xi32>
      tpu.vector_store %arg6[%swap3A_124, %swap3A_125, %swap3A_126], %swap3A_129 {strides = array<i32>} : memref<32x1x128xi32, #tpu.memory_space<vmem>>, vector<1x1x16xi32>,
      %get3A_130 = arith.constant 0 : i32
      %get3A_131 = arith.index_cast %scan3A_86 : i32 to index
      %get3A_132 = arith.index_cast %get3A_130 : i32 to index
      %get3A_133 = arith.constant 48 : index
      %get3A_134 = tpu.vector_load %arg6[%get3A_131, %get3A_132, %get3A_133] {strides = array<i32>} : memref<32x1x128xi32, #tpu.memory_space<vmem>>, vector<1x1x16xi32>,
      %get3A_135 = vector.shape_cast %get3A_134 : vector<1x1x16xi32> to vector<16xi32>
      %add3A_136 = vector.broadcast %mul3A_20 : i32 to vector<16xi32>
      %add3A_137 = arith.addi %get3A_135, %add3A_136 : vector<16xi32>
      %swap3A_138 = arith.constant 0 : i32
      %swap3A_139 = arith.index_cast %scan3A_86 : i32 to index
      %swap3A_140 = arith.index_cast %swap3A_138 : i32 to index
      %swap3A_141 = arith.constant 48 : index
      %swap3A_142 = tpu.vector_load %arg6[%swap3A_139, %swap3A_140, %swap3A_141] {strides = array<i32>} : memref<32x1x128xi32, #tpu.memory_space<vmem>>, vector<1x1x16xi32>,
      %swap3A_143 = vector.shape_cast %swap3A_142 : vector<1x1x16xi32> to vector<16xi32>
      %swap3A_144 = vector.shape_cast %add3A_137 : vector<16xi32> to vector<1x1x16xi32>
      tpu.vector_store %arg6[%swap3A_139, %swap3A_140, %swap3A_141], %swap3A_144 {strides = array<i32>} : memref<32x1x128xi32, #tpu.memory_space<vmem>>, vector<1x1x16xi32>,
      %get3A_145 = arith.constant 0 : i32
      %get3A_146 = arith.index_cast %scan3A_86 : i32 to index
      %get3A_147 = arith.index_cast %get3A_145 : i32 to index
      %get3A_148 = arith.constant 64 : index
      %get3A_149 = tpu.vector_load %arg6[%get3A_146, %get3A_147, %get3A_148] {strides = array<i32>} : memref<32x1x128xi32, #tpu.memory_space<vmem>>, vector<1x1x16xi32>,
      %get3A_150 = vector.shape_cast %get3A_149 : vector<1x1x16xi32> to vector<16xi32>
      %add3A_151 = vector.broadcast %mul3A_20 : i32 to vector<16xi32>
      %add3A_152 = arith.addi %get3A_150, %add3A_151 : vector<16xi32>
      %swap3A_153 = arith.constant 0 : i32
      %swap3A_154 = arith.index_cast %scan3A_86 : i32 to index
      %swap3A_155 = arith.index_cast %swap3A_153 : i32 to index
      %swap3A_156 = arith.constant 64 : index
      %swap3A_157 = tpu.vector_load %arg6[%swap3A_154, %swap3A_155, %swap3A_156] {strides = array<i32>} : memref<32x1x128xi32, #tpu.memory_space<vmem>>, vector<1x1x16xi32>,
      %swap3A_158 = vector.shape_cast %swap3A_157 : vector<1x1x16xi32> to vector<16xi32>
      %swap3A_159 = vector.shape_cast %add3A_152 : vector<16xi32> to vector<1x1x16xi32>
      tpu.vector_store %arg6[%swap3A_154, %swap3A_155, %swap3A_156], %swap3A_159 {strides = array<i32>} : memref<32x1x128xi32, #tpu.memory_space<vmem>>, vector<1x1x16xi32>,
      %get3A_160 = arith.constant 0 : i32
      %get3A_161 = arith.index_cast %scan3A_86 : i32 to index
      %get3A_162 = arith.index_cast %get3A_160 : i32 to index
      %get3A_163 = arith.constant 80 : index
      %get3A_164 = tpu.vector_load %arg6[%get3A_161, %get3A_162, %get3A_163] {strides = array<i32>} : memref<32x1x128xi32, #tpu.memory_space<vmem>>, vector<1x1x16xi32>,
      %get3A_165 = vector.shape_cast %get3A_164 : vector<1x1x16xi32> to vector<16xi32>
      %add3A_166 = vector.broadcast %mul3A_20 : i32 to vector<16xi32>
      %add3A_167 = arith.addi %get3A_165, %add3A_166 : vector<16xi32>
      %swap3A_168 = arith.constant 0 : i32
      %swap3A_169 = arith.index_cast %scan3A_86 : i32 to index
      %swap3A_170 = arith.index_cast %swap3A_168 : i32 to index
      %swap3A_171 = arith.constant 80 : index
      %swap3A_172 = tpu.vector_load %arg6[%swap3A_169, %swap3A_170, %swap3A_171] {strides = array<i32>} : memref<32x1x128xi32, #tpu.memory_space<vmem>>, vector<1x1x16xi32>,
      %swap3A_173 = vector.shape_cast %swap3A_172 : vector<1x1x16xi32> to vector<16xi32>
      %swap3A_174 = vector.shape_cast %add3A_167 : vector<16xi32> to vector<1x1x16xi32>
      tpu.vector_store %arg6[%swap3A_169, %swap3A_170, %swap3A_171], %swap3A_174 {strides = array<i32>} : memref<32x1x128xi32, #tpu.memory_space<vmem>>, vector<1x1x16xi32>,
      %get3A_175 = arith.constant 0 : i32
      %get3A_176 = arith.index_cast %scan3A_86 : i32 to index
      %get3A_177 = arith.index_cast %get3A_175 : i32 to index
      %get3A_178 = arith.constant 96 : index
      %get3A_179 = tpu.vector_load %arg6[%get3A_176, %get3A_177, %get3A_178] {strides = array<i32>} : memref<32x1x128xi32, #tpu.memory_space<vmem>>, vector<1x1x16xi32>,
      %get3A_180 = vector.shape_cast %get3A_179 : vector<1x1x16xi32> to vector<16xi32>
      %add3A_181 = vector.broadcast %mul3A_20 : i32 to vector<16xi32>
      %add3A_182 = arith.addi %get3A_180, %add3A_181 : vector<16xi32>
      %swap3A_183 = arith.constant 0 : i32
      %swap3A_184 = arith.index_cast %scan3A_86 : i32 to index
      %swap3A_185 = arith.index_cast %swap3A_183 : i32 to index
      %swap3A_186 = arith.constant 96 : index
      %swap3A_187 = tpu.vector_load %arg6[%swap3A_184, %swap3A_185, %swap3A_186] {strides = array<i32>} : memref<32x1x128xi32, #tpu.memory_space<vmem>>, vector<1x1x16xi32>,
      %swap3A_188 = vector.shape_cast %swap3A_187 : vector<1x1x16xi32> to vector<16xi32>
      %swap3A_189 = vector.shape_cast %add3A_182 : vector<16xi32> to vector<1x1x16xi32>
      tpu.vector_store %arg6[%swap3A_184, %swap3A_185, %swap3A_186], %swap3A_189 {strides = array<i32>} : memref<32x1x128xi32, #tpu.memory_space<vmem>>, vector<1x1x16xi32>,
      %get3A_190 = arith.constant 0 : i32
      %get3A_191 = arith.index_cast %scan3A_86 : i32 to index
      %get3A_192 = arith.index_cast %get3A_190 : i32 to index
      %get3A_193 = arith.constant 112 : index
      %get3A_194 = tpu.vector_load %arg6[%get3A_191, %get3A_192, %get3A_193] {strides = array<i32>} : memref<32x1x128xi32, #tpu.memory_space<vmem>>, vector<1x1x16xi32>,
      %get3A_195 = vector.shape_cast %get3A_194 : vector<1x1x16xi32> to vector<16xi32>
      %add3A_196 = vector.broadcast %mul3A_20 : i32 to vector<16xi32>
      %add3A_197 = arith.addi %get3A_195, %add3A_196 : vector<16xi32>
      %swap3A_198 = arith.constant 0 : i32
      %swap3A_199 = arith.index_cast %scan3A_86 : i32 to index
      %swap3A_200 = arith.index_cast %swap3A_198 : i32 to index
      %swap3A_201 = arith.constant 112 : index
      %swap3A_202 = tpu.vector_load %arg6[%swap3A_199, %swap3A_200, %swap3A_201] {strides = array<i32>} : memref<32x1x128xi32, #tpu.memory_space<vmem>>, vector<1x1x16xi32>,
      %swap3A_203 = vector.shape_cast %swap3A_202 : vector<1x1x16xi32> to vector<16xi32>
      %swap3A_204 = vector.shape_cast %add3A_197 : vector<16xi32> to vector<1x1x16xi32>
      tpu.vector_store %arg6[%swap3A_199, %swap3A_200, %swap3A_201], %swap3A_204 {strides = array<i32>} : memref<32x1x128xi32, #tpu.memory_space<vmem>>, vector<1x1x16xi32>,
    }
    %scan3A_25 = arith.constant 32 : i32
    %broadcast_in_dim3A = arith.constant 0.000000e+00 : f32
    %broadcast_in_dim3A_26 = vector.broadcast %broadcast_in_dim3A : f32 to vector<16xf32>
    %broadcast_in_dim3A_27 = arith.constant 1.000000e+00 : f32
    %broadcast_in_dim3A_28 = vector.broadcast %broadcast_in_dim3A_27 : f32 to vector<16xf32>
    %scan3A_29 = arith.constant 0 : i32
    %scan3A_30 = arith.constant 0 : i32
    %scan3A_31 = arith.constant 128 : i32
    %scan3A_32 = arith.addi %scan3A_30, %scan3A_31 : i32
    %scan3A_33 = arith.constant 1 : i32
    scf.for %scan3A_86 = %scan3A_30 to %scan3A_32 step %scan3A_33  : i32 {
      %swap3A = arith.index_cast %scan3A_86 : i32 to index
      %swap3A_87 = arith.constant 0 : index
      %swap3A_88 = tpu.vector_load %arg9[%swap3A, %swap3A_87] {strides = array<i32>} : memref<128x128xf32, #tpu.memory_space<vmem>>, vector<1x16xf32>,
      %swap3A_89 = vector.shape_cast %swap3A_88 : vector<1x16xf32> to vector<16xf32>
      %swap3A_90 = vector.shape_cast %broadcast_in_dim3A_26 : vector<16xf32> to vector<1x16xf32>
      tpu.vector_store %arg9[%swap3A, %swap3A_87], %swap3A_90 {strides = array<i32>} : memref<128x128xf32, #tpu.memory_space<vmem>>, vector<1x16xf32>,
      %swap3A_91 = arith.index_cast %scan3A_86 : i32 to index
      %swap3A_92 = arith.constant 16 : index
      %swap3A_93 = tpu.vector_load %arg9[%swap3A_91, %swap3A_92] {strides = array<i32>} : memref<128x128xf32, #tpu.memory_space<vmem>>, vector<1x16xf32>,
      %swap3A_94 = vector.shape_cast %swap3A_93 : vector<1x16xf32> to vector<16xf32>
      %swap3A_95 = vector.shape_cast %broadcast_in_dim3A_26 : vector<16xf32> to vector<1x16xf32>
      tpu.vector_store %arg9[%swap3A_91, %swap3A_92], %swap3A_95 {strides = array<i32>} : memref<128x128xf32, #tpu.memory_space<vmem>>, vector<1x16xf32>,
      %swap3A_96 = arith.index_cast %scan3A_86 : i32 to index
      %swap3A_97 = arith.constant 32 : index
      %swap3A_98 = tpu.vector_load %arg9[%swap3A_96, %swap3A_97] {strides = array<i32>} : memref<128x128xf32, #tpu.memory_space<vmem>>, vector<1x16xf32>,
      %swap3A_99 = vector.shape_cast %swap3A_98 : vector<1x16xf32> to vector<16xf32>
      %swap3A_100 = vector.shape_cast %broadcast_in_dim3A_26 : vector<16xf32> to vector<1x16xf32>
      tpu.vector_store %arg9[%swap3A_96, %swap3A_97], %swap3A_100 {strides = array<i32>} : memref<128x128xf32, #tpu.memory_space<vmem>>, vector<1x16xf32>,
      %swap3A_101 = arith.index_cast %scan3A_86 : i32 to index
      %swap3A_102 = arith.constant 48 : index
      %swap3A_103 = tpu.vector_load %arg9[%swap3A_101, %swap3A_102] {strides = array<i32>} : memref<128x128xf32, #tpu.memory_space<vmem>>, vector<1x16xf32>,
      %swap3A_104 = vector.shape_cast %swap3A_103 : vector<1x16xf32> to vector<16xf32>
      %swap3A_105 = vector.shape_cast %broadcast_in_dim3A_26 : vector<16xf32> to vector<1x16xf32>
      tpu.vector_store %arg9[%swap3A_101, %swap3A_102], %swap3A_105 {strides = array<i32>} : memref<128x128xf32, #tpu.memory_space<vmem>>, vector<1x16xf32>,
      %swap3A_106 = arith.index_cast %scan3A_86 : i32 to index
      %swap3A_107 = arith.constant 64 : index
      %swap3A_108 = tpu.vector_load %arg9[%swap3A_106, %swap3A_107] {strides = array<i32>} : memref<128x128xf32, #tpu.memory_space<vmem>>, vector<1x16xf32>,
      %swap3A_109 = vector.shape_cast %swap3A_108 : vector<1x16xf32> to vector<16xf32>
      %swap3A_110 = vector.shape_cast %broadcast_in_dim3A_26 : vector<16xf32> to vector<1x16xf32>
      tpu.vector_store %arg9[%swap3A_106, %swap3A_107], %swap3A_110 {strides = array<i32>} : memref<128x128xf32, #tpu.memory_space<vmem>>, vector<1x16xf32>,
      %swap3A_111 = arith.index_cast %scan3A_86 : i32 to index
      %swap3A_112 = arith.constant 80 : index
      %swap3A_113 = tpu.vector_load %arg9[%swap3A_111, %swap3A_112] {strides = array<i32>} : memref<128x128xf32, #tpu.memory_space<vmem>>, vector<1x16xf32>,
      %swap3A_114 = vector.shape_cast %swap3A_113 : vector<1x16xf32> to vector<16xf32>
      %swap3A_115 = vector.shape_cast %broadcast_in_dim3A_26 : vector<16xf32> to vector<1x16xf32>
      tpu.vector_store %arg9[%swap3A_111, %swap3A_112], %swap3A_115 {strides = array<i32>} : memref<128x128xf32, #tpu.memory_space<vmem>>, vector<1x16xf32>,
      %swap3A_116 = arith.index_cast %scan3A_86 : i32 to index
      %swap3A_117 = arith.constant 96 : index
      %swap3A_118 = tpu.vector_load %arg9[%swap3A_116, %swap3A_117] {strides = array<i32>} : memref<128x128xf32, #tpu.memory_space<vmem>>, vector<1x16xf32>,
      %swap3A_119 = vector.shape_cast %swap3A_118 : vector<1x16xf32> to vector<16xf32>
      %swap3A_120 = vector.shape_cast %broadcast_in_dim3A_26 : vector<16xf32> to vector<1x16xf32>
      tpu.vector_store %arg9[%swap3A_116, %swap3A_117], %swap3A_120 {strides = array<i32>} : memref<128x128xf32, #tpu.memory_space<vmem>>, vector<1x16xf32>,
      %swap3A_121 = arith.index_cast %scan3A_86 : i32 to index
      %swap3A_122 = arith.constant 112 : index
      %swap3A_123 = tpu.vector_load %arg9[%swap3A_121, %swap3A_122] {strides = array<i32>} : memref<128x128xf32, #tpu.memory_space<vmem>>, vector<1x16xf32>,
      %swap3A_124 = vector.shape_cast %swap3A_123 : vector<1x16xf32> to vector<16xf32>
      %swap3A_125 = vector.shape_cast %broadcast_in_dim3A_26 : vector<16xf32> to vector<1x16xf32>
      tpu.vector_store %arg9[%swap3A_121, %swap3A_122], %swap3A_125 {strides = array<i32>} : memref<128x128xf32, #tpu.memory_space<vmem>>, vector<1x16xf32>,
    }
    %scan3A_34 = arith.constant 128 : i32
    %mul3A_35 = arith.constant 256 : i32
    %mul3A_36 = arith.muli %arg1, %mul3A_35 : i32
    "tpu.region"() ({
      %run_scoped3A_86 = tpu.sem_alloc : memref<!tpu.dma_semaphore, #tpu.memory_space<semaphore_mem>>
      %dma_start3A_87 = arith.constant 0 : i32
      %dma_start3A_88 = tpu.memref_slice %arg10[%mul3A_36, %dma_start3A_87] : memref<4096x128xf32, #tpu.memory_space<vmem_shared>> -> memref<128x128xf32, #tpu.memory_space<vmem_shared>>
      %dma_start3A_89 = arith.constant 0 : i32
      %dma_start3A_90 = tpu.memref_slice %arg10[%mul3A_36, %dma_start3A_89] : memref<4096x128xf32, #tpu.memory_space<vmem_shared>> -> memref<128x128xf32, #tpu.memory_space<vmem_shared>>
      tpu.enqueue_dma source(%arg9 : memref<128x128xf32, #tpu.memory_space<vmem>>) target(%dma_start3A_90 : memref<128x128xf32, #tpu.memory_space<vmem_shared>>) target_semaphore(%run_scoped3A_86 : memref<!tpu.dma_semaphore, #tpu.memory_space<semaphore_mem>>)
      %dma_wait3A_91 = arith.constant 0 : i32
      %dma_wait3A_92 = tpu.memref_slice %arg10[%mul3A_36, %dma_wait3A_91] : memref<4096x128xf32, #tpu.memory_space<vmem_shared>> -> memref<128x128xf32, #tpu.memory_space<vmem_shared>>
      %dma_wait3A_93 = arith.constant 0 : i32
      %dma_wait3A_94 = tpu.memref_slice %arg10[%mul3A_36, %dma_wait3A_93] : memref<4096x128xf32, #tpu.memory_space<vmem_shared>> -> memref<128x128xf32, #tpu.memory_space<vmem_shared>>
      tpu.wait_dma2 semaphore(%run_scoped3A_86 : memref<!tpu.dma_semaphore, #tpu.memory_space<semaphore_mem>>) src(%arg9 : memref<128x128xf32, #tpu.memory_space<vmem>>) dst(%dma_wait3A_94 : memref<128x128xf32, #tpu.memory_space<vmem_shared>>)
      tpu.yield
    }) : () -> ()
    %add3A = arith.constant 128 : i32
    %add3A_37 = arith.addi %mul3A_36, %add3A : i32
    "tpu.region"() ({
      %run_scoped3A_86 = tpu.sem_alloc : memref<!tpu.dma_semaphore, #tpu.memory_space<semaphore_mem>>
      %dma_start3A_87 = arith.constant 0 : i32
      %dma_start3A_88 = tpu.memref_slice %arg10[%add3A_37, %dma_start3A_87] : memref<4096x128xf32, #tpu.memory_space<vmem_shared>> -> memref<128x128xf32, #tpu.memory_space<vmem_shared>>
      %dma_start3A_89 = arith.constant 0 : i32
      %dma_start3A_90 = tpu.memref_slice %arg10[%add3A_37, %dma_start3A_89] : memref<4096x128xf32, #tpu.memory_space<vmem_shared>> -> memref<128x128xf32, #tpu.memory_space<vmem_shared>>
      tpu.enqueue_dma source(%arg9 : memref<128x128xf32, #tpu.memory_space<vmem>>) target(%dma_start3A_90 : memref<128x128xf32, #tpu.memory_space<vmem_shared>>) target_semaphore(%run_scoped3A_86 : memref<!tpu.dma_semaphore, #tpu.memory_space<semaphore_mem>>)
      %dma_wait3A_91 = arith.constant 0 : i32
      %dma_wait3A_92 = tpu.memref_slice %arg10[%add3A_37, %dma_wait3A_91] : memref<4096x128xf32, #tpu.memory_space<vmem_shared>> -> memref<128x128xf32, #tpu.memory_space<vmem_shared>>
      %dma_wait3A_93 = arith.constant 0 : i32
      %dma_wait3A_94 = tpu.memref_slice %arg10[%add3A_37, %dma_wait3A_93] : memref<4096x128xf32, #tpu.memory_space<vmem_shared>> -> memref<128x128xf32, #tpu.memory_space<vmem_shared>>
      tpu.wait_dma2 semaphore(%run_scoped3A_86 : memref<!tpu.dma_semaphore, #tpu.memory_space<semaphore_mem>>) src(%arg9 : memref<128x128xf32, #tpu.memory_space<vmem>>) dst(%dma_wait3A_94 : memref<128x128xf32, #tpu.memory_space<vmem_shared>>)
      tpu.yield
    }) : () -> ()
    %barrier3A = arith.constant 0 : index
    tpu.barrier barrier_id(%barrier3A)
    %dma_start3A = arith.constant 0 : i32
    %dma_start3A_38 = arith.constant 0 : i32
    %dma_start3A_39 = arith.constant 0 : i32
    %dma_start3A_40 = tpu.memref_slice %arg6[%dma_start3A, %dma_start3A_38, %dma_start3A_39] : memref<32x1x128xi32, #tpu.memory_space<vmem>> -> memref<1x1x128xi32, #tpu.memory_space<vmem>>
    %dma_start3A_41 = tpu.memref_squeeze %dma_start3A_40 : memref<1x1x128xi32, #tpu.memory_space<vmem>> -> memref<128xi32, #tpu.memory_space<vmem>>
    %dma_start3A_42 = arith.constant 0 : i32
    %dma_start3A_43 = arith.constant 0 : i32
    %dma_start3A_44 = tpu.memref_slice %arg2[%dma_start3A_42, %dma_start3A_43] : memref<8192x128xf32, #tpu.memory_space<hbm>> -> memref<8192x128xf32, #tpu.memory_space<hbm>>
    tpu.enqueue_indirect_dma source(%dma_start3A_44 : memref<8192x128xf32, #tpu.memory_space<hbm>>) target(%arg8 : memref<128x128xf32, #tpu.memory_space<vmem>>) offsets(%dma_start3A_41 : memref<128xi32, #tpu.memory_space<vmem>>) semaphore(%arg12 : memref<!tpu.dma_semaphore, #tpu.memory_space<semaphore_mem>>)
    %scan3A_45 = arith.constant 0 : i32
    %scan3A_46 = arith.constant 0 : i32
    %scan3A_47 = arith.constant 15 : i32
    %scan3A_48 = arith.addi %scan3A_46, %scan3A_47 : i32
    %scan3A_49 = arith.constant 1 : i32
    scf.for %scan3A_86 = %scan3A_46 to %scan3A_48 step %scan3A_49  : i32 {
      %mul3A_87 = arith.constant 2 : i32
      %mul3A_88 = arith.muli %mul3A_87, %scan3A_86 : i32
      %add3A_89 = arith.constant 1 : i32
      %add3A_90 = arith.addi %mul3A_88, %add3A_89 : i32
      %dma_start3A_91 = arith.constant 0 : i32
      %dma_start3A_92 = arith.constant 0 : i32
      %dma_start3A_93 = tpu.memref_slice %arg6[%add3A_90, %dma_start3A_91, %dma_start3A_92] : memref<32x1x128xi32, #tpu.memory_space<vmem>> -> memref<1x1x128xi32, #tpu.memory_space<vmem>>
      %dma_start3A_94 = tpu.memref_squeeze %dma_start3A_93 : memref<1x1x128xi32, #tpu.memory_space<vmem>> -> memref<128xi32, #tpu.memory_space<vmem>>
      %dma_start3A_95 = arith.constant 0 : i32
      %dma_start3A_96 = arith.constant 0 : i32
      %dma_start3A_97 = tpu.memref_slice %arg2[%dma_start3A_95, %dma_start3A_96] : memref<8192x128xf32, #tpu.memory_space<hbm>> -> memref<8192x128xf32, #tpu.memory_space<hbm>>
      tpu.enqueue_indirect_dma source(%dma_start3A_97 : memref<8192x128xf32, #tpu.memory_space<hbm>>) target(%arg11 : memref<128x128xf32, #tpu.memory_space<vmem>>) offsets(%dma_start3A_94 : memref<128xi32, #tpu.memory_space<vmem>>) semaphore(%arg13 : memref<!tpu.dma_semaphore, #tpu.memory_space<semaphore_mem>>)
      %dma_wait3A_98 = arith.constant 0 : i32
      %dma_wait3A_99 = arith.constant 0 : i32
      %dma_wait3A_100 = tpu.memref_slice %arg2[%dma_wait3A_98, %dma_wait3A_99] : memref<8192x128xf32, #tpu.memory_space<hbm>> -> memref<128x128xf32, #tpu.memory_space<hbm>>
      %dma_wait3A_101 = arith.constant 0 : i32
      %dma_wait3A_102 = arith.constant 0 : i32
      %dma_wait3A_103 = tpu.memref_slice %arg2[%dma_wait3A_101, %dma_wait3A_102] : memref<8192x128xf32, #tpu.memory_space<hbm>> -> memref<128x128xf32, #tpu.memory_space<hbm>>
      tpu.wait_dma2 semaphore(%arg12 : memref<!tpu.dma_semaphore, #tpu.memory_space<semaphore_mem>>) src(%dma_wait3A_103 : memref<128x128xf32, #tpu.memory_space<hbm>>) dst(%arg8 : memref<128x128xf32, #tpu.memory_space<vmem>>)
      %mul3A_104 = arith.constant 2 : i32
      %mul3A_105 = arith.muli %mul3A_104, %scan3A_86 : i32
      %run_scoped3A_106 = arith.constant 0 : i32
      "tpu.region"() ({
        %run_scoped3A_129 = tpu.sem_alloc : memref<!tpu.dma_semaphore, #tpu.memory_space<semaphore_mem>>
        %dma_start3A_130 = arith.constant 0 : i32
        %dma_start3A_131 = tpu.memref_slice %arg7[%mul3A_105, %run_scoped3A_106, %dma_start3A_130] : memref<32x1x128xi32, #tpu.memory_space<vmem>> -> memref<1x1x128xi32, #tpu.memory_space<vmem>>
        %dma_start3A_132 = tpu.memref_squeeze %dma_start3A_131 : memref<1x1x128xi32, #tpu.memory_space<vmem>> -> memref<128xi32, #tpu.memory_space<vmem>>
        %dma_start3A_133 = arith.constant 0 : i32
        %dma_start3A_134 = arith.constant 0 : i32
        %dma_start3A_135 = tpu.memref_slice %arg10[%dma_start3A_133, %dma_start3A_134] : memref<4096x128xf32, #tpu.memory_space<vmem_shared>> -> memref<4096x128xf32, #tpu.memory_space<vmem_shared>>
        tpu.enqueue_indirect_dma source(%arg8 : memref<128x128xf32, #tpu.memory_space<vmem>>) target(%dma_start3A_135 : memref<4096x128xf32, #tpu.memory_space<vmem_shared>>) offsets(%dma_start3A_132 : memref<128xi32, #tpu.memory_space<vmem>>) semaphore(%run_scoped3A_129 : memref<!tpu.dma_semaphore, #tpu.memory_space<semaphore_mem>>) {add = true}
        %dma_wait3A_136 = arith.constant 0 : i32
        %dma_wait3A_137 = tpu.memref_slice %arg7[%mul3A_105, %run_scoped3A_106, %dma_wait3A_136] : memref<32x1x128xi32, #tpu.memory_space<vmem>> -> memref<1x1x128xi32, #tpu.memory_space<vmem>>
        %dma_wait3A_138 = tpu.memref_squeeze %dma_wait3A_137 : memref<1x1x128xi32, #tpu.memory_space<vmem>> -> memref<128xi32, #tpu.memory_space<vmem>>
        %dma_wait3A_139 = arith.constant 0 : i32
        %dma_wait3A_140 = arith.constant 0 : i32
        %dma_wait3A_141 = tpu.memref_slice %arg10[%dma_wait3A_139, %dma_wait3A_140] : memref<4096x128xf32, #tpu.memory_space<vmem_shared>> -> memref<4096x128xf32, #tpu.memory_space<vmem_shared>>
        tpu.wait_indirect_dma semaphore(%run_scoped3A_129 : memref<!tpu.dma_semaphore, #tpu.memory_space<semaphore_mem>>) src(%arg8 : memref<128x128xf32, #tpu.memory_space<vmem>>) dst(%dma_wait3A_141 : memref<4096x128xf32, #tpu.memory_space<vmem_shared>>)
        tpu.yield
      }) : () -> ()
      %mul3A_107 = arith.constant 2 : i32
      %mul3A_108 = arith.muli %mul3A_107, %scan3A_86 : i32
      %add3A_109 = arith.constant 2 : i32
      %add3A_110 = arith.addi %mul3A_108, %add3A_109 : i32
      %dma_start3A_111 = arith.constant 0 : i32
      %dma_start3A_112 = arith.constant 0 : i32
      %dma_start3A_113 = tpu.memref_slice %arg6[%add3A_110, %dma_start3A_111, %dma_start3A_112] : memref<32x1x128xi32, #tpu.memory_space<vmem>> -> memref<1x1x128xi32, #tpu.memory_space<vmem>>
      %dma_start3A_114 = tpu.memref_squeeze %dma_start3A_113 : memref<1x1x128xi32, #tpu.memory_space<vmem>> -> memref<128xi32, #tpu.memory_space<vmem>>
      %dma_start3A_115 = arith.constant 0 : i32
      %dma_start3A_116 = arith.constant 0 : i32
      %dma_start3A_117 = tpu.memref_slice %arg2[%dma_start3A_115, %dma_start3A_116] : memref<8192x128xf32, #tpu.memory_space<hbm>> -> memref<8192x128xf32, #tpu.memory_space<hbm>>
      tpu.enqueue_indirect_dma source(%dma_start3A_117 : memref<8192x128xf32, #tpu.memory_space<hbm>>) target(%arg8 : memref<128x128xf32, #tpu.memory_space<vmem>>) offsets(%dma_start3A_114 : memref<128xi32, #tpu.memory_space<vmem>>) semaphore(%arg12 : memref<!tpu.dma_semaphore, #tpu.memory_space<semaphore_mem>>)
      %dma_wait3A_118 = arith.constant 0 : i32
      %dma_wait3A_119 = arith.constant 0 : i32
      %dma_wait3A_120 = tpu.memref_slice %arg2[%dma_wait3A_118, %dma_wait3A_119] : memref<8192x128xf32, #tpu.memory_space<hbm>> -> memref<128x128xf32, #tpu.memory_space<hbm>>
      %dma_wait3A_121 = arith.constant 0 : i32
      %dma_wait3A_122 = arith.constant 0 : i32
      %dma_wait3A_123 = tpu.memref_slice %arg2[%dma_wait3A_121, %dma_wait3A_122] : memref<8192x128xf32, #tpu.memory_space<hbm>> -> memref<128x128xf32, #tpu.memory_space<hbm>>
      tpu.wait_dma2 semaphore(%arg13 : memref<!tpu.dma_semaphore, #tpu.memory_space<semaphore_mem>>) src(%dma_wait3A_123 : memref<128x128xf32, #tpu.memory_space<hbm>>) dst(%arg11 : memref<128x128xf32, #tpu.memory_space<vmem>>)
      %mul3A_124 = arith.constant 2 : i32
      %mul3A_125 = arith.muli %mul3A_124, %scan3A_86 : i32
      %add3A_126 = arith.constant 1 : i32
      %add3A_127 = arith.addi %mul3A_125, %add3A_126 : i32
      %run_scoped3A_128 = arith.constant 0 : i32
      "tpu.region"() ({
        %run_scoped3A_129 = tpu.sem_alloc : memref<!tpu.dma_semaphore, #tpu.memory_space<semaphore_mem>>
        %dma_start3A_130 = arith.constant 0 : i32
        %dma_start3A_131 = tpu.memref_slice %arg7[%add3A_127, %run_scoped3A_128, %dma_start3A_130] : memref<32x1x128xi32, #tpu.memory_space<vmem>> -> memref<1x1x128xi32, #tpu.memory_space<vmem>>
        %dma_start3A_132 = tpu.memref_squeeze %dma_start3A_131 : memref<1x1x128xi32, #tpu.memory_space<vmem>> -> memref<128xi32, #tpu.memory_space<vmem>>
        %dma_start3A_133 = arith.constant 0 : i32
        %dma_start3A_134 = arith.constant 0 : i32
        %dma_start3A_135 = tpu.memref_slice %arg10[%dma_start3A_133, %dma_start3A_134] : memref<4096x128xf32, #tpu.memory_space<vmem_shared>> -> memref<4096x128xf32, #tpu.memory_space<vmem_shared>>
        tpu.enqueue_indirect_dma source(%arg11 : memref<128x128xf32, #tpu.memory_space<vmem>>) target(%dma_start3A_135 : memref<4096x128xf32, #tpu.memory_space<vmem_shared>>) offsets(%dma_start3A_132 : memref<128xi32, #tpu.memory_space<vmem>>) semaphore(%run_scoped3A_129 : memref<!tpu.dma_semaphore, #tpu.memory_space<semaphore_mem>>) {add = true}
        %dma_wait3A_136 = arith.constant 0 : i32
        %dma_wait3A_137 = tpu.memref_slice %arg7[%add3A_127, %run_scoped3A_128, %dma_wait3A_136] : memref<32x1x128xi32, #tpu.memory_space<vmem>> -> memref<1x1x128xi32, #tpu.memory_space<vmem>>
        %dma_wait3A_138 = tpu.memref_squeeze %dma_wait3A_137 : memref<1x1x128xi32, #tpu.memory_space<vmem>> -> memref<128xi32, #tpu.memory_space<vmem>>
        %dma_wait3A_139 = arith.constant 0 : i32
        %dma_wait3A_140 = arith.constant 0 : i32
        %dma_wait3A_141 = tpu.memref_slice %arg10[%dma_wait3A_139, %dma_wait3A_140] : memref<4096x128xf32, #tpu.memory_space<vmem_shared>> -> memref<4096x128xf32, #tpu.memory_space<vmem_shared>>
        tpu.wait_indirect_dma semaphore(%run_scoped3A_129 : memref<!tpu.dma_semaphore, #tpu.memory_space<semaphore_mem>>) src(%arg11 : memref<128x128xf32, #tpu.memory_space<vmem>>) dst(%dma_wait3A_141 : memref<4096x128xf32, #tpu.memory_space<vmem_shared>>)
        tpu.yield
      }) : () -> ()
    }
    %scan3A_50 = arith.constant 15 : i32
    %dma_start3A_51 = arith.constant 31 : i32
    %dma_start3A_52 = arith.constant 0 : i32
    %dma_start3A_53 = arith.constant 0 : i32
    %dma_start3A_54 = tpu.memref_slice %arg6[%dma_start3A_51, %dma_start3A_52, %dma_start3A_53] : memref<32x1x128xi32, #tpu.memory_space<vmem>> -> memref<1x1x128xi32, #tpu.memory_space<vmem>>
    %dma_start3A_55 = tpu.memref_squeeze %dma_start3A_54 : memref<1x1x128xi32, #tpu.memory_space<vmem>> -> memref<128xi32, #tpu.memory_space<vmem>>
    %dma_start3A_56 = arith.constant 0 : i32
    %dma_start3A_57 = arith.constant 0 : i32
    %dma_start3A_58 = tpu.memref_slice %arg2[%dma_start3A_56, %dma_start3A_57] : memref<8192x128xf32, #tpu.memory_space<hbm>> -> memref<8192x128xf32, #tpu.memory_space<hbm>>
    tpu.enqueue_indirect_dma source(%dma_start3A_58 : memref<8192x128xf32, #tpu.memory_space<hbm>>) target(%arg11 : memref<128x128xf32, #tpu.memory_space<vmem>>) offsets(%dma_start3A_55 : memref<128xi32, #tpu.memory_space<vmem>>) semaphore(%arg13 : memref<!tpu.dma_semaphore, #tpu.memory_space<semaphore_mem>>)
    %dma_wait3A = arith.constant 0 : i32
    %dma_wait3A_59 = arith.constant 0 : i32
    %dma_wait3A_60 = tpu.memref_slice %arg2[%dma_wait3A, %dma_wait3A_59] : memref<8192x128xf32, #tpu.memory_space<hbm>> -> memref<128x128xf32, #tpu.memory_space<hbm>>
    %dma_wait3A_61 = arith.constant 0 : i32
    %dma_wait3A_62 = arith.constant 0 : i32
    %dma_wait3A_63 = tpu.memref_slice %arg2[%dma_wait3A_61, %dma_wait3A_62] : memref<8192x128xf32, #tpu.memory_space<hbm>> -> memref<128x128xf32, #tpu.memory_space<hbm>>
    tpu.wait_dma2 semaphore(%arg12 : memref<!tpu.dma_semaphore, #tpu.memory_space<semaphore_mem>>) src(%dma_wait3A_63 : memref<128x128xf32, #tpu.memory_space<hbm>>) dst(%arg8 : memref<128x128xf32, #tpu.memory_space<vmem>>)
    %run_scoped3A = arith.constant 30 : i32
    %run_scoped3A_64 = arith.constant 0 : i32
    "tpu.region"() ({
      %run_scoped3A_86 = tpu.sem_alloc : memref<!tpu.dma_semaphore, #tpu.memory_space<semaphore_mem>>
      %dma_start3A_87 = arith.constant 0 : i32
      %dma_start3A_88 = tpu.memref_slice %arg7[%run_scoped3A, %run_scoped3A_64, %dma_start3A_87] : memref<32x1x128xi32, #tpu.memory_space<vmem>> -> memref<1x1x128xi32, #tpu.memory_space<vmem>>
      %dma_start3A_89 = tpu.memref_squeeze %dma_start3A_88 : memref<1x1x128xi32, #tpu.memory_space<vmem>> -> memref<128xi32, #tpu.memory_space<vmem>>
      %dma_start3A_90 = arith.constant 0 : i32
      %dma_start3A_91 = arith.constant 0 : i32
      %dma_start3A_92 = tpu.memref_slice %arg10[%dma_start3A_90, %dma_start3A_91] : memref<4096x128xf32, #tpu.memory_space<vmem_shared>> -> memref<4096x128xf32, #tpu.memory_space<vmem_shared>>
      tpu.enqueue_indirect_dma source(%arg8 : memref<128x128xf32, #tpu.memory_space<vmem>>) target(%dma_start3A_92 : memref<4096x128xf32, #tpu.memory_space<vmem_shared>>) offsets(%dma_start3A_89 : memref<128xi32, #tpu.memory_space<vmem>>) semaphore(%run_scoped3A_86 : memref<!tpu.dma_semaphore, #tpu.memory_space<semaphore_mem>>) {add = true}
      %dma_wait3A_93 = arith.constant 0 : i32
      %dma_wait3A_94 = tpu.memref_slice %arg7[%run_scoped3A, %run_scoped3A_64, %dma_wait3A_93] : memref<32x1x128xi32, #tpu.memory_space<vmem>> -> memref<1x1x128xi32, #tpu.memory_space<vmem>>
      %dma_wait3A_95 = tpu.memref_squeeze %dma_wait3A_94 : memref<1x1x128xi32, #tpu.memory_space<vmem>> -> memref<128xi32, #tpu.memory_space<vmem>>
      %dma_wait3A_96 = arith.constant 0 : i32
      %dma_wait3A_97 = arith.constant 0 : i32
      %dma_wait3A_98 = tpu.memref_slice %arg10[%dma_wait3A_96, %dma_wait3A_97] : memref<4096x128xf32, #tpu.memory_space<vmem_shared>> -> memref<4096x128xf32, #tpu.memory_space<vmem_shared>>
      tpu.wait_indirect_dma semaphore(%run_scoped3A_86 : memref<!tpu.dma_semaphore, #tpu.memory_space<semaphore_mem>>) src(%arg8 : memref<128x128xf32, #tpu.memory_space<vmem>>) dst(%dma_wait3A_98 : memref<4096x128xf32, #tpu.memory_space<vmem_shared>>)
      tpu.yield
    }) : () -> ()
    %dma_wait3A_65 = arith.constant 0 : i32
    %dma_wait3A_66 = arith.constant 0 : i32
    %dma_wait3A_67 = tpu.memref_slice %arg2[%dma_wait3A_65, %dma_wait3A_66] : memref<8192x128xf32, #tpu.memory_space<hbm>> -> memref<128x128xf32, #tpu.memory_space<hbm>>
    %dma_wait3A_68 = arith.constant 0 : i32
    %dma_wait3A_69 = arith.constant 0 : i32
    %dma_wait3A_70 = tpu.memref_slice %arg2[%dma_wait3A_68, %dma_wait3A_69] : memref<8192x128xf32, #tpu.memory_space<hbm>> -> memref<128x128xf32, #tpu.memory_space<hbm>>
    tpu.wait_dma2 semaphore(%arg13 : memref<!tpu.dma_semaphore, #tpu.memory_space<semaphore_mem>>) src(%dma_wait3A_70 : memref<128x128xf32, #tpu.memory_space<hbm>>) dst(%arg11 : memref<128x128xf32, #tpu.memory_space<vmem>>)
    %run_scoped3A_71 = arith.constant 31 : i32
    %run_scoped3A_72 = arith.constant 0 : i32
    "tpu.region"() ({
      %run_scoped3A_86 = tpu.sem_alloc : memref<!tpu.dma_semaphore, #tpu.memory_space<semaphore_mem>>
      %dma_start3A_87 = arith.constant 0 : i32
      %dma_start3A_88 = tpu.memref_slice %arg7[%run_scoped3A_71, %run_scoped3A_72, %dma_start3A_87] : memref<32x1x128xi32, #tpu.memory_space<vmem>> -> memref<1x1x128xi32, #tpu.memory_space<vmem>>
      %dma_start3A_89 = tpu.memref_squeeze %dma_start3A_88 : memref<1x1x128xi32, #tpu.memory_space<vmem>> -> memref<128xi32, #tpu.memory_space<vmem>>
      %dma_start3A_90 = arith.constant 0 : i32
      %dma_start3A_91 = arith.constant 0 : i32
      %dma_start3A_92 = tpu.memref_slice %arg10[%dma_start3A_90, %dma_start3A_91] : memref<4096x128xf32, #tpu.memory_space<vmem_shared>> -> memref<4096x128xf32, #tpu.memory_space<vmem_shared>>
      tpu.enqueue_indirect_dma source(%arg11 : memref<128x128xf32, #tpu.memory_space<vmem>>) target(%dma_start3A_92 : memref<4096x128xf32, #tpu.memory_space<vmem_shared>>) offsets(%dma_start3A_89 : memref<128xi32, #tpu.memory_space<vmem>>) semaphore(%run_scoped3A_86 : memref<!tpu.dma_semaphore, #tpu.memory_space<semaphore_mem>>) {add = true}
      %dma_wait3A_93 = arith.constant 0 : i32
      %dma_wait3A_94 = tpu.memref_slice %arg7[%run_scoped3A_71, %run_scoped3A_72, %dma_wait3A_93] : memref<32x1x128xi32, #tpu.memory_space<vmem>> -> memref<1x1x128xi32, #tpu.memory_space<vmem>>
      %dma_wait3A_95 = tpu.memref_squeeze %dma_wait3A_94 : memref<1x1x128xi32, #tpu.memory_space<vmem>> -> memref<128xi32, #tpu.memory_space<vmem>>
      %dma_wait3A_96 = arith.constant 0 : i32
      %dma_wait3A_97 = arith.constant 0 : i32
      %dma_wait3A_98 = tpu.memref_slice %arg10[%dma_wait3A_96, %dma_wait3A_97] : memref<4096x128xf32, #tpu.memory_space<vmem_shared>> -> memref<4096x128xf32, #tpu.memory_space<vmem_shared>>
      tpu.wait_indirect_dma semaphore(%run_scoped3A_86 : memref<!tpu.dma_semaphore, #tpu.memory_space<semaphore_mem>>) src(%arg11 : memref<128x128xf32, #tpu.memory_space<vmem>>) dst(%dma_wait3A_98 : memref<4096x128xf32, #tpu.memory_space<vmem_shared>>)
      tpu.yield
    }) : () -> ()
    %barrier3A_73 = arith.constant 0 : index
    tpu.barrier barrier_id(%barrier3A_73)
    %mul3A_74 = arith.constant 1 : i32
    %mul3A_75 = arith.muli %arg0, %mul3A_74 : i32
    %add3A_76 = arith.constant 0 : i32
    %add3A_77 = arith.addi %mul3A_75, %add3A_76 : i32
    %mul3A_78 = arith.constant 4096 : i32
    %mul3A_79 = arith.muli %add3A_77, %mul3A_78 : i32
    %add3A_80 = arith.constant 0 : i32
    %add3A_81 = arith.addi %mul3A_36, %add3A_80 : i32
    "tpu.region"() ({
      %run_scoped3A_86 = tpu.sem_alloc : memref<!tpu.dma_semaphore, #tpu.memory_space<semaphore_mem>>
      %dma_start3A_87 = arith.constant 0 : i32
      %dma_start3A_88 = tpu.memref_slice %arg10[%add3A_81, %dma_start3A_87] : memref<4096x128xf32, #tpu.memory_space<vmem_shared>> -> memref<128x128xf32, #tpu.memory_space<vmem_shared>>
      %dma_start3A_89 = arith.constant 0 : i32
      %dma_start3A_90 = tpu.memref_slice %arg10[%add3A_81, %dma_start3A_89] : memref<4096x128xf32, #tpu.memory_space<vmem_shared>> -> memref<128x128xf32, #tpu.memory_space<vmem_shared>>
      tpu.enqueue_dma source(%dma_start3A_90 : memref<128x128xf32, #tpu.memory_space<vmem_shared>>) target(%arg11 : memref<128x128xf32, #tpu.memory_space<vmem>>) target_semaphore(%run_scoped3A_86 : memref<!tpu.dma_semaphore, #tpu.memory_space<semaphore_mem>>)
      %dma_wait3A_91 = arith.constant 0 : i32
      %dma_wait3A_92 = tpu.memref_slice %arg10[%add3A_81, %dma_wait3A_91] : memref<4096x128xf32, #tpu.memory_space<vmem_shared>> -> memref<128x128xf32, #tpu.memory_space<vmem_shared>>
      %dma_wait3A_93 = arith.constant 0 : i32
      %dma_wait3A_94 = tpu.memref_slice %arg10[%add3A_81, %dma_wait3A_93] : memref<4096x128xf32, #tpu.memory_space<vmem_shared>> -> memref<128x128xf32, #tpu.memory_space<vmem_shared>>
      tpu.wait_dma2 semaphore(%run_scoped3A_86 : memref<!tpu.dma_semaphore, #tpu.memory_space<semaphore_mem>>) src(%dma_wait3A_94 : memref<128x128xf32, #tpu.memory_space<vmem_shared>>) dst(%arg11 : memref<128x128xf32, #tpu.memory_space<vmem>>)
      tpu.yield
    }) : () -> ()
    %add3A_82 = arith.addi %mul3A_79, %add3A_81 : i32
    "tpu.region"() ({
      %run_scoped3A_86 = tpu.sem_alloc : memref<!tpu.dma_semaphore, #tpu.memory_space<semaphore_mem>>
      %dma_start3A_87 = arith.constant 0 : i32
      %dma_start3A_88 = tpu.memref_slice %arg5[%add3A_82, %dma_start3A_87] : memref<8192x128xf32, #tpu.memory_space<hbm>> -> memref<128x128xf32, #tpu.memory_space<hbm>>
      %dma_start3A_89 = arith.constant 0 : i32
      %dma_start3A_90 = tpu.memref_slice %arg5[%add3A_82, %dma_start3A_89] : memref<8192x128xf32, #tpu.memory_space<hbm>> -> memref<128x128xf32, #tpu.memory_space<hbm>>
      tpu.enqueue_dma source(%arg11 : memref<128x128xf32, #tpu.memory_space<vmem>>) target(%dma_start3A_90 : memref<128x128xf32, #tpu.memory_space<hbm>>) target_semaphore(%run_scoped3A_86 : memref<!tpu.dma_semaphore, #tpu.memory_space<semaphore_mem>>)
      %dma_wait3A_91 = arith.constant 0 : i32
      %dma_wait3A_92 = tpu.memref_slice %arg5[%add3A_82, %dma_wait3A_91] : memref<8192x128xf32, #tpu.memory_space<hbm>> -> memref<128x128xf32, #tpu.memory_space<hbm>>
      %dma_wait3A_93 = arith.constant 0 : i32
      %dma_wait3A_94 = tpu.memref_slice %arg5[%add3A_82, %dma_wait3A_93] : memref<8192x128xf32, #tpu.memory_space<hbm>> -> memref<128x128xf32, #tpu.memory_space<hbm>>
      tpu.wait_dma2 semaphore(%run_scoped3A_86 : memref<!tpu.dma_semaphore, #tpu.memory_space<semaphore_mem>>) src(%arg11 : memref<128x128xf32, #tpu.memory_space<vmem>>) dst(%dma_wait3A_94 : memref<128x128xf32, #tpu.memory_space<hbm>>)
      tpu.yield
    }) : () -> ()
    %add3A_83 = arith.constant 128 : i32
    %add3A_84 = arith.addi %mul3A_36, %add3A_83 : i32
    "tpu.region"() ({
      %run_scoped3A_86 = tpu.sem_alloc : memref<!tpu.dma_semaphore, #tpu.memory_space<semaphore_mem>>
      %dma_start3A_87 = arith.constant 0 : i32
      %dma_start3A_88 = tpu.memref_slice %arg10[%add3A_84, %dma_start3A_87] : memref<4096x128xf32, #tpu.memory_space<vmem_shared>> -> memref<128x128xf32, #tpu.memory_space<vmem_shared>>
      %dma_start3A_89 = arith.constant 0 : i32
      %dma_start3A_90 = tpu.memref_slice %arg10[%add3A_84, %dma_start3A_89] : memref<4096x128xf32, #tpu.memory_space<vmem_shared>> -> memref<128x128xf32, #tpu.memory_space<vmem_shared>>
      tpu.enqueue_dma source(%dma_start3A_90 : memref<128x128xf32, #tpu.memory_space<vmem_shared>>) target(%arg11 : memref<128x128xf32, #tpu.memory_space<vmem>>) target_semaphore(%run_scoped3A_86 : memref<!tpu.dma_semaphore, #tpu.memory_space<semaphore_mem>>)
      %dma_wait3A_91 = arith.constant 0 : i32
      %dma_wait3A_92 = tpu.memref_slice %arg10[%add3A_84, %dma_wait3A_91] : memref<4096x128xf32, #tpu.memory_space<vmem_shared>> -> memref<128x128xf32, #tpu.memory_space<vmem_shared>>
      %dma_wait3A_93 = arith.constant 0 : i32
      %dma_wait3A_94 = tpu.memref_slice %arg10[%add3A_84, %dma_wait3A_93] : memref<4096x128xf32, #tpu.memory_space<vmem_shared>> -> memref<128x128xf32, #tpu.memory_space<vmem_shared>>
      tpu.wait_dma2 semaphore(%run_scoped3A_86 : memref<!tpu.dma_semaphore, #tpu.memory_space<semaphore_mem>>) src(%dma_wait3A_94 : memref<128x128xf32, #tpu.memory_space<vmem_shared>>) dst(%arg11 : memref<128x128xf32, #tpu.memory_space<vmem>>)
      tpu.yield
    }) : () -> ()
    %add3A_85 = arith.addi %mul3A_79, %add3A_84 : i32
    "tpu.region"() ({
      %run_scoped3A_86 = tpu.sem_alloc : memref<!tpu.dma_semaphore, #tpu.memory_space<semaphore_mem>>
      %dma_start3A_87 = arith.constant 0 : i32
      %dma_start3A_88 = tpu.memref_slice %arg5[%add3A_85, %dma_start3A_87] : memref<8192x128xf32, #tpu.memory_space<hbm>> -> memref<128x128xf32, #tpu.memory_space<hbm>>
      %dma_start3A_89 = arith.constant 0 : i32
      %dma_start3A_90 = tpu.memref_slice %arg5[%add3A_85, %dma_start3A_89] : memref<8192x128xf32, #tpu.memory_space<hbm>> -> memref<128x128xf32, #tpu.memory_space<hbm>>
      tpu.enqueue_dma source(%arg11 : memref<128x128xf32, #tpu.memory_space<vmem>>) target(%dma_start3A_90 : memref<128x128xf32, #tpu.memory_space<hbm>>) target_semaphore(%run_scoped3A_86 : memref<!tpu.dma_semaphore, #tpu.memory_space<semaphore_mem>>)
      %dma_wait3A_91 = arith.constant 0 : i32
      %dma_wait3A_92 = tpu.memref_slice %arg5[%add3A_85, %dma_wait3A_91] : memref<8192x128xf32, #tpu.memory_space<hbm>> -> memref<128x128xf32, #tpu.memory_space<hbm>>
      %dma_wait3A_93 = arith.constant 0 : i32
      %dma_wait3A_94 = tpu.memref_slice %arg5[%add3A_85, %dma_wait3A_93] : memref<8192x128xf32, #tpu.memory_space<hbm>> -> memref<128x128xf32, #tpu.memory_space<hbm>>
      tpu.wait_dma2 semaphore(%run_scoped3A_86 : memref<!tpu.dma_semaphore, #tpu.memory_space<semaphore_mem>>) src(%arg11 : memref<128x128xf32, #tpu.memory_space<vmem>>) dst(%dma_wait3A_94 : memref<128x128xf32, #tpu.memory_space<hbm>>)
      tpu.yield
    }) : () -> ()
    return
  }
}

#map = affine_map<(d0, d1) -> (0, 0)>
#map1 = affine_map<(d0, d1) -> (0, 0, 0)>
module attributes {stable_mosaic.version = 14 : i64} {
  func.func @seg(%arg0: i32, %arg1: i32, %arg2: memref<8192x128xf32, #tpu.memory_space<hbm>>, %arg3: memref<512x1x128xi32, #tpu.memory_space<hbm>>, %arg4: memref<512x1x128xi32, #tpu.memory_space<hbm>>, %arg5: memref<8192x128xf32, #tpu.memory_space<hbm>>, %arg6: memref<32x1x128xi32, #tpu.memory_space<vmem>>, %arg7: memref<32x1x128xi32, #tpu.memory_space<vmem>>, %arg8: memref<128x128xf32, #tpu.memory_space<vmem>>, %arg9: memref<128x128xf32, #tpu.memory_space<vmem>>, %arg10: memref<4096x128xf32, #tpu.memory_space<vmem_shared>>, %arg11: memref<128x128xf32, #tpu.memory_space<vmem>>, %arg12: memref<!tpu.dma_semaphore, #tpu.memory_space<semaphore_mem>>, %arg13: memref<!tpu.dma_semaphore, #tpu.memory_space<semaphore_mem>>) attributes {dimension_semantics = [#tpu.dimension_semantics<core_parallel>, #tpu.dimension_semantics<subcore_parallel>], iteration_bounds = array<i64: 2, 16>, scalar_prefetch = 0 : i64, scratch_operands = 8 : i64, tpu.core_type = #tpu.core_type<sc_vector_subcore>, window_params = [{transform_indices = #map}, {transform_indices = #map1}, {transform_indices = #map1}, {transform_indices = #map}]} {
    %mul3A = arith.constant 4096 : i32
    %mul3A_0 = arith.muli %arg1, %mul3A : i32
    %jit3A = arith.constant 128 : i32
    %div3A = arith.divsi %mul3A_0, %jit3A : i32
    %sign3A = arith.constant 0 : i32
    %sign3A_1 = arith.cmpi sgt, %mul3A_0, %sign3A : i32
    %sign3A_2 = arith.extui %sign3A_1 : i1 to i32
    %sign3A_3 = arith.constant 0 : i32
    %sign3A_4 = arith.cmpi slt, %mul3A_0, %sign3A_3 : i32
    %sign3A_5 = arith.extui %sign3A_4 : i1 to i32
    %sign3A_6 = arith.subi %sign3A_2, %sign3A_5 : i32
    %sign3A_7 = arith.constant 0 : i32
    %sign3A_8 = arith.cmpi sgt, %jit3A, %sign3A_7 : i32
    %sign3A_9 = arith.extui %sign3A_8 : i1 to i32
    %sign3A_10 = arith.constant 0 : i32
    %sign3A_11 = arith.cmpi slt, %jit3A, %sign3A_10 : i32
    %sign3A_12 = arith.extui %sign3A_11 : i1 to i32
    %sign3A_13 = arith.subi %sign3A_9, %sign3A_12 : i32
    %ne3A = arith.cmpi ne, %sign3A_6, %sign3A_13 : i32
    %rem3A = arith.remsi %mul3A_0, %jit3A : i32
    %ne3A_14 = arith.constant 0 : i32
    %ne3A_15 = arith.cmpi ne, %rem3A, %ne3A_14 : i32
    %and3A = arith.andi %ne3A, %ne3A_15 : i1
    %sub3A = arith.constant 1 : i32
    %sub3A_16 = arith.subi %div3A, %sub3A : i32
    %select_n3A = arith.select %and3A, %sub3A_16, %div3A : i32
    "tpu.region"() ({
      %run_scoped3A_86 = tpu.sem_alloc : memref<!tpu.dma_semaphore, #tpu.memory_space<semaphore_mem>>
      %dma_start3A_87 = arith.constant 0 : i32
      %dma_start3A_88 = arith.constant 0 : i32
      %dma_start3A_89 = tpu.memref_slice %arg4[%select_n3A, %dma_start3A_87, %dma_start3A_88] : memref<512x1x128xi32, #tpu.memory_space<hbm>> -> memref<32x1x128xi32, #tpu.memory_space<hbm>>
      %dma_start3A_90 = arith.constant 0 : i32
      %dma_start3A_91 = arith.constant 0 : i32
      %dma_start3A_92 = tpu.memref_slice %arg4[%select_n3A, %dma_start3A_90, %dma_start3A_91] : memref<512x1x128xi32, #tpu.memory_space<hbm>> -> memref<32x1x128xi32, #tpu.memory_space<hbm>>
      tpu.enqueue_dma source(%dma_start3A_92 : memref<32x1x128xi32, #tpu.memory_space<hbm>>) target(%arg7 : memref<32x1x128xi32, #tpu.memory_space<vmem>>) target_semaphore(%run_scoped3A_86 : memref<!tpu.dma_semaphore, #tpu.memory_space<semaphore_mem>>)
      %dma_wait3A_93 = arith.constant 0 : i32
      %dma_wait3A_94 = arith.constant 0 : i32
      %dma_wait3A_95 = tpu.memref_slice %arg4[%select_n3A, %dma_wait3A_93, %dma_wait3A_94] : memref<512x1x128xi32, #tpu.memory_space<hbm>> -> memref<32x1x128xi32, #tpu.memory_space<hbm>>
      %dma_wait3A_96 = arith.constant 0 : i32
      %dma_wait3A_97 = arith.constant 0 : i32
      %dma_wait3A_98 = tpu.memref_slice %arg4[%select_n3A, %dma_wait3A_96, %dma_wait3A_97] : memref<512x1x128xi32, #tpu.memory_space<hbm>> -> memref<32x1x128xi32, #tpu.memory_space<hbm>>
      tpu.wait_dma2 semaphore(%run_scoped3A_86 : memref<!tpu.dma_semaphore, #tpu.memory_space<semaphore_mem>>) src(%dma_wait3A_98 : memref<32x1x128xi32, #tpu.memory_space<hbm>>) dst(%arg7 : memref<32x1x128xi32, #tpu.memory_space<vmem>>)
      tpu.yield
    }) : () -> ()
    "tpu.region"() ({
      %run_scoped3A_86 = tpu.sem_alloc : memref<!tpu.dma_semaphore, #tpu.memory_space<semaphore_mem>>
      %dma_start3A_87 = arith.constant 0 : i32
      %dma_start3A_88 = arith.constant 0 : i32
      %dma_start3A_89 = tpu.memref_slice %arg3[%select_n3A, %dma_start3A_87, %dma_start3A_88] : memref<512x1x128xi32, #tpu.memory_space<hbm>> -> memref<32x1x128xi32, #tpu.memory_space<hbm>>
      %dma_start3A_90 = arith.constant 0 : i32
      %dma_start3A_91 = arith.constant 0 : i32
      %dma_start3A_92 = tpu.memref_slice %arg3[%select_n3A, %dma_start3A_90, %dma_start3A_91] : memref<512x1x128xi32, #tpu.memory_space<hbm>> -> memref<32x1x128xi32, #tpu.memory_space<hbm>>
      tpu.enqueue_dma source(%dma_start3A_92 : memref<32x1x128xi32, #tpu.memory_space<hbm>>) target(%arg6 : memref<32x1x128xi32, #tpu.memory_space<vmem>>) target_semaphore(%run_scoped3A_86 : memref<!tpu.dma_semaphore, #tpu.memory_space<semaphore_mem>>)
      %dma_wait3A_93 = arith.constant 0 : i32
      %dma_wait3A_94 = arith.constant 0 : i32
      %dma_wait3A_95 = tpu.memref_slice %arg3[%select_n3A, %dma_wait3A_93, %dma_wait3A_94] : memref<512x1x128xi32, #tpu.memory_space<hbm>> -> memref<32x1x128xi32, #tpu.memory_space<hbm>>
      %dma_wait3A_96 = arith.constant 0 : i32
      %dma_wait3A_97 = arith.constant 0 : i32
      %dma_wait3A_98 = tpu.memref_slice %arg3[%select_n3A, %dma_wait3A_96, %dma_wait3A_97] : memref<512x1x128xi32, #tpu.memory_space<hbm>> -> memref<32x1x128xi32, #tpu.memory_space<hbm>>
      tpu.wait_dma2 semaphore(%run_scoped3A_86 : memref<!tpu.dma_semaphore, #tpu.memory_space<semaphore_mem>>) src(%dma_wait3A_98 : memref<32x1x128xi32, #tpu.memory_space<hbm>>) dst(%arg6 : memref<32x1x128xi32, #tpu.memory_space<vmem>>)
      tpu.yield
    }) : () -> ()
    %mul3A_17 = arith.constant 1 : i32
    %mul3A_18 = arith.muli %arg0, %mul3A_17 : i32
    %mul3A_19 = arith.constant 4096 : i32
    %mul3A_20 = arith.muli %mul3A_18, %mul3A_19 : i32
    %scan3A = arith.constant 0 : i32
    %scan3A_21 = arith.constant 0 : i32
    %scan3A_22 = arith.constant 32 : i32
    %scan3A_23 = arith.addi %scan3A_21, %scan3A_22 : i32
    %scan3A_24 = arith.constant 1 : i32
    scf.for %scan3A_86 = %scan3A_21 to %scan3A_23 step %scan3A_24  : i32 {
      %get3A = arith.constant 0 : i32
      %get3A_87 = arith.index_cast %scan3A_86 : i32 to index
      %get3A_88 = arith.index_cast %get3A : i32 to index
      %get3A_89 = arith.constant 0 : index
      %get3A_90 = tpu.vector_load %arg6[%get3A_87, %get3A_88, %get3A_89] {strides = array<i32>} : memref<32x1x128xi32, #tpu.memory_space<vmem>>, vector<1x1x16xi32>,
      %get3A_91 = vector.shape_cast %get3A_90 : vector<1x1x16xi32> to vector<16xi32>
      %add3A_92 = vector.broadcast %mul3A_20 : i32 to vector<16xi32>
      %add3A_93 = arith.addi %get3A_91, %add3A_92 : vector<16xi32>
      %swap3A = arith.constant 0 : i32
      %swap3A_94 = arith.index_cast %scan3A_86 : i32 to index
      %swap3A_95 = arith.index_cast %swap3A : i32 to index
      %swap3A_96 = arith.constant 0 : index
      %swap3A_97 = tpu.vector_load %arg6[%swap3A_94, %swap3A_95, %swap3A_96] {strides = array<i32>} : memref<32x1x128xi32, #tpu.memory_space<vmem>>, vector<1x1x16xi32>,
      %swap3A_98 = vector.shape_cast %swap3A_97 : vector<1x1x16xi32> to vector<16xi32>
      %swap3A_99 = vector.shape_cast %add3A_93 : vector<16xi32> to vector<1x1x16xi32>
      tpu.vector_store %arg6[%swap3A_94, %swap3A_95, %swap3A_96], %swap3A_99 {strides = array<i32>} : memref<32x1x128xi32, #tpu.memory_space<vmem>>, vector<1x1x16xi32>,
      %get3A_100 = arith.constant 0 : i32
      %get3A_101 = arith.index_cast %scan3A_86 : i32 to index
      %get3A_102 = arith.index_cast %get3A_100 : i32 to index
      %get3A_103 = arith.constant 16 : index
      %get3A_104 = tpu.vector_load %arg6[%get3A_101, %get3A_102, %get3A_103] {strides = array<i32>} : memref<32x1x128xi32, #tpu.memory_space<vmem>>, vector<1x1x16xi32>,
      %get3A_105 = vector.shape_cast %get3A_104 : vector<1x1x16xi32> to vector<16xi32>
      %add3A_106 = vector.broadcast %mul3A_20 : i32 to vector<16xi32>
      %add3A_107 = arith.addi %get3A_105, %add3A_106 : vector<16xi32>
      %swap3A_108 = arith.constant 0 : i32
      %swap3A_109 = arith.index_cast %scan3A_86 : i32 to index
      %swap3A_110 = arith.index_cast %swap3A_108 : i32 to index
      %swap3A_111 = arith.constant 16 : index
      %swap3A_112 = tpu.vector_load %arg6[%swap3A_109, %swap3A_110, %swap3A_111] {strides = array<i32>} : memref<32x1x128xi32, #tpu.memory_space<vmem>>, vector<1x1x16xi32>,
      %swap3A_113 = vector.shape_cast %swap3A_112 : vector<1x1x16xi32> to vector<16xi32>
      %swap3A_114 = vector.shape_cast %add3A_107 : vector<16xi32> to vector<1x1x16xi32>
      tpu.vector_store %arg6[%swap3A_109, %swap3A_110, %swap3A_111], %swap3A_114 {strides = array<i32>} : memref<32x1x128xi32, #tpu.memory_space<vmem>>, vector<1x1x16xi32>,
      %get3A_115 = arith.constant 0 : i32
      %get3A_116 = arith.index_cast %scan3A_86 : i32 to index
      %get3A_117 = arith.index_cast %get3A_115 : i32 to index
      %get3A_118 = arith.constant 32 : index
      %get3A_119 = tpu.vector_load %arg6[%get3A_116, %get3A_117, %get3A_118] {strides = array<i32>} : memref<32x1x128xi32, #tpu.memory_space<vmem>>, vector<1x1x16xi32>,
      %get3A_120 = vector.shape_cast %get3A_119 : vector<1x1x16xi32> to vector<16xi32>
      %add3A_121 = vector.broadcast %mul3A_20 : i32 to vector<16xi32>
      %add3A_122 = arith.addi %get3A_120, %add3A_121 : vector<16xi32>
      %swap3A_123 = arith.constant 0 : i32
      %swap3A_124 = arith.index_cast %scan3A_86 : i32 to index
      %swap3A_125 = arith.index_cast %swap3A_123 : i32 to index
      %swap3A_126 = arith.constant 32 : index
      %swap3A_127 = tpu.vector_load %arg6[%swap3A_124, %swap3A_125, %swap3A_126] {strides = array<i32>} : memref<32x1x128xi32, #tpu.memory_space<vmem>>, vector<1x1x16xi32>,
      %swap3A_128 = vector.shape_cast %swap3A_127 : vector<1x1x16xi32> to vector<16xi32>
      %swap3A_129 = vector.shape_cast %add3A_122 : vector<16xi32> to vector<1x1x16xi32>
      tpu.vector_store %arg6[%swap3A_124, %swap3A_125, %swap3A_126], %swap3A_129 {strides = array<i32>} : memref<32x1x128xi32, #tpu.memory_space<vmem>>, vector<1x1x16xi32>,
      %get3A_130 = arith.constant 0 : i32
      %get3A_131 = arith.index_cast %scan3A_86 : i32 to index
      %get3A_132 = arith.index_cast %get3A_130 : i32 to index
      %get3A_133 = arith.constant 48 : index
      %get3A_134 = tpu.vector_load %arg6[%get3A_131, %get3A_132, %get3A_133] {strides = array<i32>} : memref<32x1x128xi32, #tpu.memory_space<vmem>>, vector<1x1x16xi32>,
      %get3A_135 = vector.shape_cast %get3A_134 : vector<1x1x16xi32> to vector<16xi32>
      %add3A_136 = vector.broadcast %mul3A_20 : i32 to vector<16xi32>
      %add3A_137 = arith.addi %get3A_135, %add3A_136 : vector<16xi32>
      %swap3A_138 = arith.constant 0 : i32
      %swap3A_139 = arith.index_cast %scan3A_86 : i32 to index
      %swap3A_140 = arith.index_cast %swap3A_138 : i32 to index
      %swap3A_141 = arith.constant 48 : index
      %swap3A_142 = tpu.vector_load %arg6[%swap3A_139, %swap3A_140, %swap3A_141] {strides = array<i32>} : memref<32x1x128xi32, #tpu.memory_space<vmem>>, vector<1x1x16xi32>,
      %swap3A_143 = vector.shape_cast %swap3A_142 : vector<1x1x16xi32> to vector<16xi32>
      %swap3A_144 = vector.shape_cast %add3A_137 : vector<16xi32> to vector<1x1x16xi32>
      tpu.vector_store %arg6[%swap3A_139, %swap3A_140, %swap3A_141], %swap3A_144 {strides = array<i32>} : memref<32x1x128xi32, #tpu.memory_space<vmem>>, vector<1x1x16xi32>,
      %get3A_145 = arith.constant 0 : i32
      %get3A_146 = arith.index_cast %scan3A_86 : i32 to index
      %get3A_147 = arith.index_cast %get3A_145 : i32 to index
      %get3A_148 = arith.constant 64 : index
      %get3A_149 = tpu.vector_load %arg6[%get3A_146, %get3A_147, %get3A_148] {strides = array<i32>} : memref<32x1x128xi32, #tpu.memory_space<vmem>>, vector<1x1x16xi32>,
      %get3A_150 = vector.shape_cast %get3A_149 : vector<1x1x16xi32> to vector<16xi32>
      %add3A_151 = vector.broadcast %mul3A_20 : i32 to vector<16xi32>
      %add3A_152 = arith.addi %get3A_150, %add3A_151 : vector<16xi32>
      %swap3A_153 = arith.constant 0 : i32
      %swap3A_154 = arith.index_cast %scan3A_86 : i32 to index
      %swap3A_155 = arith.index_cast %swap3A_153 : i32 to index
      %swap3A_156 = arith.constant 64 : index
      %swap3A_157 = tpu.vector_load %arg6[%swap3A_154, %swap3A_155, %swap3A_156] {strides = array<i32>} : memref<32x1x128xi32, #tpu.memory_space<vmem>>, vector<1x1x16xi32>,
      %swap3A_158 = vector.shape_cast %swap3A_157 : vector<1x1x16xi32> to vector<16xi32>
      %swap3A_159 = vector.shape_cast %add3A_152 : vector<16xi32> to vector<1x1x16xi32>
      tpu.vector_store %arg6[%swap3A_154, %swap3A_155, %swap3A_156], %swap3A_159 {strides = array<i32>} : memref<32x1x128xi32, #tpu.memory_space<vmem>>, vector<1x1x16xi32>,
      %get3A_160 = arith.constant 0 : i32
      %get3A_161 = arith.index_cast %scan3A_86 : i32 to index
      %get3A_162 = arith.index_cast %get3A_160 : i32 to index
      %get3A_163 = arith.constant 80 : index
      %get3A_164 = tpu.vector_load %arg6[%get3A_161, %get3A_162, %get3A_163] {strides = array<i32>} : memref<32x1x128xi32, #tpu.memory_space<vmem>>, vector<1x1x16xi32>,
      %get3A_165 = vector.shape_cast %get3A_164 : vector<1x1x16xi32> to vector<16xi32>
      %add3A_166 = vector.broadcast %mul3A_20 : i32 to vector<16xi32>
      %add3A_167 = arith.addi %get3A_165, %add3A_166 : vector<16xi32>
      %swap3A_168 = arith.constant 0 : i32
      %swap3A_169 = arith.index_cast %scan3A_86 : i32 to index
      %swap3A_170 = arith.index_cast %swap3A_168 : i32 to index
      %swap3A_171 = arith.constant 80 : index
      %swap3A_172 = tpu.vector_load %arg6[%swap3A_169, %swap3A_170, %swap3A_171] {strides = array<i32>} : memref<32x1x128xi32, #tpu.memory_space<vmem>>, vector<1x1x16xi32>,
      %swap3A_173 = vector.shape_cast %swap3A_172 : vector<1x1x16xi32> to vector<16xi32>
      %swap3A_174 = vector.shape_cast %add3A_167 : vector<16xi32> to vector<1x1x16xi32>
      tpu.vector_store %arg6[%swap3A_169, %swap3A_170, %swap3A_171], %swap3A_174 {strides = array<i32>} : memref<32x1x128xi32, #tpu.memory_space<vmem>>, vector<1x1x16xi32>,
      %get3A_175 = arith.constant 0 : i32
      %get3A_176 = arith.index_cast %scan3A_86 : i32 to index
      %get3A_177 = arith.index_cast %get3A_175 : i32 to index
      %get3A_178 = arith.constant 96 : index
      %get3A_179 = tpu.vector_load %arg6[%get3A_176, %get3A_177, %get3A_178] {strides = array<i32>} : memref<32x1x128xi32, #tpu.memory_space<vmem>>, vector<1x1x16xi32>,
      %get3A_180 = vector.shape_cast %get3A_179 : vector<1x1x16xi32> to vector<16xi32>
      %add3A_181 = vector.broadcast %mul3A_20 : i32 to vector<16xi32>
      %add3A_182 = arith.addi %get3A_180, %add3A_181 : vector<16xi32>
      %swap3A_183 = arith.constant 0 : i32
      %swap3A_184 = arith.index_cast %scan3A_86 : i32 to index
      %swap3A_185 = arith.index_cast %swap3A_183 : i32 to index
      %swap3A_186 = arith.constant 96 : index
      %swap3A_187 = tpu.vector_load %arg6[%swap3A_184, %swap3A_185, %swap3A_186] {strides = array<i32>} : memref<32x1x128xi32, #tpu.memory_space<vmem>>, vector<1x1x16xi32>,
      %swap3A_188 = vector.shape_cast %swap3A_187 : vector<1x1x16xi32> to vector<16xi32>
      %swap3A_189 = vector.shape_cast %add3A_182 : vector<16xi32> to vector<1x1x16xi32>
      tpu.vector_store %arg6[%swap3A_184, %swap3A_185, %swap3A_186], %swap3A_189 {strides = array<i32>} : memref<32x1x128xi32, #tpu.memory_space<vmem>>, vector<1x1x16xi32>,
      %get3A_190 = arith.constant 0 : i32
      %get3A_191 = arith.index_cast %scan3A_86 : i32 to index
      %get3A_192 = arith.index_cast %get3A_190 : i32 to index
      %get3A_193 = arith.constant 112 : index
      %get3A_194 = tpu.vector_load %arg6[%get3A_191, %get3A_192, %get3A_193] {strides = array<i32>} : memref<32x1x128xi32, #tpu.memory_space<vmem>>, vector<1x1x16xi32>,
      %get3A_195 = vector.shape_cast %get3A_194 : vector<1x1x16xi32> to vector<16xi32>
      %add3A_196 = vector.broadcast %mul3A_20 : i32 to vector<16xi32>
      %add3A_197 = arith.addi %get3A_195, %add3A_196 : vector<16xi32>
      %swap3A_198 = arith.constant 0 : i32
      %swap3A_199 = arith.index_cast %scan3A_86 : i32 to index
      %swap3A_200 = arith.index_cast %swap3A_198 : i32 to index
      %swap3A_201 = arith.constant 112 : index
      %swap3A_202 = tpu.vector_load %arg6[%swap3A_199, %swap3A_200, %swap3A_201] {strides = array<i32>} : memref<32x1x128xi32, #tpu.memory_space<vmem>>, vector<1x1x16xi32>,
      %swap3A_203 = vector.shape_cast %swap3A_202 : vector<1x1x16xi32> to vector<16xi32>
      %swap3A_204 = vector.shape_cast %add3A_197 : vector<16xi32> to vector<1x1x16xi32>
      tpu.vector_store %arg6[%swap3A_199, %swap3A_200, %swap3A_201], %swap3A_204 {strides = array<i32>} : memref<32x1x128xi32, #tpu.memory_space<vmem>>, vector<1x1x16xi32>,
    }
    %scan3A_25 = arith.constant 32 : i32
    %broadcast_in_dim3A = arith.constant 0.000000e+00 : f32
    %broadcast_in_dim3A_26 = vector.broadcast %broadcast_in_dim3A : f32 to vector<16xf32>
    %broadcast_in_dim3A_27 = arith.constant 1.000000e+00 : f32
    %broadcast_in_dim3A_28 = vector.broadcast %broadcast_in_dim3A_27 : f32 to vector<16xf32>
    %scan3A_29 = arith.constant 0 : i32
    %scan3A_30 = arith.constant 0 : i32
    %scan3A_31 = arith.constant 128 : i32
    %scan3A_32 = arith.addi %scan3A_30, %scan3A_31 : i32
    %scan3A_33 = arith.constant 1 : i32
    scf.for %scan3A_86 = %scan3A_30 to %scan3A_32 step %scan3A_33  : i32 {
      %swap3A = arith.index_cast %scan3A_86 : i32 to index
      %swap3A_87 = arith.constant 0 : index
      %swap3A_88 = tpu.vector_load %arg9[%swap3A, %swap3A_87] {strides = array<i32>} : memref<128x128xf32, #tpu.memory_space<vmem>>, vector<1x16xf32>,
      %swap3A_89 = vector.shape_cast %swap3A_88 : vector<1x16xf32> to vector<16xf32>
      %swap3A_90 = vector.shape_cast %broadcast_in_dim3A_26 : vector<16xf32> to vector<1x16xf32>
      tpu.vector_store %arg9[%swap3A, %swap3A_87], %swap3A_90 {strides = array<i32>} : memref<128x128xf32, #tpu.memory_space<vmem>>, vector<1x16xf32>,
      %swap3A_91 = arith.index_cast %scan3A_86 : i32 to index
      %swap3A_92 = arith.constant 16 : index
      %swap3A_93 = tpu.vector_load %arg9[%swap3A_91, %swap3A_92] {strides = array<i32>} : memref<128x128xf32, #tpu.memory_space<vmem>>, vector<1x16xf32>,
      %swap3A_94 = vector.shape_cast %swap3A_93 : vector<1x16xf32> to vector<16xf32>
      %swap3A_95 = vector.shape_cast %broadcast_in_dim3A_26 : vector<16xf32> to vector<1x16xf32>
      tpu.vector_store %arg9[%swap3A_91, %swap3A_92], %swap3A_95 {strides = array<i32>} : memref<128x128xf32, #tpu.memory_space<vmem>>, vector<1x16xf32>,
      %swap3A_96 = arith.index_cast %scan3A_86 : i32 to index
      %swap3A_97 = arith.constant 32 : index
      %swap3A_98 = tpu.vector_load %arg9[%swap3A_96, %swap3A_97] {strides = array<i32>} : memref<128x128xf32, #tpu.memory_space<vmem>>, vector<1x16xf32>,
      %swap3A_99 = vector.shape_cast %swap3A_98 : vector<1x16xf32> to vector<16xf32>
      %swap3A_100 = vector.shape_cast %broadcast_in_dim3A_26 : vector<16xf32> to vector<1x16xf32>
      tpu.vector_store %arg9[%swap3A_96, %swap3A_97], %swap3A_100 {strides = array<i32>} : memref<128x128xf32, #tpu.memory_space<vmem>>, vector<1x16xf32>,
      %swap3A_101 = arith.index_cast %scan3A_86 : i32 to index
      %swap3A_102 = arith.constant 48 : index
      %swap3A_103 = tpu.vector_load %arg9[%swap3A_101, %swap3A_102] {strides = array<i32>} : memref<128x128xf32, #tpu.memory_space<vmem>>, vector<1x16xf32>,
      %swap3A_104 = vector.shape_cast %swap3A_103 : vector<1x16xf32> to vector<16xf32>
      %swap3A_105 = vector.shape_cast %broadcast_in_dim3A_26 : vector<16xf32> to vector<1x16xf32>
      tpu.vector_store %arg9[%swap3A_101, %swap3A_102], %swap3A_105 {strides = array<i32>} : memref<128x128xf32, #tpu.memory_space<vmem>>, vector<1x16xf32>,
      %swap3A_106 = arith.index_cast %scan3A_86 : i32 to index
      %swap3A_107 = arith.constant 64 : index
      %swap3A_108 = tpu.vector_load %arg9[%swap3A_106, %swap3A_107] {strides = array<i32>} : memref<128x128xf32, #tpu.memory_space<vmem>>, vector<1x16xf32>,
      %swap3A_109 = vector.shape_cast %swap3A_108 : vector<1x16xf32> to vector<16xf32>
      %swap3A_110 = vector.shape_cast %broadcast_in_dim3A_26 : vector<16xf32> to vector<1x16xf32>
      tpu.vector_store %arg9[%swap3A_106, %swap3A_107], %swap3A_110 {strides = array<i32>} : memref<128x128xf32, #tpu.memory_space<vmem>>, vector<1x16xf32>,
      %swap3A_111 = arith.index_cast %scan3A_86 : i32 to index
      %swap3A_112 = arith.constant 80 : index
      %swap3A_113 = tpu.vector_load %arg9[%swap3A_111, %swap3A_112] {strides = array<i32>} : memref<128x128xf32, #tpu.memory_space<vmem>>, vector<1x16xf32>,
      %swap3A_114 = vector.shape_cast %swap3A_113 : vector<1x16xf32> to vector<16xf32>
      %swap3A_115 = vector.shape_cast %broadcast_in_dim3A_26 : vector<16xf32> to vector<1x16xf32>
      tpu.vector_store %arg9[%swap3A_111, %swap3A_112], %swap3A_115 {strides = array<i32>} : memref<128x128xf32, #tpu.memory_space<vmem>>, vector<1x16xf32>,
      %swap3A_116 = arith.index_cast %scan3A_86 : i32 to index
      %swap3A_117 = arith.constant 96 : index
      %swap3A_118 = tpu.vector_load %arg9[%swap3A_116, %swap3A_117] {strides = array<i32>} : memref<128x128xf32, #tpu.memory_space<vmem>>, vector<1x16xf32>,
      %swap3A_119 = vector.shape_cast %swap3A_118 : vector<1x16xf32> to vector<16xf32>
      %swap3A_120 = vector.shape_cast %broadcast_in_dim3A_26 : vector<16xf32> to vector<1x16xf32>
      tpu.vector_store %arg9[%swap3A_116, %swap3A_117], %swap3A_120 {strides = array<i32>} : memref<128x128xf32, #tpu.memory_space<vmem>>, vector<1x16xf32>,
      %swap3A_121 = arith.index_cast %scan3A_86 : i32 to index
      %swap3A_122 = arith.constant 112 : index
      %swap3A_123 = tpu.vector_load %arg9[%swap3A_121, %swap3A_122] {strides = array<i32>} : memref<128x128xf32, #tpu.memory_space<vmem>>, vector<1x16xf32>,
      %swap3A_124 = vector.shape_cast %swap3A_123 : vector<1x16xf32> to vector<16xf32>
      %swap3A_125 = vector.shape_cast %broadcast_in_dim3A_26 : vector<16xf32> to vector<1x16xf32>
      tpu.vector_store %arg9[%swap3A_121, %swap3A_122], %swap3A_125 {strides = array<i32>} : memref<128x128xf32, #tpu.memory_space<vmem>>, vector<1x16xf32>,
    }
    %scan3A_34 = arith.constant 128 : i32
    %mul3A_35 = arith.constant 256 : i32
    %mul3A_36 = arith.muli %arg1, %mul3A_35 : i32
    "tpu.region"() ({
      %run_scoped3A_86 = tpu.sem_alloc : memref<!tpu.dma_semaphore, #tpu.memory_space<semaphore_mem>>
      %dma_start3A_87 = arith.constant 0 : i32
      %dma_start3A_88 = tpu.memref_slice %arg10[%mul3A_36, %dma_start3A_87] : memref<4096x128xf32, #tpu.memory_space<vmem_shared>> -> memref<128x128xf32, #tpu.memory_space<vmem_shared>>
      %dma_start3A_89 = arith.constant 0 : i32
      %dma_start3A_90 = tpu.memref_slice %arg10[%mul3A_36, %dma_start3A_89] : memref<4096x128xf32, #tpu.memory_space<vmem_shared>> -> memref<128x128xf32, #tpu.memory_space<vmem_shared>>
      tpu.enqueue_dma source(%arg9 : memref<128x128xf32, #tpu.memory_space<vmem>>) target(%dma_start3A_90 : memref<128x128xf32, #tpu.memory_space<vmem_shared>>) target_semaphore(%run_scoped3A_86 : memref<!tpu.dma_semaphore, #tpu.memory_space<semaphore_mem>>)
      %dma_wait3A_91 = arith.constant 0 : i32
      %dma_wait3A_92 = tpu.memref_slice %arg10[%mul3A_36, %dma_wait3A_91] : memref<4096x128xf32, #tpu.memory_space<vmem_shared>> -> memref<128x128xf32, #tpu.memory_space<vmem_shared>>
      %dma_wait3A_93 = arith.constant 0 : i32
      %dma_wait3A_94 = tpu.memref_slice %arg10[%mul3A_36, %dma_wait3A_93] : memref<4096x128xf32, #tpu.memory_space<vmem_shared>> -> memref<128x128xf32, #tpu.memory_space<vmem_shared>>
      tpu.wait_dma2 semaphore(%run_scoped3A_86 : memref<!tpu.dma_semaphore, #tpu.memory_space<semaphore_mem>>) src(%arg9 : memref<128x128xf32, #tpu.memory_space<vmem>>) dst(%dma_wait3A_94 : memref<128x128xf32, #tpu.memory_space<vmem_shared>>)
      tpu.yield
    }) : () -> ()
    %add3A = arith.constant 128 : i32
    %add3A_37 = arith.addi %mul3A_36, %add3A : i32
    "tpu.region"() ({
      %run_scoped3A_86 = tpu.sem_alloc : memref<!tpu.dma_semaphore, #tpu.memory_space<semaphore_mem>>
      %dma_start3A_87 = arith.constant 0 : i32
      %dma_start3A_88 = tpu.memref_slice %arg10[%add3A_37, %dma_start3A_87] : memref<4096x128xf32, #tpu.memory_space<vmem_shared>> -> memref<128x128xf32, #tpu.memory_space<vmem_shared>>
      %dma_start3A_89 = arith.constant 0 : i32
      %dma_start3A_90 = tpu.memref_slice %arg10[%add3A_37, %dma_start3A_89] : memref<4096x128xf32, #tpu.memory_space<vmem_shared>> -> memref<128x128xf32, #tpu.memory_space<vmem_shared>>
      tpu.enqueue_dma source(%arg9 : memref<128x128xf32, #tpu.memory_space<vmem>>) target(%dma_start3A_90 : memref<128x128xf32, #tpu.memory_space<vmem_shared>>) target_semaphore(%run_scoped3A_86 : memref<!tpu.dma_semaphore, #tpu.memory_space<semaphore_mem>>)
      %dma_wait3A_91 = arith.constant 0 : i32
      %dma_wait3A_92 = tpu.memref_slice %arg10[%add3A_37, %dma_wait3A_91] : memref<4096x128xf32, #tpu.memory_space<vmem_shared>> -> memref<128x128xf32, #tpu.memory_space<vmem_shared>>
      %dma_wait3A_93 = arith.constant 0 : i32
      %dma_wait3A_94 = tpu.memref_slice %arg10[%add3A_37, %dma_wait3A_93] : memref<4096x128xf32, #tpu.memory_space<vmem_shared>> -> memref<128x128xf32, #tpu.memory_space<vmem_shared>>
      tpu.wait_dma2 semaphore(%run_scoped3A_86 : memref<!tpu.dma_semaphore, #tpu.memory_space<semaphore_mem>>) src(%arg9 : memref<128x128xf32, #tpu.memory_space<vmem>>) dst(%dma_wait3A_94 : memref<128x128xf32, #tpu.memory_space<vmem_shared>>)
      tpu.yield
    }) : () -> ()
    %barrier3A = arith.constant 0 : index
    tpu.barrier barrier_id(%barrier3A)
    %dma_start3A = arith.constant 0 : i32
    %dma_start3A_38 = arith.constant 0 : i32
    %dma_start3A_39 = arith.constant 0 : i32
    %dma_start3A_40 = tpu.memref_slice %arg6[%dma_start3A, %dma_start3A_38, %dma_start3A_39] : memref<32x1x128xi32, #tpu.memory_space<vmem>> -> memref<1x1x128xi32, #tpu.memory_space<vmem>>
    %dma_start3A_41 = tpu.memref_squeeze %dma_start3A_40 : memref<1x1x128xi32, #tpu.memory_space<vmem>> -> memref<128xi32, #tpu.memory_space<vmem>>
    %dma_start3A_42 = arith.constant 0 : i32
    %dma_start3A_43 = arith.constant 0 : i32
    %dma_start3A_44 = tpu.memref_slice %arg2[%dma_start3A_42, %dma_start3A_43] : memref<8192x128xf32, #tpu.memory_space<hbm>> -> memref<8192x128xf32, #tpu.memory_space<hbm>>
    tpu.enqueue_indirect_dma source(%dma_start3A_44 : memref<8192x128xf32, #tpu.memory_space<hbm>>) target(%arg8 : memref<128x128xf32, #tpu.memory_space<vmem>>) offsets(%dma_start3A_41 : memref<128xi32, #tpu.memory_space<vmem>>) semaphore(%arg12 : memref<!tpu.dma_semaphore, #tpu.memory_space<semaphore_mem>>)
    %scan3A_45 = arith.constant 0 : i32
    %scan3A_46 = arith.constant 0 : i32
    %scan3A_47 = arith.constant 15 : i32
    %scan3A_48 = arith.addi %scan3A_46, %scan3A_47 : i32
    %scan3A_49 = arith.constant 1 : i32
    scf.for %scan3A_86 = %scan3A_46 to %scan3A_48 step %scan3A_49  : i32 {
      %mul3A_87 = arith.constant 2 : i32
      %mul3A_88 = arith.muli %mul3A_87, %scan3A_86 : i32
      %add3A_89 = arith.constant 1 : i32
      %add3A_90 = arith.addi %mul3A_88, %add3A_89 : i32
      %dma_start3A_91 = arith.constant 0 : i32
      %dma_start3A_92 = arith.constant 0 : i32
      %dma_start3A_93 = tpu.memref_slice %arg6[%add3A_90, %dma_start3A_91, %dma_start3A_92] : memref<32x1x128xi32, #tpu.memory_space<vmem>> -> memref<1x1x128xi32, #tpu.memory_space<vmem>>
      %dma_start3A_94 = tpu.memref_squeeze %dma_start3A_93 : memref<1x1x128xi32, #tpu.memory_space<vmem>> -> memref<128xi32, #tpu.memory_space<vmem>>
      %dma_start3A_95 = arith.constant 0 : i32
      %dma_start3A_96 = arith.constant 0 : i32
      %dma_start3A_97 = tpu.memref_slice %arg2[%dma_start3A_95, %dma_start3A_96] : memref<8192x128xf32, #tpu.memory_space<hbm>> -> memref<8192x128xf32, #tpu.memory_space<hbm>>
      tpu.enqueue_indirect_dma source(%dma_start3A_97 : memref<8192x128xf32, #tpu.memory_space<hbm>>) target(%arg11 : memref<128x128xf32, #tpu.memory_space<vmem>>) offsets(%dma_start3A_94 : memref<128xi32, #tpu.memory_space<vmem>>) semaphore(%arg13 : memref<!tpu.dma_semaphore, #tpu.memory_space<semaphore_mem>>)
      %dma_wait3A_98 = arith.constant 0 : i32
      %dma_wait3A_99 = arith.constant 0 : i32
      %dma_wait3A_100 = tpu.memref_slice %arg2[%dma_wait3A_98, %dma_wait3A_99] : memref<8192x128xf32, #tpu.memory_space<hbm>> -> memref<128x128xf32, #tpu.memory_space<hbm>>
      %dma_wait3A_101 = arith.constant 0 : i32
      %dma_wait3A_102 = arith.constant 0 : i32
      %dma_wait3A_103 = tpu.memref_slice %arg2[%dma_wait3A_101, %dma_wait3A_102] : memref<8192x128xf32, #tpu.memory_space<hbm>> -> memref<128x128xf32, #tpu.memory_space<hbm>>
      tpu.wait_dma2 semaphore(%arg12 : memref<!tpu.dma_semaphore, #tpu.memory_space<semaphore_mem>>) src(%dma_wait3A_103 : memref<128x128xf32, #tpu.memory_space<hbm>>) dst(%arg8 : memref<128x128xf32, #tpu.memory_space<vmem>>)
      %mul3A_104 = arith.constant 2 : i32
      %mul3A_105 = arith.muli %mul3A_104, %scan3A_86 : i32
      %run_scoped3A_106 = arith.constant 0 : i32
      "tpu.region"() ({
        %run_scoped3A_129 = tpu.sem_alloc : memref<!tpu.dma_semaphore, #tpu.memory_space<semaphore_mem>>
        %dma_start3A_130 = arith.constant 0 : i32
        %dma_start3A_131 = tpu.memref_slice %arg7[%mul3A_105, %run_scoped3A_106, %dma_start3A_130] : memref<32x1x128xi32, #tpu.memory_space<vmem>> -> memref<1x1x128xi32, #tpu.memory_space<vmem>>
        %dma_start3A_132 = tpu.memref_squeeze %dma_start3A_131 : memref<1x1x128xi32, #tpu.memory_space<vmem>> -> memref<128xi32, #tpu.memory_space<vmem>>
        %dma_start3A_133 = arith.constant 0 : i32
        %dma_start3A_134 = arith.constant 0 : i32
        %dma_start3A_135 = tpu.memref_slice %arg10[%dma_start3A_133, %dma_start3A_134] : memref<4096x128xf32, #tpu.memory_space<vmem_shared>> -> memref<4096x128xf32, #tpu.memory_space<vmem_shared>>
        tpu.enqueue_indirect_dma source(%arg8 : memref<128x128xf32, #tpu.memory_space<vmem>>) target(%dma_start3A_135 : memref<4096x128xf32, #tpu.memory_space<vmem_shared>>) offsets(%dma_start3A_132 : memref<128xi32, #tpu.memory_space<vmem>>) semaphore(%run_scoped3A_129 : memref<!tpu.dma_semaphore, #tpu.memory_space<semaphore_mem>>) {add = true}
        %dma_wait3A_136 = arith.constant 0 : i32
        %dma_wait3A_137 = tpu.memref_slice %arg7[%mul3A_105, %run_scoped3A_106, %dma_wait3A_136] : memref<32x1x128xi32, #tpu.memory_space<vmem>> -> memref<1x1x128xi32, #tpu.memory_space<vmem>>
        %dma_wait3A_138 = tpu.memref_squeeze %dma_wait3A_137 : memref<1x1x128xi32, #tpu.memory_space<vmem>> -> memref<128xi32, #tpu.memory_space<vmem>>
        %dma_wait3A_139 = arith.constant 0 : i32
        %dma_wait3A_140 = arith.constant 0 : i32
        %dma_wait3A_141 = tpu.memref_slice %arg10[%dma_wait3A_139, %dma_wait3A_140] : memref<4096x128xf32, #tpu.memory_space<vmem_shared>> -> memref<4096x128xf32, #tpu.memory_space<vmem_shared>>
        tpu.wait_indirect_dma semaphore(%run_scoped3A_129 : memref<!tpu.dma_semaphore, #tpu.memory_space<semaphore_mem>>) src(%arg8 : memref<128x128xf32, #tpu.memory_space<vmem>>) dst(%dma_wait3A_141 : memref<4096x128xf32, #tpu.memory_space<vmem_shared>>)
        tpu.yield
      }) : () -> ()
      %mul3A_107 = arith.constant 2 : i32
      %mul3A_108 = arith.muli %mul3A_107, %scan3A_86 : i32
      %add3A_109 = arith.constant 2 : i32
      %add3A_110 = arith.addi %mul3A_108, %add3A_109 : i32
      %dma_start3A_111 = arith.constant 0 : i32
      %dma_start3A_112 = arith.constant 0 : i32
      %dma_start3A_113 = tpu.memref_slice %arg6[%add3A_110, %dma_start3A_111, %dma_start3A_112] : memref<32x1x128xi32, #tpu.memory_space<vmem>> -> memref<1x1x128xi32, #tpu.memory_space<vmem>>
      %dma_start3A_114 = tpu.memref_squeeze %dma_start3A_113 : memref<1x1x128xi32, #tpu.memory_space<vmem>> -> memref<128xi32, #tpu.memory_space<vmem>>
      %dma_start3A_115 = arith.constant 0 : i32
      %dma_start3A_116 = arith.constant 0 : i32
      %dma_start3A_117 = tpu.memref_slice %arg2[%dma_start3A_115, %dma_start3A_116] : memref<8192x128xf32, #tpu.memory_space<hbm>> -> memref<8192x128xf32, #tpu.memory_space<hbm>>
      tpu.enqueue_indirect_dma source(%dma_start3A_117 : memref<8192x128xf32, #tpu.memory_space<hbm>>) target(%arg8 : memref<128x128xf32, #tpu.memory_space<vmem>>) offsets(%dma_start3A_114 : memref<128xi32, #tpu.memory_space<vmem>>) semaphore(%arg12 : memref<!tpu.dma_semaphore, #tpu.memory_space<semaphore_mem>>)
      %dma_wait3A_118 = arith.constant 0 : i32
      %dma_wait3A_119 = arith.constant 0 : i32
      %dma_wait3A_120 = tpu.memref_slice %arg2[%dma_wait3A_118, %dma_wait3A_119] : memref<8192x128xf32, #tpu.memory_space<hbm>> -> memref<128x128xf32, #tpu.memory_space<hbm>>
      %dma_wait3A_121 = arith.constant 0 : i32
      %dma_wait3A_122 = arith.constant 0 : i32
      %dma_wait3A_123 = tpu.memref_slice %arg2[%dma_wait3A_121, %dma_wait3A_122] : memref<8192x128xf32, #tpu.memory_space<hbm>> -> memref<128x128xf32, #tpu.memory_space<hbm>>
      tpu.wait_dma2 semaphore(%arg13 : memref<!tpu.dma_semaphore, #tpu.memory_space<semaphore_mem>>) src(%dma_wait3A_123 : memref<128x128xf32, #tpu.memory_space<hbm>>) dst(%arg11 : memref<128x128xf32, #tpu.memory_space<vmem>>)
      %mul3A_124 = arith.constant 2 : i32
      %mul3A_125 = arith.muli %mul3A_124, %scan3A_86 : i32
      %add3A_126 = arith.constant 1 : i32
      %add3A_127 = arith.addi %mul3A_125, %add3A_126 : i32
      %run_scoped3A_128 = arith.constant 0 : i32
      "tpu.region"() ({
        %run_scoped3A_129 = tpu.sem_alloc : memref<!tpu.dma_semaphore, #tpu.memory_space<semaphore_mem>>
        %dma_start3A_130 = arith.constant 0 : i32
        %dma_start3A_131 = tpu.memref_slice %arg7[%add3A_127, %run_scoped3A_128, %dma_start3A_130] : memref<32x1x128xi32, #tpu.memory_space<vmem>> -> memref<1x1x128xi32, #tpu.memory_space<vmem>>
        %dma_start3A_132 = tpu.memref_squeeze %dma_start3A_131 : memref<1x1x128xi32, #tpu.memory_space<vmem>> -> memref<128xi32, #tpu.memory_space<vmem>>
        %dma_start3A_133 = arith.constant 0 : i32
        %dma_start3A_134 = arith.constant 0 : i32
        %dma_start3A_135 = tpu.memref_slice %arg10[%dma_start3A_133, %dma_start3A_134] : memref<4096x128xf32, #tpu.memory_space<vmem_shared>> -> memref<4096x128xf32, #tpu.memory_space<vmem_shared>>
        tpu.enqueue_indirect_dma source(%arg11 : memref<128x128xf32, #tpu.memory_space<vmem>>) target(%dma_start3A_135 : memref<4096x128xf32, #tpu.memory_space<vmem_shared>>) offsets(%dma_start3A_132 : memref<128xi32, #tpu.memory_space<vmem>>) semaphore(%run_scoped3A_129 : memref<!tpu.dma_semaphore, #tpu.memory_space<semaphore_mem>>) {add = true}
        %dma_wait3A_136 = arith.constant 0 : i32
        %dma_wait3A_137 = tpu.memref_slice %arg7[%add3A_127, %run_scoped3A_128, %dma_wait3A_136] : memref<32x1x128xi32, #tpu.memory_space<vmem>> -> memref<1x1x128xi32, #tpu.memory_space<vmem>>
        %dma_wait3A_138 = tpu.memref_squeeze %dma_wait3A_137 : memref<1x1x128xi32, #tpu.memory_space<vmem>> -> memref<128xi32, #tpu.memory_space<vmem>>
        %dma_wait3A_139 = arith.constant 0 : i32
        %dma_wait3A_140 = arith.constant 0 : i32
        %dma_wait3A_141 = tpu.memref_slice %arg10[%dma_wait3A_139, %dma_wait3A_140] : memref<4096x128xf32, #tpu.memory_space<vmem_shared>> -> memref<4096x128xf32, #tpu.memory_space<vmem_shared>>
        tpu.wait_indirect_dma semaphore(%run_scoped3A_129 : memref<!tpu.dma_semaphore, #tpu.memory_space<semaphore_mem>>) src(%arg11 : memref<128x128xf32, #tpu.memory_space<vmem>>) dst(%dma_wait3A_141 : memref<4096x128xf32, #tpu.memory_space<vmem_shared>>)
        tpu.yield
      }) : () -> ()
    }
    %scan3A_50 = arith.constant 15 : i32
    %dma_start3A_51 = arith.constant 31 : i32
    %dma_start3A_52 = arith.constant 0 : i32
    %dma_start3A_53 = arith.constant 0 : i32
    %dma_start3A_54 = tpu.memref_slice %arg6[%dma_start3A_51, %dma_start3A_52, %dma_start3A_53] : memref<32x1x128xi32, #tpu.memory_space<vmem>> -> memref<1x1x128xi32, #tpu.memory_space<vmem>>
    %dma_start3A_55 = tpu.memref_squeeze %dma_start3A_54 : memref<1x1x128xi32, #tpu.memory_space<vmem>> -> memref<128xi32, #tpu.memory_space<vmem>>
    %dma_start3A_56 = arith.constant 0 : i32
    %dma_start3A_57 = arith.constant 0 : i32
    %dma_start3A_58 = tpu.memref_slice %arg2[%dma_start3A_56, %dma_start3A_57] : memref<8192x128xf32, #tpu.memory_space<hbm>> -> memref<8192x128xf32, #tpu.memory_space<hbm>>
    tpu.enqueue_indirect_dma source(%dma_start3A_58 : memref<8192x128xf32, #tpu.memory_space<hbm>>) target(%arg11 : memref<128x128xf32, #tpu.memory_space<vmem>>) offsets(%dma_start3A_55 : memref<128xi32, #tpu.memory_space<vmem>>) semaphore(%arg13 : memref<!tpu.dma_semaphore, #tpu.memory_space<semaphore_mem>>)
    %dma_wait3A = arith.constant 0 : i32
    %dma_wait3A_59 = arith.constant 0 : i32
    %dma_wait3A_60 = tpu.memref_slice %arg2[%dma_wait3A, %dma_wait3A_59] : memref<8192x128xf32, #tpu.memory_space<hbm>> -> memref<128x128xf32, #tpu.memory_space<hbm>>
    %dma_wait3A_61 = arith.constant 0 : i32
    %dma_wait3A_62 = arith.constant 0 : i32
    %dma_wait3A_63 = tpu.memref_slice %arg2[%dma_wait3A_61, %dma_wait3A_62] : memref<8192x128xf32, #tpu.memory_space<hbm>> -> memref<128x128xf32, #tpu.memory_space<hbm>>
    tpu.wait_dma2 semaphore(%arg12 : memref<!tpu.dma_semaphore, #tpu.memory_space<semaphore_mem>>) src(%dma_wait3A_63 : memref<128x128xf32, #tpu.memory_space<hbm>>) dst(%arg8 : memref<128x128xf32, #tpu.memory_space<vmem>>)
    %run_scoped3A = arith.constant 30 : i32
    %run_scoped3A_64 = arith.constant 0 : i32
    "tpu.region"() ({
      %run_scoped3A_86 = tpu.sem_alloc : memref<!tpu.dma_semaphore, #tpu.memory_space<semaphore_mem>>
      %dma_start3A_87 = arith.constant 0 : i32
      %dma_start3A_88 = tpu.memref_slice %arg7[%run_scoped3A, %run_scoped3A_64, %dma_start3A_87] : memref<32x1x128xi32, #tpu.memory_space<vmem>> -> memref<1x1x128xi32, #tpu.memory_space<vmem>>
      %dma_start3A_89 = tpu.memref_squeeze %dma_start3A_88 : memref<1x1x128xi32, #tpu.memory_space<vmem>> -> memref<128xi32, #tpu.memory_space<vmem>>
      %dma_start3A_90 = arith.constant 0 : i32
      %dma_start3A_91 = arith.constant 0 : i32
      %dma_start3A_92 = tpu.memref_slice %arg10[%dma_start3A_90, %dma_start3A_91] : memref<4096x128xf32, #tpu.memory_space<vmem_shared>> -> memref<4096x128xf32, #tpu.memory_space<vmem_shared>>
      tpu.enqueue_indirect_dma source(%arg8 : memref<128x128xf32, #tpu.memory_space<vmem>>) target(%dma_start3A_92 : memref<4096x128xf32, #tpu.memory_space<vmem_shared>>) offsets(%dma_start3A_89 : memref<128xi32, #tpu.memory_space<vmem>>) semaphore(%run_scoped3A_86 : memref<!tpu.dma_semaphore, #tpu.memory_space<semaphore_mem>>) {add = true}
      %dma_wait3A_93 = arith.constant 0 : i32
      %dma_wait3A_94 = tpu.memref_slice %arg7[%run_scoped3A, %run_scoped3A_64, %dma_wait3A_93] : memref<32x1x128xi32, #tpu.memory_space<vmem>> -> memref<1x1x128xi32, #tpu.memory_space<vmem>>
      %dma_wait3A_95 = tpu.memref_squeeze %dma_wait3A_94 : memref<1x1x128xi32, #tpu.memory_space<vmem>> -> memref<128xi32, #tpu.memory_space<vmem>>
      %dma_wait3A_96 = arith.constant 0 : i32
      %dma_wait3A_97 = arith.constant 0 : i32
      %dma_wait3A_98 = tpu.memref_slice %arg10[%dma_wait3A_96, %dma_wait3A_97] : memref<4096x128xf32, #tpu.memory_space<vmem_shared>> -> memref<4096x128xf32, #tpu.memory_space<vmem_shared>>
      tpu.wait_indirect_dma semaphore(%run_scoped3A_86 : memref<!tpu.dma_semaphore, #tpu.memory_space<semaphore_mem>>) src(%arg8 : memref<128x128xf32, #tpu.memory_space<vmem>>) dst(%dma_wait3A_98 : memref<4096x128xf32, #tpu.memory_space<vmem_shared>>)
      tpu.yield
    }) : () -> ()
    %dma_wait3A_65 = arith.constant 0 : i32
    %dma_wait3A_66 = arith.constant 0 : i32
    %dma_wait3A_67 = tpu.memref_slice %arg2[%dma_wait3A_65, %dma_wait3A_66] : memref<8192x128xf32, #tpu.memory_space<hbm>> -> memref<128x128xf32, #tpu.memory_space<hbm>>
    %dma_wait3A_68 = arith.constant 0 : i32
    %dma_wait3A_69 = arith.constant 0 : i32
    %dma_wait3A_70 = tpu.memref_slice %arg2[%dma_wait3A_68, %dma_wait3A_69] : memref<8192x128xf32, #tpu.memory_space<hbm>> -> memref<128x128xf32, #tpu.memory_space<hbm>>
    tpu.wait_dma2 semaphore(%arg13 : memref<!tpu.dma_semaphore, #tpu.memory_space<semaphore_mem>>) src(%dma_wait3A_70 : memref<128x128xf32, #tpu.memory_space<hbm>>) dst(%arg11 : memref<128x128xf32, #tpu.memory_space<vmem>>)
    %run_scoped3A_71 = arith.constant 31 : i32
    %run_scoped3A_72 = arith.constant 0 : i32
    "tpu.region"() ({
      %run_scoped3A_86 = tpu.sem_alloc : memref<!tpu.dma_semaphore, #tpu.memory_space<semaphore_mem>>
      %dma_start3A_87 = arith.constant 0 : i32
      %dma_start3A_88 = tpu.memref_slice %arg7[%run_scoped3A_71, %run_scoped3A_72, %dma_start3A_87] : memref<32x1x128xi32, #tpu.memory_space<vmem>> -> memref<1x1x128xi32, #tpu.memory_space<vmem>>
      %dma_start3A_89 = tpu.memref_squeeze %dma_start3A_88 : memref<1x1x128xi32, #tpu.memory_space<vmem>> -> memref<128xi32, #tpu.memory_space<vmem>>
      %dma_start3A_90 = arith.constant 0 : i32
      %dma_start3A_91 = arith.constant 0 : i32
      %dma_start3A_92 = tpu.memref_slice %arg10[%dma_start3A_90, %dma_start3A_91] : memref<4096x128xf32, #tpu.memory_space<vmem_shared>> -> memref<4096x128xf32, #tpu.memory_space<vmem_shared>>
      tpu.enqueue_indirect_dma source(%arg11 : memref<128x128xf32, #tpu.memory_space<vmem>>) target(%dma_start3A_92 : memref<4096x128xf32, #tpu.memory_space<vmem_shared>>) offsets(%dma_start3A_89 : memref<128xi32, #tpu.memory_space<vmem>>) semaphore(%run_scoped3A_86 : memref<!tpu.dma_semaphore, #tpu.memory_space<semaphore_mem>>) {add = true}
      %dma_wait3A_93 = arith.constant 0 : i32
      %dma_wait3A_94 = tpu.memref_slice %arg7[%run_scoped3A_71, %run_scoped3A_72, %dma_wait3A_93] : memref<32x1x128xi32, #tpu.memory_space<vmem>> -> memref<1x1x128xi32, #tpu.memory_space<vmem>>
      %dma_wait3A_95 = tpu.memref_squeeze %dma_wait3A_94 : memref<1x1x128xi32, #tpu.memory_space<vmem>> -> memref<128xi32, #tpu.memory_space<vmem>>
      %dma_wait3A_96 = arith.constant 0 : i32
      %dma_wait3A_97 = arith.constant 0 : i32
      %dma_wait3A_98 = tpu.memref_slice %arg10[%dma_wait3A_96, %dma_wait3A_97] : memref<4096x128xf32, #tpu.memory_space<vmem_shared>> -> memref<4096x128xf32, #tpu.memory_space<vmem_shared>>
      tpu.wait_indirect_dma semaphore(%run_scoped3A_86 : memref<!tpu.dma_semaphore, #tpu.memory_space<semaphore_mem>>) src(%arg11 : memref<128x128xf32, #tpu.memory_space<vmem>>) dst(%dma_wait3A_98 : memref<4096x128xf32, #tpu.memory_space<vmem_shared>>)
      tpu.yield
    }) : () -> ()
    %barrier3A_73 = arith.constant 0 : index
    tpu.barrier barrier_id(%barrier3A_73)
    %mul3A_74 = arith.constant 1 : i32
    %mul3A_75 = arith.muli %arg0, %mul3A_74 : i32
    %add3A_76 = arith.constant 0 : i32
    %add3A_77 = arith.addi %mul3A_75, %add3A_76 : i32
    %mul3A_78 = arith.constant 4096 : i32
    %mul3A_79 = arith.muli %add3A_77, %mul3A_78 : i32
    %add3A_80 = arith.constant 0 : i32
    %add3A_81 = arith.addi %mul3A_36, %add3A_80 : i32
    "tpu.region"() ({
      %run_scoped3A_86 = tpu.sem_alloc : memref<!tpu.dma_semaphore, #tpu.memory_space<semaphore_mem>>
      %dma_start3A_87 = arith.constant 0 : i32
      %dma_start3A_88 = tpu.memref_slice %arg10[%add3A_81, %dma_start3A_87] : memref<4096x128xf32, #tpu.memory_space<vmem_shared>> -> memref<128x128xf32, #tpu.memory_space<vmem_shared>>
      %dma_start3A_89 = arith.constant 0 : i32
      %dma_start3A_90 = tpu.memref_slice %arg10[%add3A_81, %dma_start3A_89] : memref<4096x128xf32, #tpu.memory_space<vmem_shared>> -> memref<128x128xf32, #tpu.memory_space<vmem_shared>>
      tpu.enqueue_dma source(%dma_start3A_90 : memref<128x128xf32, #tpu.memory_space<vmem_shared>>) target(%arg11 : memref<128x128xf32, #tpu.memory_space<vmem>>) target_semaphore(%run_scoped3A_86 : memref<!tpu.dma_semaphore, #tpu.memory_space<semaphore_mem>>)
      %dma_wait3A_91 = arith.constant 0 : i32
      %dma_wait3A_92 = tpu.memref_slice %arg10[%add3A_81, %dma_wait3A_91] : memref<4096x128xf32, #tpu.memory_space<vmem_shared>> -> memref<128x128xf32, #tpu.memory_space<vmem_shared>>
      %dma_wait3A_93 = arith.constant 0 : i32
      %dma_wait3A_94 = tpu.memref_slice %arg10[%add3A_81, %dma_wait3A_93] : memref<4096x128xf32, #tpu.memory_space<vmem_shared>> -> memref<128x128xf32, #tpu.memory_space<vmem_shared>>
      tpu.wait_dma2 semaphore(%run_scoped3A_86 : memref<!tpu.dma_semaphore, #tpu.memory_space<semaphore_mem>>) src(%dma_wait3A_94 : memref<128x128xf32, #tpu.memory_space<vmem_shared>>) dst(%arg11 : memref<128x128xf32, #tpu.memory_space<vmem>>)
      tpu.yield
    }) : () -> ()
    %add3A_82 = arith.addi %mul3A_79, %add3A_81 : i32
    "tpu.region"() ({
      %run_scoped3A_86 = tpu.sem_alloc : memref<!tpu.dma_semaphore, #tpu.memory_space<semaphore_mem>>
      %dma_start3A_87 = arith.constant 0 : i32
      %dma_start3A_88 = tpu.memref_slice %arg5[%add3A_82, %dma_start3A_87] : memref<8192x128xf32, #tpu.memory_space<hbm>> -> memref<128x128xf32, #tpu.memory_space<hbm>>
      %dma_start3A_89 = arith.constant 0 : i32
      %dma_start3A_90 = tpu.memref_slice %arg5[%add3A_82, %dma_start3A_89] : memref<8192x128xf32, #tpu.memory_space<hbm>> -> memref<128x128xf32, #tpu.memory_space<hbm>>
      tpu.enqueue_dma source(%arg11 : memref<128x128xf32, #tpu.memory_space<vmem>>) target(%dma_start3A_90 : memref<128x128xf32, #tpu.memory_space<hbm>>) target_semaphore(%run_scoped3A_86 : memref<!tpu.dma_semaphore, #tpu.memory_space<semaphore_mem>>)
      %dma_wait3A_91 = arith.constant 0 : i32
      %dma_wait3A_92 = tpu.memref_slice %arg5[%add3A_82, %dma_wait3A_91] : memref<8192x128xf32, #tpu.memory_space<hbm>> -> memref<128x128xf32, #tpu.memory_space<hbm>>
      %dma_wait3A_93 = arith.constant 0 : i32
      %dma_wait3A_94 = tpu.memref_slice %arg5[%add3A_82, %dma_wait3A_93] : memref<8192x128xf32, #tpu.memory_space<hbm>> -> memref<128x128xf32, #tpu.memory_space<hbm>>
      tpu.wait_dma2 semaphore(%run_scoped3A_86 : memref<!tpu.dma_semaphore, #tpu.memory_space<semaphore_mem>>) src(%arg11 : memref<128x128xf32, #tpu.memory_space<vmem>>) dst(%dma_wait3A_94 : memref<128x128xf32, #tpu.memory_space<hbm>>)
      tpu.yield
    }) : () -> ()
    %add3A_83 = arith.constant 128 : i32
    %add3A_84 = arith.addi %mul3A_36, %add3A_83 : i32
    "tpu.region"() ({
      %run_scoped3A_86 = tpu.sem_alloc : memref<!tpu.dma_semaphore, #tpu.memory_space<semaphore_mem>>
      %dma_start3A_87 = arith.constant 0 : i32
      %dma_start3A_88 = tpu.memref_slice %arg10[%add3A_84, %dma_start3A_87] : memref<4096x128xf32, #tpu.memory_space<vmem_shared>> -> memref<128x128xf32, #tpu.memory_space<vmem_shared>>
      %dma_start3A_89 = arith.constant 0 : i32
      %dma_start3A_90 = tpu.memref_slice %arg10[%add3A_84, %dma_start3A_89] : memref<4096x128xf32, #tpu.memory_space<vmem_shared>> -> memref<128x128xf32, #tpu.memory_space<vmem_shared>>
      tpu.enqueue_dma source(%dma_start3A_90 : memref<128x128xf32, #tpu.memory_space<vmem_shared>>) target(%arg11 : memref<128x128xf32, #tpu.memory_space<vmem>>) target_semaphore(%run_scoped3A_86 : memref<!tpu.dma_semaphore, #tpu.memory_space<semaphore_mem>>)
      %dma_wait3A_91 = arith.constant 0 : i32
      %dma_wait3A_92 = tpu.memref_slice %arg10[%add3A_84, %dma_wait3A_91] : memref<4096x128xf32, #tpu.memory_space<vmem_shared>> -> memref<128x128xf32, #tpu.memory_space<vmem_shared>>
      %dma_wait3A_93 = arith.constant 0 : i32
      %dma_wait3A_94 = tpu.memref_slice %arg10[%add3A_84, %dma_wait3A_93] : memref<4096x128xf32, #tpu.memory_space<vmem_shared>> -> memref<128x128xf32, #tpu.memory_space<vmem_shared>>
      tpu.wait_dma2 semaphore(%run_scoped3A_86 : memref<!tpu.dma_semaphore, #tpu.memory_space<semaphore_mem>>) src(%dma_wait3A_94 : memref<128x128xf32, #tpu.memory_space<vmem_shared>>) dst(%arg11 : memref<128x128xf32, #tpu.memory_space<vmem>>)
      tpu.yield
    }) : () -> ()
    %add3A_85 = arith.addi %mul3A_79, %add3A_84 : i32
    "tpu.region"() ({
      %run_scoped3A_86 = tpu.sem_alloc : memref<!tpu.dma_semaphore, #tpu.memory_space<semaphore_mem>>
      %dma_start3A_87 = arith.constant 0 : i32
      %dma_start3A_88 = tpu.memref_slice %arg5[%add3A_85, %dma_start3A_87] : memref<8192x128xf32, #tpu.memory_space<hbm>> -> memref<128x128xf32, #tpu.memory_space<hbm>>
      %dma_start3A_89 = arith.constant 0 : i32
      %dma_start3A_90 = tpu.memref_slice %arg5[%add3A_85, %dma_start3A_89] : memref<8192x128xf32, #tpu.memory_space<hbm>> -> memref<128x128xf32, #tpu.memory_space<hbm>>
      tpu.enqueue_dma source(%arg11 : memref<128x128xf32, #tpu.memory_space<vmem>>) target(%dma_start3A_90 : memref<128x128xf32, #tpu.memory_space<hbm>>) target_semaphore(%run_scoped3A_86 : memref<!tpu.dma_semaphore, #tpu.memory_space<semaphore_mem>>)
      %dma_wait3A_91 = arith.constant 0 : i32
      %dma_wait3A_92 = tpu.memref_slice %arg5[%add3A_85, %dma_wait3A_91] : memref<8192x128xf32, #tpu.memory_space<hbm>> -> memref<128x128xf32, #tpu.memory_space<hbm>>
      %dma_wait3A_93 = arith.constant 0 : i32
      %dma_wait3A_94 = tpu.memref_slice %arg5[%add3A_85, %dma_wait3A_93] : memref<8192x128xf32, #tpu.memory_space<hbm>> -> memref<128x128xf32, #tpu.memory_space<hbm>>
      tpu.wait_dma2 semaphore(%run_scoped3A_86 : memref<!tpu.dma_semaphore, #tpu.memory_space<semaphore_mem>>) src(%arg11 : memref<128x128xf32, #tpu.memory_space<vmem>>) dst(%dma_wait3A_94 : memref<128x128xf32, #tpu.memory_space<hbm>>)
      tpu.yield
    }) : () -> ()
    return
  }
}

#map = affine_map<(d0, d1) -> (0, 0)>
#map1 = affine_map<(d0, d1) -> (0, 0, 0)>
module attributes {stable_mosaic.version = 14 : i64} {
  func.func @seg(%arg0: i32, %arg1: i32, %arg2: memref<16384x128xf32, #tpu.memory_space<hbm>>, %arg3: memref<512x1x128xi32, #tpu.memory_space<hbm>>, %arg4: memref<512x1x128xi32, #tpu.memory_space<hbm>>, %arg5: memref<16384x128xf32, #tpu.memory_space<hbm>>, %arg6: memref<32x1x128xi32, #tpu.memory_space<vmem>>, %arg7: memref<32x1x128xi32, #tpu.memory_space<vmem>>, %arg8: memref<128x128xf32, #tpu.memory_space<vmem>>, %arg9: memref<128x128xf32, #tpu.memory_space<vmem>>, %arg10: memref<4096x128xf32, #tpu.memory_space<vmem_shared>>, %arg11: memref<128x128xf32, #tpu.memory_space<vmem>>, %arg12: memref<!tpu.dma_semaphore, #tpu.memory_space<semaphore_mem>>, %arg13: memref<!tpu.dma_semaphore, #tpu.memory_space<semaphore_mem>>) attributes {dimension_semantics = [#tpu.dimension_semantics<core_parallel>, #tpu.dimension_semantics<subcore_parallel>], iteration_bounds = array<i64: 2, 16>, scalar_prefetch = 0 : i64, scratch_operands = 8 : i64, tpu.core_type = #tpu.core_type<sc_vector_subcore>, window_params = [{transform_indices = #map}, {transform_indices = #map1}, {transform_indices = #map1}, {transform_indices = #map}]} {
    %mul3A = arith.constant 4096 : i32
    %mul3A_0 = arith.muli %arg1, %mul3A : i32
    %jit3A = arith.constant 128 : i32
    %div3A = arith.divsi %mul3A_0, %jit3A : i32
    %sign3A = arith.constant 0 : i32
    %sign3A_1 = arith.cmpi sgt, %mul3A_0, %sign3A : i32
    %sign3A_2 = arith.extui %sign3A_1 : i1 to i32
    %sign3A_3 = arith.constant 0 : i32
    %sign3A_4 = arith.cmpi slt, %mul3A_0, %sign3A_3 : i32
    %sign3A_5 = arith.extui %sign3A_4 : i1 to i32
    %sign3A_6 = arith.subi %sign3A_2, %sign3A_5 : i32
    %sign3A_7 = arith.constant 0 : i32
    %sign3A_8 = arith.cmpi sgt, %jit3A, %sign3A_7 : i32
    %sign3A_9 = arith.extui %sign3A_8 : i1 to i32
    %sign3A_10 = arith.constant 0 : i32
    %sign3A_11 = arith.cmpi slt, %jit3A, %sign3A_10 : i32
    %sign3A_12 = arith.extui %sign3A_11 : i1 to i32
    %sign3A_13 = arith.subi %sign3A_9, %sign3A_12 : i32
    %ne3A = arith.cmpi ne, %sign3A_6, %sign3A_13 : i32
    %rem3A = arith.remsi %mul3A_0, %jit3A : i32
    %ne3A_14 = arith.constant 0 : i32
    %ne3A_15 = arith.cmpi ne, %rem3A, %ne3A_14 : i32
    %and3A = arith.andi %ne3A, %ne3A_15 : i1
    %sub3A = arith.constant 1 : i32
    %sub3A_16 = arith.subi %div3A, %sub3A : i32
    %select_n3A = arith.select %and3A, %sub3A_16, %div3A : i32
    "tpu.region"() ({
      %run_scoped3A_146 = tpu.sem_alloc : memref<!tpu.dma_semaphore, #tpu.memory_space<semaphore_mem>>
      %dma_start3A_147 = arith.constant 0 : i32
      %dma_start3A_148 = arith.constant 0 : i32
      %dma_start3A_149 = tpu.memref_slice %arg4[%select_n3A, %dma_start3A_147, %dma_start3A_148] : memref<512x1x128xi32, #tpu.memory_space<hbm>> -> memref<32x1x128xi32, #tpu.memory_space<hbm>>
      %dma_start3A_150 = arith.constant 0 : i32
      %dma_start3A_151 = arith.constant 0 : i32
      %dma_start3A_152 = tpu.memref_slice %arg4[%select_n3A, %dma_start3A_150, %dma_start3A_151] : memref<512x1x128xi32, #tpu.memory_space<hbm>> -> memref<32x1x128xi32, #tpu.memory_space<hbm>>
      tpu.enqueue_dma source(%dma_start3A_152 : memref<32x1x128xi32, #tpu.memory_space<hbm>>) target(%arg7 : memref<32x1x128xi32, #tpu.memory_space<vmem>>) target_semaphore(%run_scoped3A_146 : memref<!tpu.dma_semaphore, #tpu.memory_space<semaphore_mem>>)
      %dma_wait3A_153 = arith.constant 0 : i32
      %dma_wait3A_154 = arith.constant 0 : i32
      %dma_wait3A_155 = tpu.memref_slice %arg4[%select_n3A, %dma_wait3A_153, %dma_wait3A_154] : memref<512x1x128xi32, #tpu.memory_space<hbm>> -> memref<32x1x128xi32, #tpu.memory_space<hbm>>
      %dma_wait3A_156 = arith.constant 0 : i32
      %dma_wait3A_157 = arith.constant 0 : i32
      %dma_wait3A_158 = tpu.memref_slice %arg4[%select_n3A, %dma_wait3A_156, %dma_wait3A_157] : memref<512x1x128xi32, #tpu.memory_space<hbm>> -> memref<32x1x128xi32, #tpu.memory_space<hbm>>
      tpu.wait_dma2 semaphore(%run_scoped3A_146 : memref<!tpu.dma_semaphore, #tpu.memory_space<semaphore_mem>>) src(%dma_wait3A_158 : memref<32x1x128xi32, #tpu.memory_space<hbm>>) dst(%arg7 : memref<32x1x128xi32, #tpu.memory_space<vmem>>)
      tpu.yield
    }) : () -> ()
    "tpu.region"() ({
      %run_scoped3A_146 = tpu.sem_alloc : memref<!tpu.dma_semaphore, #tpu.memory_space<semaphore_mem>>
      %dma_start3A_147 = arith.constant 0 : i32
      %dma_start3A_148 = arith.constant 0 : i32
      %dma_start3A_149 = tpu.memref_slice %arg3[%select_n3A, %dma_start3A_147, %dma_start3A_148] : memref<512x1x128xi32, #tpu.memory_space<hbm>> -> memref<32x1x128xi32, #tpu.memory_space<hbm>>
      %dma_start3A_150 = arith.constant 0 : i32
      %dma_start3A_151 = arith.constant 0 : i32
      %dma_start3A_152 = tpu.memref_slice %arg3[%select_n3A, %dma_start3A_150, %dma_start3A_151] : memref<512x1x128xi32, #tpu.memory_space<hbm>> -> memref<32x1x128xi32, #tpu.memory_space<hbm>>
      tpu.enqueue_dma source(%dma_start3A_152 : memref<32x1x128xi32, #tpu.memory_space<hbm>>) target(%arg6 : memref<32x1x128xi32, #tpu.memory_space<vmem>>) target_semaphore(%run_scoped3A_146 : memref<!tpu.dma_semaphore, #tpu.memory_space<semaphore_mem>>)
      %dma_wait3A_153 = arith.constant 0 : i32
      %dma_wait3A_154 = arith.constant 0 : i32
      %dma_wait3A_155 = tpu.memref_slice %arg3[%select_n3A, %dma_wait3A_153, %dma_wait3A_154] : memref<512x1x128xi32, #tpu.memory_space<hbm>> -> memref<32x1x128xi32, #tpu.memory_space<hbm>>
      %dma_wait3A_156 = arith.constant 0 : i32
      %dma_wait3A_157 = arith.constant 0 : i32
      %dma_wait3A_158 = tpu.memref_slice %arg3[%select_n3A, %dma_wait3A_156, %dma_wait3A_157] : memref<512x1x128xi32, #tpu.memory_space<hbm>> -> memref<32x1x128xi32, #tpu.memory_space<hbm>>
      tpu.wait_dma2 semaphore(%run_scoped3A_146 : memref<!tpu.dma_semaphore, #tpu.memory_space<semaphore_mem>>) src(%dma_wait3A_158 : memref<32x1x128xi32, #tpu.memory_space<hbm>>) dst(%arg6 : memref<32x1x128xi32, #tpu.memory_space<vmem>>)
      tpu.yield
    }) : () -> ()
    %mul3A_17 = arith.constant 2 : i32
    %mul3A_18 = arith.muli %arg0, %mul3A_17 : i32
    %mul3A_19 = arith.constant 4096 : i32
    %mul3A_20 = arith.muli %mul3A_18, %mul3A_19 : i32
    %scan3A = arith.constant 0 : i32
    %scan3A_21 = arith.constant 0 : i32
    %scan3A_22 = arith.constant 32 : i32
    %scan3A_23 = arith.addi %scan3A_21, %scan3A_22 : i32
    %scan3A_24 = arith.constant 1 : i32
    scf.for %scan3A_146 = %scan3A_21 to %scan3A_23 step %scan3A_24  : i32 {
      %get3A = arith.constant 0 : i32
      %get3A_147 = arith.index_cast %scan3A_146 : i32 to index
      %get3A_148 = arith.index_cast %get3A : i32 to index
      %get3A_149 = arith.constant 0 : index
      %get3A_150 = tpu.vector_load %arg6[%get3A_147, %get3A_148, %get3A_149] {strides = array<i32>} : memref<32x1x128xi32, #tpu.memory_space<vmem>>, vector<1x1x16xi32>,
      %get3A_151 = vector.shape_cast %get3A_150 : vector<1x1x16xi32> to vector<16xi32>
      %add3A_152 = vector.broadcast %mul3A_20 : i32 to vector<16xi32>
      %add3A_153 = arith.addi %get3A_151, %add3A_152 : vector<16xi32>
      %swap3A = arith.constant 0 : i32
      %swap3A_154 = arith.index_cast %scan3A_146 : i32 to index
      %swap3A_155 = arith.index_cast %swap3A : i32 to index
      %swap3A_156 = arith.constant 0 : index
      %swap3A_157 = tpu.vector_load %arg6[%swap3A_154, %swap3A_155, %swap3A_156] {strides = array<i32>} : memref<32x1x128xi32, #tpu.memory_space<vmem>>, vector<1x1x16xi32>,
      %swap3A_158 = vector.shape_cast %swap3A_157 : vector<1x1x16xi32> to vector<16xi32>
      %swap3A_159 = vector.shape_cast %add3A_153 : vector<16xi32> to vector<1x1x16xi32>
      tpu.vector_store %arg6[%swap3A_154, %swap3A_155, %swap3A_156], %swap3A_159 {strides = array<i32>} : memref<32x1x128xi32, #tpu.memory_space<vmem>>, vector<1x1x16xi32>,
      %get3A_160 = arith.constant 0 : i32
      %get3A_161 = arith.index_cast %scan3A_146 : i32 to index
      %get3A_162 = arith.index_cast %get3A_160 : i32 to index
      %get3A_163 = arith.constant 16 : index
      %get3A_164 = tpu.vector_load %arg6[%get3A_161, %get3A_162, %get3A_163] {strides = array<i32>} : memref<32x1x128xi32, #tpu.memory_space<vmem>>, vector<1x1x16xi32>,
      %get3A_165 = vector.shape_cast %get3A_164 : vector<1x1x16xi32> to vector<16xi32>
      %add3A_166 = vector.broadcast %mul3A_20 : i32 to vector<16xi32>
      %add3A_167 = arith.addi %get3A_165, %add3A_166 : vector<16xi32>
      %swap3A_168 = arith.constant 0 : i32
      %swap3A_169 = arith.index_cast %scan3A_146 : i32 to index
      %swap3A_170 = arith.index_cast %swap3A_168 : i32 to index
      %swap3A_171 = arith.constant 16 : index
      %swap3A_172 = tpu.vector_load %arg6[%swap3A_169, %swap3A_170, %swap3A_171] {strides = array<i32>} : memref<32x1x128xi32, #tpu.memory_space<vmem>>, vector<1x1x16xi32>,
      %swap3A_173 = vector.shape_cast %swap3A_172 : vector<1x1x16xi32> to vector<16xi32>
      %swap3A_174 = vector.shape_cast %add3A_167 : vector<16xi32> to vector<1x1x16xi32>
      tpu.vector_store %arg6[%swap3A_169, %swap3A_170, %swap3A_171], %swap3A_174 {strides = array<i32>} : memref<32x1x128xi32, #tpu.memory_space<vmem>>, vector<1x1x16xi32>,
      %get3A_175 = arith.constant 0 : i32
      %get3A_176 = arith.index_cast %scan3A_146 : i32 to index
      %get3A_177 = arith.index_cast %get3A_175 : i32 to index
      %get3A_178 = arith.constant 32 : index
      %get3A_179 = tpu.vector_load %arg6[%get3A_176, %get3A_177, %get3A_178] {strides = array<i32>} : memref<32x1x128xi32, #tpu.memory_space<vmem>>, vector<1x1x16xi32>,
      %get3A_180 = vector.shape_cast %get3A_179 : vector<1x1x16xi32> to vector<16xi32>
      %add3A_181 = vector.broadcast %mul3A_20 : i32 to vector<16xi32>
      %add3A_182 = arith.addi %get3A_180, %add3A_181 : vector<16xi32>
      %swap3A_183 = arith.constant 0 : i32
      %swap3A_184 = arith.index_cast %scan3A_146 : i32 to index
      %swap3A_185 = arith.index_cast %swap3A_183 : i32 to index
      %swap3A_186 = arith.constant 32 : index
      %swap3A_187 = tpu.vector_load %arg6[%swap3A_184, %swap3A_185, %swap3A_186] {strides = array<i32>} : memref<32x1x128xi32, #tpu.memory_space<vmem>>, vector<1x1x16xi32>,
      %swap3A_188 = vector.shape_cast %swap3A_187 : vector<1x1x16xi32> to vector<16xi32>
      %swap3A_189 = vector.shape_cast %add3A_182 : vector<16xi32> to vector<1x1x16xi32>
      tpu.vector_store %arg6[%swap3A_184, %swap3A_185, %swap3A_186], %swap3A_189 {strides = array<i32>} : memref<32x1x128xi32, #tpu.memory_space<vmem>>, vector<1x1x16xi32>,
      %get3A_190 = arith.constant 0 : i32
      %get3A_191 = arith.index_cast %scan3A_146 : i32 to index
      %get3A_192 = arith.index_cast %get3A_190 : i32 to index
      %get3A_193 = arith.constant 48 : index
      %get3A_194 = tpu.vector_load %arg6[%get3A_191, %get3A_192, %get3A_193] {strides = array<i32>} : memref<32x1x128xi32, #tpu.memory_space<vmem>>, vector<1x1x16xi32>,
      %get3A_195 = vector.shape_cast %get3A_194 : vector<1x1x16xi32> to vector<16xi32>
      %add3A_196 = vector.broadcast %mul3A_20 : i32 to vector<16xi32>
      %add3A_197 = arith.addi %get3A_195, %add3A_196 : vector<16xi32>
      %swap3A_198 = arith.constant 0 : i32
      %swap3A_199 = arith.index_cast %scan3A_146 : i32 to index
      %swap3A_200 = arith.index_cast %swap3A_198 : i32 to index
      %swap3A_201 = arith.constant 48 : index
      %swap3A_202 = tpu.vector_load %arg6[%swap3A_199, %swap3A_200, %swap3A_201] {strides = array<i32>} : memref<32x1x128xi32, #tpu.memory_space<vmem>>, vector<1x1x16xi32>,
      %swap3A_203 = vector.shape_cast %swap3A_202 : vector<1x1x16xi32> to vector<16xi32>
      %swap3A_204 = vector.shape_cast %add3A_197 : vector<16xi32> to vector<1x1x16xi32>
      tpu.vector_store %arg6[%swap3A_199, %swap3A_200, %swap3A_201], %swap3A_204 {strides = array<i32>} : memref<32x1x128xi32, #tpu.memory_space<vmem>>, vector<1x1x16xi32>,
      %get3A_205 = arith.constant 0 : i32
      %get3A_206 = arith.index_cast %scan3A_146 : i32 to index
      %get3A_207 = arith.index_cast %get3A_205 : i32 to index
      %get3A_208 = arith.constant 64 : index
      %get3A_209 = tpu.vector_load %arg6[%get3A_206, %get3A_207, %get3A_208] {strides = array<i32>} : memref<32x1x128xi32, #tpu.memory_space<vmem>>, vector<1x1x16xi32>,
      %get3A_210 = vector.shape_cast %get3A_209 : vector<1x1x16xi32> to vector<16xi32>
      %add3A_211 = vector.broadcast %mul3A_20 : i32 to vector<16xi32>
      %add3A_212 = arith.addi %get3A_210, %add3A_211 : vector<16xi32>
      %swap3A_213 = arith.constant 0 : i32
      %swap3A_214 = arith.index_cast %scan3A_146 : i32 to index
      %swap3A_215 = arith.index_cast %swap3A_213 : i32 to index
      %swap3A_216 = arith.constant 64 : index
      %swap3A_217 = tpu.vector_load %arg6[%swap3A_214, %swap3A_215, %swap3A_216] {strides = array<i32>} : memref<32x1x128xi32, #tpu.memory_space<vmem>>, vector<1x1x16xi32>,
      %swap3A_218 = vector.shape_cast %swap3A_217 : vector<1x1x16xi32> to vector<16xi32>
      %swap3A_219 = vector.shape_cast %add3A_212 : vector<16xi32> to vector<1x1x16xi32>
      tpu.vector_store %arg6[%swap3A_214, %swap3A_215, %swap3A_216], %swap3A_219 {strides = array<i32>} : memref<32x1x128xi32, #tpu.memory_space<vmem>>, vector<1x1x16xi32>,
      %get3A_220 = arith.constant 0 : i32
      %get3A_221 = arith.index_cast %scan3A_146 : i32 to index
      %get3A_222 = arith.index_cast %get3A_220 : i32 to index
      %get3A_223 = arith.constant 80 : index
      %get3A_224 = tpu.vector_load %arg6[%get3A_221, %get3A_222, %get3A_223] {strides = array<i32>} : memref<32x1x128xi32, #tpu.memory_space<vmem>>, vector<1x1x16xi32>,
      %get3A_225 = vector.shape_cast %get3A_224 : vector<1x1x16xi32> to vector<16xi32>
      %add3A_226 = vector.broadcast %mul3A_20 : i32 to vector<16xi32>
      %add3A_227 = arith.addi %get3A_225, %add3A_226 : vector<16xi32>
      %swap3A_228 = arith.constant 0 : i32
      %swap3A_229 = arith.index_cast %scan3A_146 : i32 to index
      %swap3A_230 = arith.index_cast %swap3A_228 : i32 to index
      %swap3A_231 = arith.constant 80 : index
      %swap3A_232 = tpu.vector_load %arg6[%swap3A_229, %swap3A_230, %swap3A_231] {strides = array<i32>} : memref<32x1x128xi32, #tpu.memory_space<vmem>>, vector<1x1x16xi32>,
      %swap3A_233 = vector.shape_cast %swap3A_232 : vector<1x1x16xi32> to vector<16xi32>
      %swap3A_234 = vector.shape_cast %add3A_227 : vector<16xi32> to vector<1x1x16xi32>
      tpu.vector_store %arg6[%swap3A_229, %swap3A_230, %swap3A_231], %swap3A_234 {strides = array<i32>} : memref<32x1x128xi32, #tpu.memory_space<vmem>>, vector<1x1x16xi32>,
      %get3A_235 = arith.constant 0 : i32
      %get3A_236 = arith.index_cast %scan3A_146 : i32 to index
      %get3A_237 = arith.index_cast %get3A_235 : i32 to index
      %get3A_238 = arith.constant 96 : index
      %get3A_239 = tpu.vector_load %arg6[%get3A_236, %get3A_237, %get3A_238] {strides = array<i32>} : memref<32x1x128xi32, #tpu.memory_space<vmem>>, vector<1x1x16xi32>,
      %get3A_240 = vector.shape_cast %get3A_239 : vector<1x1x16xi32> to vector<16xi32>
      %add3A_241 = vector.broadcast %mul3A_20 : i32 to vector<16xi32>
      %add3A_242 = arith.addi %get3A_240, %add3A_241 : vector<16xi32>
      %swap3A_243 = arith.constant 0 : i32
      %swap3A_244 = arith.index_cast %scan3A_146 : i32 to index
      %swap3A_245 = arith.index_cast %swap3A_243 : i32 to index
      %swap3A_246 = arith.constant 96 : index
      %swap3A_247 = tpu.vector_load %arg6[%swap3A_244, %swap3A_245, %swap3A_246] {strides = array<i32>} : memref<32x1x128xi32, #tpu.memory_space<vmem>>, vector<1x1x16xi32>,
      %swap3A_248 = vector.shape_cast %swap3A_247 : vector<1x1x16xi32> to vector<16xi32>
      %swap3A_249 = vector.shape_cast %add3A_242 : vector<16xi32> to vector<1x1x16xi32>
      tpu.vector_store %arg6[%swap3A_244, %swap3A_245, %swap3A_246], %swap3A_249 {strides = array<i32>} : memref<32x1x128xi32, #tpu.memory_space<vmem>>, vector<1x1x16xi32>,
      %get3A_250 = arith.constant 0 : i32
      %get3A_251 = arith.index_cast %scan3A_146 : i32 to index
      %get3A_252 = arith.index_cast %get3A_250 : i32 to index
      %get3A_253 = arith.constant 112 : index
      %get3A_254 = tpu.vector_load %arg6[%get3A_251, %get3A_252, %get3A_253] {strides = array<i32>} : memref<32x1x128xi32, #tpu.memory_space<vmem>>, vector<1x1x16xi32>,
      %get3A_255 = vector.shape_cast %get3A_254 : vector<1x1x16xi32> to vector<16xi32>
      %add3A_256 = vector.broadcast %mul3A_20 : i32 to vector<16xi32>
      %add3A_257 = arith.addi %get3A_255, %add3A_256 : vector<16xi32>
      %swap3A_258 = arith.constant 0 : i32
      %swap3A_259 = arith.index_cast %scan3A_146 : i32 to index
      %swap3A_260 = arith.index_cast %swap3A_258 : i32 to index
      %swap3A_261 = arith.constant 112 : index
      %swap3A_262 = tpu.vector_load %arg6[%swap3A_259, %swap3A_260, %swap3A_261] {strides = array<i32>} : memref<32x1x128xi32, #tpu.memory_space<vmem>>, vector<1x1x16xi32>,
      %swap3A_263 = vector.shape_cast %swap3A_262 : vector<1x1x16xi32> to vector<16xi32>
      %swap3A_264 = vector.shape_cast %add3A_257 : vector<16xi32> to vector<1x1x16xi32>
      tpu.vector_store %arg6[%swap3A_259, %swap3A_260, %swap3A_261], %swap3A_264 {strides = array<i32>} : memref<32x1x128xi32, #tpu.memory_space<vmem>>, vector<1x1x16xi32>,
    }
    %scan3A_25 = arith.constant 32 : i32
    %broadcast_in_dim3A = arith.constant 0.000000e+00 : f32
    %broadcast_in_dim3A_26 = vector.broadcast %broadcast_in_dim3A : f32 to vector<16xf32>
    %broadcast_in_dim3A_27 = arith.constant 1.000000e+00 : f32
    %broadcast_in_dim3A_28 = vector.broadcast %broadcast_in_dim3A_27 : f32 to vector<16xf32>
    %scan3A_29 = arith.constant 0 : i32
    %scan3A_30 = arith.constant 0 : i32
    %scan3A_31 = arith.constant 128 : i32
    %scan3A_32 = arith.addi %scan3A_30, %scan3A_31 : i32
    %scan3A_33 = arith.constant 1 : i32
    scf.for %scan3A_146 = %scan3A_30 to %scan3A_32 step %scan3A_33  : i32 {
      %swap3A = arith.index_cast %scan3A_146 : i32 to index
      %swap3A_147 = arith.constant 0 : index
      %swap3A_148 = tpu.vector_load %arg9[%swap3A, %swap3A_147] {strides = array<i32>} : memref<128x128xf32, #tpu.memory_space<vmem>>, vector<1x16xf32>,
      %swap3A_149 = vector.shape_cast %swap3A_148 : vector<1x16xf32> to vector<16xf32>
      %swap3A_150 = vector.shape_cast %broadcast_in_dim3A_26 : vector<16xf32> to vector<1x16xf32>
      tpu.vector_store %arg9[%swap3A, %swap3A_147], %swap3A_150 {strides = array<i32>} : memref<128x128xf32, #tpu.memory_space<vmem>>, vector<1x16xf32>,
      %swap3A_151 = arith.index_cast %scan3A_146 : i32 to index
      %swap3A_152 = arith.constant 16 : index
      %swap3A_153 = tpu.vector_load %arg9[%swap3A_151, %swap3A_152] {strides = array<i32>} : memref<128x128xf32, #tpu.memory_space<vmem>>, vector<1x16xf32>,
      %swap3A_154 = vector.shape_cast %swap3A_153 : vector<1x16xf32> to vector<16xf32>
      %swap3A_155 = vector.shape_cast %broadcast_in_dim3A_26 : vector<16xf32> to vector<1x16xf32>
      tpu.vector_store %arg9[%swap3A_151, %swap3A_152], %swap3A_155 {strides = array<i32>} : memref<128x128xf32, #tpu.memory_space<vmem>>, vector<1x16xf32>,
      %swap3A_156 = arith.index_cast %scan3A_146 : i32 to index
      %swap3A_157 = arith.constant 32 : index
      %swap3A_158 = tpu.vector_load %arg9[%swap3A_156, %swap3A_157] {strides = array<i32>} : memref<128x128xf32, #tpu.memory_space<vmem>>, vector<1x16xf32>,
      %swap3A_159 = vector.shape_cast %swap3A_158 : vector<1x16xf32> to vector<16xf32>
      %swap3A_160 = vector.shape_cast %broadcast_in_dim3A_26 : vector<16xf32> to vector<1x16xf32>
      tpu.vector_store %arg9[%swap3A_156, %swap3A_157], %swap3A_160 {strides = array<i32>} : memref<128x128xf32, #tpu.memory_space<vmem>>, vector<1x16xf32>,
      %swap3A_161 = arith.index_cast %scan3A_146 : i32 to index
      %swap3A_162 = arith.constant 48 : index
      %swap3A_163 = tpu.vector_load %arg9[%swap3A_161, %swap3A_162] {strides = array<i32>} : memref<128x128xf32, #tpu.memory_space<vmem>>, vector<1x16xf32>,
      %swap3A_164 = vector.shape_cast %swap3A_163 : vector<1x16xf32> to vector<16xf32>
      %swap3A_165 = vector.shape_cast %broadcast_in_dim3A_26 : vector<16xf32> to vector<1x16xf32>
      tpu.vector_store %arg9[%swap3A_161, %swap3A_162], %swap3A_165 {strides = array<i32>} : memref<128x128xf32, #tpu.memory_space<vmem>>, vector<1x16xf32>,
      %swap3A_166 = arith.index_cast %scan3A_146 : i32 to index
      %swap3A_167 = arith.constant 64 : index
      %swap3A_168 = tpu.vector_load %arg9[%swap3A_166, %swap3A_167] {strides = array<i32>} : memref<128x128xf32, #tpu.memory_space<vmem>>, vector<1x16xf32>,
      %swap3A_169 = vector.shape_cast %swap3A_168 : vector<1x16xf32> to vector<16xf32>
      %swap3A_170 = vector.shape_cast %broadcast_in_dim3A_26 : vector<16xf32> to vector<1x16xf32>
      tpu.vector_store %arg9[%swap3A_166, %swap3A_167], %swap3A_170 {strides = array<i32>} : memref<128x128xf32, #tpu.memory_space<vmem>>, vector<1x16xf32>,
      %swap3A_171 = arith.index_cast %scan3A_146 : i32 to index
      %swap3A_172 = arith.constant 80 : index
      %swap3A_173 = tpu.vector_load %arg9[%swap3A_171, %swap3A_172] {strides = array<i32>} : memref<128x128xf32, #tpu.memory_space<vmem>>, vector<1x16xf32>,
      %swap3A_174 = vector.shape_cast %swap3A_173 : vector<1x16xf32> to vector<16xf32>
      %swap3A_175 = vector.shape_cast %broadcast_in_dim3A_26 : vector<16xf32> to vector<1x16xf32>
      tpu.vector_store %arg9[%swap3A_171, %swap3A_172], %swap3A_175 {strides = array<i32>} : memref<128x128xf32, #tpu.memory_space<vmem>>, vector<1x16xf32>,
      %swap3A_176 = arith.index_cast %scan3A_146 : i32 to index
      %swap3A_177 = arith.constant 96 : index
      %swap3A_178 = tpu.vector_load %arg9[%swap3A_176, %swap3A_177] {strides = array<i32>} : memref<128x128xf32, #tpu.memory_space<vmem>>, vector<1x16xf32>,
      %swap3A_179 = vector.shape_cast %swap3A_178 : vector<1x16xf32> to vector<16xf32>
      %swap3A_180 = vector.shape_cast %broadcast_in_dim3A_26 : vector<16xf32> to vector<1x16xf32>
      tpu.vector_store %arg9[%swap3A_176, %swap3A_177], %swap3A_180 {strides = array<i32>} : memref<128x128xf32, #tpu.memory_space<vmem>>, vector<1x16xf32>,
      %swap3A_181 = arith.index_cast %scan3A_146 : i32 to index
      %swap3A_182 = arith.constant 112 : index
      %swap3A_183 = tpu.vector_load %arg9[%swap3A_181, %swap3A_182] {strides = array<i32>} : memref<128x128xf32, #tpu.memory_space<vmem>>, vector<1x16xf32>,
      %swap3A_184 = vector.shape_cast %swap3A_183 : vector<1x16xf32> to vector<16xf32>
      %swap3A_185 = vector.shape_cast %broadcast_in_dim3A_26 : vector<16xf32> to vector<1x16xf32>
      tpu.vector_store %arg9[%swap3A_181, %swap3A_182], %swap3A_185 {strides = array<i32>} : memref<128x128xf32, #tpu.memory_space<vmem>>, vector<1x16xf32>,
    }
    %scan3A_34 = arith.constant 128 : i32
    %mul3A_35 = arith.constant 256 : i32
    %mul3A_36 = arith.muli %arg1, %mul3A_35 : i32
    "tpu.region"() ({
      %run_scoped3A_146 = tpu.sem_alloc : memref<!tpu.dma_semaphore, #tpu.memory_space<semaphore_mem>>
      %dma_start3A_147 = arith.constant 0 : i32
      %dma_start3A_148 = tpu.memref_slice %arg10[%mul3A_36, %dma_start3A_147] : memref<4096x128xf32, #tpu.memory_space<vmem_shared>> -> memref<128x128xf32, #tpu.memory_space<vmem_shared>>
      %dma_start3A_149 = arith.constant 0 : i32
      %dma_start3A_150 = tpu.memref_slice %arg10[%mul3A_36, %dma_start3A_149] : memref<4096x128xf32, #tpu.memory_space<vmem_shared>> -> memref<128x128xf32, #tpu.memory_space<vmem_shared>>
      tpu.enqueue_dma source(%arg9 : memref<128x128xf32, #tpu.memory_space<vmem>>) target(%dma_start3A_150 : memref<128x128xf32, #tpu.memory_space<vmem_shared>>) target_semaphore(%run_scoped3A_146 : memref<!tpu.dma_semaphore, #tpu.memory_space<semaphore_mem>>)
      %dma_wait3A_151 = arith.constant 0 : i32
      %dma_wait3A_152 = tpu.memref_slice %arg10[%mul3A_36, %dma_wait3A_151] : memref<4096x128xf32, #tpu.memory_space<vmem_shared>> -> memref<128x128xf32, #tpu.memory_space<vmem_shared>>
      %dma_wait3A_153 = arith.constant 0 : i32
      %dma_wait3A_154 = tpu.memref_slice %arg10[%mul3A_36, %dma_wait3A_153] : memref<4096x128xf32, #tpu.memory_space<vmem_shared>> -> memref<128x128xf32, #tpu.memory_space<vmem_shared>>
      tpu.wait_dma2 semaphore(%run_scoped3A_146 : memref<!tpu.dma_semaphore, #tpu.memory_space<semaphore_mem>>) src(%arg9 : memref<128x128xf32, #tpu.memory_space<vmem>>) dst(%dma_wait3A_154 : memref<128x128xf32, #tpu.memory_space<vmem_shared>>)
      tpu.yield
    }) : () -> ()
    %add3A = arith.constant 128 : i32
    %add3A_37 = arith.addi %mul3A_36, %add3A : i32
    "tpu.region"() ({
      %run_scoped3A_146 = tpu.sem_alloc : memref<!tpu.dma_semaphore, #tpu.memory_space<semaphore_mem>>
      %dma_start3A_147 = arith.constant 0 : i32
      %dma_start3A_148 = tpu.memref_slice %arg10[%add3A_37, %dma_start3A_147] : memref<4096x128xf32, #tpu.memory_space<vmem_shared>> -> memref<128x128xf32, #tpu.memory_space<vmem_shared>>
      %dma_start3A_149 = arith.constant 0 : i32
      %dma_start3A_150 = tpu.memref_slice %arg10[%add3A_37, %dma_start3A_149] : memref<4096x128xf32, #tpu.memory_space<vmem_shared>> -> memref<128x128xf32, #tpu.memory_space<vmem_shared>>
      tpu.enqueue_dma source(%arg9 : memref<128x128xf32, #tpu.memory_space<vmem>>) target(%dma_start3A_150 : memref<128x128xf32, #tpu.memory_space<vmem_shared>>) target_semaphore(%run_scoped3A_146 : memref<!tpu.dma_semaphore, #tpu.memory_space<semaphore_mem>>)
      %dma_wait3A_151 = arith.constant 0 : i32
      %dma_wait3A_152 = tpu.memref_slice %arg10[%add3A_37, %dma_wait3A_151] : memref<4096x128xf32, #tpu.memory_space<vmem_shared>> -> memref<128x128xf32, #tpu.memory_space<vmem_shared>>
      %dma_wait3A_153 = arith.constant 0 : i32
      %dma_wait3A_154 = tpu.memref_slice %arg10[%add3A_37, %dma_wait3A_153] : memref<4096x128xf32, #tpu.memory_space<vmem_shared>> -> memref<128x128xf32, #tpu.memory_space<vmem_shared>>
      tpu.wait_dma2 semaphore(%run_scoped3A_146 : memref<!tpu.dma_semaphore, #tpu.memory_space<semaphore_mem>>) src(%arg9 : memref<128x128xf32, #tpu.memory_space<vmem>>) dst(%dma_wait3A_154 : memref<128x128xf32, #tpu.memory_space<vmem_shared>>)
      tpu.yield
    }) : () -> ()
    %barrier3A = arith.constant 0 : index
    tpu.barrier barrier_id(%barrier3A)
    %dma_start3A = arith.constant 0 : i32
    %dma_start3A_38 = arith.constant 0 : i32
    %dma_start3A_39 = arith.constant 0 : i32
    %dma_start3A_40 = tpu.memref_slice %arg6[%dma_start3A, %dma_start3A_38, %dma_start3A_39] : memref<32x1x128xi32, #tpu.memory_space<vmem>> -> memref<1x1x128xi32, #tpu.memory_space<vmem>>
    %dma_start3A_41 = tpu.memref_squeeze %dma_start3A_40 : memref<1x1x128xi32, #tpu.memory_space<vmem>> -> memref<128xi32, #tpu.memory_space<vmem>>
    %dma_start3A_42 = arith.constant 0 : i32
    %dma_start3A_43 = arith.constant 0 : i32
    %dma_start3A_44 = tpu.memref_slice %arg2[%dma_start3A_42, %dma_start3A_43] : memref<16384x128xf32, #tpu.memory_space<hbm>> -> memref<16384x128xf32, #tpu.memory_space<hbm>>
    tpu.enqueue_indirect_dma source(%dma_start3A_44 : memref<16384x128xf32, #tpu.memory_space<hbm>>) target(%arg8 : memref<128x128xf32, #tpu.memory_space<vmem>>) offsets(%dma_start3A_41 : memref<128xi32, #tpu.memory_space<vmem>>) semaphore(%arg12 : memref<!tpu.dma_semaphore, #tpu.memory_space<semaphore_mem>>)
    %scan3A_45 = arith.constant 0 : i32
    %scan3A_46 = arith.constant 0 : i32
    %scan3A_47 = arith.constant 15 : i32
    %scan3A_48 = arith.addi %scan3A_46, %scan3A_47 : i32
    %scan3A_49 = arith.constant 1 : i32
    scf.for %scan3A_146 = %scan3A_46 to %scan3A_48 step %scan3A_49  : i32 {
      %mul3A_147 = arith.constant 2 : i32
      %mul3A_148 = arith.muli %mul3A_147, %scan3A_146 : i32
      %add3A_149 = arith.constant 1 : i32
      %add3A_150 = arith.addi %mul3A_148, %add3A_149 : i32
      %dma_start3A_151 = arith.constant 0 : i32
      %dma_start3A_152 = arith.constant 0 : i32
      %dma_start3A_153 = tpu.memref_slice %arg6[%add3A_150, %dma_start3A_151, %dma_start3A_152] : memref<32x1x128xi32, #tpu.memory_space<vmem>> -> memref<1x1x128xi32, #tpu.memory_space<vmem>>
      %dma_start3A_154 = tpu.memref_squeeze %dma_start3A_153 : memref<1x1x128xi32, #tpu.memory_space<vmem>> -> memref<128xi32, #tpu.memory_space<vmem>>
      %dma_start3A_155 = arith.constant 0 : i32
      %dma_start3A_156 = arith.constant 0 : i32
      %dma_start3A_157 = tpu.memref_slice %arg2[%dma_start3A_155, %dma_start3A_156] : memref<16384x128xf32, #tpu.memory_space<hbm>> -> memref<16384x128xf32, #tpu.memory_space<hbm>>
      tpu.enqueue_indirect_dma source(%dma_start3A_157 : memref<16384x128xf32, #tpu.memory_space<hbm>>) target(%arg11 : memref<128x128xf32, #tpu.memory_space<vmem>>) offsets(%dma_start3A_154 : memref<128xi32, #tpu.memory_space<vmem>>) semaphore(%arg13 : memref<!tpu.dma_semaphore, #tpu.memory_space<semaphore_mem>>)
      %dma_wait3A_158 = arith.constant 0 : i32
      %dma_wait3A_159 = arith.constant 0 : i32
      %dma_wait3A_160 = tpu.memref_slice %arg2[%dma_wait3A_158, %dma_wait3A_159] : memref<16384x128xf32, #tpu.memory_space<hbm>> -> memref<128x128xf32, #tpu.memory_space<hbm>>
      %dma_wait3A_161 = arith.constant 0 : i32
      %dma_wait3A_162 = arith.constant 0 : i32
      %dma_wait3A_163 = tpu.memref_slice %arg2[%dma_wait3A_161, %dma_wait3A_162] : memref<16384x128xf32, #tpu.memory_space<hbm>> -> memref<128x128xf32, #tpu.memory_space<hbm>>
      tpu.wait_dma2 semaphore(%arg12 : memref<!tpu.dma_semaphore, #tpu.memory_space<semaphore_mem>>) src(%dma_wait3A_163 : memref<128x128xf32, #tpu.memory_space<hbm>>) dst(%arg8 : memref<128x128xf32, #tpu.memory_space<vmem>>)
      %mul3A_164 = arith.constant 2 : i32
      %mul3A_165 = arith.muli %mul3A_164, %scan3A_146 : i32
      %run_scoped3A_166 = arith.constant 0 : i32
      "tpu.region"() ({
        %run_scoped3A_189 = tpu.sem_alloc : memref<!tpu.dma_semaphore, #tpu.memory_space<semaphore_mem>>
        %dma_start3A_190 = arith.constant 0 : i32
        %dma_start3A_191 = tpu.memref_slice %arg7[%mul3A_165, %run_scoped3A_166, %dma_start3A_190] : memref<32x1x128xi32, #tpu.memory_space<vmem>> -> memref<1x1x128xi32, #tpu.memory_space<vmem>>
        %dma_start3A_192 = tpu.memref_squeeze %dma_start3A_191 : memref<1x1x128xi32, #tpu.memory_space<vmem>> -> memref<128xi32, #tpu.memory_space<vmem>>
        %dma_start3A_193 = arith.constant 0 : i32
        %dma_start3A_194 = arith.constant 0 : i32
        %dma_start3A_195 = tpu.memref_slice %arg10[%dma_start3A_193, %dma_start3A_194] : memref<4096x128xf32, #tpu.memory_space<vmem_shared>> -> memref<4096x128xf32, #tpu.memory_space<vmem_shared>>
        tpu.enqueue_indirect_dma source(%arg8 : memref<128x128xf32, #tpu.memory_space<vmem>>) target(%dma_start3A_195 : memref<4096x128xf32, #tpu.memory_space<vmem_shared>>) offsets(%dma_start3A_192 : memref<128xi32, #tpu.memory_space<vmem>>) semaphore(%run_scoped3A_189 : memref<!tpu.dma_semaphore, #tpu.memory_space<semaphore_mem>>) {add = true}
        %dma_wait3A_196 = arith.constant 0 : i32
        %dma_wait3A_197 = tpu.memref_slice %arg7[%mul3A_165, %run_scoped3A_166, %dma_wait3A_196] : memref<32x1x128xi32, #tpu.memory_space<vmem>> -> memref<1x1x128xi32, #tpu.memory_space<vmem>>
        %dma_wait3A_198 = tpu.memref_squeeze %dma_wait3A_197 : memref<1x1x128xi32, #tpu.memory_space<vmem>> -> memref<128xi32, #tpu.memory_space<vmem>>
        %dma_wait3A_199 = arith.constant 0 : i32
        %dma_wait3A_200 = arith.constant 0 : i32
        %dma_wait3A_201 = tpu.memref_slice %arg10[%dma_wait3A_199, %dma_wait3A_200] : memref<4096x128xf32, #tpu.memory_space<vmem_shared>> -> memref<4096x128xf32, #tpu.memory_space<vmem_shared>>
        tpu.wait_indirect_dma semaphore(%run_scoped3A_189 : memref<!tpu.dma_semaphore, #tpu.memory_space<semaphore_mem>>) src(%arg8 : memref<128x128xf32, #tpu.memory_space<vmem>>) dst(%dma_wait3A_201 : memref<4096x128xf32, #tpu.memory_space<vmem_shared>>)
        tpu.yield
      }) : () -> ()
      %mul3A_167 = arith.constant 2 : i32
      %mul3A_168 = arith.muli %mul3A_167, %scan3A_146 : i32
      %add3A_169 = arith.constant 2 : i32
      %add3A_170 = arith.addi %mul3A_168, %add3A_169 : i32
      %dma_start3A_171 = arith.constant 0 : i32
      %dma_start3A_172 = arith.constant 0 : i32
      %dma_start3A_173 = tpu.memref_slice %arg6[%add3A_170, %dma_start3A_171, %dma_start3A_172] : memref<32x1x128xi32, #tpu.memory_space<vmem>> -> memref<1x1x128xi32, #tpu.memory_space<vmem>>
      %dma_start3A_174 = tpu.memref_squeeze %dma_start3A_173 : memref<1x1x128xi32, #tpu.memory_space<vmem>> -> memref<128xi32, #tpu.memory_space<vmem>>
      %dma_start3A_175 = arith.constant 0 : i32
      %dma_start3A_176 = arith.constant 0 : i32
      %dma_start3A_177 = tpu.memref_slice %arg2[%dma_start3A_175, %dma_start3A_176] : memref<16384x128xf32, #tpu.memory_space<hbm>> -> memref<16384x128xf32, #tpu.memory_space<hbm>>
      tpu.enqueue_indirect_dma source(%dma_start3A_177 : memref<16384x128xf32, #tpu.memory_space<hbm>>) target(%arg8 : memref<128x128xf32, #tpu.memory_space<vmem>>) offsets(%dma_start3A_174 : memref<128xi32, #tpu.memory_space<vmem>>) semaphore(%arg12 : memref<!tpu.dma_semaphore, #tpu.memory_space<semaphore_mem>>)
      %dma_wait3A_178 = arith.constant 0 : i32
      %dma_wait3A_179 = arith.constant 0 : i32
      %dma_wait3A_180 = tpu.memref_slice %arg2[%dma_wait3A_178, %dma_wait3A_179] : memref<16384x128xf32, #tpu.memory_space<hbm>> -> memref<128x128xf32, #tpu.memory_space<hbm>>
      %dma_wait3A_181 = arith.constant 0 : i32
      %dma_wait3A_182 = arith.constant 0 : i32
      %dma_wait3A_183 = tpu.memref_slice %arg2[%dma_wait3A_181, %dma_wait3A_182] : memref<16384x128xf32, #tpu.memory_space<hbm>> -> memref<128x128xf32, #tpu.memory_space<hbm>>
      tpu.wait_dma2 semaphore(%arg13 : memref<!tpu.dma_semaphore, #tpu.memory_space<semaphore_mem>>) src(%dma_wait3A_183 : memref<128x128xf32, #tpu.memory_space<hbm>>) dst(%arg11 : memref<128x128xf32, #tpu.memory_space<vmem>>)
      %mul3A_184 = arith.constant 2 : i32
      %mul3A_185 = arith.muli %mul3A_184, %scan3A_146 : i32
      %add3A_186 = arith.constant 1 : i32
      %add3A_187 = arith.addi %mul3A_185, %add3A_186 : i32
      %run_scoped3A_188 = arith.constant 0 : i32
      "tpu.region"() ({
        %run_scoped3A_189 = tpu.sem_alloc : memref<!tpu.dma_semaphore, #tpu.memory_space<semaphore_mem>>
        %dma_start3A_190 = arith.constant 0 : i32
        %dma_start3A_191 = tpu.memref_slice %arg7[%add3A_187, %run_scoped3A_188, %dma_start3A_190] : memref<32x1x128xi32, #tpu.memory_space<vmem>> -> memref<1x1x128xi32, #tpu.memory_space<vmem>>
        %dma_start3A_192 = tpu.memref_squeeze %dma_start3A_191 : memref<1x1x128xi32, #tpu.memory_space<vmem>> -> memref<128xi32, #tpu.memory_space<vmem>>
        %dma_start3A_193 = arith.constant 0 : i32
        %dma_start3A_194 = arith.constant 0 : i32
        %dma_start3A_195 = tpu.memref_slice %arg10[%dma_start3A_193, %dma_start3A_194] : memref<4096x128xf32, #tpu.memory_space<vmem_shared>> -> memref<4096x128xf32, #tpu.memory_space<vmem_shared>>
        tpu.enqueue_indirect_dma source(%arg11 : memref<128x128xf32, #tpu.memory_space<vmem>>) target(%dma_start3A_195 : memref<4096x128xf32, #tpu.memory_space<vmem_shared>>) offsets(%dma_start3A_192 : memref<128xi32, #tpu.memory_space<vmem>>) semaphore(%run_scoped3A_189 : memref<!tpu.dma_semaphore, #tpu.memory_space<semaphore_mem>>) {add = true}
        %dma_wait3A_196 = arith.constant 0 : i32
        %dma_wait3A_197 = tpu.memref_slice %arg7[%add3A_187, %run_scoped3A_188, %dma_wait3A_196] : memref<32x1x128xi32, #tpu.memory_space<vmem>> -> memref<1x1x128xi32, #tpu.memory_space<vmem>>
        %dma_wait3A_198 = tpu.memref_squeeze %dma_wait3A_197 : memref<1x1x128xi32, #tpu.memory_space<vmem>> -> memref<128xi32, #tpu.memory_space<vmem>>
        %dma_wait3A_199 = arith.constant 0 : i32
        %dma_wait3A_200 = arith.constant 0 : i32
        %dma_wait3A_201 = tpu.memref_slice %arg10[%dma_wait3A_199, %dma_wait3A_200] : memref<4096x128xf32, #tpu.memory_space<vmem_shared>> -> memref<4096x128xf32, #tpu.memory_space<vmem_shared>>
        tpu.wait_indirect_dma semaphore(%run_scoped3A_189 : memref<!tpu.dma_semaphore, #tpu.memory_space<semaphore_mem>>) src(%arg11 : memref<128x128xf32, #tpu.memory_space<vmem>>) dst(%dma_wait3A_201 : memref<4096x128xf32, #tpu.memory_space<vmem_shared>>)
        tpu.yield
      }) : () -> ()
    }
    %scan3A_50 = arith.constant 15 : i32
    %dma_start3A_51 = arith.constant 31 : i32
    %dma_start3A_52 = arith.constant 0 : i32
    %dma_start3A_53 = arith.constant 0 : i32
    %dma_start3A_54 = tpu.memref_slice %arg6[%dma_start3A_51, %dma_start3A_52, %dma_start3A_53] : memref<32x1x128xi32, #tpu.memory_space<vmem>> -> memref<1x1x128xi32, #tpu.memory_space<vmem>>
    %dma_start3A_55 = tpu.memref_squeeze %dma_start3A_54 : memref<1x1x128xi32, #tpu.memory_space<vmem>> -> memref<128xi32, #tpu.memory_space<vmem>>
    %dma_start3A_56 = arith.constant 0 : i32
    %dma_start3A_57 = arith.constant 0 : i32
    %dma_start3A_58 = tpu.memref_slice %arg2[%dma_start3A_56, %dma_start3A_57] : memref<16384x128xf32, #tpu.memory_space<hbm>> -> memref<16384x128xf32, #tpu.memory_space<hbm>>
    tpu.enqueue_indirect_dma source(%dma_start3A_58 : memref<16384x128xf32, #tpu.memory_space<hbm>>) target(%arg11 : memref<128x128xf32, #tpu.memory_space<vmem>>) offsets(%dma_start3A_55 : memref<128xi32, #tpu.memory_space<vmem>>) semaphore(%arg13 : memref<!tpu.dma_semaphore, #tpu.memory_space<semaphore_mem>>)
    %dma_wait3A = arith.constant 0 : i32
    %dma_wait3A_59 = arith.constant 0 : i32
    %dma_wait3A_60 = tpu.memref_slice %arg2[%dma_wait3A, %dma_wait3A_59] : memref<16384x128xf32, #tpu.memory_space<hbm>> -> memref<128x128xf32, #tpu.memory_space<hbm>>
    %dma_wait3A_61 = arith.constant 0 : i32
    %dma_wait3A_62 = arith.constant 0 : i32
    %dma_wait3A_63 = tpu.memref_slice %arg2[%dma_wait3A_61, %dma_wait3A_62] : memref<16384x128xf32, #tpu.memory_space<hbm>> -> memref<128x128xf32, #tpu.memory_space<hbm>>
    tpu.wait_dma2 semaphore(%arg12 : memref<!tpu.dma_semaphore, #tpu.memory_space<semaphore_mem>>) src(%dma_wait3A_63 : memref<128x128xf32, #tpu.memory_space<hbm>>) dst(%arg8 : memref<128x128xf32, #tpu.memory_space<vmem>>)
    %run_scoped3A = arith.constant 30 : i32
    %run_scoped3A_64 = arith.constant 0 : i32
    "tpu.region"() ({
      %run_scoped3A_146 = tpu.sem_alloc : memref<!tpu.dma_semaphore, #tpu.memory_space<semaphore_mem>>
      %dma_start3A_147 = arith.constant 0 : i32
      %dma_start3A_148 = tpu.memref_slice %arg7[%run_scoped3A, %run_scoped3A_64, %dma_start3A_147] : memref<32x1x128xi32, #tpu.memory_space<vmem>> -> memref<1x1x128xi32, #tpu.memory_space<vmem>>
      %dma_start3A_149 = tpu.memref_squeeze %dma_start3A_148 : memref<1x1x128xi32, #tpu.memory_space<vmem>> -> memref<128xi32, #tpu.memory_space<vmem>>
      %dma_start3A_150 = arith.constant 0 : i32
      %dma_start3A_151 = arith.constant 0 : i32
      %dma_start3A_152 = tpu.memref_slice %arg10[%dma_start3A_150, %dma_start3A_151] : memref<4096x128xf32, #tpu.memory_space<vmem_shared>> -> memref<4096x128xf32, #tpu.memory_space<vmem_shared>>
      tpu.enqueue_indirect_dma source(%arg8 : memref<128x128xf32, #tpu.memory_space<vmem>>) target(%dma_start3A_152 : memref<4096x128xf32, #tpu.memory_space<vmem_shared>>) offsets(%dma_start3A_149 : memref<128xi32, #tpu.memory_space<vmem>>) semaphore(%run_scoped3A_146 : memref<!tpu.dma_semaphore, #tpu.memory_space<semaphore_mem>>) {add = true}
      %dma_wait3A_153 = arith.constant 0 : i32
      %dma_wait3A_154 = tpu.memref_slice %arg7[%run_scoped3A, %run_scoped3A_64, %dma_wait3A_153] : memref<32x1x128xi32, #tpu.memory_space<vmem>> -> memref<1x1x128xi32, #tpu.memory_space<vmem>>
      %dma_wait3A_155 = tpu.memref_squeeze %dma_wait3A_154 : memref<1x1x128xi32, #tpu.memory_space<vmem>> -> memref<128xi32, #tpu.memory_space<vmem>>
      %dma_wait3A_156 = arith.constant 0 : i32
      %dma_wait3A_157 = arith.constant 0 : i32
      %dma_wait3A_158 = tpu.memref_slice %arg10[%dma_wait3A_156, %dma_wait3A_157] : memref<4096x128xf32, #tpu.memory_space<vmem_shared>> -> memref<4096x128xf32, #tpu.memory_space<vmem_shared>>
      tpu.wait_indirect_dma semaphore(%run_scoped3A_146 : memref<!tpu.dma_semaphore, #tpu.memory_space<semaphore_mem>>) src(%arg8 : memref<128x128xf32, #tpu.memory_space<vmem>>) dst(%dma_wait3A_158 : memref<4096x128xf32, #tpu.memory_space<vmem_shared>>)
      tpu.yield
    }) : () -> ()
    %dma_wait3A_65 = arith.constant 0 : i32
    %dma_wait3A_66 = arith.constant 0 : i32
    %dma_wait3A_67 = tpu.memref_slice %arg2[%dma_wait3A_65, %dma_wait3A_66] : memref<16384x128xf32, #tpu.memory_space<hbm>> -> memref<128x128xf32, #tpu.memory_space<hbm>>
    %dma_wait3A_68 = arith.constant 0 : i32
    %dma_wait3A_69 = arith.constant 0 : i32
    %dma_wait3A_70 = tpu.memref_slice %arg2[%dma_wait3A_68, %dma_wait3A_69] : memref<16384x128xf32, #tpu.memory_space<hbm>> -> memref<128x128xf32, #tpu.memory_space<hbm>>
    tpu.wait_dma2 semaphore(%arg13 : memref<!tpu.dma_semaphore, #tpu.memory_space<semaphore_mem>>) src(%dma_wait3A_70 : memref<128x128xf32, #tpu.memory_space<hbm>>) dst(%arg11 : memref<128x128xf32, #tpu.memory_space<vmem>>)
    %run_scoped3A_71 = arith.constant 31 : i32
    %run_scoped3A_72 = arith.constant 0 : i32
    "tpu.region"() ({
      %run_scoped3A_146 = tpu.sem_alloc : memref<!tpu.dma_semaphore, #tpu.memory_space<semaphore_mem>>
      %dma_start3A_147 = arith.constant 0 : i32
      %dma_start3A_148 = tpu.memref_slice %arg7[%run_scoped3A_71, %run_scoped3A_72, %dma_start3A_147] : memref<32x1x128xi32, #tpu.memory_space<vmem>> -> memref<1x1x128xi32, #tpu.memory_space<vmem>>
      %dma_start3A_149 = tpu.memref_squeeze %dma_start3A_148 : memref<1x1x128xi32, #tpu.memory_space<vmem>> -> memref<128xi32, #tpu.memory_space<vmem>>
      %dma_start3A_150 = arith.constant 0 : i32
      %dma_start3A_151 = arith.constant 0 : i32
      %dma_start3A_152 = tpu.memref_slice %arg10[%dma_start3A_150, %dma_start3A_151] : memref<4096x128xf32, #tpu.memory_space<vmem_shared>> -> memref<4096x128xf32, #tpu.memory_space<vmem_shared>>
      tpu.enqueue_indirect_dma source(%arg11 : memref<128x128xf32, #tpu.memory_space<vmem>>) target(%dma_start3A_152 : memref<4096x128xf32, #tpu.memory_space<vmem_shared>>) offsets(%dma_start3A_149 : memref<128xi32, #tpu.memory_space<vmem>>) semaphore(%run_scoped3A_146 : memref<!tpu.dma_semaphore, #tpu.memory_space<semaphore_mem>>) {add = true}
      %dma_wait3A_153 = arith.constant 0 : i32
      %dma_wait3A_154 = tpu.memref_slice %arg7[%run_scoped3A_71, %run_scoped3A_72, %dma_wait3A_153] : memref<32x1x128xi32, #tpu.memory_space<vmem>> -> memref<1x1x128xi32, #tpu.memory_space<vmem>>
      %dma_wait3A_155 = tpu.memref_squeeze %dma_wait3A_154 : memref<1x1x128xi32, #tpu.memory_space<vmem>> -> memref<128xi32, #tpu.memory_space<vmem>>
      %dma_wait3A_156 = arith.constant 0 : i32
      %dma_wait3A_157 = arith.constant 0 : i32
      %dma_wait3A_158 = tpu.memref_slice %arg10[%dma_wait3A_156, %dma_wait3A_157] : memref<4096x128xf32, #tpu.memory_space<vmem_shared>> -> memref<4096x128xf32, #tpu.memory_space<vmem_shared>>
      tpu.wait_indirect_dma semaphore(%run_scoped3A_146 : memref<!tpu.dma_semaphore, #tpu.memory_space<semaphore_mem>>) src(%arg11 : memref<128x128xf32, #tpu.memory_space<vmem>>) dst(%dma_wait3A_158 : memref<4096x128xf32, #tpu.memory_space<vmem_shared>>)
      tpu.yield
    }) : () -> ()
    %barrier3A_73 = arith.constant 0 : index
    tpu.barrier barrier_id(%barrier3A_73)
    %mul3A_74 = arith.constant 2 : i32
    %mul3A_75 = arith.muli %arg0, %mul3A_74 : i32
    %add3A_76 = arith.constant 0 : i32
    %add3A_77 = arith.addi %mul3A_75, %add3A_76 : i32
    %mul3A_78 = arith.constant 4096 : i32
    %mul3A_79 = arith.muli %add3A_77, %mul3A_78 : i32
    %add3A_80 = arith.constant 0 : i32
    %add3A_81 = arith.addi %mul3A_36, %add3A_80 : i32
    "tpu.region"() ({
      %run_scoped3A_146 = tpu.sem_alloc : memref<!tpu.dma_semaphore, #tpu.memory_space<semaphore_mem>>
      %dma_start3A_147 = arith.constant 0 : i32
      %dma_start3A_148 = tpu.memref_slice %arg10[%add3A_81, %dma_start3A_147] : memref<4096x128xf32, #tpu.memory_space<vmem_shared>> -> memref<128x128xf32, #tpu.memory_space<vmem_shared>>
      %dma_start3A_149 = arith.constant 0 : i32
      %dma_start3A_150 = tpu.memref_slice %arg10[%add3A_81, %dma_start3A_149] : memref<4096x128xf32, #tpu.memory_space<vmem_shared>> -> memref<128x128xf32, #tpu.memory_space<vmem_shared>>
      tpu.enqueue_dma source(%dma_start3A_150 : memref<128x128xf32, #tpu.memory_space<vmem_shared>>) target(%arg11 : memref<128x128xf32, #tpu.memory_space<vmem>>) target_semaphore(%run_scoped3A_146 : memref<!tpu.dma_semaphore, #tpu.memory_space<semaphore_mem>>)
      %dma_wait3A_151 = arith.constant 0 : i32
      %dma_wait3A_152 = tpu.memref_slice %arg10[%add3A_81, %dma_wait3A_151] : memref<4096x128xf32, #tpu.memory_space<vmem_shared>> -> memref<128x128xf32, #tpu.memory_space<vmem_shared>>
      %dma_wait3A_153 = arith.constant 0 : i32
      %dma_wait3A_154 = tpu.memref_slice %arg10[%add3A_81, %dma_wait3A_153] : memref<4096x128xf32, #tpu.memory_space<vmem_shared>> -> memref<128x128xf32, #tpu.memory_space<vmem_shared>>
      tpu.wait_dma2 semaphore(%run_scoped3A_146 : memref<!tpu.dma_semaphore, #tpu.memory_space<semaphore_mem>>) src(%dma_wait3A_154 : memref<128x128xf32, #tpu.memory_space<vmem_shared>>) dst(%arg11 : memref<128x128xf32, #tpu.memory_space<vmem>>)
      tpu.yield
    }) : () -> ()
    %add3A_82 = arith.addi %mul3A_79, %add3A_81 : i32
    "tpu.region"() ({
      %run_scoped3A_146 = tpu.sem_alloc : memref<!tpu.dma_semaphore, #tpu.memory_space<semaphore_mem>>
      %dma_start3A_147 = arith.constant 0 : i32
      %dma_start3A_148 = tpu.memref_slice %arg5[%add3A_82, %dma_start3A_147] : memref<16384x128xf32, #tpu.memory_space<hbm>> -> memref<128x128xf32, #tpu.memory_space<hbm>>
      %dma_start3A_149 = arith.constant 0 : i32
      %dma_start3A_150 = tpu.memref_slice %arg5[%add3A_82, %dma_start3A_149] : memref<16384x128xf32, #tpu.memory_space<hbm>> -> memref<128x128xf32, #tpu.memory_space<hbm>>
      tpu.enqueue_dma source(%arg11 : memref<128x128xf32, #tpu.memory_space<vmem>>) target(%dma_start3A_150 : memref<128x128xf32, #tpu.memory_space<hbm>>) target_semaphore(%run_scoped3A_146 : memref<!tpu.dma_semaphore, #tpu.memory_space<semaphore_mem>>)
      %dma_wait3A_151 = arith.constant 0 : i32
      %dma_wait3A_152 = tpu.memref_slice %arg5[%add3A_82, %dma_wait3A_151] : memref<16384x128xf32, #tpu.memory_space<hbm>> -> memref<128x128xf32, #tpu.memory_space<hbm>>
      %dma_wait3A_153 = arith.constant 0 : i32
      %dma_wait3A_154 = tpu.memref_slice %arg5[%add3A_82, %dma_wait3A_153] : memref<16384x128xf32, #tpu.memory_space<hbm>> -> memref<128x128xf32, #tpu.memory_space<hbm>>
      tpu.wait_dma2 semaphore(%run_scoped3A_146 : memref<!tpu.dma_semaphore, #tpu.memory_space<semaphore_mem>>) src(%arg11 : memref<128x128xf32, #tpu.memory_space<vmem>>) dst(%dma_wait3A_154 : memref<128x128xf32, #tpu.memory_space<hbm>>)
      tpu.yield
    }) : () -> ()
    %add3A_83 = arith.constant 128 : i32
    %add3A_84 = arith.addi %mul3A_36, %add3A_83 : i32
    "tpu.region"() ({
      %run_scoped3A_146 = tpu.sem_alloc : memref<!tpu.dma_semaphore, #tpu.memory_space<semaphore_mem>>
      %dma_start3A_147 = arith.constant 0 : i32
      %dma_start3A_148 = tpu.memref_slice %arg10[%add3A_84, %dma_start3A_147] : memref<4096x128xf32, #tpu.memory_space<vmem_shared>> -> memref<128x128xf32, #tpu.memory_space<vmem_shared>>
      %dma_start3A_149 = arith.constant 0 : i32
      %dma_start3A_150 = tpu.memref_slice %arg10[%add3A_84, %dma_start3A_149] : memref<4096x128xf32, #tpu.memory_space<vmem_shared>> -> memref<128x128xf32, #tpu.memory_space<vmem_shared>>
      tpu.enqueue_dma source(%dma_start3A_150 : memref<128x128xf32, #tpu.memory_space<vmem_shared>>) target(%arg11 : memref<128x128xf32, #tpu.memory_space<vmem>>) target_semaphore(%run_scoped3A_146 : memref<!tpu.dma_semaphore, #tpu.memory_space<semaphore_mem>>)
      %dma_wait3A_151 = arith.constant 0 : i32
      %dma_wait3A_152 = tpu.memref_slice %arg10[%add3A_84, %dma_wait3A_151] : memref<4096x128xf32, #tpu.memory_space<vmem_shared>> -> memref<128x128xf32, #tpu.memory_space<vmem_shared>>
      %dma_wait3A_153 = arith.constant 0 : i32
      %dma_wait3A_154 = tpu.memref_slice %arg10[%add3A_84, %dma_wait3A_153] : memref<4096x128xf32, #tpu.memory_space<vmem_shared>> -> memref<128x128xf32, #tpu.memory_space<vmem_shared>>
      tpu.wait_dma2 semaphore(%run_scoped3A_146 : memref<!tpu.dma_semaphore, #tpu.memory_space<semaphore_mem>>) src(%dma_wait3A_154 : memref<128x128xf32, #tpu.memory_space<vmem_shared>>) dst(%arg11 : memref<128x128xf32, #tpu.memory_space<vmem>>)
      tpu.yield
    }) : () -> ()
    %add3A_85 = arith.addi %mul3A_79, %add3A_84 : i32
    "tpu.region"() ({
      %run_scoped3A_146 = tpu.sem_alloc : memref<!tpu.dma_semaphore, #tpu.memory_space<semaphore_mem>>
      %dma_start3A_147 = arith.constant 0 : i32
      %dma_start3A_148 = tpu.memref_slice %arg5[%add3A_85, %dma_start3A_147] : memref<16384x128xf32, #tpu.memory_space<hbm>> -> memref<128x128xf32, #tpu.memory_space<hbm>>
      %dma_start3A_149 = arith.constant 0 : i32
      %dma_start3A_150 = tpu.memref_slice %arg5[%add3A_85, %dma_start3A_149] : memref<16384x128xf32, #tpu.memory_space<hbm>> -> memref<128x128xf32, #tpu.memory_space<hbm>>
      tpu.enqueue_dma source(%arg11 : memref<128x128xf32, #tpu.memory_space<vmem>>) target(%dma_start3A_150 : memref<128x128xf32, #tpu.memory_space<hbm>>) target_semaphore(%run_scoped3A_146 : memref<!tpu.dma_semaphore, #tpu.memory_space<semaphore_mem>>)
      %dma_wait3A_151 = arith.constant 0 : i32
      %dma_wait3A_152 = tpu.memref_slice %arg5[%add3A_85, %dma_wait3A_151] : memref<16384x128xf32, #tpu.memory_space<hbm>> -> memref<128x128xf32, #tpu.memory_space<hbm>>
      %dma_wait3A_153 = arith.constant 0 : i32
      %dma_wait3A_154 = tpu.memref_slice %arg5[%add3A_85, %dma_wait3A_153] : memref<16384x128xf32, #tpu.memory_space<hbm>> -> memref<128x128xf32, #tpu.memory_space<hbm>>
      tpu.wait_dma2 semaphore(%run_scoped3A_146 : memref<!tpu.dma_semaphore, #tpu.memory_space<semaphore_mem>>) src(%arg11 : memref<128x128xf32, #tpu.memory_space<vmem>>) dst(%dma_wait3A_154 : memref<128x128xf32, #tpu.memory_space<hbm>>)
      tpu.yield
    }) : () -> ()
    %scan3A_86 = arith.constant 0 : i32
    %scan3A_87 = arith.constant 0 : i32
    %scan3A_88 = arith.constant 32 : i32
    %scan3A_89 = arith.addi %scan3A_87, %scan3A_88 : i32
    %scan3A_90 = arith.constant 1 : i32
    scf.for %scan3A_146 = %scan3A_87 to %scan3A_89 step %scan3A_90  : i32 {
      %get3A = arith.constant 0 : i32
      %get3A_147 = arith.index_cast %scan3A_146 : i32 to index
      %get3A_148 = arith.index_cast %get3A : i32 to index
      %get3A_149 = arith.constant 0 : index
      %get3A_150 = tpu.vector_load %arg6[%get3A_147, %get3A_148, %get3A_149] {strides = array<i32>} : memref<32x1x128xi32, #tpu.memory_space<vmem>>, vector<1x1x16xi32>,
      %get3A_151 = vector.shape_cast %get3A_150 : vector<1x1x16xi32> to vector<16xi32>
      %add3A_152 = arith.constant 4096 : i32
      %add3A_153 = vector.broadcast %add3A_152 : i32 to vector<16xi32>
      %add3A_154 = arith.addi %get3A_151, %add3A_153 : vector<16xi32>
      %swap3A = arith.constant 0 : i32
      %swap3A_155 = arith.index_cast %scan3A_146 : i32 to index
      %swap3A_156 = arith.index_cast %swap3A : i32 to index
      %swap3A_157 = arith.constant 0 : index
      %swap3A_158 = tpu.vector_load %arg6[%swap3A_155, %swap3A_156, %swap3A_157] {strides = array<i32>} : memref<32x1x128xi32, #tpu.memory_space<vmem>>, vector<1x1x16xi32>,
      %swap3A_159 = vector.shape_cast %swap3A_158 : vector<1x1x16xi32> to vector<16xi32>
      %swap3A_160 = vector.shape_cast %add3A_154 : vector<16xi32> to vector<1x1x16xi32>
      tpu.vector_store %arg6[%swap3A_155, %swap3A_156, %swap3A_157], %swap3A_160 {strides = array<i32>} : memref<32x1x128xi32, #tpu.memory_space<vmem>>, vector<1x1x16xi32>,
      %get3A_161 = arith.constant 0 : i32
      %get3A_162 = arith.index_cast %scan3A_146 : i32 to index
      %get3A_163 = arith.index_cast %get3A_161 : i32 to index
      %get3A_164 = arith.constant 16 : index
      %get3A_165 = tpu.vector_load %arg6[%get3A_162, %get3A_163, %get3A_164] {strides = array<i32>} : memref<32x1x128xi32, #tpu.memory_space<vmem>>, vector<1x1x16xi32>,
      %get3A_166 = vector.shape_cast %get3A_165 : vector<1x1x16xi32> to vector<16xi32>
      %add3A_167 = arith.constant 4096 : i32
      %add3A_168 = vector.broadcast %add3A_167 : i32 to vector<16xi32>
      %add3A_169 = arith.addi %get3A_166, %add3A_168 : vector<16xi32>
      %swap3A_170 = arith.constant 0 : i32
      %swap3A_171 = arith.index_cast %scan3A_146 : i32 to index
      %swap3A_172 = arith.index_cast %swap3A_170 : i32 to index
      %swap3A_173 = arith.constant 16 : index
      %swap3A_174 = tpu.vector_load %arg6[%swap3A_171, %swap3A_172, %swap3A_173] {strides = array<i32>} : memref<32x1x128xi32, #tpu.memory_space<vmem>>, vector<1x1x16xi32>,
      %swap3A_175 = vector.shape_cast %swap3A_174 : vector<1x1x16xi32> to vector<16xi32>
      %swap3A_176 = vector.shape_cast %add3A_169 : vector<16xi32> to vector<1x1x16xi32>
      tpu.vector_store %arg6[%swap3A_171, %swap3A_172, %swap3A_173], %swap3A_176 {strides = array<i32>} : memref<32x1x128xi32, #tpu.memory_space<vmem>>, vector<1x1x16xi32>,
      %get3A_177 = arith.constant 0 : i32
      %get3A_178 = arith.index_cast %scan3A_146 : i32 to index
      %get3A_179 = arith.index_cast %get3A_177 : i32 to index
      %get3A_180 = arith.constant 32 : index
      %get3A_181 = tpu.vector_load %arg6[%get3A_178, %get3A_179, %get3A_180] {strides = array<i32>} : memref<32x1x128xi32, #tpu.memory_space<vmem>>, vector<1x1x16xi32>,
      %get3A_182 = vector.shape_cast %get3A_181 : vector<1x1x16xi32> to vector<16xi32>
      %add3A_183 = arith.constant 4096 : i32
      %add3A_184 = vector.broadcast %add3A_183 : i32 to vector<16xi32>
      %add3A_185 = arith.addi %get3A_182, %add3A_184 : vector<16xi32>
      %swap3A_186 = arith.constant 0 : i32
      %swap3A_187 = arith.index_cast %scan3A_146 : i32 to index
      %swap3A_188 = arith.index_cast %swap3A_186 : i32 to index
      %swap3A_189 = arith.constant 32 : index
      %swap3A_190 = tpu.vector_load %arg6[%swap3A_187, %swap3A_188, %swap3A_189] {strides = array<i32>} : memref<32x1x128xi32, #tpu.memory_space<vmem>>, vector<1x1x16xi32>,
      %swap3A_191 = vector.shape_cast %swap3A_190 : vector<1x1x16xi32> to vector<16xi32>
      %swap3A_192 = vector.shape_cast %add3A_185 : vector<16xi32> to vector<1x1x16xi32>
      tpu.vector_store %arg6[%swap3A_187, %swap3A_188, %swap3A_189], %swap3A_192 {strides = array<i32>} : memref<32x1x128xi32, #tpu.memory_space<vmem>>, vector<1x1x16xi32>,
      %get3A_193 = arith.constant 0 : i32
      %get3A_194 = arith.index_cast %scan3A_146 : i32 to index
      %get3A_195 = arith.index_cast %get3A_193 : i32 to index
      %get3A_196 = arith.constant 48 : index
      %get3A_197 = tpu.vector_load %arg6[%get3A_194, %get3A_195, %get3A_196] {strides = array<i32>} : memref<32x1x128xi32, #tpu.memory_space<vmem>>, vector<1x1x16xi32>,
      %get3A_198 = vector.shape_cast %get3A_197 : vector<1x1x16xi32> to vector<16xi32>
      %add3A_199 = arith.constant 4096 : i32
      %add3A_200 = vector.broadcast %add3A_199 : i32 to vector<16xi32>
      %add3A_201 = arith.addi %get3A_198, %add3A_200 : vector<16xi32>
      %swap3A_202 = arith.constant 0 : i32
      %swap3A_203 = arith.index_cast %scan3A_146 : i32 to index
      %swap3A_204 = arith.index_cast %swap3A_202 : i32 to index
      %swap3A_205 = arith.constant 48 : index
      %swap3A_206 = tpu.vector_load %arg6[%swap3A_203, %swap3A_204, %swap3A_205] {strides = array<i32>} : memref<32x1x128xi32, #tpu.memory_space<vmem>>, vector<1x1x16xi32>,
      %swap3A_207 = vector.shape_cast %swap3A_206 : vector<1x1x16xi32> to vector<16xi32>
      %swap3A_208 = vector.shape_cast %add3A_201 : vector<16xi32> to vector<1x1x16xi32>
      tpu.vector_store %arg6[%swap3A_203, %swap3A_204, %swap3A_205], %swap3A_208 {strides = array<i32>} : memref<32x1x128xi32, #tpu.memory_space<vmem>>, vector<1x1x16xi32>,
      %get3A_209 = arith.constant 0 : i32
      %get3A_210 = arith.index_cast %scan3A_146 : i32 to index
      %get3A_211 = arith.index_cast %get3A_209 : i32 to index
      %get3A_212 = arith.constant 64 : index
      %get3A_213 = tpu.vector_load %arg6[%get3A_210, %get3A_211, %get3A_212] {strides = array<i32>} : memref<32x1x128xi32, #tpu.memory_space<vmem>>, vector<1x1x16xi32>,
      %get3A_214 = vector.shape_cast %get3A_213 : vector<1x1x16xi32> to vector<16xi32>
      %add3A_215 = arith.constant 4096 : i32
      %add3A_216 = vector.broadcast %add3A_215 : i32 to vector<16xi32>
      %add3A_217 = arith.addi %get3A_214, %add3A_216 : vector<16xi32>
      %swap3A_218 = arith.constant 0 : i32
      %swap3A_219 = arith.index_cast %scan3A_146 : i32 to index
      %swap3A_220 = arith.index_cast %swap3A_218 : i32 to index
      %swap3A_221 = arith.constant 64 : index
      %swap3A_222 = tpu.vector_load %arg6[%swap3A_219, %swap3A_220, %swap3A_221] {strides = array<i32>} : memref<32x1x128xi32, #tpu.memory_space<vmem>>, vector<1x1x16xi32>,
      %swap3A_223 = vector.shape_cast %swap3A_222 : vector<1x1x16xi32> to vector<16xi32>
      %swap3A_224 = vector.shape_cast %add3A_217 : vector<16xi32> to vector<1x1x16xi32>
      tpu.vector_store %arg6[%swap3A_219, %swap3A_220, %swap3A_221], %swap3A_224 {strides = array<i32>} : memref<32x1x128xi32, #tpu.memory_space<vmem>>, vector<1x1x16xi32>,
      %get3A_225 = arith.constant 0 : i32
      %get3A_226 = arith.index_cast %scan3A_146 : i32 to index
      %get3A_227 = arith.index_cast %get3A_225 : i32 to index
      %get3A_228 = arith.constant 80 : index
      %get3A_229 = tpu.vector_load %arg6[%get3A_226, %get3A_227, %get3A_228] {strides = array<i32>} : memref<32x1x128xi32, #tpu.memory_space<vmem>>, vector<1x1x16xi32>,
      %get3A_230 = vector.shape_cast %get3A_229 : vector<1x1x16xi32> to vector<16xi32>
      %add3A_231 = arith.constant 4096 : i32
      %add3A_232 = vector.broadcast %add3A_231 : i32 to vector<16xi32>
      %add3A_233 = arith.addi %get3A_230, %add3A_232 : vector<16xi32>
      %swap3A_234 = arith.constant 0 : i32
      %swap3A_235 = arith.index_cast %scan3A_146 : i32 to index
      %swap3A_236 = arith.index_cast %swap3A_234 : i32 to index
      %swap3A_237 = arith.constant 80 : index
      %swap3A_238 = tpu.vector_load %arg6[%swap3A_235, %swap3A_236, %swap3A_237] {strides = array<i32>} : memref<32x1x128xi32, #tpu.memory_space<vmem>>, vector<1x1x16xi32>,
      %swap3A_239 = vector.shape_cast %swap3A_238 : vector<1x1x16xi32> to vector<16xi32>
      %swap3A_240 = vector.shape_cast %add3A_233 : vector<16xi32> to vector<1x1x16xi32>
      tpu.vector_store %arg6[%swap3A_235, %swap3A_236, %swap3A_237], %swap3A_240 {strides = array<i32>} : memref<32x1x128xi32, #tpu.memory_space<vmem>>, vector<1x1x16xi32>,
      %get3A_241 = arith.constant 0 : i32
      %get3A_242 = arith.index_cast %scan3A_146 : i32 to index
      %get3A_243 = arith.index_cast %get3A_241 : i32 to index
      %get3A_244 = arith.constant 96 : index
      %get3A_245 = tpu.vector_load %arg6[%get3A_242, %get3A_243, %get3A_244] {strides = array<i32>} : memref<32x1x128xi32, #tpu.memory_space<vmem>>, vector<1x1x16xi32>,
      %get3A_246 = vector.shape_cast %get3A_245 : vector<1x1x16xi32> to vector<16xi32>
      %add3A_247 = arith.constant 4096 : i32
      %add3A_248 = vector.broadcast %add3A_247 : i32 to vector<16xi32>
      %add3A_249 = arith.addi %get3A_246, %add3A_248 : vector<16xi32>
      %swap3A_250 = arith.constant 0 : i32
      %swap3A_251 = arith.index_cast %scan3A_146 : i32 to index
      %swap3A_252 = arith.index_cast %swap3A_250 : i32 to index
      %swap3A_253 = arith.constant 96 : index
      %swap3A_254 = tpu.vector_load %arg6[%swap3A_251, %swap3A_252, %swap3A_253] {strides = array<i32>} : memref<32x1x128xi32, #tpu.memory_space<vmem>>, vector<1x1x16xi32>,
      %swap3A_255 = vector.shape_cast %swap3A_254 : vector<1x1x16xi32> to vector<16xi32>
      %swap3A_256 = vector.shape_cast %add3A_249 : vector<16xi32> to vector<1x1x16xi32>
      tpu.vector_store %arg6[%swap3A_251, %swap3A_252, %swap3A_253], %swap3A_256 {strides = array<i32>} : memref<32x1x128xi32, #tpu.memory_space<vmem>>, vector<1x1x16xi32>,
      %get3A_257 = arith.constant 0 : i32
      %get3A_258 = arith.index_cast %scan3A_146 : i32 to index
      %get3A_259 = arith.index_cast %get3A_257 : i32 to index
      %get3A_260 = arith.constant 112 : index
      %get3A_261 = tpu.vector_load %arg6[%get3A_258, %get3A_259, %get3A_260] {strides = array<i32>} : memref<32x1x128xi32, #tpu.memory_space<vmem>>, vector<1x1x16xi32>,
      %get3A_262 = vector.shape_cast %get3A_261 : vector<1x1x16xi32> to vector<16xi32>
      %add3A_263 = arith.constant 4096 : i32
      %add3A_264 = vector.broadcast %add3A_263 : i32 to vector<16xi32>
      %add3A_265 = arith.addi %get3A_262, %add3A_264 : vector<16xi32>
      %swap3A_266 = arith.constant 0 : i32
      %swap3A_267 = arith.index_cast %scan3A_146 : i32 to index
      %swap3A_268 = arith.index_cast %swap3A_266 : i32 to index
      %swap3A_269 = arith.constant 112 : index
      %swap3A_270 = tpu.vector_load %arg6[%swap3A_267, %swap3A_268, %swap3A_269] {strides = array<i32>} : memref<32x1x128xi32, #tpu.memory_space<vmem>>, vector<1x1x16xi32>,
      %swap3A_271 = vector.shape_cast %swap3A_270 : vector<1x1x16xi32> to vector<16xi32>
      %swap3A_272 = vector.shape_cast %add3A_265 : vector<16xi32> to vector<1x1x16xi32>
      tpu.vector_store %arg6[%swap3A_267, %swap3A_268, %swap3A_269], %swap3A_272 {strides = array<i32>} : memref<32x1x128xi32, #tpu.memory_space<vmem>>, vector<1x1x16xi32>,
    }
    %scan3A_91 = arith.constant 32 : i32
    "tpu.region"() ({
      %run_scoped3A_146 = tpu.sem_alloc : memref<!tpu.dma_semaphore, #tpu.memory_space<semaphore_mem>>
      %dma_start3A_147 = arith.constant 0 : i32
      %dma_start3A_148 = tpu.memref_slice %arg10[%mul3A_36, %dma_start3A_147] : memref<4096x128xf32, #tpu.memory_space<vmem_shared>> -> memref<128x128xf32, #tpu.memory_space<vmem_shared>>
      %dma_start3A_149 = arith.constant 0 : i32
      %dma_start3A_150 = tpu.memref_slice %arg10[%mul3A_36, %dma_start3A_149] : memref<4096x128xf32, #tpu.memory_space<vmem_shared>> -> memref<128x128xf32, #tpu.memory_space<vmem_shared>>
      tpu.enqueue_dma source(%arg9 : memref<128x128xf32, #tpu.memory_space<vmem>>) target(%dma_start3A_150 : memref<128x128xf32, #tpu.memory_space<vmem_shared>>) target_semaphore(%run_scoped3A_146 : memref<!tpu.dma_semaphore, #tpu.memory_space<semaphore_mem>>)
      %dma_wait3A_151 = arith.constant 0 : i32
      %dma_wait3A_152 = tpu.memref_slice %arg10[%mul3A_36, %dma_wait3A_151] : memref<4096x128xf32, #tpu.memory_space<vmem_shared>> -> memref<128x128xf32, #tpu.memory_space<vmem_shared>>
      %dma_wait3A_153 = arith.constant 0 : i32
      %dma_wait3A_154 = tpu.memref_slice %arg10[%mul3A_36, %dma_wait3A_153] : memref<4096x128xf32, #tpu.memory_space<vmem_shared>> -> memref<128x128xf32, #tpu.memory_space<vmem_shared>>
      tpu.wait_dma2 semaphore(%run_scoped3A_146 : memref<!tpu.dma_semaphore, #tpu.memory_space<semaphore_mem>>) src(%arg9 : memref<128x128xf32, #tpu.memory_space<vmem>>) dst(%dma_wait3A_154 : memref<128x128xf32, #tpu.memory_space<vmem_shared>>)
      tpu.yield
    }) : () -> ()
    %add3A_92 = arith.constant 128 : i32
    %add3A_93 = arith.addi %mul3A_36, %add3A_92 : i32
    "tpu.region"() ({
      %run_scoped3A_146 = tpu.sem_alloc : memref<!tpu.dma_semaphore, #tpu.memory_space<semaphore_mem>>
      %dma_start3A_147 = arith.constant 0 : i32
      %dma_start3A_148 = tpu.memref_slice %arg10[%add3A_93, %dma_start3A_147] : memref<4096x128xf32, #tpu.memory_space<vmem_shared>> -> memref<128x128xf32, #tpu.memory_space<vmem_shared>>
      %dma_start3A_149 = arith.constant 0 : i32
      %dma_start3A_150 = tpu.memref_slice %arg10[%add3A_93, %dma_start3A_149] : memref<4096x128xf32, #tpu.memory_space<vmem_shared>> -> memref<128x128xf32, #tpu.memory_space<vmem_shared>>
      tpu.enqueue_dma source(%arg9 : memref<128x128xf32, #tpu.memory_space<vmem>>) target(%dma_start3A_150 : memref<128x128xf32, #tpu.memory_space<vmem_shared>>) target_semaphore(%run_scoped3A_146 : memref<!tpu.dma_semaphore, #tpu.memory_space<semaphore_mem>>)
      %dma_wait3A_151 = arith.constant 0 : i32
      %dma_wait3A_152 = tpu.memref_slice %arg10[%add3A_93, %dma_wait3A_151] : memref<4096x128xf32, #tpu.memory_space<vmem_shared>> -> memref<128x128xf32, #tpu.memory_space<vmem_shared>>
      %dma_wait3A_153 = arith.constant 0 : i32
      %dma_wait3A_154 = tpu.memref_slice %arg10[%add3A_93, %dma_wait3A_153] : memref<4096x128xf32, #tpu.memory_space<vmem_shared>> -> memref<128x128xf32, #tpu.memory_space<vmem_shared>>
      tpu.wait_dma2 semaphore(%run_scoped3A_146 : memref<!tpu.dma_semaphore, #tpu.memory_space<semaphore_mem>>) src(%arg9 : memref<128x128xf32, #tpu.memory_space<vmem>>) dst(%dma_wait3A_154 : memref<128x128xf32, #tpu.memory_space<vmem_shared>>)
      tpu.yield
    }) : () -> ()
    %barrier3A_94 = arith.constant 0 : index
    tpu.barrier barrier_id(%barrier3A_94)
    %dma_start3A_95 = arith.constant 0 : i32
    %dma_start3A_96 = arith.constant 0 : i32
    %dma_start3A_97 = arith.constant 0 : i32
    %dma_start3A_98 = tpu.memref_slice %arg6[%dma_start3A_95, %dma_start3A_96, %dma_start3A_97] : memref<32x1x128xi32, #tpu.memory_space<vmem>> -> memref<1x1x128xi32, #tpu.memory_space<vmem>>
    %dma_start3A_99 = tpu.memref_squeeze %dma_start3A_98 : memref<1x1x128xi32, #tpu.memory_space<vmem>> -> memref<128xi32, #tpu.memory_space<vmem>>
    %dma_start3A_100 = arith.constant 0 : i32
    %dma_start3A_101 = arith.constant 0 : i32
    %dma_start3A_102 = tpu.memref_slice %arg2[%dma_start3A_100, %dma_start3A_101] : memref<16384x128xf32, #tpu.memory_space<hbm>> -> memref<16384x128xf32, #tpu.memory_space<hbm>>
    tpu.enqueue_indirect_dma source(%dma_start3A_102 : memref<16384x128xf32, #tpu.memory_space<hbm>>) target(%arg8 : memref<128x128xf32, #tpu.memory_space<vmem>>) offsets(%dma_start3A_99 : memref<128xi32, #tpu.memory_space<vmem>>) semaphore(%arg12 : memref<!tpu.dma_semaphore, #tpu.memory_space<semaphore_mem>>)
    %scan3A_103 = arith.constant 0 : i32
    %scan3A_104 = arith.constant 0 : i32
    %scan3A_105 = arith.constant 15 : i32
    %scan3A_106 = arith.addi %scan3A_104, %scan3A_105 : i32
    %scan3A_107 = arith.constant 1 : i32
    scf.for %scan3A_146 = %scan3A_104 to %scan3A_106 step %scan3A_107  : i32 {
      %mul3A_147 = arith.constant 2 : i32
      %mul3A_148 = arith.muli %mul3A_147, %scan3A_146 : i32
      %add3A_149 = arith.constant 1 : i32
      %add3A_150 = arith.addi %mul3A_148, %add3A_149 : i32
      %dma_start3A_151 = arith.constant 0 : i32
      %dma_start3A_152 = arith.constant 0 : i32
      %dma_start3A_153 = tpu.memref_slice %arg6[%add3A_150, %dma_start3A_151, %dma_start3A_152] : memref<32x1x128xi32, #tpu.memory_space<vmem>> -> memref<1x1x128xi32, #tpu.memory_space<vmem>>
      %dma_start3A_154 = tpu.memref_squeeze %dma_start3A_153 : memref<1x1x128xi32, #tpu.memory_space<vmem>> -> memref<128xi32, #tpu.memory_space<vmem>>
      %dma_start3A_155 = arith.constant 0 : i32
      %dma_start3A_156 = arith.constant 0 : i32
      %dma_start3A_157 = tpu.memref_slice %arg2[%dma_start3A_155, %dma_start3A_156] : memref<16384x128xf32, #tpu.memory_space<hbm>> -> memref<16384x128xf32, #tpu.memory_space<hbm>>
      tpu.enqueue_indirect_dma source(%dma_start3A_157 : memref<16384x128xf32, #tpu.memory_space<hbm>>) target(%arg11 : memref<128x128xf32, #tpu.memory_space<vmem>>) offsets(%dma_start3A_154 : memref<128xi32, #tpu.memory_space<vmem>>) semaphore(%arg13 : memref<!tpu.dma_semaphore, #tpu.memory_space<semaphore_mem>>)
      %dma_wait3A_158 = arith.constant 0 : i32
      %dma_wait3A_159 = arith.constant 0 : i32
      %dma_wait3A_160 = tpu.memref_slice %arg2[%dma_wait3A_158, %dma_wait3A_159] : memref<16384x128xf32, #tpu.memory_space<hbm>> -> memref<128x128xf32, #tpu.memory_space<hbm>>
      %dma_wait3A_161 = arith.constant 0 : i32
      %dma_wait3A_162 = arith.constant 0 : i32
      %dma_wait3A_163 = tpu.memref_slice %arg2[%dma_wait3A_161, %dma_wait3A_162] : memref<16384x128xf32, #tpu.memory_space<hbm>> -> memref<128x128xf32, #tpu.memory_space<hbm>>
      tpu.wait_dma2 semaphore(%arg12 : memref<!tpu.dma_semaphore, #tpu.memory_space<semaphore_mem>>) src(%dma_wait3A_163 : memref<128x128xf32, #tpu.memory_space<hbm>>) dst(%arg8 : memref<128x128xf32, #tpu.memory_space<vmem>>)
      %mul3A_164 = arith.constant 2 : i32
      %mul3A_165 = arith.muli %mul3A_164, %scan3A_146 : i32
      %run_scoped3A_166 = arith.constant 0 : i32
      "tpu.region"() ({
        %run_scoped3A_189 = tpu.sem_alloc : memref<!tpu.dma_semaphore, #tpu.memory_space<semaphore_mem>>
        %dma_start3A_190 = arith.constant 0 : i32
        %dma_start3A_191 = tpu.memref_slice %arg7[%mul3A_165, %run_scoped3A_166, %dma_start3A_190] : memref<32x1x128xi32, #tpu.memory_space<vmem>> -> memref<1x1x128xi32, #tpu.memory_space<vmem>>
        %dma_start3A_192 = tpu.memref_squeeze %dma_start3A_191 : memref<1x1x128xi32, #tpu.memory_space<vmem>> -> memref<128xi32, #tpu.memory_space<vmem>>
        %dma_start3A_193 = arith.constant 0 : i32
        %dma_start3A_194 = arith.constant 0 : i32
        %dma_start3A_195 = tpu.memref_slice %arg10[%dma_start3A_193, %dma_start3A_194] : memref<4096x128xf32, #tpu.memory_space<vmem_shared>> -> memref<4096x128xf32, #tpu.memory_space<vmem_shared>>
        tpu.enqueue_indirect_dma source(%arg8 : memref<128x128xf32, #tpu.memory_space<vmem>>) target(%dma_start3A_195 : memref<4096x128xf32, #tpu.memory_space<vmem_shared>>) offsets(%dma_start3A_192 : memref<128xi32, #tpu.memory_space<vmem>>) semaphore(%run_scoped3A_189 : memref<!tpu.dma_semaphore, #tpu.memory_space<semaphore_mem>>) {add = true}
        %dma_wait3A_196 = arith.constant 0 : i32
        %dma_wait3A_197 = tpu.memref_slice %arg7[%mul3A_165, %run_scoped3A_166, %dma_wait3A_196] : memref<32x1x128xi32, #tpu.memory_space<vmem>> -> memref<1x1x128xi32, #tpu.memory_space<vmem>>
        %dma_wait3A_198 = tpu.memref_squeeze %dma_wait3A_197 : memref<1x1x128xi32, #tpu.memory_space<vmem>> -> memref<128xi32, #tpu.memory_space<vmem>>
        %dma_wait3A_199 = arith.constant 0 : i32
        %dma_wait3A_200 = arith.constant 0 : i32
        %dma_wait3A_201 = tpu.memref_slice %arg10[%dma_wait3A_199, %dma_wait3A_200] : memref<4096x128xf32, #tpu.memory_space<vmem_shared>> -> memref<4096x128xf32, #tpu.memory_space<vmem_shared>>
        tpu.wait_indirect_dma semaphore(%run_scoped3A_189 : memref<!tpu.dma_semaphore, #tpu.memory_space<semaphore_mem>>) src(%arg8 : memref<128x128xf32, #tpu.memory_space<vmem>>) dst(%dma_wait3A_201 : memref<4096x128xf32, #tpu.memory_space<vmem_shared>>)
        tpu.yield
      }) : () -> ()
      %mul3A_167 = arith.constant 2 : i32
      %mul3A_168 = arith.muli %mul3A_167, %scan3A_146 : i32
      %add3A_169 = arith.constant 2 : i32
      %add3A_170 = arith.addi %mul3A_168, %add3A_169 : i32
      %dma_start3A_171 = arith.constant 0 : i32
      %dma_start3A_172 = arith.constant 0 : i32
      %dma_start3A_173 = tpu.memref_slice %arg6[%add3A_170, %dma_start3A_171, %dma_start3A_172] : memref<32x1x128xi32, #tpu.memory_space<vmem>> -> memref<1x1x128xi32, #tpu.memory_space<vmem>>
      %dma_start3A_174 = tpu.memref_squeeze %dma_start3A_173 : memref<1x1x128xi32, #tpu.memory_space<vmem>> -> memref<128xi32, #tpu.memory_space<vmem>>
      %dma_start3A_175 = arith.constant 0 : i32
      %dma_start3A_176 = arith.constant 0 : i32
      %dma_start3A_177 = tpu.memref_slice %arg2[%dma_start3A_175, %dma_start3A_176] : memref<16384x128xf32, #tpu.memory_space<hbm>> -> memref<16384x128xf32, #tpu.memory_space<hbm>>
      tpu.enqueue_indirect_dma source(%dma_start3A_177 : memref<16384x128xf32, #tpu.memory_space<hbm>>) target(%arg8 : memref<128x128xf32, #tpu.memory_space<vmem>>) offsets(%dma_start3A_174 : memref<128xi32, #tpu.memory_space<vmem>>) semaphore(%arg12 : memref<!tpu.dma_semaphore, #tpu.memory_space<semaphore_mem>>)
      %dma_wait3A_178 = arith.constant 0 : i32
      %dma_wait3A_179 = arith.constant 0 : i32
      %dma_wait3A_180 = tpu.memref_slice %arg2[%dma_wait3A_178, %dma_wait3A_179] : memref<16384x128xf32, #tpu.memory_space<hbm>> -> memref<128x128xf32, #tpu.memory_space<hbm>>
      %dma_wait3A_181 = arith.constant 0 : i32
      %dma_wait3A_182 = arith.constant 0 : i32
      %dma_wait3A_183 = tpu.memref_slice %arg2[%dma_wait3A_181, %dma_wait3A_182] : memref<16384x128xf32, #tpu.memory_space<hbm>> -> memref<128x128xf32, #tpu.memory_space<hbm>>
      tpu.wait_dma2 semaphore(%arg13 : memref<!tpu.dma_semaphore, #tpu.memory_space<semaphore_mem>>) src(%dma_wait3A_183 : memref<128x128xf32, #tpu.memory_space<hbm>>) dst(%arg11 : memref<128x128xf32, #tpu.memory_space<vmem>>)
      %mul3A_184 = arith.constant 2 : i32
      %mul3A_185 = arith.muli %mul3A_184, %scan3A_146 : i32
      %add3A_186 = arith.constant 1 : i32
      %add3A_187 = arith.addi %mul3A_185, %add3A_186 : i32
      %run_scoped3A_188 = arith.constant 0 : i32
      "tpu.region"() ({
        %run_scoped3A_189 = tpu.sem_alloc : memref<!tpu.dma_semaphore, #tpu.memory_space<semaphore_mem>>
        %dma_start3A_190 = arith.constant 0 : i32
        %dma_start3A_191 = tpu.memref_slice %arg7[%add3A_187, %run_scoped3A_188, %dma_start3A_190] : memref<32x1x128xi32, #tpu.memory_space<vmem>> -> memref<1x1x128xi32, #tpu.memory_space<vmem>>
        %dma_start3A_192 = tpu.memref_squeeze %dma_start3A_191 : memref<1x1x128xi32, #tpu.memory_space<vmem>> -> memref<128xi32, #tpu.memory_space<vmem>>
        %dma_start3A_193 = arith.constant 0 : i32
        %dma_start3A_194 = arith.constant 0 : i32
        %dma_start3A_195 = tpu.memref_slice %arg10[%dma_start3A_193, %dma_start3A_194] : memref<4096x128xf32, #tpu.memory_space<vmem_shared>> -> memref<4096x128xf32, #tpu.memory_space<vmem_shared>>
        tpu.enqueue_indirect_dma source(%arg11 : memref<128x128xf32, #tpu.memory_space<vmem>>) target(%dma_start3A_195 : memref<4096x128xf32, #tpu.memory_space<vmem_shared>>) offsets(%dma_start3A_192 : memref<128xi32, #tpu.memory_space<vmem>>) semaphore(%run_scoped3A_189 : memref<!tpu.dma_semaphore, #tpu.memory_space<semaphore_mem>>) {add = true}
        %dma_wait3A_196 = arith.constant 0 : i32
        %dma_wait3A_197 = tpu.memref_slice %arg7[%add3A_187, %run_scoped3A_188, %dma_wait3A_196] : memref<32x1x128xi32, #tpu.memory_space<vmem>> -> memref<1x1x128xi32, #tpu.memory_space<vmem>>
        %dma_wait3A_198 = tpu.memref_squeeze %dma_wait3A_197 : memref<1x1x128xi32, #tpu.memory_space<vmem>> -> memref<128xi32, #tpu.memory_space<vmem>>
        %dma_wait3A_199 = arith.constant 0 : i32
        %dma_wait3A_200 = arith.constant 0 : i32
        %dma_wait3A_201 = tpu.memref_slice %arg10[%dma_wait3A_199, %dma_wait3A_200] : memref<4096x128xf32, #tpu.memory_space<vmem_shared>> -> memref<4096x128xf32, #tpu.memory_space<vmem_shared>>
        tpu.wait_indirect_dma semaphore(%run_scoped3A_189 : memref<!tpu.dma_semaphore, #tpu.memory_space<semaphore_mem>>) src(%arg11 : memref<128x128xf32, #tpu.memory_space<vmem>>) dst(%dma_wait3A_201 : memref<4096x128xf32, #tpu.memory_space<vmem_shared>>)
        tpu.yield
      }) : () -> ()
    }
    %scan3A_108 = arith.constant 15 : i32
    %dma_start3A_109 = arith.constant 31 : i32
    %dma_start3A_110 = arith.constant 0 : i32
    %dma_start3A_111 = arith.constant 0 : i32
    %dma_start3A_112 = tpu.memref_slice %arg6[%dma_start3A_109, %dma_start3A_110, %dma_start3A_111] : memref<32x1x128xi32, #tpu.memory_space<vmem>> -> memref<1x1x128xi32, #tpu.memory_space<vmem>>
    %dma_start3A_113 = tpu.memref_squeeze %dma_start3A_112 : memref<1x1x128xi32, #tpu.memory_space<vmem>> -> memref<128xi32, #tpu.memory_space<vmem>>
    %dma_start3A_114 = arith.constant 0 : i32
    %dma_start3A_115 = arith.constant 0 : i32
    %dma_start3A_116 = tpu.memref_slice %arg2[%dma_start3A_114, %dma_start3A_115] : memref<16384x128xf32, #tpu.memory_space<hbm>> -> memref<16384x128xf32, #tpu.memory_space<hbm>>
    tpu.enqueue_indirect_dma source(%dma_start3A_116 : memref<16384x128xf32, #tpu.memory_space<hbm>>) target(%arg11 : memref<128x128xf32, #tpu.memory_space<vmem>>) offsets(%dma_start3A_113 : memref<128xi32, #tpu.memory_space<vmem>>) semaphore(%arg13 : memref<!tpu.dma_semaphore, #tpu.memory_space<semaphore_mem>>)
    %dma_wait3A_117 = arith.constant 0 : i32
    %dma_wait3A_118 = arith.constant 0 : i32
    %dma_wait3A_119 = tpu.memref_slice %arg2[%dma_wait3A_117, %dma_wait3A_118] : memref<16384x128xf32, #tpu.memory_space<hbm>> -> memref<128x128xf32, #tpu.memory_space<hbm>>
    %dma_wait3A_120 = arith.constant 0 : i32
    %dma_wait3A_121 = arith.constant 0 : i32
    %dma_wait3A_122 = tpu.memref_slice %arg2[%dma_wait3A_120, %dma_wait3A_121] : memref<16384x128xf32, #tpu.memory_space<hbm>> -> memref<128x128xf32, #tpu.memory_space<hbm>>
    tpu.wait_dma2 semaphore(%arg12 : memref<!tpu.dma_semaphore, #tpu.memory_space<semaphore_mem>>) src(%dma_wait3A_122 : memref<128x128xf32, #tpu.memory_space<hbm>>) dst(%arg8 : memref<128x128xf32, #tpu.memory_space<vmem>>)
    %run_scoped3A_123 = arith.constant 30 : i32
    %run_scoped3A_124 = arith.constant 0 : i32
    "tpu.region"() ({
      %run_scoped3A_146 = tpu.sem_alloc : memref<!tpu.dma_semaphore, #tpu.memory_space<semaphore_mem>>
      %dma_start3A_147 = arith.constant 0 : i32
      %dma_start3A_148 = tpu.memref_slice %arg7[%run_scoped3A_123, %run_scoped3A_124, %dma_start3A_147] : memref<32x1x128xi32, #tpu.memory_space<vmem>> -> memref<1x1x128xi32, #tpu.memory_space<vmem>>
      %dma_start3A_149 = tpu.memref_squeeze %dma_start3A_148 : memref<1x1x128xi32, #tpu.memory_space<vmem>> -> memref<128xi32, #tpu.memory_space<vmem>>
      %dma_start3A_150 = arith.constant 0 : i32
      %dma_start3A_151 = arith.constant 0 : i32
      %dma_start3A_152 = tpu.memref_slice %arg10[%dma_start3A_150, %dma_start3A_151] : memref<4096x128xf32, #tpu.memory_space<vmem_shared>> -> memref<4096x128xf32, #tpu.memory_space<vmem_shared>>
      tpu.enqueue_indirect_dma source(%arg8 : memref<128x128xf32, #tpu.memory_space<vmem>>) target(%dma_start3A_152 : memref<4096x128xf32, #tpu.memory_space<vmem_shared>>) offsets(%dma_start3A_149 : memref<128xi32, #tpu.memory_space<vmem>>) semaphore(%run_scoped3A_146 : memref<!tpu.dma_semaphore, #tpu.memory_space<semaphore_mem>>) {add = true}
      %dma_wait3A_153 = arith.constant 0 : i32
      %dma_wait3A_154 = tpu.memref_slice %arg7[%run_scoped3A_123, %run_scoped3A_124, %dma_wait3A_153] : memref<32x1x128xi32, #tpu.memory_space<vmem>> -> memref<1x1x128xi32, #tpu.memory_space<vmem>>
      %dma_wait3A_155 = tpu.memref_squeeze %dma_wait3A_154 : memref<1x1x128xi32, #tpu.memory_space<vmem>> -> memref<128xi32, #tpu.memory_space<vmem>>
      %dma_wait3A_156 = arith.constant 0 : i32
      %dma_wait3A_157 = arith.constant 0 : i32
      %dma_wait3A_158 = tpu.memref_slice %arg10[%dma_wait3A_156, %dma_wait3A_157] : memref<4096x128xf32, #tpu.memory_space<vmem_shared>> -> memref<4096x128xf32, #tpu.memory_space<vmem_shared>>
      tpu.wait_indirect_dma semaphore(%run_scoped3A_146 : memref<!tpu.dma_semaphore, #tpu.memory_space<semaphore_mem>>) src(%arg8 : memref<128x128xf32, #tpu.memory_space<vmem>>) dst(%dma_wait3A_158 : memref<4096x128xf32, #tpu.memory_space<vmem_shared>>)
      tpu.yield
    }) : () -> ()
    %dma_wait3A_125 = arith.constant 0 : i32
    %dma_wait3A_126 = arith.constant 0 : i32
    %dma_wait3A_127 = tpu.memref_slice %arg2[%dma_wait3A_125, %dma_wait3A_126] : memref<16384x128xf32, #tpu.memory_space<hbm>> -> memref<128x128xf32, #tpu.memory_space<hbm>>
    %dma_wait3A_128 = arith.constant 0 : i32
    %dma_wait3A_129 = arith.constant 0 : i32
    %dma_wait3A_130 = tpu.memref_slice %arg2[%dma_wait3A_128, %dma_wait3A_129] : memref<16384x128xf32, #tpu.memory_space<hbm>> -> memref<128x128xf32, #tpu.memory_space<hbm>>
    tpu.wait_dma2 semaphore(%arg13 : memref<!tpu.dma_semaphore, #tpu.memory_space<semaphore_mem>>) src(%dma_wait3A_130 : memref<128x128xf32, #tpu.memory_space<hbm>>) dst(%arg11 : memref<128x128xf32, #tpu.memory_space<vmem>>)
    %run_scoped3A_131 = arith.constant 31 : i32
    %run_scoped3A_132 = arith.constant 0 : i32
    "tpu.region"() ({
      %run_scoped3A_146 = tpu.sem_alloc : memref<!tpu.dma_semaphore, #tpu.memory_space<semaphore_mem>>
      %dma_start3A_147 = arith.constant 0 : i32
      %dma_start3A_148 = tpu.memref_slice %arg7[%run_scoped3A_131, %run_scoped3A_132, %dma_start3A_147] : memref<32x1x128xi32, #tpu.memory_space<vmem>> -> memref<1x1x128xi32, #tpu.memory_space<vmem>>
      %dma_start3A_149 = tpu.memref_squeeze %dma_start3A_148 : memref<1x1x128xi32, #tpu.memory_space<vmem>> -> memref<128xi32, #tpu.memory_space<vmem>>
      %dma_start3A_150 = arith.constant 0 : i32
      %dma_start3A_151 = arith.constant 0 : i32
      %dma_start3A_152 = tpu.memref_slice %arg10[%dma_start3A_150, %dma_start3A_151] : memref<4096x128xf32, #tpu.memory_space<vmem_shared>> -> memref<4096x128xf32, #tpu.memory_space<vmem_shared>>
      tpu.enqueue_indirect_dma source(%arg11 : memref<128x128xf32, #tpu.memory_space<vmem>>) target(%dma_start3A_152 : memref<4096x128xf32, #tpu.memory_space<vmem_shared>>) offsets(%dma_start3A_149 : memref<128xi32, #tpu.memory_space<vmem>>) semaphore(%run_scoped3A_146 : memref<!tpu.dma_semaphore, #tpu.memory_space<semaphore_mem>>) {add = true}
      %dma_wait3A_153 = arith.constant 0 : i32
      %dma_wait3A_154 = tpu.memref_slice %arg7[%run_scoped3A_131, %run_scoped3A_132, %dma_wait3A_153] : memref<32x1x128xi32, #tpu.memory_space<vmem>> -> memref<1x1x128xi32, #tpu.memory_space<vmem>>
      %dma_wait3A_155 = tpu.memref_squeeze %dma_wait3A_154 : memref<1x1x128xi32, #tpu.memory_space<vmem>> -> memref<128xi32, #tpu.memory_space<vmem>>
      %dma_wait3A_156 = arith.constant 0 : i32
      %dma_wait3A_157 = arith.constant 0 : i32
      %dma_wait3A_158 = tpu.memref_slice %arg10[%dma_wait3A_156, %dma_wait3A_157] : memref<4096x128xf32, #tpu.memory_space<vmem_shared>> -> memref<4096x128xf32, #tpu.memory_space<vmem_shared>>
      tpu.wait_indirect_dma semaphore(%run_scoped3A_146 : memref<!tpu.dma_semaphore, #tpu.memory_space<semaphore_mem>>) src(%arg11 : memref<128x128xf32, #tpu.memory_space<vmem>>) dst(%dma_wait3A_158 : memref<4096x128xf32, #tpu.memory_space<vmem_shared>>)
      tpu.yield
    }) : () -> ()
    %barrier3A_133 = arith.constant 0 : index
    tpu.barrier barrier_id(%barrier3A_133)
    %mul3A_134 = arith.constant 2 : i32
    %mul3A_135 = arith.muli %arg0, %mul3A_134 : i32
    %add3A_136 = arith.constant 1 : i32
    %add3A_137 = arith.addi %mul3A_135, %add3A_136 : i32
    %mul3A_138 = arith.constant 4096 : i32
    %mul3A_139 = arith.muli %add3A_137, %mul3A_138 : i32
    %add3A_140 = arith.constant 0 : i32
    %add3A_141 = arith.addi %mul3A_36, %add3A_140 : i32
    "tpu.region"() ({
      %run_scoped3A_146 = tpu.sem_alloc : memref<!tpu.dma_semaphore, #tpu.memory_space<semaphore_mem>>
      %dma_start3A_147 = arith.constant 0 : i32
      %dma_start3A_148 = tpu.memref_slice %arg10[%add3A_141, %dma_start3A_147] : memref<4096x128xf32, #tpu.memory_space<vmem_shared>> -> memref<128x128xf32, #tpu.memory_space<vmem_shared>>
      %dma_start3A_149 = arith.constant 0 : i32
      %dma_start3A_150 = tpu.memref_slice %arg10[%add3A_141, %dma_start3A_149] : memref<4096x128xf32, #tpu.memory_space<vmem_shared>> -> memref<128x128xf32, #tpu.memory_space<vmem_shared>>
      tpu.enqueue_dma source(%dma_start3A_150 : memref<128x128xf32, #tpu.memory_space<vmem_shared>>) target(%arg11 : memref<128x128xf32, #tpu.memory_space<vmem>>) target_semaphore(%run_scoped3A_146 : memref<!tpu.dma_semaphore, #tpu.memory_space<semaphore_mem>>)
      %dma_wait3A_151 = arith.constant 0 : i32
      %dma_wait3A_152 = tpu.memref_slice %arg10[%add3A_141, %dma_wait3A_151] : memref<4096x128xf32, #tpu.memory_space<vmem_shared>> -> memref<128x128xf32, #tpu.memory_space<vmem_shared>>
      %dma_wait3A_153 = arith.constant 0 : i32
      %dma_wait3A_154 = tpu.memref_slice %arg10[%add3A_141, %dma_wait3A_153] : memref<4096x128xf32, #tpu.memory_space<vmem_shared>> -> memref<128x128xf32, #tpu.memory_space<vmem_shared>>
      tpu.wait_dma2 semaphore(%run_scoped3A_146 : memref<!tpu.dma_semaphore, #tpu.memory_space<semaphore_mem>>) src(%dma_wait3A_154 : memref<128x128xf32, #tpu.memory_space<vmem_shared>>) dst(%arg11 : memref<128x128xf32, #tpu.memory_space<vmem>>)
      tpu.yield
    }) : () -> ()
    %add3A_142 = arith.addi %mul3A_139, %add3A_141 : i32
    "tpu.region"() ({
      %run_scoped3A_146 = tpu.sem_alloc : memref<!tpu.dma_semaphore, #tpu.memory_space<semaphore_mem>>
      %dma_start3A_147 = arith.constant 0 : i32
      %dma_start3A_148 = tpu.memref_slice %arg5[%add3A_142, %dma_start3A_147] : memref<16384x128xf32, #tpu.memory_space<hbm>> -> memref<128x128xf32, #tpu.memory_space<hbm>>
      %dma_start3A_149 = arith.constant 0 : i32
      %dma_start3A_150 = tpu.memref_slice %arg5[%add3A_142, %dma_start3A_149] : memref<16384x128xf32, #tpu.memory_space<hbm>> -> memref<128x128xf32, #tpu.memory_space<hbm>>
      tpu.enqueue_dma source(%arg11 : memref<128x128xf32, #tpu.memory_space<vmem>>) target(%dma_start3A_150 : memref<128x128xf32, #tpu.memory_space<hbm>>) target_semaphore(%run_scoped3A_146 : memref<!tpu.dma_semaphore, #tpu.memory_space<semaphore_mem>>)
      %dma_wait3A_151 = arith.constant 0 : i32
      %dma_wait3A_152 = tpu.memref_slice %arg5[%add3A_142, %dma_wait3A_151] : memref<16384x128xf32, #tpu.memory_space<hbm>> -> memref<128x128xf32, #tpu.memory_space<hbm>>
      %dma_wait3A_153 = arith.constant 0 : i32
      %dma_wait3A_154 = tpu.memref_slice %arg5[%add3A_142, %dma_wait3A_153] : memref<16384x128xf32, #tpu.memory_space<hbm>> -> memref<128x128xf32, #tpu.memory_space<hbm>>
      tpu.wait_dma2 semaphore(%run_scoped3A_146 : memref<!tpu.dma_semaphore, #tpu.memory_space<semaphore_mem>>) src(%arg11 : memref<128x128xf32, #tpu.memory_space<vmem>>) dst(%dma_wait3A_154 : memref<128x128xf32, #tpu.memory_space<hbm>>)
      tpu.yield
    }) : () -> ()
    %add3A_143 = arith.constant 128 : i32
    %add3A_144 = arith.addi %mul3A_36, %add3A_143 : i32
    "tpu.region"() ({
      %run_scoped3A_146 = tpu.sem_alloc : memref<!tpu.dma_semaphore, #tpu.memory_space<semaphore_mem>>
      %dma_start3A_147 = arith.constant 0 : i32
      %dma_start3A_148 = tpu.memref_slice %arg10[%add3A_144, %dma_start3A_147] : memref<4096x128xf32, #tpu.memory_space<vmem_shared>> -> memref<128x128xf32, #tpu.memory_space<vmem_shared>>
      %dma_start3A_149 = arith.constant 0 : i32
      %dma_start3A_150 = tpu.memref_slice %arg10[%add3A_144, %dma_start3A_149] : memref<4096x128xf32, #tpu.memory_space<vmem_shared>> -> memref<128x128xf32, #tpu.memory_space<vmem_shared>>
      tpu.enqueue_dma source(%dma_start3A_150 : memref<128x128xf32, #tpu.memory_space<vmem_shared>>) target(%arg11 : memref<128x128xf32, #tpu.memory_space<vmem>>) target_semaphore(%run_scoped3A_146 : memref<!tpu.dma_semaphore, #tpu.memory_space<semaphore_mem>>)
      %dma_wait3A_151 = arith.constant 0 : i32
      %dma_wait3A_152 = tpu.memref_slice %arg10[%add3A_144, %dma_wait3A_151] : memref<4096x128xf32, #tpu.memory_space<vmem_shared>> -> memref<128x128xf32, #tpu.memory_space<vmem_shared>>
      %dma_wait3A_153 = arith.constant 0 : i32
      %dma_wait3A_154 = tpu.memref_slice %arg10[%add3A_144, %dma_wait3A_153] : memref<4096x128xf32, #tpu.memory_space<vmem_shared>> -> memref<128x128xf32, #tpu.memory_space<vmem_shared>>
      tpu.wait_dma2 semaphore(%run_scoped3A_146 : memref<!tpu.dma_semaphore, #tpu.memory_space<semaphore_mem>>) src(%dma_wait3A_154 : memref<128x128xf32, #tpu.memory_space<vmem_shared>>) dst(%arg11 : memref<128x128xf32, #tpu.memory_space<vmem>>)
      tpu.yield
    }) : () -> ()
    %add3A_145 = arith.addi %mul3A_139, %add3A_144 : i32
    "tpu.region"() ({
      %run_scoped3A_146 = tpu.sem_alloc : memref<!tpu.dma_semaphore, #tpu.memory_space<semaphore_mem>>
      %dma_start3A_147 = arith.constant 0 : i32
      %dma_start3A_148 = tpu.memref_slice %arg5[%add3A_145, %dma_start3A_147] : memref<16384x128xf32, #tpu.memory_space<hbm>> -> memref<128x128xf32, #tpu.memory_space<hbm>>
      %dma_start3A_149 = arith.constant 0 : i32
      %dma_start3A_150 = tpu.memref_slice %arg5[%add3A_145, %dma_start3A_149] : memref<16384x128xf32, #tpu.memory_space<hbm>> -> memref<128x128xf32, #tpu.memory_space<hbm>>
      tpu.enqueue_dma source(%arg11 : memref<128x128xf32, #tpu.memory_space<vmem>>) target(%dma_start3A_150 : memref<128x128xf32, #tpu.memory_space<hbm>>) target_semaphore(%run_scoped3A_146 : memref<!tpu.dma_semaphore, #tpu.memory_space<semaphore_mem>>)
      %dma_wait3A_151 = arith.constant 0 : i32
      %dma_wait3A_152 = tpu.memref_slice %arg5[%add3A_145, %dma_wait3A_151] : memref<16384x128xf32, #tpu.memory_space<hbm>> -> memref<128x128xf32, #tpu.memory_space<hbm>>
      %dma_wait3A_153 = arith.constant 0 : i32
      %dma_wait3A_154 = tpu.memref_slice %arg5[%add3A_145, %dma_wait3A_153] : memref<16384x128xf32, #tpu.memory_space<hbm>> -> memref<128x128xf32, #tpu.memory_space<hbm>>
      tpu.wait_dma2 semaphore(%run_scoped3A_146 : memref<!tpu.dma_semaphore, #tpu.memory_space<semaphore_mem>>) src(%arg11 : memref<128x128xf32, #tpu.memory_space<vmem>>) dst(%dma_wait3A_154 : memref<128x128xf32, #tpu.memory_space<hbm>>)
      tpu.yield
    }) : () -> ()
    return
  }
}

module attributes {stable_mosaic.version = 14 : i64} {
  func.func @body(%arg0: i32, %arg1: memref<256x128xf32, #tpu.memory_space<vmem>>, %arg2: memref<256x128xf32, #tpu.memory_space<vmem>>, %arg3: memref<256x128xf32, #tpu.memory_space<vmem>>, %arg4: memref<256x1xf32, #tpu.memory_space<vmem>>, %arg5: memref<128x128xf32, #tpu.memory_space<vmem>>, %arg6: memref<128x256xf32, #tpu.memory_space<vmem>>, %arg7: memref<128x256xf32, #tpu.memory_space<vmem>>, %arg8: memref<256x256xf32, #tpu.memory_space<vmem>>, %arg9: memref<8x256xf32, #tpu.memory_space<vmem>>, %arg10: memref<256x256xf32, #tpu.memory_space<vmem>>) attributes {dimension_semantics = [#tpu.dimension_semantics<arbitrary>], iteration_bounds = array<i64: 16>, scalar_prefetch = 0 : i64, scratch_operands = 0 : i64, tpu.core_type = #tpu.core_type<tc>, window_params = [{transform_indices = @transform_0, window_bounds = array<i64: 256, 128>}, {transform_indices = @transform_1, window_bounds = array<i64: 256, 128>}, {transform_indices = @transform_2, window_bounds = array<i64: 256, 128>}, {transform_indices = @transform_3, window_bounds = array<i64: 256, 1>}, {pipeline_mode = #tpu.pipeline_mode<synchronous>, transform_indices = @transform_4, window_bounds = array<i64: 128, 128>}, {pipeline_mode = #tpu.pipeline_mode<synchronous>, transform_indices = @transform_5, window_bounds = array<i64: 128, 256>}, {pipeline_mode = #tpu.pipeline_mode<synchronous>, transform_indices = @transform_6, window_bounds = array<i64: 128, 256>}, {pipeline_mode = #tpu.pipeline_mode<synchronous>, transform_indices = @transform_7, window_bounds = array<i64: 256, 256>}, {pipeline_mode = #tpu.pipeline_mode<synchronous>, transform_indices = @transform_8, window_bounds = array<i64: 8, 256>}, {transform_indices = @transform_9, window_bounds = array<i64: 256, 256>}]} {
    %get3A = arith.constant 0 : index
    %get3A_0 = arith.constant 0 : index
    %get3A_1 = vector.load %arg2[%get3A, %get3A_0] : memref<256x128xf32, #tpu.memory_space<vmem>>, vector<256x128xf32>
    %get3A_2 = arith.constant 0 : index
    %get3A_3 = arith.constant 0 : index
    %get3A_4 = vector.load %arg3[%get3A_2, %get3A_3] : memref<256x128xf32, #tpu.memory_space<vmem>>, vector<256x128xf32>
    %add3A = arith.addf %get3A_1, %get3A_4 : vector<256x128xf32>
    %get3A_5 = arith.constant 0 : index
    %get3A_6 = arith.constant 0 : index
    %get3A_7 = vector.load %arg1[%get3A_5, %get3A_6] : memref<256x128xf32, #tpu.memory_space<vmem>>, vector<256x128xf32>
    %add3A_8 = arith.addf %get3A_7, %add3A : vector<256x128xf32>
    %get3A_9 = arith.constant 0 : index
    %get3A_10 = arith.constant 0 : index
    %get3A_11 = vector.load %arg7[%get3A_9, %get3A_10] : memref<128x256xf32, #tpu.memory_space<vmem>>, vector<128x256xf32>
    %dot_general3A = arith.constant dense<0.000000e+00> : vector<256x256xf32>
    %dot_general3A_12 = tpu.matmul %add3A_8, %get3A_11, %dot_general3A {dimension_numbers = #tpu.dot_dimension_numbers<[1], [0], [0], [1], [0, 0, 1, 1], [], []>, precision = #tpu.contract_precision<fp32>, transpose_lhs_hint = false} : vector<256x128xf32>, vector<128x256xf32>, vector<256x256xf32> -> vector<256x256xf32>
    %get3A_13 = arith.constant 0 : index
    %get3A_14 = arith.constant 0 : index
    %get3A_15 = vector.load %arg9[%get3A_13, %get3A_14] : memref<8x256xf32, #tpu.memory_space<vmem>>, vector<1x256xf32>
    %add3A_16 = vector.broadcast %get3A_15 : vector<1x256xf32> to vector<256x256xf32>
    %add3A_17 = arith.addf %dot_general3A_12, %add3A_16 : vector<256x256xf32>
    %gt3A = arith.constant 0.000000e+00 : f32
    %gt3A_18 = vector.broadcast %gt3A : f32 to vector<256x256xf32>
    %gt3A_19 = arith.cmpf ogt, %add3A_17, %gt3A_18 : vector<256x256xf32>
    %mul3A = arith.constant 2.000000e-01 : f32
    %mul3A_20 = vector.broadcast %mul3A : f32 to vector<256x256xf32>
    %mul3A_21 = arith.mulf %mul3A_20, %add3A_17 : vector<256x256xf32>
    %select_n3A = arith.select %gt3A_19, %add3A_17, %mul3A_21 : vector<256x256xi1>, vector<256x256xf32>
    %get3A_22 = arith.constant 2 : index
    %get3A_23 = arith.constant 0 : index
    %get3A_24 = vector.load %arg9[%get3A_22, %get3A_23] : memref<8x256xf32, #tpu.memory_space<vmem>>, vector<1x256xf32>
    %mul3A_25 = vector.broadcast %get3A_24 : vector<1x256xf32> to vector<256x256xf32>
    %mul3A_26 = arith.mulf %select_n3A, %mul3A_25 : vector<256x256xf32>
    %get3A_27 = arith.constant 3 : index
    %get3A_28 = arith.constant 0 : index
    %get3A_29 = vector.load %arg9[%get3A_27, %get3A_28] : memref<8x256xf32, #tpu.memory_space<vmem>>, vector<1x256xf32>
    %add3A_30 = vector.broadcast %get3A_29 : vector<1x256xf32> to vector<256x256xf32>
    %add3A_31 = arith.addf %mul3A_26, %add3A_30 : vector<256x256xf32>
    %get3A_32 = arith.constant 0 : index
    %get3A_33 = arith.constant 0 : index
    %get3A_34 = vector.load %arg8[%get3A_32, %get3A_33] : memref<256x256xf32, #tpu.memory_space<vmem>>, vector<256x256xf32>
    %dot_general3A_35 = arith.constant dense<0.000000e+00> : vector<256x256xf32>
    %dot_general3A_36 = tpu.matmul %add3A_31, %get3A_34, %dot_general3A_35 {dimension_numbers = #tpu.dot_dimension_numbers<[1], [0], [0], [1], [0, 0, 1, 1], [], []>, precision = #tpu.contract_precision<fp32>, transpose_lhs_hint = false} : vector<256x256xf32>, vector<256x256xf32>, vector<256x256xf32> -> vector<256x256xf32>
    %get3A_37 = arith.constant 1 : index
    %get3A_38 = arith.constant 0 : index
    %get3A_39 = vector.load %arg9[%get3A_37, %get3A_38] : memref<8x256xf32, #tpu.memory_space<vmem>>, vector<1x256xf32>
    %add3A_40 = vector.broadcast %get3A_39 : vector<1x256xf32> to vector<256x256xf32>
    %add3A_41 = arith.addf %dot_general3A_36, %add3A_40 : vector<256x256xf32>
    %gt3A_42 = arith.constant 0.000000e+00 : f32
    %gt3A_43 = vector.broadcast %gt3A_42 : f32 to vector<256x256xf32>
    %gt3A_44 = arith.cmpf ogt, %add3A_41, %gt3A_43 : vector<256x256xf32>
    %mul3A_45 = arith.constant 2.000000e-01 : f32
    %mul3A_46 = vector.broadcast %mul3A_45 : f32 to vector<256x256xf32>
    %mul3A_47 = arith.mulf %mul3A_46, %add3A_41 : vector<256x256xf32>
    %select_n3A_48 = arith.select %gt3A_44, %add3A_41, %mul3A_47 : vector<256x256xi1>, vector<256x256xf32>
    %get3A_49 = arith.constant 0 : index
    %get3A_50 = arith.constant 0 : index
    %get3A_51 = vector.load %arg5[%get3A_49, %get3A_50] : memref<128x128xf32, #tpu.memory_space<vmem>>, vector<128x128xf32>
    %ne3A = arith.cmpf one, %get3A_51, %get3A_51 : vector<128x128xf32>
    %jit3A = arith.constant -1.000000e+02 : f32
    %broadcast_in_dim3A = vector.broadcast %jit3A : f32 to vector<128x128xf32>
    %select_n3A_52 = arith.select %ne3A, %broadcast_in_dim3A, %get3A_51 : vector<128x128xi1>, vector<128x128xf32>
    %get3A_53 = arith.constant 0 : index
    %get3A_54 = arith.constant 0 : index
    %get3A_55 = vector.load %arg6[%get3A_53, %get3A_54] : memref<128x256xf32, #tpu.memory_space<vmem>>, vector<128x256xf32>
    %dot_general3A_56 = arith.constant dense<0.000000e+00> : vector<128x256xf32>
    %dot_general3A_57 = tpu.matmul %select_n3A_52, %get3A_55, %dot_general3A_56 {dimension_numbers = #tpu.dot_dimension_numbers<[1], [0], [0], [1], [0, 0, 1, 1], [], []>, precision = #tpu.contract_precision<fp32>, transpose_lhs_hint = false} : vector<128x128xf32>, vector<128x256xf32>, vector<128x256xf32> -> vector<128x256xf32>
    %iota3A = tpu.iota {dimensions = array<i32: 1>} : vector<1x128xi32>
    %convert_element_type3A = arith.sitofp %iota3A : vector<1x128xi32> to vector<1x128xf32>
    %get3A_58 = arith.constant 0 : index
    %get3A_59 = arith.constant 0 : index
    %get3A_60 = vector.load %arg4[%get3A_58, %get3A_59] : memref<256x1xf32, #tpu.memory_space<vmem>>, vector<256x1xf32>
    %eq3A = vector.broadcast %get3A_60 : vector<256x1xf32> to vector<256x128xf32>
    %eq3A_61 = vector.broadcast %convert_element_type3A : vector<1x128xf32> to vector<256x128xf32>
    %eq3A_62 = arith.cmpf oeq, %eq3A, %eq3A_61 : vector<256x128xf32>
    %convert_element_type3A_63 = arith.extui %eq3A_62 : vector<256x128xi1> to vector<256x128xi32>
    %convert_element_type3A_64 = arith.sitofp %convert_element_type3A_63 : vector<256x128xi32> to vector<256x128xf32>
    %dot_general3A_65 = arith.constant dense<0.000000e+00> : vector<256x256xf32>
    %dot_general3A_66 = tpu.matmul %convert_element_type3A_64, %dot_general3A_57, %dot_general3A_65 {dimension_numbers = #tpu.dot_dimension_numbers<[1], [0], [0], [1], [0, 0, 1, 1], [], []>, precision = #tpu.contract_precision<fp32>, transpose_lhs_hint = false} : vector<256x128xf32>, vector<128x256xf32>, vector<256x256xf32> -> vector<256x256xf32>
    %add3A_67 = arith.addf %select_n3A_48, %dot_general3A_66 : vector<256x256xf32>
    %get3A_68 = arith.constant 4 : index
    %get3A_69 = arith.constant 0 : index
    %get3A_70 = vector.load %arg9[%get3A_68, %get3A_69] : memref<8x256xf32, #tpu.memory_space<vmem>>, vector<1x256xf32>
    %add3A_71 = vector.broadcast %get3A_70 : vector<1x256xf32> to vector<256x256xf32>
    %add3A_72 = arith.addf %add3A_67, %add3A_71 : vector<256x256xf32>
    %swap3A = arith.constant 0 : index
    %swap3A_73 = arith.constant 0 : index
    %swap3A_74 = vector.load %arg10[%swap3A, %swap3A_73] : memref<256x256xf32, #tpu.memory_space<vmem>>, vector<256x256xf32>
    tpu.vector_store %arg10[%swap3A, %swap3A_73], %add3A_72 {strides = array<i32>} : memref<256x256xf32, #tpu.memory_space<vmem>>, vector<256x256xf32>,
    return
  }
  func.func @transform_0(%arg0: i32) -> (i32, i32) {
    %c0_i32 = arith.constant 0 : i32
    %c0_i32_0 = arith.constant 0 : i32
    return %arg0, %c0_i32 : i32, i32
  }
  func.func @transform_1(%arg0: i32) -> (i32, i32) {
    %c0_i32 = arith.constant 0 : i32
    %c0_i32_0 = arith.constant 0 : i32
    return %arg0, %c0_i32 : i32, i32
  }
  func.func @transform_2(%arg0: i32) -> (i32, i32) {
    %c0_i32 = arith.constant 0 : i32
    %c0_i32_0 = arith.constant 0 : i32
    return %arg0, %c0_i32 : i32, i32
  }
  func.func @transform_3(%arg0: i32) -> (i32, i32) {
    %c0_i32 = arith.constant 0 : i32
    %c0_i32_0 = arith.constant 0 : i32
    return %arg0, %c0_i32 : i32, i32
  }
  func.func @transform_4(%arg0: i32) -> (i32, i32) {
    %c0_i32 = arith.constant 0 : i32
    %c0_i32_0 = arith.constant 0 : i32
    %c0_i32_1 = arith.constant 0 : i32
    return %c0_i32, %c0_i32_0 : i32, i32
  }
  func.func @transform_5(%arg0: i32) -> (i32, i32) {
    %c0_i32 = arith.constant 0 : i32
    %c0_i32_0 = arith.constant 0 : i32
    %c0_i32_1 = arith.constant 0 : i32
    return %c0_i32, %c0_i32_0 : i32, i32
  }
  func.func @transform_6(%arg0: i32) -> (i32, i32) {
    %c0_i32 = arith.constant 0 : i32
    %c0_i32_0 = arith.constant 0 : i32
    %c0_i32_1 = arith.constant 0 : i32
    return %c0_i32, %c0_i32_0 : i32, i32
  }
  func.func @transform_7(%arg0: i32) -> (i32, i32) {
    %c0_i32 = arith.constant 0 : i32
    %c0_i32_0 = arith.constant 0 : i32
    %c0_i32_1 = arith.constant 0 : i32
    return %c0_i32, %c0_i32_0 : i32, i32
  }
  func.func @transform_8(%arg0: i32) -> (i32, i32) {
    %c0_i32 = arith.constant 0 : i32
    %c0_i32_0 = arith.constant 0 : i32
    %c0_i32_1 = arith.constant 0 : i32
    return %c0_i32, %c0_i32_0 : i32, i32
  }
  func.func @transform_9(%arg0: i32) -> (i32, i32) {
    %c0_i32 = arith.constant 0 : i32
    %c0_i32_0 = arith.constant 0 : i32
    return %arg0, %c0_i32 : i32, i32
  }
}

module attributes {stable_mosaic.version = 14 : i64} {
  func.func @body(%arg0: i32, %arg1: memref<256x256xf32, #tpu.memory_space<vmem>>, %arg2: memref<256x128xf32, #tpu.memory_space<vmem>>, %arg3: memref<256x128xf32, #tpu.memory_space<vmem>>, %arg4: memref<256x1xf32, #tpu.memory_space<vmem>>, %arg5: memref<128x128xf32, #tpu.memory_space<vmem>>, %arg6: memref<128x256xf32, #tpu.memory_space<vmem>>, %arg7: memref<256x256xf32, #tpu.memory_space<vmem>>, %arg8: memref<256x256xf32, #tpu.memory_space<vmem>>, %arg9: memref<8x256xf32, #tpu.memory_space<vmem>>, %arg10: memref<256x256xf32, #tpu.memory_space<vmem>>) attributes {dimension_semantics = [#tpu.dimension_semantics<arbitrary>], iteration_bounds = array<i64: 16>, scalar_prefetch = 0 : i64, scratch_operands = 0 : i64, tpu.core_type = #tpu.core_type<tc>, window_params = [{transform_indices = @transform_0, window_bounds = array<i64: 256, 256>}, {transform_indices = @transform_1, window_bounds = array<i64: 256, 128>}, {transform_indices = @transform_2, window_bounds = array<i64: 256, 128>}, {transform_indices = @transform_3, window_bounds = array<i64: 256, 1>}, {pipeline_mode = #tpu.pipeline_mode<synchronous>, transform_indices = @transform_4, window_bounds = array<i64: 128, 128>}, {pipeline_mode = #tpu.pipeline_mode<synchronous>, transform_indices = @transform_5, window_bounds = array<i64: 128, 256>}, {pipeline_mode = #tpu.pipeline_mode<synchronous>, transform_indices = @transform_6, window_bounds = array<i64: 256, 256>}, {pipeline_mode = #tpu.pipeline_mode<synchronous>, transform_indices = @transform_7, window_bounds = array<i64: 256, 256>}, {pipeline_mode = #tpu.pipeline_mode<synchronous>, transform_indices = @transform_8, window_bounds = array<i64: 8, 256>}, {transform_indices = @transform_9, window_bounds = array<i64: 256, 256>}]} {
    %get3A = arith.constant 0 : index
    %get3A_0 = arith.constant 0 : index
    %get3A_1 = vector.load %arg2[%get3A, %get3A_0] : memref<256x128xf32, #tpu.memory_space<vmem>>, vector<256x128xf32>
    %get3A_2 = arith.constant 0 : index
    %get3A_3 = arith.constant 0 : index
    %get3A_4 = vector.load %arg3[%get3A_2, %get3A_3] : memref<256x128xf32, #tpu.memory_space<vmem>>, vector<256x128xf32>
    %concatenate3A = tpu.concatenate %get3A_1, %get3A_4 in 1 : vector<256x128xf32>, vector<256x128xf32> -> vector<256x256xf32>
    %get3A_5 = arith.constant 0 : index
    %get3A_6 = arith.constant 0 : index
    %get3A_7 = vector.load %arg1[%get3A_5, %get3A_6] : memref<256x256xf32, #tpu.memory_space<vmem>>, vector<256x256xf32>
    %add3A = arith.addf %get3A_7, %concatenate3A : vector<256x256xf32>
    %get3A_8 = arith.constant 0 : index
    %get3A_9 = arith.constant 0 : index
    %get3A_10 = vector.load %arg7[%get3A_8, %get3A_9] : memref<256x256xf32, #tpu.memory_space<vmem>>, vector<256x256xf32>
    %dot_general3A = arith.constant dense<0.000000e+00> : vector<256x256xf32>
    %dot_general3A_11 = tpu.matmul %add3A, %get3A_10, %dot_general3A {dimension_numbers = #tpu.dot_dimension_numbers<[1], [0], [0], [1], [0, 0, 1, 1], [], []>, precision = #tpu.contract_precision<fp32>, transpose_lhs_hint = false} : vector<256x256xf32>, vector<256x256xf32>, vector<256x256xf32> -> vector<256x256xf32>
    %get3A_12 = arith.constant 0 : index
    %get3A_13 = arith.constant 0 : index
    %get3A_14 = vector.load %arg9[%get3A_12, %get3A_13] : memref<8x256xf32, #tpu.memory_space<vmem>>, vector<1x256xf32>
    %add3A_15 = vector.broadcast %get3A_14 : vector<1x256xf32> to vector<256x256xf32>
    %add3A_16 = arith.addf %dot_general3A_11, %add3A_15 : vector<256x256xf32>
    %gt3A = arith.constant 0.000000e+00 : f32
    %gt3A_17 = vector.broadcast %gt3A : f32 to vector<256x256xf32>
    %gt3A_18 = arith.cmpf ogt, %add3A_16, %gt3A_17 : vector<256x256xf32>
    %mul3A = arith.constant 2.000000e-01 : f32
    %mul3A_19 = vector.broadcast %mul3A : f32 to vector<256x256xf32>
    %mul3A_20 = arith.mulf %mul3A_19, %add3A_16 : vector<256x256xf32>
    %select_n3A = arith.select %gt3A_18, %add3A_16, %mul3A_20 : vector<256x256xi1>, vector<256x256xf32>
    %get3A_21 = arith.constant 2 : index
    %get3A_22 = arith.constant 0 : index
    %get3A_23 = vector.load %arg9[%get3A_21, %get3A_22] : memref<8x256xf32, #tpu.memory_space<vmem>>, vector<1x256xf32>
    %mul3A_24 = vector.broadcast %get3A_23 : vector<1x256xf32> to vector<256x256xf32>
    %mul3A_25 = arith.mulf %select_n3A, %mul3A_24 : vector<256x256xf32>
    %get3A_26 = arith.constant 3 : index
    %get3A_27 = arith.constant 0 : index
    %get3A_28 = vector.load %arg9[%get3A_26, %get3A_27] : memref<8x256xf32, #tpu.memory_space<vmem>>, vector<1x256xf32>
    %add3A_29 = vector.broadcast %get3A_28 : vector<1x256xf32> to vector<256x256xf32>
    %add3A_30 = arith.addf %mul3A_25, %add3A_29 : vector<256x256xf32>
    %get3A_31 = arith.constant 0 : index
    %get3A_32 = arith.constant 0 : index
    %get3A_33 = vector.load %arg8[%get3A_31, %get3A_32] : memref<256x256xf32, #tpu.memory_space<vmem>>, vector<256x256xf32>
    %dot_general3A_34 = arith.constant dense<0.000000e+00> : vector<256x256xf32>
    %dot_general3A_35 = tpu.matmul %add3A_30, %get3A_33, %dot_general3A_34 {dimension_numbers = #tpu.dot_dimension_numbers<[1], [0], [0], [1], [0, 0, 1, 1], [], []>, precision = #tpu.contract_precision<fp32>, transpose_lhs_hint = false} : vector<256x256xf32>, vector<256x256xf32>, vector<256x256xf32> -> vector<256x256xf32>
    %get3A_36 = arith.constant 1 : index
    %get3A_37 = arith.constant 0 : index
    %get3A_38 = vector.load %arg9[%get3A_36, %get3A_37] : memref<8x256xf32, #tpu.memory_space<vmem>>, vector<1x256xf32>
    %add3A_39 = vector.broadcast %get3A_38 : vector<1x256xf32> to vector<256x256xf32>
    %add3A_40 = arith.addf %dot_general3A_35, %add3A_39 : vector<256x256xf32>
    %gt3A_41 = arith.constant 0.000000e+00 : f32
    %gt3A_42 = vector.broadcast %gt3A_41 : f32 to vector<256x256xf32>
    %gt3A_43 = arith.cmpf ogt, %add3A_40, %gt3A_42 : vector<256x256xf32>
    %mul3A_44 = arith.constant 2.000000e-01 : f32
    %mul3A_45 = vector.broadcast %mul3A_44 : f32 to vector<256x256xf32>
    %mul3A_46 = arith.mulf %mul3A_45, %add3A_40 : vector<256x256xf32>
    %select_n3A_47 = arith.select %gt3A_43, %add3A_40, %mul3A_46 : vector<256x256xi1>, vector<256x256xf32>
    %get3A_48 = arith.constant 0 : index
    %get3A_49 = arith.constant 0 : index
    %get3A_50 = vector.load %arg5[%get3A_48, %get3A_49] : memref<128x128xf32, #tpu.memory_space<vmem>>, vector<128x128xf32>
    %ne3A = arith.cmpf one, %get3A_50, %get3A_50 : vector<128x128xf32>
    %jit3A = arith.constant -1.000000e+02 : f32
    %broadcast_in_dim3A = vector.broadcast %jit3A : f32 to vector<128x128xf32>
    %select_n3A_51 = arith.select %ne3A, %broadcast_in_dim3A, %get3A_50 : vector<128x128xi1>, vector<128x128xf32>
    %get3A_52 = arith.constant 0 : index
    %get3A_53 = arith.constant 0 : index
    %get3A_54 = vector.load %arg6[%get3A_52, %get3A_53] : memref<128x256xf32, #tpu.memory_space<vmem>>, vector<128x256xf32>
    %dot_general3A_55 = arith.constant dense<0.000000e+00> : vector<128x256xf32>
    %dot_general3A_56 = tpu.matmul %select_n3A_51, %get3A_54, %dot_general3A_55 {dimension_numbers = #tpu.dot_dimension_numbers<[1], [0], [0], [1], [0, 0, 1, 1], [], []>, precision = #tpu.contract_precision<fp32>, transpose_lhs_hint = false} : vector<128x128xf32>, vector<128x256xf32>, vector<128x256xf32> -> vector<128x256xf32>
    %iota3A = tpu.iota {dimensions = array<i32: 1>} : vector<1x128xi32>
    %convert_element_type3A = arith.sitofp %iota3A : vector<1x128xi32> to vector<1x128xf32>
    %get3A_57 = arith.constant 0 : index
    %get3A_58 = arith.constant 0 : index
    %get3A_59 = vector.load %arg4[%get3A_57, %get3A_58] : memref<256x1xf32, #tpu.memory_space<vmem>>, vector<256x1xf32>
    %eq3A = vector.broadcast %get3A_59 : vector<256x1xf32> to vector<256x128xf32>
    %eq3A_60 = vector.broadcast %convert_element_type3A : vector<1x128xf32> to vector<256x128xf32>
    %eq3A_61 = arith.cmpf oeq, %eq3A, %eq3A_60 : vector<256x128xf32>
    %convert_element_type3A_62 = arith.extui %eq3A_61 : vector<256x128xi1> to vector<256x128xi32>
    %convert_element_type3A_63 = arith.sitofp %convert_element_type3A_62 : vector<256x128xi32> to vector<256x128xf32>
    %dot_general3A_64 = arith.constant dense<0.000000e+00> : vector<256x256xf32>
    %dot_general3A_65 = tpu.matmul %convert_element_type3A_63, %dot_general3A_56, %dot_general3A_64 {dimension_numbers = #tpu.dot_dimension_numbers<[1], [0], [0], [1], [0, 0, 1, 1], [], []>, precision = #tpu.contract_precision<fp32>, transpose_lhs_hint = false} : vector<256x128xf32>, vector<128x256xf32>, vector<256x256xf32> -> vector<256x256xf32>
    %add3A_66 = arith.addf %select_n3A_47, %dot_general3A_65 : vector<256x256xf32>
    %get3A_67 = arith.constant 4 : index
    %get3A_68 = arith.constant 0 : index
    %get3A_69 = vector.load %arg9[%get3A_67, %get3A_68] : memref<8x256xf32, #tpu.memory_space<vmem>>, vector<1x256xf32>
    %add3A_70 = vector.broadcast %get3A_69 : vector<1x256xf32> to vector<256x256xf32>
    %add3A_71 = arith.addf %add3A_66, %add3A_70 : vector<256x256xf32>
    %swap3A = arith.constant 0 : index
    %swap3A_72 = arith.constant 0 : index
    %swap3A_73 = vector.load %arg10[%swap3A, %swap3A_72] : memref<256x256xf32, #tpu.memory_space<vmem>>, vector<256x256xf32>
    tpu.vector_store %arg10[%swap3A, %swap3A_72], %add3A_71 {strides = array<i32>} : memref<256x256xf32, #tpu.memory_space<vmem>>, vector<256x256xf32>,
    return
  }
  func.func @transform_0(%arg0: i32) -> (i32, i32) {
    %c0_i32 = arith.constant 0 : i32
    %c0_i32_0 = arith.constant 0 : i32
    return %arg0, %c0_i32 : i32, i32
  }
  func.func @transform_1(%arg0: i32) -> (i32, i32) {
    %c0_i32 = arith.constant 0 : i32
    %c0_i32_0 = arith.constant 0 : i32
    return %arg0, %c0_i32 : i32, i32
  }
  func.func @transform_2(%arg0: i32) -> (i32, i32) {
    %c0_i32 = arith.constant 0 : i32
    %c0_i32_0 = arith.constant 0 : i32
    return %arg0, %c0_i32 : i32, i32
  }
  func.func @transform_3(%arg0: i32) -> (i32, i32) {
    %c0_i32 = arith.constant 0 : i32
    %c0_i32_0 = arith.constant 0 : i32
    return %arg0, %c0_i32 : i32, i32
  }
  func.func @transform_4(%arg0: i32) -> (i32, i32) {
    %c0_i32 = arith.constant 0 : i32
    %c0_i32_0 = arith.constant 0 : i32
    %c0_i32_1 = arith.constant 0 : i32
    return %c0_i32, %c0_i32_0 : i32, i32
  }
  func.func @transform_5(%arg0: i32) -> (i32, i32) {
    %c0_i32 = arith.constant 0 : i32
    %c0_i32_0 = arith.constant 0 : i32
    %c0_i32_1 = arith.constant 0 : i32
    return %c0_i32, %c0_i32_0 : i32, i32
  }
  func.func @transform_6(%arg0: i32) -> (i32, i32) {
    %c0_i32 = arith.constant 0 : i32
    %c0_i32_0 = arith.constant 0 : i32
    %c0_i32_1 = arith.constant 0 : i32
    return %c0_i32, %c0_i32_0 : i32, i32
  }
  func.func @transform_7(%arg0: i32) -> (i32, i32) {
    %c0_i32 = arith.constant 0 : i32
    %c0_i32_0 = arith.constant 0 : i32
    %c0_i32_1 = arith.constant 0 : i32
    return %c0_i32, %c0_i32_0 : i32, i32
  }
  func.func @transform_8(%arg0: i32) -> (i32, i32) {
    %c0_i32 = arith.constant 0 : i32
    %c0_i32_0 = arith.constant 0 : i32
    %c0_i32_1 = arith.constant 0 : i32
    return %c0_i32, %c0_i32_0 : i32, i32
  }
  func.func @transform_9(%arg0: i32) -> (i32, i32) {
    %c0_i32 = arith.constant 0 : i32
    %c0_i32_0 = arith.constant 0 : i32
    return %arg0, %c0_i32 : i32, i32
  }
}

module attributes {stable_mosaic.version = 14 : i64} {
  func.func @body(%arg0: i32, %arg1: memref<256x256xf32, #tpu.memory_space<vmem>>, %arg2: memref<256x128xf32, #tpu.memory_space<vmem>>, %arg3: memref<256x128xf32, #tpu.memory_space<vmem>>, %arg4: memref<256x1xf32, #tpu.memory_space<vmem>>, %arg5: memref<128x128xf32, #tpu.memory_space<vmem>>, %arg6: memref<128x256xf32, #tpu.memory_space<vmem>>, %arg7: memref<256x256xf32, #tpu.memory_space<vmem>>, %arg8: memref<256x256xf32, #tpu.memory_space<vmem>>, %arg9: memref<8x256xf32, #tpu.memory_space<vmem>>, %arg10: memref<256x64xf32, #tpu.memory_space<vmem>>, %arg11: memref<256x256xf32, #tpu.memory_space<vmem>>, %arg12: memref<256x64xf32, #tpu.memory_space<vmem>>, %arg13: memref<256x64xf32, #tpu.memory_space<vmem>>, %arg14: memref<64x64xf32, #tpu.memory_space<vmem>>, %arg15: memref<64x128xf32, #tpu.memory_space<vmem>>, %arg16: memref<128x128xf32, #tpu.memory_space<vmem>>, %arg17: memref<8x64xf32, #tpu.memory_space<vmem>>, %arg18: memref<8x128xf32, #tpu.memory_space<vmem>>, %arg19: memref<256x64xf32, #tpu.memory_space<vmem>>, %arg20: memref<256x64xf32, #tpu.memory_space<vmem>>, %arg21: memref<256x64xf32, #tpu.memory_space<vmem>>, %arg22: memref<256x128xf32, #tpu.memory_space<vmem>>, %arg23: memref<256x128xf32, #tpu.memory_space<vmem>>, %arg24: memref<256x128xf32, #tpu.memory_space<vmem>>, %arg25: memref<256x128xf32, #tpu.memory_space<vmem>>) attributes {dimension_semantics = [#tpu.dimension_semantics<arbitrary>], iteration_bounds = array<i64: 16>, scalar_prefetch = 0 : i64, scratch_operands = 0 : i64, tpu.core_type = #tpu.core_type<tc>, window_params = [{transform_indices = @transform_0, window_bounds = array<i64: 256, 256>}, {transform_indices = @transform_1, window_bounds = array<i64: 256, 128>}, {transform_indices = @transform_2, window_bounds = array<i64: 256, 128>}, {transform_indices = @transform_3, window_bounds = array<i64: 256, 1>}, {pipeline_mode = #tpu.pipeline_mode<synchronous>, transform_indices = @transform_4, window_bounds = array<i64: 128, 128>}, {pipeline_mode = #tpu.pipeline_mode<synchronous>, transform_indices = @transform_5, window_bounds = array<i64: 128, 256>}, {pipeline_mode = #tpu.pipeline_mode<synchronous>, transform_indices = @transform_6, window_bounds = array<i64: 256, 256>}, {pipeline_mode = #tpu.pipeline_mode<synchronous>, transform_indices = @transform_7, window_bounds = array<i64: 256, 256>}, {pipeline_mode = #tpu.pipeline_mode<synchronous>, transform_indices = @transform_8, window_bounds = array<i64: 8, 256>}, {transform_indices = @transform_9, window_bounds = array<i64: 256, 64>}, {pipeline_mode = #tpu.pipeline_mode<synchronous>, transform_indices = @transform_10, window_bounds = array<i64: 256, 256>}, {pipeline_mode = #tpu.pipeline_mode<synchronous>, transform_indices = @transform_11, window_bounds = array<i64: 256, 64>}, {pipeline_mode = #tpu.pipeline_mode<synchronous>, transform_indices = @transform_12, window_bounds = array<i64: 256, 64>}, {pipeline_mode = #tpu.pipeline_mode<synchronous>, transform_indices = @transform_13, window_bounds = array<i64: 64, 64>}, {pipeline_mode = #tpu.pipeline_mode<synchronous>, transform_indices = @transform_14, window_bounds = array<i64: 64, 128>}, {pipeline_mode = #tpu.pipeline_mode<synchronous>, transform_indices = @transform_15, window_bounds = array<i64: 128, 128>}, {pipeline_mode = #tpu.pipeline_mode<synchronous>, transform_indices = @transform_16, window_bounds = array<i64: 8, 64>}, {pipeline_mode = #tpu.pipeline_mode<synchronous>, transform_indices = @transform_17, window_bounds = array<i64: 8, 128>}, {transform_indices = @transform_18, window_bounds = array<i64: 256, 64>}, {transform_indices = @transform_19, window_bounds = array<i64: 256, 64>}, {transform_indices = @transform_20, window_bounds = array<i64: 256, 64>}, {transform_indices = @transform_21, window_bounds = array<i64: 256, 128>}, {transform_indices = @transform_22, window_bounds = array<i64: 256, 128>}, {transform_indices = @transform_23, window_bounds = array<i64: 256, 128>}, {transform_indices = @transform_24, window_bounds = array<i64: 256, 128>}]} {
    %get3A = arith.constant 0 : index
    %get3A_0 = arith.constant 0 : index
    %get3A_1 = vector.load %arg2[%get3A, %get3A_0] : memref<256x128xf32, #tpu.memory_space<vmem>>, vector<256x128xf32>
    %get3A_2 = arith.constant 0 : index
    %get3A_3 = arith.constant 0 : index
    %get3A_4 = vector.load %arg3[%get3A_2, %get3A_3] : memref<256x128xf32, #tpu.memory_space<vmem>>, vector<256x128xf32>
    %concatenate3A = tpu.concatenate %get3A_1, %get3A_4 in 1 : vector<256x128xf32>, vector<256x128xf32> -> vector<256x256xf32>
    %get3A_5 = arith.constant 0 : index
    %get3A_6 = arith.constant 0 : index
    %get3A_7 = vector.load %arg1[%get3A_5, %get3A_6] : memref<256x256xf32, #tpu.memory_space<vmem>>, vector<256x256xf32>
    %add3A = arith.addf %get3A_7, %concatenate3A : vector<256x256xf32>
    %get3A_8 = arith.constant 0 : index
    %get3A_9 = arith.constant 0 : index
    %get3A_10 = vector.load %arg7[%get3A_8, %get3A_9] : memref<256x256xf32, #tpu.memory_space<vmem>>, vector<256x256xf32>
    %dot_general3A = arith.constant dense<0.000000e+00> : vector<256x256xf32>
    %dot_general3A_11 = tpu.matmul %add3A, %get3A_10, %dot_general3A {dimension_numbers = #tpu.dot_dimension_numbers<[1], [0], [0], [1], [0, 0, 1, 1], [], []>, precision = #tpu.contract_precision<fp32>, transpose_lhs_hint = false} : vector<256x256xf32>, vector<256x256xf32>, vector<256x256xf32> -> vector<256x256xf32>
    %get3A_12 = arith.constant 0 : index
    %get3A_13 = arith.constant 0 : index
    %get3A_14 = vector.load %arg9[%get3A_12, %get3A_13] : memref<8x256xf32, #tpu.memory_space<vmem>>, vector<1x256xf32>
    %add3A_15 = vector.broadcast %get3A_14 : vector<1x256xf32> to vector<256x256xf32>
    %add3A_16 = arith.addf %dot_general3A_11, %add3A_15 : vector<256x256xf32>
    %gt3A = arith.constant 0.000000e+00 : f32
    %gt3A_17 = vector.broadcast %gt3A : f32 to vector<256x256xf32>
    %gt3A_18 = arith.cmpf ogt, %add3A_16, %gt3A_17 : vector<256x256xf32>
    %mul3A = arith.constant 2.000000e-01 : f32
    %mul3A_19 = vector.broadcast %mul3A : f32 to vector<256x256xf32>
    %mul3A_20 = arith.mulf %mul3A_19, %add3A_16 : vector<256x256xf32>
    %select_n3A = arith.select %gt3A_18, %add3A_16, %mul3A_20 : vector<256x256xi1>, vector<256x256xf32>
    %get3A_21 = arith.constant 2 : index
    %get3A_22 = arith.constant 0 : index
    %get3A_23 = vector.load %arg9[%get3A_21, %get3A_22] : memref<8x256xf32, #tpu.memory_space<vmem>>, vector<1x256xf32>
    %mul3A_24 = vector.broadcast %get3A_23 : vector<1x256xf32> to vector<256x256xf32>
    %mul3A_25 = arith.mulf %select_n3A, %mul3A_24 : vector<256x256xf32>
    %get3A_26 = arith.constant 3 : index
    %get3A_27 = arith.constant 0 : index
    %get3A_28 = vector.load %arg9[%get3A_26, %get3A_27] : memref<8x256xf32, #tpu.memory_space<vmem>>, vector<1x256xf32>
    %add3A_29 = vector.broadcast %get3A_28 : vector<1x256xf32> to vector<256x256xf32>
    %add3A_30 = arith.addf %mul3A_25, %add3A_29 : vector<256x256xf32>
    %get3A_31 = arith.constant 0 : index
    %get3A_32 = arith.constant 0 : index
    %get3A_33 = vector.load %arg8[%get3A_31, %get3A_32] : memref<256x256xf32, #tpu.memory_space<vmem>>, vector<256x256xf32>
    %dot_general3A_34 = arith.constant dense<0.000000e+00> : vector<256x256xf32>
    %dot_general3A_35 = tpu.matmul %add3A_30, %get3A_33, %dot_general3A_34 {dimension_numbers = #tpu.dot_dimension_numbers<[1], [0], [0], [1], [0, 0, 1, 1], [], []>, precision = #tpu.contract_precision<fp32>, transpose_lhs_hint = false} : vector<256x256xf32>, vector<256x256xf32>, vector<256x256xf32> -> vector<256x256xf32>
    %get3A_36 = arith.constant 1 : index
    %get3A_37 = arith.constant 0 : index
    %get3A_38 = vector.load %arg9[%get3A_36, %get3A_37] : memref<8x256xf32, #tpu.memory_space<vmem>>, vector<1x256xf32>
    %add3A_39 = vector.broadcast %get3A_38 : vector<1x256xf32> to vector<256x256xf32>
    %add3A_40 = arith.addf %dot_general3A_35, %add3A_39 : vector<256x256xf32>
    %gt3A_41 = arith.constant 0.000000e+00 : f32
    %gt3A_42 = vector.broadcast %gt3A_41 : f32 to vector<256x256xf32>
    %gt3A_43 = arith.cmpf ogt, %add3A_40, %gt3A_42 : vector<256x256xf32>
    %mul3A_44 = arith.constant 2.000000e-01 : f32
    %mul3A_45 = vector.broadcast %mul3A_44 : f32 to vector<256x256xf32>
    %mul3A_46 = arith.mulf %mul3A_45, %add3A_40 : vector<256x256xf32>
    %select_n3A_47 = arith.select %gt3A_43, %add3A_40, %mul3A_46 : vector<256x256xi1>, vector<256x256xf32>
    %get3A_48 = arith.constant 0 : index
    %get3A_49 = arith.constant 0 : index
    %get3A_50 = vector.load %arg5[%get3A_48, %get3A_49] : memref<128x128xf32, #tpu.memory_space<vmem>>, vector<128x128xf32>
    %ne3A = arith.cmpf one, %get3A_50, %get3A_50 : vector<128x128xf32>
    %jit3A = arith.constant -1.000000e+02 : f32
    %broadcast_in_dim3A = vector.broadcast %jit3A : f32 to vector<128x128xf32>
    %select_n3A_51 = arith.select %ne3A, %broadcast_in_dim3A, %get3A_50 : vector<128x128xi1>, vector<128x128xf32>
    %get3A_52 = arith.constant 0 : index
    %get3A_53 = arith.constant 0 : index
    %get3A_54 = vector.load %arg6[%get3A_52, %get3A_53] : memref<128x256xf32, #tpu.memory_space<vmem>>, vector<128x256xf32>
    %dot_general3A_55 = arith.constant dense<0.000000e+00> : vector<128x256xf32>
    %dot_general3A_56 = tpu.matmul %select_n3A_51, %get3A_54, %dot_general3A_55 {dimension_numbers = #tpu.dot_dimension_numbers<[1], [0], [0], [1], [0, 0, 1, 1], [], []>, precision = #tpu.contract_precision<fp32>, transpose_lhs_hint = false} : vector<128x128xf32>, vector<128x256xf32>, vector<128x256xf32> -> vector<128x256xf32>
    %iota3A = tpu.iota {dimensions = array<i32: 1>} : vector<1x128xi32>
    %convert_element_type3A = arith.sitofp %iota3A : vector<1x128xi32> to vector<1x128xf32>
    %get3A_57 = arith.constant 0 : index
    %get3A_58 = arith.constant 0 : index
    %get3A_59 = vector.load %arg4[%get3A_57, %get3A_58] : memref<256x1xf32, #tpu.memory_space<vmem>>, vector<256x1xf32>
    %eq3A = vector.broadcast %get3A_59 : vector<256x1xf32> to vector<256x128xf32>
    %eq3A_60 = vector.broadcast %convert_element_type3A : vector<1x128xf32> to vector<256x128xf32>
    %eq3A_61 = arith.cmpf oeq, %eq3A, %eq3A_60 : vector<256x128xf32>
    %convert_element_type3A_62 = arith.extui %eq3A_61 : vector<256x128xi1> to vector<256x128xi32>
    %convert_element_type3A_63 = arith.sitofp %convert_element_type3A_62 : vector<256x128xi32> to vector<256x128xf32>
    %dot_general3A_64 = arith.constant dense<0.000000e+00> : vector<256x256xf32>
    %dot_general3A_65 = tpu.matmul %convert_element_type3A_63, %dot_general3A_56, %dot_general3A_64 {dimension_numbers = #tpu.dot_dimension_numbers<[1], [0], [0], [1], [0, 0, 1, 1], [], []>, precision = #tpu.contract_precision<fp32>, transpose_lhs_hint = false} : vector<256x128xf32>, vector<128x256xf32>, vector<256x256xf32> -> vector<256x256xf32>
    %add3A_66 = arith.addf %select_n3A_47, %dot_general3A_65 : vector<256x256xf32>
    %get3A_67 = arith.constant 4 : index
    %get3A_68 = arith.constant 0 : index
    %get3A_69 = vector.load %arg9[%get3A_67, %get3A_68] : memref<8x256xf32, #tpu.memory_space<vmem>>, vector<1x256xf32>
    %add3A_70 = vector.broadcast %get3A_69 : vector<1x256xf32> to vector<256x256xf32>
    %add3A_71 = arith.addf %add3A_66, %add3A_70 : vector<256x256xf32>
    %get3A_72 = arith.constant 0 : index
    %get3A_73 = arith.constant 0 : index
    %get3A_74 = vector.load %arg11[%get3A_72, %get3A_73] : memref<256x256xf32, #tpu.memory_space<vmem>>, vector<256x256xf32>
    %dot_general3A_75 = arith.constant dense<0.000000e+00> : vector<256x256xf32>
    %dot_general3A_76 = tpu.matmul %add3A_71, %get3A_74, %dot_general3A_75 {dimension_numbers = #tpu.dot_dimension_numbers<[1], [0], [0], [1], [0, 0, 1, 1], [], []>, precision = #tpu.contract_precision<fp32>, transpose_lhs_hint = false} : vector<256x256xf32>, vector<256x256xf32>, vector<256x256xf32> -> vector<256x256xf32>
    %get3A_77 = arith.constant 5 : index
    %get3A_78 = arith.constant 0 : index
    %get3A_79 = vector.load %arg9[%get3A_77, %get3A_78] : memref<8x256xf32, #tpu.memory_space<vmem>>, vector<1x256xf32>
    %add3A_80 = vector.broadcast %get3A_79 : vector<1x256xf32> to vector<256x256xf32>
    %add3A_81 = arith.addf %dot_general3A_76, %add3A_80 : vector<256x256xf32>
    %get3A_82 = arith.constant 0 : index
    %get3A_83 = arith.constant 0 : index
    %get3A_84 = vector.load %arg12[%get3A_82, %get3A_83] : memref<256x64xf32, #tpu.memory_space<vmem>>, vector<256x64xf32>
    %dot_general3A_85 = arith.constant dense<0.000000e+00> : vector<256x64xf32>
    %dot_general3A_86 = tpu.matmul %add3A_81, %get3A_84, %dot_general3A_85 {dimension_numbers = #tpu.dot_dimension_numbers<[1], [0], [0], [1], [0, 0, 1, 1], [], []>, precision = #tpu.contract_precision<fp32>, transpose_lhs_hint = false} : vector<256x256xf32>, vector<256x64xf32>, vector<256x64xf32> -> vector<256x64xf32>
    %get3A_87 = arith.constant 0 : index
    %get3A_88 = arith.constant 0 : index
    %get3A_89 = vector.load %arg17[%get3A_87, %get3A_88] : memref<8x64xf32, #tpu.memory_space<vmem>>, vector<1x64xf32>
    %add3A_90 = vector.broadcast %get3A_89 : vector<1x64xf32> to vector<256x64xf32>
    %add3A_91 = arith.addf %dot_general3A_86, %add3A_90 : vector<256x64xf32>
    %get3A_92 = arith.constant 0 : index
    %get3A_93 = arith.constant 0 : index
    %get3A_94 = vector.load %arg13[%get3A_92, %get3A_93] : memref<256x64xf32, #tpu.memory_space<vmem>>, vector<256x64xf32>
    %dot_general3A_95 = arith.constant dense<0.000000e+00> : vector<256x64xf32>
    %dot_general3A_96 = tpu.matmul %add3A_81, %get3A_94, %dot_general3A_95 {dimension_numbers = #tpu.dot_dimension_numbers<[1], [0], [0], [1], [0, 0, 1, 1], [], []>, precision = #tpu.contract_precision<fp32>, transpose_lhs_hint = false} : vector<256x256xf32>, vector<256x64xf32>, vector<256x64xf32> -> vector<256x64xf32>
    %get3A_97 = arith.constant 1 : index
    %get3A_98 = arith.constant 0 : index
    %get3A_99 = vector.load %arg17[%get3A_97, %get3A_98] : memref<8x64xf32, #tpu.memory_space<vmem>>, vector<1x64xf32>
    %add3A_100 = vector.broadcast %get3A_99 : vector<1x64xf32> to vector<256x64xf32>
    %add3A_101 = arith.addf %dot_general3A_96, %add3A_100 : vector<256x64xf32>
    %mul3A_102 = arith.constant 5.000000e-01 : f32
    %mul3A_103 = vector.broadcast %mul3A_102 : f32 to vector<256x64xf32>
    %mul3A_104 = arith.mulf %mul3A_103, %add3A_101 : vector<256x64xf32>
    %exp3A = math.exp %mul3A_104 : vector<256x64xf32>
    %get3A_105 = arith.constant 0 : index
    %get3A_106 = arith.constant 0 : index
    %get3A_107 = vector.load %arg10[%get3A_105, %get3A_106] : memref<256x64xf32, #tpu.memory_space<vmem>>, vector<256x64xf32>
    %mul3A_108 = arith.mulf %exp3A, %get3A_107 : vector<256x64xf32>
    %add3A_109 = arith.addf %add3A_91, %mul3A_108 : vector<256x64xf32>
    %get3A_110 = arith.constant 0 : index
    %get3A_111 = arith.constant 0 : index
    %get3A_112 = vector.load %arg14[%get3A_110, %get3A_111] : memref<64x64xf32, #tpu.memory_space<vmem>>, vector<64x64xf32>
    %dot_general3A_113 = arith.constant dense<0.000000e+00> : vector<256x64xf32>
    %dot_general3A_114 = tpu.matmul %add3A_109, %get3A_112, %dot_general3A_113 {dimension_numbers = #tpu.dot_dimension_numbers<[1], [0], [0], [1], [0, 0, 1, 1], [], []>, precision = #tpu.contract_precision<fp32>, transpose_lhs_hint = false} : vector<256x64xf32>, vector<64x64xf32>, vector<256x64xf32> -> vector<256x64xf32>
    %get3A_115 = arith.constant 2 : index
    %get3A_116 = arith.constant 0 : index
    %get3A_117 = vector.load %arg17[%get3A_115, %get3A_116] : memref<8x64xf32, #tpu.memory_space<vmem>>, vector<1x64xf32>
    %add3A_118 = vector.broadcast %get3A_117 : vector<1x64xf32> to vector<256x64xf32>
    %add3A_119 = arith.addf %dot_general3A_114, %add3A_118 : vector<256x64xf32>
    %max3A = arith.constant 0.000000e+00 : f32
    %max3A_120 = vector.broadcast %max3A : f32 to vector<256x64xf32>
    %max3A_121 = arith.maximumf %add3A_119, %max3A_120 : vector<256x64xf32>
    %get3A_122 = arith.constant 0 : index
    %get3A_123 = arith.constant 0 : index
    %get3A_124 = vector.load %arg15[%get3A_122, %get3A_123] : memref<64x128xf32, #tpu.memory_space<vmem>>, vector<64x128xf32>
    %dot_general3A_125 = arith.constant dense<0.000000e+00> : vector<256x128xf32>
    %dot_general3A_126 = tpu.matmul %max3A_121, %get3A_124, %dot_general3A_125 {dimension_numbers = #tpu.dot_dimension_numbers<[1], [0], [0], [1], [0, 0, 1, 1], [], []>, precision = #tpu.contract_precision<fp32>, transpose_lhs_hint = false} : vector<256x64xf32>, vector<64x128xf32>, vector<256x128xf32> -> vector<256x128xf32>
    %get3A_127 = arith.constant 0 : index
    %get3A_128 = arith.constant 0 : index
    %get3A_129 = vector.load %arg18[%get3A_127, %get3A_128] : memref<8x128xf32, #tpu.memory_space<vmem>>, vector<1x128xf32>
    %add3A_130 = vector.broadcast %get3A_129 : vector<1x128xf32> to vector<256x128xf32>
    %add3A_131 = arith.addf %dot_general3A_126, %add3A_130 : vector<256x128xf32>
    %lt3A = arith.constant 3.000000e+00 : f32
    %lt3A_132 = vector.broadcast %lt3A : f32 to vector<1x128xf32>
    %lt3A_133 = arith.cmpf olt, %convert_element_type3A, %lt3A_132 : vector<1x128xf32>
    %jit3A_134 = arith.constant -1.000000e+30 : f32
    %broadcast_in_dim3A_135 = vector.shape_cast %lt3A_133 : vector<1x128xi1> to vector<1x128xi1>
    %broadcast_in_dim3A_136 = vector.broadcast %broadcast_in_dim3A_135 : vector<1x128xi1> to vector<256x128xi1>
    %broadcast_in_dim3A_137 = vector.broadcast %jit3A_134 : f32 to vector<256x128xf32>
    %select_n3A_138 = arith.select %broadcast_in_dim3A_136, %add3A_131, %broadcast_in_dim3A_137 : vector<256x128xi1>, vector<256x128xf32>
    %reduce_max3A = arith.constant dense<0xFF800000> : vector<256xf32>
    %reduce_max3A_139 = vector.multi_reduction <maximumf>, %select_n3A_138, %reduce_max3A [1] : vector<256x128xf32> to vector<256xf32>
    %broadcast_in_dim3A_140 = vector.shape_cast %reduce_max3A_139 : vector<256xf32> to vector<256x1xf32>
    %sub3A = vector.broadcast %broadcast_in_dim3A_140 : vector<256x1xf32> to vector<256x128xf32>
    %sub3A_141 = arith.subf %select_n3A_138, %sub3A : vector<256x128xf32>
    %exp3A_142 = math.exp %sub3A_141 : vector<256x128xf32>
    %jit3A_143 = arith.constant 0.000000e+00 : f32
    %broadcast_in_dim3A_144 = vector.shape_cast %lt3A_133 : vector<1x128xi1> to vector<1x128xi1>
    %broadcast_in_dim3A_145 = vector.broadcast %broadcast_in_dim3A_144 : vector<1x128xi1> to vector<256x128xi1>
    %broadcast_in_dim3A_146 = vector.broadcast %jit3A_143 : f32 to vector<256x128xf32>
    %select_n3A_147 = arith.select %broadcast_in_dim3A_145, %exp3A_142, %broadcast_in_dim3A_146 : vector<256x128xi1>, vector<256x128xf32>
    %reduce_sum3A = arith.constant dense<0.000000e+00> : vector<256xf32>
    %reduce_sum3A_148 = vector.multi_reduction <add>, %select_n3A_147, %reduce_sum3A [1] : vector<256x128xf32> to vector<256xf32>
    %broadcast_in_dim3A_149 = vector.shape_cast %reduce_sum3A_148 : vector<256xf32> to vector<256x1xf32>
    %div3A = vector.broadcast %broadcast_in_dim3A_149 : vector<256x1xf32> to vector<256x128xf32>
    %div3A_150 = arith.divf %select_n3A_147, %div3A : vector<256x128xf32>
    %eq3A_151 = arith.constant 0.000000e+00 : f32
    %eq3A_152 = vector.broadcast %eq3A_151 : f32 to vector<1x128xf32>
    %eq3A_153 = arith.cmpf oeq, %convert_element_type3A, %eq3A_152 : vector<1x128xf32>
    %jit3A_154 = arith.constant 0.000000e+00 : f32
    %broadcast_in_dim3A_155 = vector.shape_cast %eq3A_153 : vector<1x128xi1> to vector<1x128xi1>
    %broadcast_in_dim3A_156 = vector.broadcast %broadcast_in_dim3A_155 : vector<1x128xi1> to vector<256x128xi1>
    %broadcast_in_dim3A_157 = vector.broadcast %jit3A_154 : f32 to vector<256x128xf32>
    %select_n3A_158 = arith.select %broadcast_in_dim3A_156, %div3A_150, %broadcast_in_dim3A_157 : vector<256x128xi1>, vector<256x128xf32>
    %reduce_sum3A_159 = arith.constant dense<0.000000e+00> : vector<256xf32>
    %reduce_sum3A_160 = vector.multi_reduction <add>, %select_n3A_158, %reduce_sum3A_159 [1] : vector<256x128xf32> to vector<256xf32>
    %broadcast_in_dim3A_161 = vector.shape_cast %reduce_sum3A_160 : vector<256xf32> to vector<256x1xf32>
    %eq3A_162 = arith.constant 1.000000e+00 : f32
    %eq3A_163 = vector.broadcast %eq3A_162 : f32 to vector<1x128xf32>
    %eq3A_164 = arith.cmpf oeq, %convert_element_type3A, %eq3A_163 : vector<1x128xf32>
    %jit3A_165 = arith.constant 0.000000e+00 : f32
    %broadcast_in_dim3A_166 = vector.shape_cast %eq3A_164 : vector<1x128xi1> to vector<1x128xi1>
    %broadcast_in_dim3A_167 = vector.broadcast %broadcast_in_dim3A_166 : vector<1x128xi1> to vector<256x128xi1>
    %broadcast_in_dim3A_168 = vector.broadcast %jit3A_165 : f32 to vector<256x128xf32>
    %select_n3A_169 = arith.select %broadcast_in_dim3A_167, %div3A_150, %broadcast_in_dim3A_168 : vector<256x128xi1>, vector<256x128xf32>
    %reduce_sum3A_170 = arith.constant dense<0.000000e+00> : vector<256xf32>
    %reduce_sum3A_171 = vector.multi_reduction <add>, %select_n3A_169, %reduce_sum3A_170 [1] : vector<256x128xf32> to vector<256xf32>
    %broadcast_in_dim3A_172 = vector.shape_cast %reduce_sum3A_171 : vector<256xf32> to vector<256x1xf32>
    %eq3A_173 = arith.constant 2.000000e+00 : f32
    %eq3A_174 = vector.broadcast %eq3A_173 : f32 to vector<1x128xf32>
    %eq3A_175 = arith.cmpf oeq, %convert_element_type3A, %eq3A_174 : vector<1x128xf32>
    %jit3A_176 = arith.constant 0.000000e+00 : f32
    %broadcast_in_dim3A_177 = vector.shape_cast %eq3A_175 : vector<1x128xi1> to vector<1x128xi1>
    %broadcast_in_dim3A_178 = vector.broadcast %broadcast_in_dim3A_177 : vector<1x128xi1> to vector<256x128xi1>
    %broadcast_in_dim3A_179 = vector.broadcast %jit3A_176 : f32 to vector<256x128xf32>
    %select_n3A_180 = arith.select %broadcast_in_dim3A_178, %div3A_150, %broadcast_in_dim3A_179 : vector<256x128xi1>, vector<256x128xf32>
    %reduce_sum3A_181 = arith.constant dense<0.000000e+00> : vector<256xf32>
    %reduce_sum3A_182 = vector.multi_reduction <add>, %select_n3A_180, %reduce_sum3A_181 [1] : vector<256x128xf32> to vector<256xf32>
    %broadcast_in_dim3A_183 = vector.shape_cast %reduce_sum3A_182 : vector<256xf32> to vector<256x1xf32>
    %ge3A = arith.cmpf oge, %broadcast_in_dim3A_161, %broadcast_in_dim3A_172 : vector<256x1xf32>
    %ge3A_184 = arith.cmpf oge, %broadcast_in_dim3A_161, %broadcast_in_dim3A_183 : vector<256x1xf32>
    %and3A = arith.andi %ge3A, %ge3A_184 : vector<256x1xi1>
    %not3A = arith.constant dense<true> : vector<256x1xi1>
    %not3A_185 = arith.xori %and3A, %not3A : vector<256x1xi1>
    %ge3A_186 = arith.cmpf oge, %broadcast_in_dim3A_172, %broadcast_in_dim3A_183 : vector<256x1xf32>
    %and3A_187 = arith.andi %not3A_185, %ge3A_186 : vector<256x1xi1>
    %not3A_188 = arith.constant dense<true> : vector<256x1xi1>
    %not3A_189 = arith.xori %and3A, %not3A_188 : vector<256x1xi1>
    %not3A_190 = arith.constant dense<true> : vector<256x1xi1>
    %not3A_191 = arith.xori %and3A_187, %not3A_190 : vector<256x1xi1>
    %and3A_192 = arith.andi %not3A_189, %not3A_191 : vector<256x1xi1>
    %convert_element_type3A_193 = arith.extui %and3A : vector<256x1xi1> to vector<256x1xi32>
    %convert_element_type3A_194 = arith.sitofp %convert_element_type3A_193 : vector<256x1xi32> to vector<256x1xf32>
    %eq3A_195 = arith.constant 0.000000e+00 : f32
    %eq3A_196 = vector.broadcast %eq3A_195 : f32 to vector<1x128xf32>
    %eq3A_197 = arith.cmpf oeq, %convert_element_type3A, %eq3A_196 : vector<1x128xf32>
    %convert_element_type3A_198 = arith.extui %eq3A_197 : vector<1x128xi1> to vector<1x128xi32>
    %convert_element_type3A_199 = arith.sitofp %convert_element_type3A_198 : vector<1x128xi32> to vector<1x128xf32>
    %mul3A_200 = vector.broadcast %convert_element_type3A_194 : vector<256x1xf32> to vector<256x128xf32>
    %mul3A_201 = vector.broadcast %convert_element_type3A_199 : vector<1x128xf32> to vector<256x128xf32>
    %mul3A_202 = arith.mulf %mul3A_200, %mul3A_201 : vector<256x128xf32>
    %convert_element_type3A_203 = arith.extui %and3A_187 : vector<256x1xi1> to vector<256x1xi32>
    %convert_element_type3A_204 = arith.sitofp %convert_element_type3A_203 : vector<256x1xi32> to vector<256x1xf32>
    %eq3A_205 = arith.constant 1.000000e+00 : f32
    %eq3A_206 = vector.broadcast %eq3A_205 : f32 to vector<1x128xf32>
    %eq3A_207 = arith.cmpf oeq, %convert_element_type3A, %eq3A_206 : vector<1x128xf32>
    %convert_element_type3A_208 = arith.extui %eq3A_207 : vector<1x128xi1> to vector<1x128xi32>
    %convert_element_type3A_209 = arith.sitofp %convert_element_type3A_208 : vector<1x128xi32> to vector<1x128xf32>
    %mul3A_210 = vector.broadcast %convert_element_type3A_204 : vector<256x1xf32> to vector<256x128xf32>
    %mul3A_211 = vector.broadcast %convert_element_type3A_209 : vector<1x128xf32> to vector<256x128xf32>
    %mul3A_212 = arith.mulf %mul3A_210, %mul3A_211 : vector<256x128xf32>
    %add3A_213 = arith.addf %mul3A_202, %mul3A_212 : vector<256x128xf32>
    %convert_element_type3A_214 = arith.extui %and3A_192 : vector<256x1xi1> to vector<256x1xi32>
    %convert_element_type3A_215 = arith.sitofp %convert_element_type3A_214 : vector<256x1xi32> to vector<256x1xf32>
    %eq3A_216 = arith.constant 2.000000e+00 : f32
    %eq3A_217 = vector.broadcast %eq3A_216 : f32 to vector<1x128xf32>
    %eq3A_218 = arith.cmpf oeq, %convert_element_type3A, %eq3A_217 : vector<1x128xf32>
    %convert_element_type3A_219 = arith.extui %eq3A_218 : vector<1x128xi1> to vector<1x128xi32>
    %convert_element_type3A_220 = arith.sitofp %convert_element_type3A_219 : vector<1x128xi32> to vector<1x128xf32>
    %mul3A_221 = vector.broadcast %convert_element_type3A_215 : vector<256x1xf32> to vector<256x128xf32>
    %mul3A_222 = vector.broadcast %convert_element_type3A_220 : vector<1x128xf32> to vector<256x128xf32>
    %mul3A_223 = arith.mulf %mul3A_221, %mul3A_222 : vector<256x128xf32>
    %add3A_224 = arith.addf %add3A_213, %mul3A_223 : vector<256x128xf32>
    %get3A_225 = arith.constant 0 : index
    %get3A_226 = arith.constant 0 : index
    %get3A_227 = vector.load %arg16[%get3A_225, %get3A_226] : memref<128x128xf32, #tpu.memory_space<vmem>>, vector<128x128xf32>
    %dot_general3A_228 = arith.constant dense<0.000000e+00> : vector<256x128xf32>
    %dot_general3A_229 = tpu.matmul %add3A_224, %get3A_227, %dot_general3A_228 {dimension_numbers = #tpu.dot_dimension_numbers<[1], [0], [0], [1], [0, 0, 1, 1], [], []>, precision = #tpu.contract_precision<fp32>, transpose_lhs_hint = false} : vector<256x128xf32>, vector<128x128xf32>, vector<256x128xf32> -> vector<256x128xf32>
    %swap3A = arith.constant 0 : index
    %swap3A_230 = arith.constant 0 : index
    %swap3A_231 = vector.load %arg19[%swap3A, %swap3A_230] : memref<256x64xf32, #tpu.memory_space<vmem>>, vector<256x64xf32>
    tpu.vector_store %arg19[%swap3A, %swap3A_230], %add3A_91 {strides = array<i32>} : memref<256x64xf32, #tpu.memory_space<vmem>>, vector<256x64xf32>,
    %swap3A_232 = arith.constant 0 : index
    %swap3A_233 = arith.constant 0 : index
    %swap3A_234 = vector.load %arg20[%swap3A_232, %swap3A_233] : memref<256x64xf32, #tpu.memory_space<vmem>>, vector<256x64xf32>
    tpu.vector_store %arg20[%swap3A_232, %swap3A_233], %add3A_101 {strides = array<i32>} : memref<256x64xf32, #tpu.memory_space<vmem>>, vector<256x64xf32>,
    %swap3A_235 = arith.constant 0 : index
    %swap3A_236 = arith.constant 0 : index
    %swap3A_237 = vector.load %arg21[%swap3A_235, %swap3A_236] : memref<256x64xf32, #tpu.memory_space<vmem>>, vector<256x64xf32>
    tpu.vector_store %arg21[%swap3A_235, %swap3A_236], %add3A_109 {strides = array<i32>} : memref<256x64xf32, #tpu.memory_space<vmem>>, vector<256x64xf32>,
    %swap3A_238 = arith.constant 0 : index
    %swap3A_239 = arith.constant 0 : index
    %swap3A_240 = vector.load %arg22[%swap3A_238, %swap3A_239] : memref<256x128xf32, #tpu.memory_space<vmem>>, vector<256x128xf32>
    tpu.vector_store %arg22[%swap3A_238, %swap3A_239], %div3A_150 {strides = array<i32>} : memref<256x128xf32, #tpu.memory_space<vmem>>, vector<256x128xf32>,
    %swap3A_241 = arith.constant 0 : index
    %swap3A_242 = arith.constant 0 : index
    %swap3A_243 = vector.load %arg23[%swap3A_241, %swap3A_242] : memref<256x128xf32, #tpu.memory_space<vmem>>, vector<256x128xf32>
    tpu.vector_store %arg23[%swap3A_241, %swap3A_242], %add3A_224 {strides = array<i32>} : memref<256x128xf32, #tpu.memory_space<vmem>>, vector<256x128xf32>,
    %swap3A_244 = arith.constant 0 : index
    %swap3A_245 = arith.constant 0 : index
    %swap3A_246 = vector.load %arg24[%swap3A_244, %swap3A_245] : memref<256x128xf32, #tpu.memory_space<vmem>>, vector<256x128xf32>
    tpu.vector_store %arg24[%swap3A_244, %swap3A_245], %dot_general3A_229 {strides = array<i32>} : memref<256x128xf32, #tpu.memory_space<vmem>>, vector<256x128xf32>,
    %swap3A_247 = arith.constant 0 : index
    %swap3A_248 = arith.constant 0 : index
    %swap3A_249 = vector.load %arg25[%swap3A_247, %swap3A_248] : memref<256x128xf32, #tpu.memory_space<vmem>>, vector<256x128xf32>
    tpu.vector_store %arg25[%swap3A_247, %swap3A_248], %add3A_131 {strides = array<i32>} : memref<256x128xf32, #tpu.memory_space<vmem>>, vector<256x128xf32>,
    return
  }
  func.func @transform_0(%arg0: i32) -> (i32, i32) {
    %c0_i32 = arith.constant 0 : i32
    %c0_i32_0 = arith.constant 0 : i32
    return %arg0, %c0_i32 : i32, i32
  }
  func.func @transform_1(%arg0: i32) -> (i32, i32) {
    %c0_i32 = arith.constant 0 : i32
    %c0_i32_0 = arith.constant 0 : i32
    return %arg0, %c0_i32 : i32, i32
  }
  func.func @transform_2(%arg0: i32) -> (i32, i32) {
    %c0_i32 = arith.constant 0 : i32
    %c0_i32_0 = arith.constant 0 : i32
    return %arg0, %c0_i32 : i32, i32
  }
  func.func @transform_3(%arg0: i32) -> (i32, i32) {
    %c0_i32 = arith.constant 0 : i32
    %c0_i32_0 = arith.constant 0 : i32
    return %arg0, %c0_i32 : i32, i32
  }
  func.func @transform_4(%arg0: i32) -> (i32, i32) {
    %c0_i32 = arith.constant 0 : i32
    %c0_i32_0 = arith.constant 0 : i32
    %c0_i32_1 = arith.constant 0 : i32
    return %c0_i32, %c0_i32_0 : i32, i32
  }
  func.func @transform_5(%arg0: i32) -> (i32, i32) {
    %c0_i32 = arith.constant 0 : i32
    %c0_i32_0 = arith.constant 0 : i32
    %c0_i32_1 = arith.constant 0 : i32
    return %c0_i32, %c0_i32_0 : i32, i32
  }
  func.func @transform_6(%arg0: i32) -> (i32, i32) {
    %c0_i32 = arith.constant 0 : i32
    %c0_i32_0 = arith.constant 0 : i32
    %c0_i32_1 = arith.constant 0 : i32
    return %c0_i32, %c0_i32_0 : i32, i32
  }
  func.func @transform_7(%arg0: i32) -> (i32, i32) {
    %c0_i32 = arith.constant 0 : i32
    %c0_i32_0 = arith.constant 0 : i32
    %c0_i32_1 = arith.constant 0 : i32
    return %c0_i32, %c0_i32_0 : i32, i32
  }
  func.func @transform_8(%arg0: i32) -> (i32, i32) {
    %c0_i32 = arith.constant 0 : i32
    %c0_i32_0 = arith.constant 0 : i32
    %c0_i32_1 = arith.constant 0 : i32
    return %c0_i32, %c0_i32_0 : i32, i32
  }
  func.func @transform_9(%arg0: i32) -> (i32, i32) {
    %c0_i32 = arith.constant 0 : i32
    %c0_i32_0 = arith.constant 0 : i32
    return %arg0, %c0_i32 : i32, i32
  }
  func.func @transform_10(%arg0: i32) -> (i32, i32) {
    %c0_i32 = arith.constant 0 : i32
    %c0_i32_0 = arith.constant 0 : i32
    %c0_i32_1 = arith.constant 0 : i32
    return %c0_i32, %c0_i32_0 : i32, i32
  }
  func.func @transform_11(%arg0: i32) -> (i32, i32) {
    %c0_i32 = arith.constant 0 : i32
    %c0_i32_0 = arith.constant 0 : i32
    %c0_i32_1 = arith.constant 0 : i32
    return %c0_i32, %c0_i32_0 : i32, i32
  }
  func.func @transform_12(%arg0: i32) -> (i32, i32) {
    %c0_i32 = arith.constant 0 : i32
    %c0_i32_0 = arith.constant 0 : i32
    %c0_i32_1 = arith.constant 0 : i32
    return %c0_i32, %c0_i32_0 : i32, i32
  }
  func.func @transform_13(%arg0: i32) -> (i32, i32) {
    %c0_i32 = arith.constant 0 : i32
    %c0_i32_0 = arith.constant 0 : i32
    %c0_i32_1 = arith.constant 0 : i32
    return %c0_i32, %c0_i32_0 : i32, i32
  }
  func.func @transform_14(%arg0: i32) -> (i32, i32) {
    %c0_i32 = arith.constant 0 : i32
    %c0_i32_0 = arith.constant 0 : i32
    %c0_i32_1 = arith.constant 0 : i32
    return %c0_i32, %c0_i32_0 : i32, i32
  }
  func.func @transform_15(%arg0: i32) -> (i32, i32) {
    %c0_i32 = arith.constant 0 : i32
    %c0_i32_0 = arith.constant 0 : i32
    %c0_i32_1 = arith.constant 0 : i32
    return %c0_i32, %c0_i32_0 : i32, i32
  }
  func.func @transform_16(%arg0: i32) -> (i32, i32) {
    %c0_i32 = arith.constant 0 : i32
    %c0_i32_0 = arith.constant 0 : i32
    %c0_i32_1 = arith.constant 0 : i32
    return %c0_i32, %c0_i32_0 : i32, i32
  }
  func.func @transform_17(%arg0: i32) -> (i32, i32) {
    %c0_i32 = arith.constant 0 : i32
    %c0_i32_0 = arith.constant 0 : i32
    %c0_i32_1 = arith.constant 0 : i32
    return %c0_i32, %c0_i32_0 : i32, i32
  }
  func.func @transform_18(%arg0: i32) -> (i32, i32) {
    %c0_i32 = arith.constant 0 : i32
    %c0_i32_0 = arith.constant 0 : i32
    return %arg0, %c0_i32 : i32, i32
  }
  func.func @transform_19(%arg0: i32) -> (i32, i32) {
    %c0_i32 = arith.constant 0 : i32
    %c0_i32_0 = arith.constant 0 : i32
    return %arg0, %c0_i32 : i32, i32
  }
  func.func @transform_20(%arg0: i32) -> (i32, i32) {
    %c0_i32 = arith.constant 0 : i32
    %c0_i32_0 = arith.constant 0 : i32
    return %arg0, %c0_i32 : i32, i32
  }
  func.func @transform_21(%arg0: i32) -> (i32, i32) {
    %c0_i32 = arith.constant 0 : i32
    %c0_i32_0 = arith.constant 0 : i32
    return %arg0, %c0_i32 : i32, i32
  }
  func.func @transform_22(%arg0: i32) -> (i32, i32) {
    %c0_i32 = arith.constant 0 : i32
    %c0_i32_0 = arith.constant 0 : i32
    return %arg0, %c0_i32 : i32, i32
  }
  func.func @transform_23(%arg0: i32) -> (i32, i32) {
    %c0_i32 = arith.constant 0 : i32
    %c0_i32_0 = arith.constant 0 : i32
    return %arg0, %c0_i32 : i32, i32
  }
  func.func @transform_24(%arg0: i32) -> (i32, i32) {
    %c0_i32 = arith.constant 0 : i32
    %c0_i32_0 = arith.constant 0 : i32
    return %arg0, %c0_i32 : i32, i32
  }
}

module attributes {stable_mosaic.version = 14 : i64} {
  func.func @body(%arg0: i32, %arg1: memref<256x64xf32, #tpu.memory_space<vmem>>, %arg2: memref<256x128xf32, #tpu.memory_space<vmem>>, %arg3: memref<256x128xf32, #tpu.memory_space<vmem>>, %arg4: memref<256x128xf32, #tpu.memory_space<vmem>>, %arg5: memref<64x64xf32, #tpu.memory_space<vmem>>, %arg6: memref<128x64xf32, #tpu.memory_space<vmem>>, %arg7: memref<64x64xf32, #tpu.memory_space<vmem>>, %arg8: memref<64x64xf32, #tpu.memory_space<vmem>>, %arg9: memref<128x64xf32, #tpu.memory_space<vmem>>, %arg10: memref<64x512xf32, #tpu.memory_space<vmem>>, %arg11: memref<512x512xf32, #tpu.memory_space<vmem>>, %arg12: memref<8x64xf32, #tpu.memory_space<vmem>>, %arg13: memref<8x512xf32, #tpu.memory_space<vmem>>, %arg14: memref<256x64xf32, #tpu.memory_space<vmem>>, %arg15: memref<256x512xf32, #tpu.memory_space<vmem>>, %arg16: memref<256x512xf32, #tpu.memory_space<vmem>>) attributes {dimension_semantics = [#tpu.dimension_semantics<arbitrary>], iteration_bounds = array<i64: 16>, scalar_prefetch = 0 : i64, scratch_operands = 0 : i64, tpu.core_type = #tpu.core_type<tc>, window_params = [{transform_indices = @transform_0, window_bounds = array<i64: 256, 64>}, {transform_indices = @transform_1, window_bounds = array<i64: 256, 128>}, {transform_indices = @transform_2, window_bounds = array<i64: 256, 128>}, {transform_indices = @transform_3, window_bounds = array<i64: 256, 128>}, {pipeline_mode = #tpu.pipeline_mode<synchronous>, transform_indices = @transform_4, window_bounds = array<i64: 64, 64>}, {pipeline_mode = #tpu.pipeline_mode<synchronous>, transform_indices = @transform_5, window_bounds = array<i64: 128, 64>}, {pipeline_mode = #tpu.pipeline_mode<synchronous>, transform_indices = @transform_6, window_bounds = array<i64: 64, 64>}, {pipeline_mode = #tpu.pipeline_mode<synchronous>, transform_indices = @transform_7, window_bounds = array<i64: 64, 64>}, {pipeline_mode = #tpu.pipeline_mode<synchronous>, transform_indices = @transform_8, window_bounds = array<i64: 128, 64>}, {pipeline_mode = #tpu.pipeline_mode<synchronous>, transform_indices = @transform_9, window_bounds = array<i64: 64, 512>}, {pipeline_mode = #tpu.pipeline_mode<synchronous>, transform_indices = @transform_10, window_bounds = array<i64: 512, 512>}, {pipeline_mode = #tpu.pipeline_mode<synchronous>, transform_indices = @transform_11, window_bounds = array<i64: 8, 64>}, {pipeline_mode = #tpu.pipeline_mode<synchronous>, transform_indices = @transform_12, window_bounds = array<i64: 8, 512>}, {transform_indices = @transform_13, window_bounds = array<i64: 256, 64>}, {transform_indices = @transform_14, window_bounds = array<i64: 256, 512>}, {transform_indices = @transform_15, window_bounds = array<i64: 256, 512>}]} {
    %get3A = arith.constant 0 : index
    %get3A_0 = arith.constant 0 : index
    %get3A_1 = vector.load %arg1[%get3A, %get3A_0] : memref<256x64xf32, #tpu.memory_space<vmem>>, vector<256x64xf32>
    %get3A_2 = arith.constant 0 : index
    %get3A_3 = arith.constant 0 : index
    %get3A_4 = vector.load %arg2[%get3A_2, %get3A_3] : memref<256x128xf32, #tpu.memory_space<vmem>>, vector<256x128xf32>
    %get3A_5 = arith.constant 0 : index
    %get3A_6 = arith.constant 0 : index
    %get3A_7 = vector.load %arg5[%get3A_5, %get3A_6] : memref<64x64xf32, #tpu.memory_space<vmem>>, vector<64x64xf32>
    %dot_general3A = arith.constant dense<0.000000e+00> : vector<256x64xf32>
    %dot_general3A_8 = tpu.matmul %get3A_1, %get3A_7, %dot_general3A {dimension_numbers = #tpu.dot_dimension_numbers<[1], [0], [0], [1], [0, 0, 1, 1], [], []>, precision = #tpu.contract_precision<fp32>, transpose_lhs_hint = false} : vector<256x64xf32>, vector<64x64xf32>, vector<256x64xf32> -> vector<256x64xf32>
    %get3A_9 = arith.constant 0 : index
    %get3A_10 = arith.constant 0 : index
    %get3A_11 = vector.load %arg6[%get3A_9, %get3A_10] : memref<128x64xf32, #tpu.memory_space<vmem>>, vector<128x64xf32>
    %dot_general3A_12 = arith.constant dense<0.000000e+00> : vector<256x64xf32>
    %dot_general3A_13 = tpu.matmul %get3A_4, %get3A_11, %dot_general3A_12 {dimension_numbers = #tpu.dot_dimension_numbers<[1], [0], [0], [1], [0, 0, 1, 1], [], []>, precision = #tpu.contract_precision<fp32>, transpose_lhs_hint = false} : vector<256x128xf32>, vector<128x64xf32>, vector<256x64xf32> -> vector<256x64xf32>
    %add3A = arith.addf %dot_general3A_8, %dot_general3A_13 : vector<256x64xf32>
    %get3A_14 = arith.constant 0 : index
    %get3A_15 = arith.constant 0 : index
    %get3A_16 = vector.load %arg12[%get3A_14, %get3A_15] : memref<8x64xf32, #tpu.memory_space<vmem>>, vector<1x64xf32>
    %add3A_17 = vector.broadcast %get3A_16 : vector<1x64xf32> to vector<256x64xf32>
    %add3A_18 = arith.addf %add3A, %add3A_17 : vector<256x64xf32>
    %max3A = arith.constant 0.000000e+00 : f32
    %max3A_19 = vector.broadcast %max3A : f32 to vector<256x64xf32>
    %max3A_20 = arith.maximumf %add3A_18, %max3A_19 : vector<256x64xf32>
    %get3A_21 = arith.constant 0 : index
    %get3A_22 = arith.constant 0 : index
    %get3A_23 = vector.load %arg7[%get3A_21, %get3A_22] : memref<64x64xf32, #tpu.memory_space<vmem>>, vector<64x64xf32>
    %dot_general3A_24 = arith.constant dense<0.000000e+00> : vector<256x64xf32>
    %dot_general3A_25 = tpu.matmul %max3A_20, %get3A_23, %dot_general3A_24 {dimension_numbers = #tpu.dot_dimension_numbers<[1], [0], [0], [1], [0, 0, 1, 1], [], []>, precision = #tpu.contract_precision<fp32>, transpose_lhs_hint = false} : vector<256x64xf32>, vector<64x64xf32>, vector<256x64xf32> -> vector<256x64xf32>
    %get3A_26 = arith.constant 1 : index
    %get3A_27 = arith.constant 0 : index
    %get3A_28 = vector.load %arg12[%get3A_26, %get3A_27] : memref<8x64xf32, #tpu.memory_space<vmem>>, vector<1x64xf32>
    %add3A_29 = vector.broadcast %get3A_28 : vector<1x64xf32> to vector<256x64xf32>
    %add3A_30 = arith.addf %dot_general3A_25, %add3A_29 : vector<256x64xf32>
    %get3A_31 = arith.constant 0 : index
    %get3A_32 = arith.constant 0 : index
    %get3A_33 = vector.load %arg8[%get3A_31, %get3A_32] : memref<64x64xf32, #tpu.memory_space<vmem>>, vector<64x64xf32>
    %dot_general3A_34 = arith.constant dense<0.000000e+00> : vector<256x64xf32>
    %dot_general3A_35 = tpu.matmul %get3A_1, %get3A_33, %dot_general3A_34 {dimension_numbers = #tpu.dot_dimension_numbers<[1], [0], [0], [1], [0, 0, 1, 1], [], []>, precision = #tpu.contract_precision<fp32>, transpose_lhs_hint = false} : vector<256x64xf32>, vector<64x64xf32>, vector<256x64xf32> -> vector<256x64xf32>
    %get3A_36 = arith.constant 0 : index
    %get3A_37 = arith.constant 0 : index
    %get3A_38 = vector.load %arg9[%get3A_36, %get3A_37] : memref<128x64xf32, #tpu.memory_space<vmem>>, vector<128x64xf32>
    %dot_general3A_39 = arith.constant dense<0.000000e+00> : vector<256x64xf32>
    %dot_general3A_40 = tpu.matmul %get3A_4, %get3A_38, %dot_general3A_39 {dimension_numbers = #tpu.dot_dimension_numbers<[1], [0], [0], [1], [0, 0, 1, 1], [], []>, precision = #tpu.contract_precision<fp32>, transpose_lhs_hint = false} : vector<256x128xf32>, vector<128x64xf32>, vector<256x64xf32> -> vector<256x64xf32>
    %add3A_41 = arith.addf %dot_general3A_35, %dot_general3A_40 : vector<256x64xf32>
    %get3A_42 = arith.constant 2 : index
    %get3A_43 = arith.constant 0 : index
    %get3A_44 = vector.load %arg12[%get3A_42, %get3A_43] : memref<8x64xf32, #tpu.memory_space<vmem>>, vector<1x64xf32>
    %add3A_45 = vector.broadcast %get3A_44 : vector<1x64xf32> to vector<256x64xf32>
    %add3A_46 = arith.addf %add3A_41, %add3A_45 : vector<256x64xf32>
    %max3A_47 = arith.constant 0.000000e+00 : f32
    %max3A_48 = vector.broadcast %max3A_47 : f32 to vector<256x64xf32>
    %max3A_49 = arith.maximumf %add3A_46, %max3A_48 : vector<256x64xf32>
    %get3A_50 = arith.constant 0 : index
    %get3A_51 = arith.constant 0 : index
    %get3A_52 = vector.load %arg10[%get3A_50, %get3A_51] : memref<64x512xf32, #tpu.memory_space<vmem>>, vector<64x512xf32>
    %dot_general3A_53 = arith.constant dense<0.000000e+00> : vector<256x512xf32>
    %dot_general3A_54 = tpu.matmul %max3A_49, %get3A_52, %dot_general3A_53 {dimension_numbers = #tpu.dot_dimension_numbers<[1], [0], [0], [1], [0, 0, 1, 1], [], []>, precision = #tpu.contract_precision<fp32>, transpose_lhs_hint = false} : vector<256x64xf32>, vector<64x512xf32>, vector<256x512xf32> -> vector<256x512xf32>
    %get3A_55 = arith.constant 0 : index
    %get3A_56 = arith.constant 0 : index
    %get3A_57 = vector.load %arg13[%get3A_55, %get3A_56] : memref<8x512xf32, #tpu.memory_space<vmem>>, vector<1x512xf32>
    %add3A_58 = vector.broadcast %get3A_57 : vector<1x512xf32> to vector<256x512xf32>
    %add3A_59 = arith.addf %dot_general3A_54, %add3A_58 : vector<256x512xf32>
    %get3A_60 = arith.constant 0 : index
    %get3A_61 = arith.constant 0 : index
    %get3A_62 = vector.load %arg3[%get3A_60, %get3A_61] : memref<256x128xf32, #tpu.memory_space<vmem>>, vector<256x128xf32>
    %get3A_63 = arith.constant 0 : index
    %get3A_64 = arith.constant 0 : index
    %get3A_65 = vector.load %arg4[%get3A_63, %get3A_64] : memref<256x128xf32, #tpu.memory_space<vmem>>, vector<256x128xf32>
    %add3A_66 = arith.addf %get3A_62, %get3A_65 : vector<256x128xf32>
    %reduce_max3A = arith.constant dense<0xFF800000> : vector<256xf32>
    %reduce_max3A_67 = vector.multi_reduction <maximumf>, %add3A_66, %reduce_max3A [1] : vector<256x128xf32> to vector<256xf32>
    %broadcast_in_dim3A = vector.shape_cast %reduce_max3A_67 : vector<256xf32> to vector<256x1xf32>
    %add3A_68 = arith.constant 1.000000e+00 : f32
    %add3A_69 = vector.broadcast %add3A_68 : f32 to vector<256x1xf32>
    %add3A_70 = arith.addf %broadcast_in_dim3A, %add3A_69 : vector<256x1xf32>
    %rsqrt3A = math.rsqrt %add3A_70 : vector<256x1xf32>
    %get3A_71 = arith.constant 0 : index
    %get3A_72 = arith.constant 0 : index
    %get3A_73 = vector.load %arg11[%get3A_71, %get3A_72] : memref<512x512xf32, #tpu.memory_space<vmem>>, vector<512x512xf32>
    %dot_general3A_74 = arith.constant dense<0.000000e+00> : vector<256x512xf32>
    %dot_general3A_75 = tpu.matmul %add3A_59, %get3A_73, %dot_general3A_74 {dimension_numbers = #tpu.dot_dimension_numbers<[1], [0], [0], [1], [0, 0, 1, 1], [], []>, precision = #tpu.contract_precision<fp32>, transpose_lhs_hint = false} : vector<256x512xf32>, vector<512x512xf32>, vector<256x512xf32> -> vector<256x512xf32>
    %mul3A = vector.broadcast %rsqrt3A : vector<256x1xf32> to vector<256x512xf32>
    %mul3A_76 = arith.mulf %mul3A, %dot_general3A_75 : vector<256x512xf32>
    %swap3A = arith.constant 0 : index
    %swap3A_77 = arith.constant 0 : index
    %swap3A_78 = vector.load %arg14[%swap3A, %swap3A_77] : memref<256x64xf32, #tpu.memory_space<vmem>>, vector<256x64xf32>
    tpu.vector_store %arg14[%swap3A, %swap3A_77], %add3A_30 {strides = array<i32>} : memref<256x64xf32, #tpu.memory_space<vmem>>, vector<256x64xf32>,
    %swap3A_79 = arith.constant 0 : index
    %swap3A_80 = arith.constant 0 : index
    %swap3A_81 = vector.load %arg15[%swap3A_79, %swap3A_80] : memref<256x512xf32, #tpu.memory_space<vmem>>, vector<256x512xf32>
    tpu.vector_store %arg15[%swap3A_79, %swap3A_80], %add3A_59 {strides = array<i32>} : memref<256x512xf32, #tpu.memory_space<vmem>>, vector<256x512xf32>,
    %swap3A_82 = arith.constant 0 : index
    %swap3A_83 = arith.constant 0 : index
    %swap3A_84 = vector.load %arg16[%swap3A_82, %swap3A_83] : memref<256x512xf32, #tpu.memory_space<vmem>>, vector<256x512xf32>
    tpu.vector_store %arg16[%swap3A_82, %swap3A_83], %mul3A_76 {strides = array<i32>} : memref<256x512xf32, #tpu.memory_space<vmem>>, vector<256x512xf32>,
    return
  }
  func.func @transform_0(%arg0: i32) -> (i32, i32) {
    %c0_i32 = arith.constant 0 : i32
    %c0_i32_0 = arith.constant 0 : i32
    return %arg0, %c0_i32 : i32, i32
  }
  func.func @transform_1(%arg0: i32) -> (i32, i32) {
    %c0_i32 = arith.constant 0 : i32
    %c0_i32_0 = arith.constant 0 : i32
    return %arg0, %c0_i32 : i32, i32
  }
  func.func @transform_2(%arg0: i32) -> (i32, i32) {
    %c0_i32 = arith.constant 0 : i32
    %c0_i32_0 = arith.constant 0 : i32
    return %arg0, %c0_i32 : i32, i32
  }
  func.func @transform_3(%arg0: i32) -> (i32, i32) {
    %c0_i32 = arith.constant 0 : i32
    %c0_i32_0 = arith.constant 0 : i32
    return %arg0, %c0_i32 : i32, i32
  }
  func.func @transform_4(%arg0: i32) -> (i32, i32) {
    %c0_i32 = arith.constant 0 : i32
    %c0_i32_0 = arith.constant 0 : i32
    %c0_i32_1 = arith.constant 0 : i32
    return %c0_i32, %c0_i32_0 : i32, i32
  }
  func.func @transform_5(%arg0: i32) -> (i32, i32) {
    %c0_i32 = arith.constant 0 : i32
    %c0_i32_0 = arith.constant 0 : i32
    %c0_i32_1 = arith.constant 0 : i32
    return %c0_i32, %c0_i32_0 : i32, i32
  }
  func.func @transform_6(%arg0: i32) -> (i32, i32) {
    %c0_i32 = arith.constant 0 : i32
    %c0_i32_0 = arith.constant 0 : i32
    %c0_i32_1 = arith.constant 0 : i32
    return %c0_i32, %c0_i32_0 : i32, i32
  }
  func.func @transform_7(%arg0: i32) -> (i32, i32) {
    %c0_i32 = arith.constant 0 : i32
    %c0_i32_0 = arith.constant 0 : i32
    %c0_i32_1 = arith.constant 0 : i32
    return %c0_i32, %c0_i32_0 : i32, i32
  }
  func.func @transform_8(%arg0: i32) -> (i32, i32) {
    %c0_i32 = arith.constant 0 : i32
    %c0_i32_0 = arith.constant 0 : i32
    %c0_i32_1 = arith.constant 0 : i32
    return %c0_i32, %c0_i32_0 : i32, i32
  }
  func.func @transform_9(%arg0: i32) -> (i32, i32) {
    %c0_i32 = arith.constant 0 : i32
    %c0_i32_0 = arith.constant 0 : i32
    %c0_i32_1 = arith.constant 0 : i32
    return %c0_i32, %c0_i32_0 : i32, i32
  }
  func.func @transform_10(%arg0: i32) -> (i32, i32) {
    %c0_i32 = arith.constant 0 : i32
    %c0_i32_0 = arith.constant 0 : i32
    %c0_i32_1 = arith.constant 0 : i32
    return %c0_i32, %c0_i32_0 : i32, i32
  }
  func.func @transform_11(%arg0: i32) -> (i32, i32) {
    %c0_i32 = arith.constant 0 : i32
    %c0_i32_0 = arith.constant 0 : i32
    %c0_i32_1 = arith.constant 0 : i32
    return %c0_i32, %c0_i32_0 : i32, i32
  }
  func.func @transform_12(%arg0: i32) -> (i32, i32) {
    %c0_i32 = arith.constant 0 : i32
    %c0_i32_0 = arith.constant 0 : i32
    %c0_i32_1 = arith.constant 0 : i32
    return %c0_i32, %c0_i32_0 : i32, i32
  }
  func.func @transform_13(%arg0: i32) -> (i32, i32) {
    %c0_i32 = arith.constant 0 : i32
    %c0_i32_0 = arith.constant 0 : i32
    return %arg0, %c0_i32 : i32, i32
  }
  func.func @transform_14(%arg0: i32) -> (i32, i32) {
    %c0_i32 = arith.constant 0 : i32
    %c0_i32_0 = arith.constant 0 : i32
    return %arg0, %c0_i32 : i32, i32
  }
  func.func @transform_15(%arg0: i32) -> (i32, i32) {
    %c0_i32 = arith.constant 0 : i32
    %c0_i32_0 = arith.constant 0 : i32
    return %arg0, %c0_i32 : i32, i32
  }
}

module attributes {stable_mosaic.version = 14 : i64} {
  func.func @body(%arg0: i32, %arg1: i32, %arg2: memref<256x64xf32, #tpu.memory_space<vmem>>, %arg3: memref<256x64xf32, #tpu.memory_space<vmem>>, %arg4: memref<256x128xf32, #tpu.memory_space<vmem>>, %arg5: memref<256x128xf32, #tpu.memory_space<vmem>>, %arg6: memref<256x1xf32, #tpu.memory_space<vmem>>, %arg7: memref<1x1x256xf32, #tpu.memory_space<vmem>>, %arg8: memref<256x256xf32, #tpu.memory_space<vmem>>) attributes {dimension_semantics = [#tpu.dimension_semantics<arbitrary>, #tpu.dimension_semantics<arbitrary>], iteration_bounds = array<i64: 16, 16>, scalar_prefetch = 0 : i64, scratch_operands = 0 : i64, tpu.core_type = #tpu.core_type<tc>, window_params = [{transform_indices = @transform_0, window_bounds = array<i64: 256, 64>}, {transform_indices = @transform_1, window_bounds = array<i64: 256, 64>}, {transform_indices = @transform_2, window_bounds = array<i64: 256, 128>}, {transform_indices = @transform_3, window_bounds = array<i64: 256, 128>}, {transform_indices = @transform_4, window_bounds = array<i64: 256, 1>}, {transform_indices = @transform_5, window_bounds = array<i64: 1, 1, 256>}, {transform_indices = @transform_6, window_bounds = array<i64: 256, 256>}]} {
    %get3A = arith.constant 0 : index
    %get3A_0 = arith.constant 0 : index
    %get3A_1 = vector.load %arg2[%get3A, %get3A_0] : memref<256x64xf32, #tpu.memory_space<vmem>>, vector<256x64xf32>
    %get3A_2 = arith.constant 0 : index
    %get3A_3 = arith.constant 0 : index
    %get3A_4 = vector.load %arg3[%get3A_2, %get3A_3] : memref<256x64xf32, #tpu.memory_space<vmem>>, vector<256x64xf32>
    %dot_general3A = arith.constant dense<0.000000e+00> : vector<256x256xf32>
    %dot_general3A_5 = tpu.matmul %get3A_1, %get3A_4, %dot_general3A {dimension_numbers = #tpu.dot_dimension_numbers<[1], [1], [0], [0], [0, 0, 1, 0], [], []>, precision = #tpu.contract_precision<fp32>, transpose_lhs_hint = false} : vector<256x64xf32>, vector<256x64xf32>, vector<256x256xf32> -> vector<256x256xf32>
    %logistic3A = arith.negf %dot_general3A_5 : vector<256x256xf32>
    %logistic3A_6 = math.exp %logistic3A : vector<256x256xf32>
    %logistic3A_7 = arith.constant 1.000000e+00 : f32
    %logistic3A_8 = vector.broadcast %logistic3A_7 : f32 to vector<256x256xf32>
    %logistic3A_9 = arith.addf %logistic3A_8, %logistic3A_6 : vector<256x256xf32>
    %logistic3A_10 = arith.divf %logistic3A_8, %logistic3A_9 : vector<256x256xf32>
    %get3A_11 = arith.constant 0 : index
    %get3A_12 = arith.constant 0 : index
    %get3A_13 = vector.load %arg4[%get3A_11, %get3A_12] : memref<256x128xf32, #tpu.memory_space<vmem>>, vector<256x128xf32>
    %get3A_14 = arith.constant 0 : index
    %get3A_15 = arith.constant 0 : index
    %get3A_16 = vector.load %arg5[%get3A_14, %get3A_15] : memref<256x128xf32, #tpu.memory_space<vmem>>, vector<256x128xf32>
    %dot_general3A_17 = arith.constant dense<0.000000e+00> : vector<256x256xf32>
    %dot_general3A_18 = tpu.matmul %get3A_13, %get3A_16, %dot_general3A_17 {dimension_numbers = #tpu.dot_dimension_numbers<[1], [1], [0], [0], [0, 0, 1, 0], [], []>, precision = #tpu.contract_precision<fp32>, transpose_lhs_hint = false} : vector<256x128xf32>, vector<256x128xf32>, vector<256x256xf32> -> vector<256x256xf32>
    %get3A_19 = arith.constant 0 : index
    %get3A_20 = arith.constant 0 : index
    %get3A_21 = arith.constant 0 : index
    %get3A_22 = vector.load %arg7[%get3A_19, %get3A_20, %get3A_21] : memref<1x1x256xf32, #tpu.memory_space<vmem>>, vector<1x1x256xf32>
    %get3A_23 = vector.shape_cast %get3A_22 : vector<1x1x256xf32> to vector<1x256xf32>
    %get3A_24 = arith.constant 0 : index
    %get3A_25 = arith.constant 0 : index
    %get3A_26 = vector.load %arg6[%get3A_24, %get3A_25] : memref<256x1xf32, #tpu.memory_space<vmem>>, vector<256x1xf32>
    %eq3A = vector.broadcast %get3A_26 : vector<256x1xf32> to vector<256x256xf32>
    %eq3A_27 = vector.broadcast %get3A_23 : vector<1x256xf32> to vector<256x256xf32>
    %eq3A_28 = arith.cmpf oeq, %eq3A, %eq3A_27 : vector<256x256xf32>
    %convert_element_type3A = arith.extui %eq3A_28 : vector<256x256xi1> to vector<256x256xi32>
    %convert_element_type3A_29 = arith.sitofp %convert_element_type3A : vector<256x256xi32> to vector<256x256xf32>
    %iota3A = tpu.iota {dimensions = array<i32: 0>} : vector<256x1xi32>
    %mul3A = arith.constant 256 : i32
    %mul3A_30 = arith.muli %arg0, %mul3A : i32
    %add3A = vector.broadcast %mul3A_30 : i32 to vector<256x1xi32>
    %add3A_31 = arith.addi %iota3A, %add3A : vector<256x1xi32>
    %iota3A_32 = tpu.iota {dimensions = array<i32: 1>} : vector<1x256xi32>
    %mul3A_33 = arith.constant 256 : i32
    %mul3A_34 = arith.muli %arg1, %mul3A_33 : i32
    %add3A_35 = vector.broadcast %mul3A_34 : i32 to vector<1x256xi32>
    %add3A_36 = arith.addi %iota3A_32, %add3A_35 : vector<1x256xi32>
    %ne3A = vector.broadcast %add3A_31 : vector<256x1xi32> to vector<256x256xi32>
    %ne3A_37 = vector.broadcast %add3A_36 : vector<1x256xi32> to vector<256x256xi32>
    %ne3A_38 = arith.cmpi ne, %ne3A, %ne3A_37 : vector<256x256xi32>
    %convert_element_type3A_39 = arith.extui %ne3A_38 : vector<256x256xi1> to vector<256x256xi32>
    %convert_element_type3A_40 = arith.sitofp %convert_element_type3A_39 : vector<256x256xi32> to vector<256x256xf32>
    %mul3A_41 = arith.mulf %logistic3A_10, %dot_general3A_18 : vector<256x256xf32>
    %mul3A_42 = arith.mulf %mul3A_41, %convert_element_type3A_29 : vector<256x256xf32>
    %mul3A_43 = arith.mulf %mul3A_42, %convert_element_type3A_40 : vector<256x256xf32>
    %swap3A = arith.constant 0 : index
    %swap3A_44 = arith.constant 0 : index
    %swap3A_45 = vector.load %arg8[%swap3A, %swap3A_44] : memref<256x256xf32, #tpu.memory_space<vmem>>, vector<256x256xf32>
    tpu.vector_store %arg8[%swap3A, %swap3A_44], %mul3A_43 {strides = array<i32>} : memref<256x256xf32, #tpu.memory_space<vmem>>, vector<256x256xf32>,
    return
  }
  func.func @transform_0(%arg0: i32, %arg1: i32) -> (i32, i32) {
    %c0_i32 = arith.constant 0 : i32
    %c0_i32_0 = arith.constant 0 : i32
    return %arg0, %c0_i32 : i32, i32
  }
  func.func @transform_1(%arg0: i32, %arg1: i32) -> (i32, i32) {
    %c0_i32 = arith.constant 0 : i32
    %c0_i32_0 = arith.constant 0 : i32
    return %arg1, %c0_i32 : i32, i32
  }
  func.func @transform_2(%arg0: i32, %arg1: i32) -> (i32, i32) {
    %c0_i32 = arith.constant 0 : i32
    %c0_i32_0 = arith.constant 0 : i32
    return %arg0, %c0_i32 : i32, i32
  }
  func.func @transform_3(%arg0: i32, %arg1: i32) -> (i32, i32) {
    %c0_i32 = arith.constant 0 : i32
    %c0_i32_0 = arith.constant 0 : i32
    return %arg1, %c0_i32 : i32, i32
  }
  func.func @transform_4(%arg0: i32, %arg1: i32) -> (i32, i32) {
    %c0_i32 = arith.constant 0 : i32
    %c0_i32_0 = arith.constant 0 : i32
    return %arg0, %c0_i32 : i32, i32
  }
  func.func @transform_5(%arg0: i32, %arg1: i32) -> (i32, i32, i32) {
    %c0_i32 = arith.constant 0 : i32
    %c0_i32_0 = arith.constant 0 : i32
    %c0_i32_1 = arith.constant 0 : i32
    return %arg1, %c0_i32, %c0_i32_0 : i32, i32, i32
  }
  func.func @transform_6(%arg0: i32, %arg1: i32) -> (i32, i32) {
    %c0_i32 = arith.constant 0 : i32
    return %arg0, %arg1 : i32, i32
  }
}

module attributes {stable_mosaic.version = 14 : i64} {
  func.func @body(%arg0: i32, %arg1: memref<256x128xf32, #tpu.memory_space<vmem>>, %arg2: memref<256x128xf32, #tpu.memory_space<vmem>>, %arg3: memref<256x128xf32, #tpu.memory_space<vmem>>, %arg4: memref<256x128xf32, #tpu.memory_space<vmem>>, %arg5: memref<256x512xf32, #tpu.memory_space<vmem>>, %arg6: memref<256x128xf32, #tpu.memory_space<vmem>>, %arg7: memref<256x128xf32, #tpu.memory_space<vmem>>, %arg8: memref<512x128xf32, #tpu.memory_space<vmem>>, %arg9: memref<8x512xf32, #tpu.memory_space<vmem>>, %arg10: memref<8x128xf32, #tpu.memory_space<vmem>>, %arg11: memref<256x128xf32, #tpu.memory_space<vmem>>) attributes {dimension_semantics = [#tpu.dimension_semantics<arbitrary>], iteration_bounds = array<i64: 16>, scalar_prefetch = 0 : i64, scratch_operands = 0 : i64, tpu.core_type = #tpu.core_type<tc>, window_params = [{transform_indices = @transform_0, window_bounds = array<i64: 256, 128>}, {transform_indices = @transform_1, window_bounds = array<i64: 256, 128>}, {transform_indices = @transform_2, window_bounds = array<i64: 256, 128>}, {transform_indices = @transform_3, window_bounds = array<i64: 256, 128>}, {transform_indices = @transform_4, window_bounds = array<i64: 256, 512>}, {transform_indices = @transform_5, window_bounds = array<i64: 256, 128>}, {transform_indices = @transform_6, window_bounds = array<i64: 256, 128>}, {pipeline_mode = #tpu.pipeline_mode<synchronous>, transform_indices = @transform_7, window_bounds = array<i64: 512, 128>}, {pipeline_mode = #tpu.pipeline_mode<synchronous>, transform_indices = @transform_8, window_bounds = array<i64: 8, 512>}, {pipeline_mode = #tpu.pipeline_mode<synchronous>, transform_indices = @transform_9, window_bounds = array<i64: 8, 128>}, {transform_indices = @transform_10, window_bounds = array<i64: 256, 128>}]} {
    %get3A = arith.constant 0 : index
    %get3A_0 = arith.constant 0 : index
    %get3A_1 = vector.load %arg1[%get3A, %get3A_0] : memref<256x128xf32, #tpu.memory_space<vmem>>, vector<256x128xf32>
    %get3A_2 = arith.constant 0 : index
    %get3A_3 = arith.constant 0 : index
    %get3A_4 = vector.load %arg2[%get3A_2, %get3A_3] : memref<256x128xf32, #tpu.memory_space<vmem>>, vector<256x128xf32>
    %get3A_5 = arith.constant 0 : index
    %get3A_6 = arith.constant 0 : index
    %get3A_7 = vector.load %arg3[%get3A_5, %get3A_6] : memref<256x128xf32, #tpu.memory_space<vmem>>, vector<256x128xf32>
    %get3A_8 = arith.constant 0 : index
    %get3A_9 = arith.constant 0 : index
    %get3A_10 = vector.load %arg4[%get3A_8, %get3A_9] : memref<256x128xf32, #tpu.memory_space<vmem>>, vector<256x128xf32>
    %concatenate3A = tpu.concatenate %get3A_1, %get3A_4, %get3A_7, %get3A_10 in 1 : vector<256x128xf32>, vector<256x128xf32>, vector<256x128xf32>, vector<256x128xf32> -> vector<256x512xf32>
    %get3A_11 = arith.constant 0 : index
    %get3A_12 = arith.constant 0 : index
    %get3A_13 = vector.load %arg5[%get3A_11, %get3A_12] : memref<256x512xf32, #tpu.memory_space<vmem>>, vector<256x512xf32>
    %add3A = arith.addf %concatenate3A, %get3A_13 : vector<256x512xf32>
    %get3A_14 = arith.constant 0 : index
    %get3A_15 = arith.constant 0 : index
    %get3A_16 = vector.load %arg6[%get3A_14, %get3A_15] : memref<256x128xf32, #tpu.memory_space<vmem>>, vector<256x128xf32>
    %get3A_17 = arith.constant 0 : index
    %get3A_18 = arith.constant 0 : index
    %get3A_19 = vector.load %arg7[%get3A_17, %get3A_18] : memref<256x128xf32, #tpu.memory_space<vmem>>, vector<256x128xf32>
    %add3A_20 = arith.addf %get3A_16, %get3A_19 : vector<256x128xf32>
    %reduce_max3A = arith.constant dense<0xFF800000> : vector<256xf32>
    %reduce_max3A_21 = vector.multi_reduction <maximumf>, %add3A_20, %reduce_max3A [1] : vector<256x128xf32> to vector<256xf32>
    %broadcast_in_dim3A = vector.shape_cast %reduce_max3A_21 : vector<256xf32> to vector<256x1xf32>
    %add3A_22 = arith.constant 1.000000e+00 : f32
    %add3A_23 = vector.broadcast %add3A_22 : f32 to vector<256x1xf32>
    %add3A_24 = arith.addf %broadcast_in_dim3A, %add3A_23 : vector<256x1xf32>
    %rsqrt3A = math.rsqrt %add3A_24 : vector<256x1xf32>
    %mul3A = vector.broadcast %rsqrt3A : vector<256x1xf32> to vector<256x512xf32>
    %mul3A_25 = arith.mulf %mul3A, %add3A : vector<256x512xf32>
    %get3A_26 = arith.constant 0 : index
    %get3A_27 = arith.constant 0 : index
    %get3A_28 = vector.load %arg9[%get3A_26, %get3A_27] : memref<8x512xf32, #tpu.memory_space<vmem>>, vector<1x512xf32>
    %add3A_29 = vector.broadcast %get3A_28 : vector<1x512xf32> to vector<256x512xf32>
    %add3A_30 = arith.addf %mul3A_25, %add3A_29 : vector<256x512xf32>
    %max3A = arith.constant 0.000000e+00 : f32
    %max3A_31 = vector.broadcast %max3A : f32 to vector<256x512xf32>
    %max3A_32 = arith.maximumf %add3A_30, %max3A_31 : vector<256x512xf32>
    %get3A_33 = arith.constant 0 : index
    %get3A_34 = arith.constant 0 : index
    %get3A_35 = vector.load %arg8[%get3A_33, %get3A_34] : memref<512x128xf32, #tpu.memory_space<vmem>>, vector<512x128xf32>
    %dot_general3A = arith.constant dense<0.000000e+00> : vector<256x128xf32>
    %dot_general3A_36 = tpu.matmul %max3A_32, %get3A_35, %dot_general3A {dimension_numbers = #tpu.dot_dimension_numbers<[1], [0], [0], [1], [0, 0, 1, 1], [], []>, precision = #tpu.contract_precision<fp32>, transpose_lhs_hint = false} : vector<256x512xf32>, vector<512x128xf32>, vector<256x128xf32> -> vector<256x128xf32>
    %get3A_37 = arith.constant 0 : index
    %get3A_38 = arith.constant 0 : index
    %get3A_39 = vector.load %arg10[%get3A_37, %get3A_38] : memref<8x128xf32, #tpu.memory_space<vmem>>, vector<1x128xf32>
    %add3A_40 = vector.broadcast %get3A_39 : vector<1x128xf32> to vector<256x128xf32>
    %add3A_41 = arith.addf %dot_general3A_36, %add3A_40 : vector<256x128xf32>
    %swap3A = arith.constant 0 : index
    %swap3A_42 = arith.constant 0 : index
    %swap3A_43 = vector.load %arg11[%swap3A, %swap3A_42] : memref<256x128xf32, #tpu.memory_space<vmem>>, vector<256x128xf32>
    tpu.vector_store %arg11[%swap3A, %swap3A_42], %add3A_41 {strides = array<i32>} : memref<256x128xf32, #tpu.memory_space<vmem>>, vector<256x128xf32>,
    return
  }
  func.func @transform_0(%arg0: i32) -> (i32, i32) {
    %c0_i32 = arith.constant 0 : i32
    %c0_i32_0 = arith.constant 0 : i32
    return %arg0, %c0_i32 : i32, i32
  }
  func.func @transform_1(%arg0: i32) -> (i32, i32) {
    %c0_i32 = arith.constant 0 : i32
    %c0_i32_0 = arith.constant 0 : i32
    return %arg0, %c0_i32 : i32, i32
  }
  func.func @transform_2(%arg0: i32) -> (i32, i32) {
    %c0_i32 = arith.constant 0 : i32
    %c0_i32_0 = arith.constant 0 : i32
    return %arg0, %c0_i32 : i32, i32
  }
  func.func @transform_3(%arg0: i32) -> (i32, i32) {
    %c0_i32 = arith.constant 0 : i32
    %c0_i32_0 = arith.constant 0 : i32
    return %arg0, %c0_i32 : i32, i32
  }
  func.func @transform_4(%arg0: i32) -> (i32, i32) {
    %c0_i32 = arith.constant 0 : i32
    %c0_i32_0 = arith.constant 0 : i32
    return %arg0, %c0_i32 : i32, i32
  }
  func.func @transform_5(%arg0: i32) -> (i32, i32) {
    %c0_i32 = arith.constant 0 : i32
    %c0_i32_0 = arith.constant 0 : i32
    return %arg0, %c0_i32 : i32, i32
  }
  func.func @transform_6(%arg0: i32) -> (i32, i32) {
    %c0_i32 = arith.constant 0 : i32
    %c0_i32_0 = arith.constant 0 : i32
    return %arg0, %c0_i32 : i32, i32
  }
  func.func @transform_7(%arg0: i32) -> (i32, i32) {
    %c0_i32 = arith.constant 0 : i32
    %c0_i32_0 = arith.constant 0 : i32
    %c0_i32_1 = arith.constant 0 : i32
    return %c0_i32, %c0_i32_0 : i32, i32
  }
  func.func @transform_8(%arg0: i32) -> (i32, i32) {
    %c0_i32 = arith.constant 0 : i32
    %c0_i32_0 = arith.constant 0 : i32
    %c0_i32_1 = arith.constant 0 : i32
    return %c0_i32, %c0_i32_0 : i32, i32
  }
  func.func @transform_9(%arg0: i32) -> (i32, i32) {
    %c0_i32 = arith.constant 0 : i32
    %c0_i32_0 = arith.constant 0 : i32
    %c0_i32_1 = arith.constant 0 : i32
    return %c0_i32, %c0_i32_0 : i32, i32
  }
  func.func @transform_10(%arg0: i32) -> (i32, i32) {
    %c0_i32 = arith.constant 0 : i32
    %c0_i32_0 = arith.constant 0 : i32
    return %arg0, %c0_i32 : i32, i32
  }
}

</mosaic_0001>

<sc_bundles>
// kernel: kernel.13.cloned.1.call-start
scs
__scs_entry_jumppad:
0x0: {  	(pc) =	sbr.rel $0x88, $3  }
0x1: {  	(tag) =	ssettag $0x0;
	lr =	simm.s32 $0x1  }
0x2: {  	[smem:$0x3F67] =	sst lr;
	_ =	strace $0xD0000000  }
0x3: {  	_ = 	snop  }
0x4: {  	_ = 	snop  }
0x5: {  	_ = 	snop  }
0x6: {  	_ = 	snop  }
0x7: {  	_ = 	snop  }
__scs_overlays_trampoline_lowered:
0x8: {  	[smem:$0x3F76] =	sst s0  }
0x9: {  	[smem:$0x3F77] =	sst s1  }
0xa: {  	[smem:$0x3F78] =	sst s2  }
0xb: {  	[smem:$0x3F79] =	sst s3  }
0xc: {  	[smem:$0x3F7A] =	sst s4  }
0xd: {  	[smem:$0x3F7B] =	sst s5  }
0xe: {  	[smem:$0x3F7C] =	sst s6  }
0xf: {  	[smem:$0x3F7D] =	sst s7  }
0x10: {  	[smem:$0x3F7E] =	sst s8  }
0x11: {  	[smem:$0x3F7F] =	sst s9;
	s0 =	simm.s32 @!p0 $0x0  }
0x12: {  	s1 =	sld [smem:$0x3F65];
	s0 =	simm.s32 @p0 $0x1  }
0x13: {  	[smem:$0x3F80] =	sst s0;
	s0 =	simm.s32 @!p1 $0x0  }
0x14: {  	s2 =	sld [smem:$0x3F64];
	s0 =	simm.s32 @p1 $0x1  }
0x15: {  	[smem:$0x3F81] =	sst s0;
	s0 =	simm.s32 @!p2 $0x0  }
0x16: {  	s3 =	sld [smem:$0x3FDB];
	s0 =	simm.s32 @p2 $0x1  }
0x17: {  	s4 =	simm.s32 $0x1BF5;
	[smem:$0x3F83] =	sst s0  }
0x18: {  	s0 =	sld [smem:$0x3F66];
	_ =	swait.ge [sflag:s4], $0x0  }
0x19: {  	s7 =	sld [smem:$0x3F67]  }
0x1a: {  	s8 =	sadd.s32 $0xFFFFE003, lr  }
0x1b: {  	s9 =	sadd.s32 $0xFFFFFEF7, lr;
	s5 =	simm.s32 $0xFFFFFFFF;
	p2 =	slt.u32 s8, $0xFFFFF086  }
0x1c: {  	p1 =	slt.u32 s9, $0xF7A;
	s5 =	simm.s32 @!p2 $0x0  }
0x1d: {  	s5 =	simm.s32 @p1 $0x1;
	p0 =	seq.s32 s7, s2  }
0x1e: {  	s7 =	smul.u32 @!p0 $0xF7A, s2;
	p2 =	seq.s32 @!p0 s5, $0x0  }
0x1f: {  	s9 =	smul.u32 $0xF7A, s1;
	s8 =	simm.s32 @!p0 $0x1BF5;
	p2 =	por !p2, p0  }
0x20: {  	[sflag:s8] =	ssyncset.s32 @!p0 $0xFFFFF086;
	s6 =	sadd.s32 @!p0 s3, s7;
	s7 =	simm.s32 @!p0 $0x108  }
0x21: {  	s3 =	sadd.s32 s3, s9;
	s6 =	sadd.s32 @!p0 $0x88, s6;
	s7 =	simm.s32 @p2 $0x1082  }
0x22: {  	[simem:s7], [sflag:s8] =	dma.local @!p0 [hbm:s6], $0xF7A  }
0x23: {  	s9 =	sor.u32 $0xD0000000, s2;
	s6 =	simm.s32 $0x108;
	_ =	swait.ge @!p0 [sflag:s8], $0x0  }
0x24: {  	s3 =	sadd.s32 $0x88, s3;
	s6 =	simm.s32 @!p1 $0x1082;
	[sflag:s4] =	ssyncset.s32 $0xFFFFF086  }
0x25: {  	[simem:s6], [sflag:s4] =	dma.local [hbm:s3], $0xF7A  }
0x26: {  	[smem:$0x3F67] =	sst s1;
	(tag) =	ssettag s2;
	_ =	strace s9  }
0x27: {  	s1 =	sld [smem:$0x3F77]  }
0x28: {  	s2 =	sld [smem:$0x3F78]  }
0x29: {  	s4 =	sld [smem:$0x3F7A]  }
0x2a: {  	p0 =	seq.s32 s5, $0x0;
	s5 =	sld [smem:$0x3F7B]  }
0x2b: {  	s6 =	sld [smem:$0x3F7C]  }
0x2c: {  	s7 =	sld [smem:$0x3F7D]  }
0x2d: {  	s3 =	simm.s32 $0x108;
	s8 =	sld [smem:$0x3F7E]  }
0x2e: {  	s3 =	simm.s32 @!p0 $0x1082;
	s9 =	sld [smem:$0x3F7F]  }
0x2f: {  	lr =	sadd.s32 s0, s3;
	s0 =	sld [smem:$0x3F76]  }
0x30: {  	s3 =	sld [smem:$0x3F79]  }
0x31: {  	[smem:$0x3F82] =	sst s10  }
0x32: {  	s10 =	sld [smem:$0x3F80];
	_ =	sdelay $0x3  }
0x33: {  	p0 =	seq.s32 s10, $0x1;
	s10 =	sld [smem:$0x3F82];
	_ =	sdelay $0x3  }
0x34: {  	[smem:$0x3F82] =	sst s10  }
0x35: {  	s10 =	sld [smem:$0x3F81];
	_ =	sdelay $0x3  }
0x36: {  	p1 =	seq.s32 s10, $0x1;
	s10 =	sld [smem:$0x3F82];
	_ =	sdelay $0x3  }
0x37: {  	[smem:$0x3F82] =	sst s10  }
0x38: {  	s10 =	sld [smem:$0x3F83]  }
0x39: {  	_ = 	snop;
	(pc) =	sbr.ind lr, $3  }
0x3a: {  	_ = 	snop  }
0x3b: {  	_ = 	snop  }
0x3c: {  	p2 =	seq.s32 s10, $0x1;
	s10 =	sld [smem:$0x3F82]  }
0x3d: {  	_ =	shalt  }
0x3e: {  	_ =	shalt  }
0x3f: {  	_ =	shalt  }
0x40: {  	_ =	shalt  }
0x41: {  	_ =	shalt  }
0x42: {  	_ =	shalt  }
0x43: {  	_ =	shalt  }
0x44: {  	_ =	shalt  }
0x45: {  	_ =	shalt  }
0x46: {  	_ =	shalt  }
0x47: {  	_ =	shalt  }
0x48: {  	_ =	shalt  }
0x49: {  	_ =	shalt  }
0x4a: {  	_ =	shalt  }
0x4b: {  	_ =	shalt  }
0x4c: {  	_ =	shalt  }
0x4d: {  	_ =	shalt  }
0x4e: {  	_ =	shalt  }
0x4f: {  	_ =	shalt  }
0x50: {  	_ =	shalt  }
0x51: {  	_ =	shalt  }
0x52: {  	_ =	shalt  }
0x53: {  	_ =	shalt  }
0x54: {  	_ =	shalt  }
0x55: {  	_ =	shalt  }
0x56: {  	_ =	shalt  }
0x57: {  	_ =	shalt  }
0x58: {  	_ =	shalt  }
0x59: {  	_ =	shalt  }
0x5a: {  	_ =	shalt  }
0x5b: {  	_ =	shalt  }
0x5c: {  	_ =	shalt  }
0x5d: {  	_ =	shalt  }
0x5e: {  	_ =	shalt  }
0x5f: {  	_ =	shalt  }
0x60: {  	_ =	shalt  }
0x61: {  	_ =	shalt  }
0x62: {  	_ =	shalt  }
0x63: {  	_ =	shalt  }
0x64: {  	_ =	shalt  }
0x65: {  	_ =	shalt  }
0x66: {  	_ =	shalt  }
0x67: {  	_ =	shalt  }
0x68: {  	_ =	shalt  }
0x69: {  	_ =	shalt  }
0x6a: {  	_ =	shalt  }
0x6b: {  	_ =	shalt  }
0x6c: {  	_ =	shalt  }
0x6d: {  	_ =	shalt  }
0x6e: {  	_ =	shalt  }
0x6f: {  	_ =	shalt  }
0x70: {  	_ =	shalt  }
0x71: {  	_ =	shalt  }
0x72: {  	_ =	shalt  }
0x73: {  	_ =	shalt  }
0x74: {  	_ =	shalt  }
0x75: {  	_ =	shalt  }
0x76: {  	_ =	shalt  }
0x77: {  	_ =	shalt  }
0x78: {  	_ =	shalt  }
0x79: {  	_ =	shalt  }
0x7a: {  	_ =	shalt  }
0x7b: {  	_ =	shalt  }
0x7c: {  	_ =	shalt  }
0x7d: {  	_ =	shalt  }
0x7e: {  	_ =	shalt  }
0x7f: {  	_ =	shalt  }
0x80: {  	_ =	shalt  }
0x81: {  	_ =	shalt  }
0x82: {  	_ =	shalt  }
0x83: {  	_ =	shalt  }
0x84: {  	_ =	shalt  }
0x85: {  	_ =	shalt  }
0x86: {  	_ =	shalt  }
0x87: {  	_ =	shalt  }
.Lfunc_end0:
.L_simem_size_0:
called_computation_lowered:
.L_overlay_start_0:
0x88: {  	s2 =	sld [smem:$0x3FD9]  }
0x89: {  	s3 =	sld [smem:$0x3FFE];
	_ =	sdelay $0x1  }
0x8a: {  	s1 =	srdreg.scid  }
0x8b: {  	s0 =	sand.u32 $0x1, s1  }
0x8c: {  	s15 =	sshll.u32 s0, $0xA;
	s2 =	sadd.s32 s3, s2  }
0x8d: {  	s2 =	sadd.s32 s2, s15  }
0x8e: {  	[smem:$0x3F8E] =	sst s2  }
0x8f: {  	_ = 	snop  }
0x90: {  	s2 =	sld [smem:$0x3FD0];
	_ =	sdelay $0x2  }
0x91: {  	s16 =	simm.s32 $0xB;
	s4 =	simm.s32 $0x10  }
0x92: {  	[smem:s4], [sflag:s16] =	dma.local [hbm:s2], $0x1  }
0x93: {  	_ =	swait.eq [sflag:s16], $0x1  }
0x94: {  	[sflag:s16] =	ssyncset.done $0x0  }
0x95: {  	[sflag:s16] =	ssyncadd.s32 $0xFFFFFFFF  }
0x96: {  	s17 =	sld [smem:$0x12];
	(tm) =	ssettm $0x1  }
0x97: {  	s18 =	sld [smem:$0x3FFB];
	_ =	sdelay $0x3  }
0x98: {  	_ =	strace s18  }
0x99: {  	s2 =	sld [smem:$0x3FFC];
	_ =	sdelay $0x3  }
0x9a: {  	_ =	strace s2  }
0x9b: {  	s2 =	sld [smem:$0x3FFD];
	_ =	sdelay $0x3  }
0x9c: {  	_ =	strace s2  }
0x9d: {  	_ =	strace $0x8FFFFFFF  }
0x9e: {  	s19 =	sld [smem:$0x3FDB];
	_ =	sdelay $0x1  }
0x9f: {  	s20 =	simm.s32 $_scs_section_size  }
0xa0: {  	s5 =	simm.s32 $_size__tile_overlayer_lowered;
	s6 =	simm.s32 $_tile_overlayer_lowered  }
0xa1: {  	s7 =	simm.s32 $0x1BFF;
	s21 =	sshll.u32 s6, $0x1;
	s4 =	sadd.s32 s20, s19  }
0xa2: {  	s22 =	simm.s32 $0x0;
	s5 =	sshll.u32 s5, $0x1;
	s6 =	sadd.s32 s21, s4  }
0xa3: {  	[timem:s22], [sflag:s7] =	dma.local [hbm:s6], s5  }
0xa4: {  	_ =	swait.ge [sflag:s7], s5  }
0xa5: {  	s5 =	ssub.s32 $0x0, s5;
	[sflag:s7] =	ssyncset.done $0x0  }
0xa6: {  	[sflag:s7] =	ssyncadd.s32 s5;
	_ =	sdelay $0x1  }
0xa7: {  	s23 =	simm.s32 $0x1B8B  }
0xa8: {  	_ =	swait.ge [sflag:s23], $0x1  }
0xa9: {  	[sflag:s23] =	ssyncset.done $0x0  }
0xaa: {  	[sflag:s23] =	ssyncadd.s32 $0xFFFFFFFF  }
0xab: {  	s5 =	sld [smem:$0x0]  }
0xac: {  	s6 =	sand.u32 $0xFFFFFFFE, s1  }
0xad: {  	p0 =	sne.s32 s1, s6  }
0xae: {  	s6 =	sshll.u32 @p0 s6, $0xE  }
0xaf: {  	s6 =	sadd.s32 @p0 $0x11B8D, s6;
	s7 =	sshll.u32 @p0 s5, $0x11  }
0xb0: {  	s6 =	sor.u32 @p0 s7, s6  }
0xb1: {  	[sflag:s6] =	ssyncadd.remote.s32 @p0 $0x1;
	_ =	sdelay $0x1  }
0xb2: {  	s6 =	simm.s32 @p0 $0x1B8D  }
0xb3: {  	_ =	swait.eq @p0 [sflag:s6], $0x1  }
0xb4: {  	[sflag:s6] =	ssyncadd.s32 @p0 $0xFFFFFFFF  }
0xb5: {  	s7 =	sshll.u32 @!p0 s1, $0xE  }
0xb6: {  	s7 =	sor.u32 @!p0 $0x4000, s7;
	s6 =	simm.s32 @!p0 $0x1B8D  }
0xb7: {  	s5 =	sshll.u32 @!p0 s5, $0x11;
	s7 =	sadd.s32 @!p0 $0x11B8D, s7;
	_ =	swait.eq @!p0 [sflag:s6], $0x1  }
0xb8: {  	s5 =	sor.u32 @!p0 s5, s7;
	[sflag:s6] =	ssyncadd.s32 @!p0 $0xFFFFFFFF  }
0xb9: {  	s25 =	simm.s32 $0x1B8E;
	s24 =	sld [smem:$0x3FFE];
	[sflag:s5] =	ssyncadd.remote.s32 @!p0 $0x1  }
0xba: {  	s26 =	simm.s32 $execute0_lowered;
	[smem:$0x3FD2] =	sst s25  }
0xbb: {  	s6 =	sshll.u32 s26, $0x1;
	_ =	strace $0x8000004C;
	[dreg:$0x1] =	wrdreg $0xFFFFFFFF  }
0xbc: {  	s28 =	simm.s32 $_size_execute0_lowered;
	s4 =	sadd.s32 s4, s6;
	[dreg:$0x0] =	wrdreg $0x0  }
0xbd: {  	s6 =	sshll.u32 s28, $0x1;
	[dreg:$0x2] =	wrdreg s4  }
0xbe: {  	[dreg:$0x3] =	wrdreg s6  }
0xbf: {  	[dreg:$0x4] =	wrdreg $0xC0  }
0xc0: {  	_ =	task [dreg:s22], $0x5FFFF  }
0xc1: {  	[dreg:$0x1] =	wrdreg $0xFFFFFFFF  }
0xc2: {  	[dreg:$0x0] =	wrdreg $0x60  }
0xc3: {  	[dreg:$0x2] =	wrdreg s17  }
0xc4: {  	[dreg:$0x3] =	wrdreg s24  }
0xc5: {  	[dreg:$0x4] =	wrdreg $0x88000  }
0xc6: {  	[dreg:$0x5] =	wrdreg $0x9  }
0xc7: {  	_ =	task.clear_ibuf [dreg:s22], $0x6FFFF;
	_ =	strace $0x9000004C  }
0xc8: {  	s29 =	simm.s32 $0x9;
	_ =	strace $0x8000004E  }
0xc9: {  	_ =	swait.ge [sflag:s29], $0x1  }
0xca: {  	[sflag:s29] =	ssyncadd.s32 $0xFFFFFFFF  }
0xcb: {  	_ =	strace $0x9000004E  }
0xcc: {  	_ =	sfence  }
0xcd: {  	s30 =	sld [smem:$0x0];
	_ =	sdelay $0x2  }
0xce: {  	s31 =	sshll.u32 s1, $0xD;
	s1 =	sshrl.u32 s1, $0x2  }
0xcf: {  	s4 =	sand.u32 $0x4000, s31;
	s1 =	sadd.s32 s1, s30  }
0xd0: {  	s0 =	sor.u32 s4, s0;
	s1 =	sshll.u32 s1, $0x11  }
0xd1: {  	s0 =	sor.u32 s1, s0  }
0xd2: {  	s0 =	sadd.s32 $0x8F2B, s0  }
0xd3: {  	[sflag:s0] =	ssyncadd.remote.s32 $0x1  }
0xd4: {  	_ =	sfence.sel $0xFFFF  }
0xd5: {  	[dreg:$0x0] =	wrdreg $0xFFFFFFFF;
	(pc) =	sbr.abs _section_cstart, $3  }
0xd6: {  	[dreg:$0x1] =	wrdreg $0xFFFFFFFF  }
0xd7: {  	_ =	task.clear_ibuf [dreg:s22], $0x2FFFF;
	_ =	strace $0x9FFFFFFF  }
0xd8: {  	(tm) =	ssettm $0x7FFFFFFF  }
0xd9: {  	_ =	shalt  }
tec
execute0_lowered:
.L_overlay_start_1:
0x0: {  	(tag) =	ssettag $0x1  }
0x1: {  	s4 =	rddreg [dreg:$0x0]  }
0x2: {  	s5 =	rddreg [dreg:$0x1]  }
0x3: {  	s1 =	rddreg [dreg:$0x2]  }
0x4: {  	s0 =	rddreg [dreg:$0x3];
	s2 =	simm.s32 $0x0;
	s3 =	srdreg.scid  }
0x5: {  	s12 =	simm.s32 $0x80;
	s13 =	simm.s32 $0x800;
	s14 =	simm.s32 $0x100  }
0x6: {  	s15 =	simm.s32 $0x180;
	s16 =	simm.s32 $0x200;
	s17 =	simm.s32 $0x280  }
0x7: {  	s18 =	simm.s32 $0x300;
	s19 =	simm.s32 $0x380;
	s20 =	simm.s32 $0x400  }
0x8: {  	s21 =	simm.s32 $0x480;
	s22 =	simm.s32 $0x500;
	s23 =	simm.s32 $0x580  }
0x9: {  	s24 =	simm.s32 $0x600;
	s28 =	simm.s32 $0x780;
	s29 =	simm.s32 $0x0  }
0xa: {  	[smem:$0x7FF] =	sst s2;
	s6 =	sand.u32 $0x1, s3;
	s3 =	stileid.u32  }
0xb: {  	s25 =	sadd.s32 $0x2BE00, s5;
	_ =	strace $0x8000004D;
	s7 =	ssub.s32 $0x2, s6  }
0xc: {  	s8 =	sshll.u32 s6, $0x8;
	s10 =	sshll.u32 s3, $0x9;
	s26 =	sshll.u32 s3, $0x8  }
0xd: {  	s30 =	sshll.u32 s3, $0xF;
	s6 =	sshll.u32 s6, $0xC;
	s9 =	sshrl.u32 s7, $0x1  }
0xe: {  	s4 =	sadd.s32 s4, s8;
	s5 =	sadd.s32 s30, s1;
	s31 =	sor.u32 $0x80, s26  }
0xf: {  	s9 =	ssub.s32 s7, s9;
	s4 =	sadd.s32 s10, s4;
	s7 =	sor.u32 s26, s6  }
0x10: {  	s11 =	sshll.u32 s31, $0x7;
	s10 =	sor.u32 s6, s31;
	s26 =	simm.s32 $0x700  }
0x11: {  	s7 =	sshll.u32 s7, $0x4;
	s6 =	sadd.s32 s11, s1;
	s10 =	sshll.u32 s10, $0x4  }
0x12: {  	s9 =	smax.u32 s9, $0x1;
	s11 =	simm.s32 $0x4800;
	s7 =	sadd.s32 s25, s7  }
0x13: {  	v0 =	vimm.f32 $0.0e+00;
	v1 =	vimm.f32 $1.000000000e+00;
	s8 =	sadd.s32 s25, s10;
	s10 =	simm.s32 $0x1;
	s25 =	simm.s32 $0x680  }
.LBB2_1:
0x14: {  	[tilespmem:s2], [sflag:$0x1] =	stream.linear.gather [hbm4b:s4+s2], $0x800, $0x38;
	[tilespmem:$0x10800] =	vst v63  }
0x15: {  	_ =	swait.ge [sflag:s10], $0x800  }
0x16: {  	[sflag:s10] =	ssyncset.done $0x0  }
0x17: {  	s30 =	simm.s32 $0x0;
	s31 =	simm.s32 $0x200;
	[sflag:s10] =	ssyncadd.s32 $0xFFFFF800  }
.LBB2_2:
0x18: {  	p0 =	sne.s32 s31, $0xFE00;
	[tilespmem:s30+$0x4870] =	vst v0  }
0x19: {  	[tilespmem:s30+$0x4800] =	vst v0  }
0x1a: {  	[tilespmem:s30+$0x4810] =	vst v0  }
.Ltmp0:
0x1b: {  	[tilespmem:s30+$0x4820] =	vst v0;
	(pc) =	sbr.rel @p0 .LBB2_2-.Ltmp0, $4  }
0x1c: {  	[tilespmem:s30+$0x4830] =	vst v0  }
0x1d: {  	[tilespmem:s30+$0x4840] =	vst v0  }
0x1e: {  	[tilespmem:s30+$0x4850] =	vst v0  }
0x1f: {  	[tilespmem:s30+$0x4860] =	vst v0;
	s30 =	sshra.s32 s31, $0x2;
	s31 =	sadd.s32 $0x200, s31  }
0x20: {  	[tilespmem:s30+$0x4870] =	vst v0  }
0x21: {  	[tilespmem:s30+$0x4800] =	vst v0  }
0x22: {  	[tilespmem:s30+$0x4810] =	vst v0  }
0x23: {  	[tilespmem:s30+$0x4820] =	vst v0  }
0x24: {  	[tilespmem:s30+$0x4830] =	vst v0  }
0x25: {  	[tilespmem:s30+$0x4840] =	vst v0  }
0x26: {  	[tilespmem:s30+$0x4850] =	vst v0  }
0x27: {  	[tilespmem:s30+$0x4860] =	vst v0;
	s30 =	simm.s32 $0x0;
	s31 =	simm.s32 $0x200  }
.LBB2_4:
0x28: {  	p0 =	sne.s32 s31, $0xFE00;
	[tilespmem:s30+$0x870] =	vst v1  }
0x29: {  	[tilespmem:s30+$0x800] =	vst v1  }
0x2a: {  	[tilespmem:s30+$0x810] =	vst v1  }
.Ltmp1:
0x2b: {  	[tilespmem:s30+$0x820] =	vst v1;
	(pc) =	sbr.rel @p0 .LBB2_4-.Ltmp1, $4  }
0x2c: {  	[tilespmem:s30+$0x830] =	vst v1  }
0x2d: {  	[tilespmem:s30+$0x840] =	vst v1  }
0x2e: {  	[tilespmem:s30+$0x850] =	vst v1  }
0x2f: {  	[tilespmem:s30+$0x860] =	vst v1;
	s30 =	sshra.s32 s31, $0x2;
	s31 =	sadd.s32 $0x200, s31  }
0x30: {  	[tilespmem:s30+$0x870] =	vst v1  }
0x31: {  	[tilespmem:s30+$0x800] =	vst v1  }
0x32: {  	[tilespmem:s30+$0x810] =	vst v1  }
0x33: {  	[tilespmem:s30+$0x820] =	vst v1  }
0x34: {  	[tilespmem:s30+$0x830] =	vst v1  }
0x35: {  	[tilespmem:s30+$0x840] =	vst v1  }
0x36: {  	[tilespmem:s30+$0x850] =	vst v1  }
0x37: {  	[tilespmem:s30+$0x860] =	vst v1  }
0x38: {  	[spmem:s5] =	stream.linear.scatter [tilespmem:s11], [sflag:$0x1], $0x4000, $0x38;
	[tilespmem:$0x10800] =	vst v63  }
0x39: {  	_ =	swait.ge [sflag:s10], $0x4000  }
0x3a: {  	[sflag:s10] =	ssyncset.done $0x0  }
0x3b: {  	[sflag:s10] =	ssyncadd.s32 $0xFFFFC000  }
0x3c: {  	[spmem:s6] =	stream.linear.scatter [tilespmem:s11], [sflag:$0x1], $0x4000, $0x38;
	[tilespmem:$0x10800] =	vst v63  }
0x3d: {  	_ =	swait.ge [sflag:s10], $0x4000  }
0x3e: {  	[sflag:s10] =	ssyncset.done $0x0  }
0x3f: {  	[sflag:s10] =	ssyncadd.s32 $0xFFFFC000  }
0x40: {  	[bflag:$0x0] =	sbarrier.arrive $0xFFFF  }
0x41: {  	[spmem:s1] =	stream.indirect.scatter.add.f32 [tilespmem:s13], [sflag:$0x1], $0x80, s2, s12, $0xb8;
	[tilespmem:$0x10800] =	vst v63  }
0x42: {  	_ =	swait.ge [sflag:s10], $0x4000  }
0x43: {  	[sflag:s10] =	ssyncset.done $0x0  }
0x44: {  	[sflag:s10] =	ssyncadd.s32 $0xFFFFC000  }
0x45: {  	[spmem:s1] =	stream.indirect.scatter.add.f32 [tilespmem:s13], [sflag:$0x1], $0x80, s12, s12, $0xb8;
	[tilespmem:$0x10800] =	vst v63  }
0x46: {  	_ =	swait.ge [sflag:s10], $0x4000  }
0x47: {  	[sflag:s10] =	ssyncset.done $0x0  }
0x48: {  	[sflag:s10] =	ssyncadd.s32 $0xFFFFC000  }
0x49: {  	[spmem:s1] =	stream.indirect.scatter.add.f32 [tilespmem:s13], [sflag:$0x1], $0x80, s14, s12, $0xb8;
	[tilespmem:$0x10800] =	vst v63  }
0x4a: {  	_ =	swait.ge [sflag:s10], $0x4000  }
0x4b: {  	[sflag:s10] =	ssyncset.done $0x0  }
0x4c: {  	[sflag:s10] =	ssyncadd.s32 $0xFFFFC000  }
0x4d: {  	[spmem:s1] =	stream.indirect.scatter.add.f32 [tilespmem:s13], [sflag:$0x1], $0x80, s15, s12, $0xb8;
	[tilespmem:$0x10800] =	vst v63  }
0x4e: {  	_ =	swait.ge [sflag:s10], $0x4000  }
0x4f: {  	[sflag:s10] =	ssyncset.done $0x0  }
0x50: {  	[sflag:s10] =	ssyncadd.s32 $0xFFFFC000  }
0x51: {  	[spmem:s1] =	stream.indirect.scatter.add.f32 [tilespmem:s13], [sflag:$0x1], $0x80, s16, s12, $0xb8;
	[tilespmem:$0x10800] =	vst v63  }
0x52: {  	_ =	swait.ge [sflag:s10], $0x4000  }
0x53: {  	[sflag:s10] =	ssyncset.done $0x0  }
0x54: {  	[sflag:s10] =	ssyncadd.s32 $0xFFFFC000  }
0x55: {  	[spmem:s1] =	stream.indirect.scatter.add.f32 [tilespmem:s13], [sflag:$0x1], $0x80, s17, s12, $0xb8;
	[tilespmem:$0x10800] =	vst v63  }
0x56: {  	_ =	swait.ge [sflag:s10], $0x4000  }
0x57: {  	[sflag:s10] =	ssyncset.done $0x0  }
0x58: {  	[sflag:s10] =	ssyncadd.s32 $0xFFFFC000  }
0x59: {  	[spmem:s1] =	stream.indirect.scatter.add.f32 [tilespmem:s13], [sflag:$0x1], $0x80, s18, s12, $0xb8;
	[tilespmem:$0x10800] =	vst v63  }
0x5a: {  	_ =	swait.ge [sflag:s10], $0x4000  }
0x5b: {  	[sflag:s10] =	ssyncset.done $0x0  }
0x5c: {  	[sflag:s10] =	ssyncadd.s32 $0xFFFFC000  }
0x5d: {  	[spmem:s1] =	stream.indirect.scatter.add.f32 [tilespmem:s13], [sflag:$0x1], $0x80, s19, s12, $0xb8;
	[tilespmem:$0x10800] =	vst v63  }
0x5e: {  	_ =	swait.ge [sflag:s10], $0x4000  }
0x5f: {  	[sflag:s10] =	ssyncset.done $0x0  }
0x60: {  	[sflag:s10] =	ssyncadd.s32 $0xFFFFC000  }
0x61: {  	[spmem:s1] =	stream.indirect.scatter.add.f32 [tilespmem:s13], [sflag:$0x1], $0x80, s20, s12, $0xb8;
	[tilespmem:$0x10800] =	vst v63  }
0x62: {  	_ =	swait.ge [sflag:s10], $0x4000  }
0x63: {  	[sflag:s10] =	ssyncset.done $0x0  }
0x64: {  	[sflag:s10] =	ssyncadd.s32 $0xFFFFC000  }
0x65: {  	[spmem:s1] =	stream.indirect.scatter.add.f32 [tilespmem:s13], [sflag:$0x1], $0x80, s21, s12, $0xb8;
	[tilespmem:$0x10800] =	vst v63  }
0x66: {  	_ =	swait.ge [sflag:s10], $0x4000  }
0x67: {  	[sflag:s10] =	ssyncset.done $0x0  }
0x68: {  	[sflag:s10] =	ssyncadd.s32 $0xFFFFC000  }
0x69: {  	[spmem:s1] =	stream.indirect.scatter.add.f32 [tilespmem:s13], [sflag:$0x1], $0x80, s22, s12, $0xb8;
	[tilespmem:$0x10800] =	vst v63  }
0x6a: {  	_ =	swait.ge [sflag:s10], $0x4000  }
0x6b: {  	[sflag:s10] =	ssyncset.done $0x0  }
0x6c: {  	[sflag:s10] =	ssyncadd.s32 $0xFFFFC000  }
0x6d: {  	[spmem:s1] =	stream.indirect.scatter.add.f32 [tilespmem:s13], [sflag:$0x1], $0x80, s23, s12, $0xb8;
	[tilespmem:$0x10800] =	vst v63  }
0x6e: {  	_ =	swait.ge [sflag:s10], $0x4000  }
0x6f: {  	[sflag:s10] =	ssyncset.done $0x0  }
0x70: {  	[sflag:s10] =	ssyncadd.s32 $0xFFFFC000  }
0x71: {  	[spmem:s1] =	stream.indirect.scatter.add.f32 [tilespmem:s13], [sflag:$0x1], $0x80, s24, s12, $0xb8;
	[tilespmem:$0x10800] =	vst v63  }
0x72: {  	_ =	swait.ge [sflag:s10], $0x4000  }
0x73: {  	[sflag:s10] =	ssyncset.done $0x0  }
0x74: {  	[sflag:s10] =	ssyncadd.s32 $0xFFFFC000  }
0x75: {  	[spmem:s1] =	stream.indirect.scatter.add.f32 [tilespmem:s13], [sflag:$0x1], $0x80, s25, s12, $0xb8;
	[tilespmem:$0x10800] =	vst v63  }
0x76: {  	_ =	swait.ge [sflag:s10], $0x4000  }
0x77: {  	[sflag:s10] =	ssyncset.done $0x0  }
0x78: {  	[sflag:s10] =	ssyncadd.s32 $0xFFFFC000  }
0x79: {  	[spmem:s1] =	stream.indirect.scatter.add.f32 [tilespmem:s13], [sflag:$0x1], $0x80, s26, s12, $0xb8;
	[tilespmem:$0x10800] =	vst v63  }
0x7a: {  	_ =	swait.ge [sflag:s10], $0x4000  }
0x7b: {  	[sflag:s10] =	ssyncset.done $0x0  }
0x7c: {  	[sflag:s10] =	ssyncadd.s32 $0xFFFFC000  }
0x7d: {  	[spmem:s1] =	stream.indirect.scatter.add.f32 [tilespmem:s13], [sflag:$0x1], $0x80, s28, s12, $0xb8;
	[tilespmem:$0x10800] =	vst v63  }
0x7e: {  	_ =	swait.ge [sflag:s10], $0x4000  }
0x7f: {  	[sflag:s10] =	ssyncset.done $0x0  }
0x80: {  	[sflag:s10] =	ssyncadd.s32 $0xFFFFC000  }
0x81: {  	[bflag:$0x0] =	sbarrier.arrive $0xFFFF  }
0x82: {  	[tilespmem:s11], [sflag:$0x1] =	stream.linear.gather [spmem:s5], $0x4000, $0x38;
	[tilespmem:$0x10800] =	vst v63  }
0x83: {  	_ =	swait.ge [sflag:s10], $0x4000  }
0x84: {  	[sflag:s10] =	ssyncset.done $0x0  }
0x85: {  	[sflag:s10] =	ssyncadd.s32 $0xFFFFC000  }
0x86: {  	[hbm4b:s7+s2] =	stream.linear.scatter [tilespmem:s11], [sflag:$0x1], $0x4000, $0x38;
	[tilespmem:$0x10800] =	vst v63  }
0x87: {  	_ =	swait.ge [sflag:s10], $0x4000  }
0x88: {  	[sflag:s10] =	ssyncset.done $0x0  }
0x89: {  	[sflag:s10] =	ssyncadd.s32 $0xFFFFC000  }
0x8a: {  	[tilespmem:s11], [sflag:$0x1] =	stream.linear.gather [spmem:s6], $0x4000, $0x38;
	[tilespmem:$0x10800] =	vst v63  }
0x8b: {  	s29 =	sadd.s32 $0x1, s29;
	_ =	swait.ge [sflag:s10], $0x4000  }
0x8c: {  	p0 =	sne.s32 s29, s9;
	[sflag:s10] =	ssyncset.done $0x0  }
.Ltmp2:
0x8d: {  	[sflag:s10] =	ssyncadd.s32 $0xFFFFC000;
	(pc) =	sbr.rel @p0 .LBB2_1-.Ltmp2, $4  }
0x8e: {  	[hbm4b:s8+s2] =	stream.linear.scatter [tilespmem:s11], [sflag:$0x1], $0x4000, $0x38;
	[tilespmem:$0x10800] =	vst v63  }
0x8f: {  	_ =	swait.ge [sflag:s10], $0x4000  }
0x90: {  	[sflag:s10] =	ssyncset.done $0x0  }
0x91: {  	[sflag:s10] =	ssyncadd.s32 $0xFFFFC000  }
0x92: {  	_ =	sfence.sel $0x180000  }
0x93: {  	[bflag:$0x0] =	sbarrier.arrive $0xFFFF  }
0x94: {  	p0 =	sne.s32 s3, $0x0;
	_ =	strace $0x9000004D  }
0x95: {  	s0 =	sadd.s32 @!p0 $0x100000, s0;
	[bflag:$0x2] =	sbarrier.arrive $0xFFFF  }
0x96: {  	[sflag:s0] =	ssyncadd.tile.s32 @!p0 $0x1;
	_ =	shalt  }
.Lfunc_end2:
_tile_overlayer_lowered:
.L_overlay_start_2:
0x97: {  	(tag) =	ssettag $0x2  }
0x98: {  	s0 =	rddreg [dreg:$0x0];
	s2 =	stileid.u32  }
0x99: {  	s1 =	rddreg [dreg:$0x1];
	p0 =	sne.s32 s2, $0x0  }
0x9a: {  	s3 =	rddreg [dreg:$0x2];
	[bflag:$0x3] =	sbarrier.arrive $0xFFFF;
	s2 =	simm.s32 @!p0 $0x1C01  }
0x9b: {  	[timem:s3], [sflag:s2] =	dma.local @!p0 [hbm:s0], s1  }
0x9c: {  	s0 =	simm.s32 @!p0 $0x1  }
0x9d: {  	_ =	swait.ge @!p0 [sflag:s0], s1  }
0x9e: {  	s1 =	ssub.s32 @!p0 $0x0, s1;
	[sflag:s0] =	ssyncset.done @!p0 $0x0  }
0x9f: {  	[sflag:s0] =	ssyncadd.s32 @!p0 s1  }
0xa0: {  	[bflag:$0x3] =	sbarrier.arrive $0xFFFF  }
0xa1: {  	_ =	shalt  }

// kernel: kernel.16.cloned.1.call-start
scs
__scs_entry_jumppad:
0x0: {  	(pc) =	sbr.rel $0x88, $3  }
0x1: {  	(tag) =	ssettag $0x0;
	lr =	simm.s32 $0x1  }
0x2: {  	[smem:$0x3F67] =	sst lr;
	_ =	strace $0xD0000000  }
0x3: {  	_ = 	snop  }
0x4: {  	_ = 	snop  }
0x5: {  	_ = 	snop  }
0x6: {  	_ = 	snop  }
0x7: {  	_ = 	snop  }
__scs_overlays_trampoline_lowered:
0x8: {  	[smem:$0x3F76] =	sst s0  }
0x9: {  	[smem:$0x3F77] =	sst s1  }
0xa: {  	[smem:$0x3F78] =	sst s2  }
0xb: {  	[smem:$0x3F79] =	sst s3  }
0xc: {  	[smem:$0x3F7A] =	sst s4  }
0xd: {  	[smem:$0x3F7B] =	sst s5  }
0xe: {  	[smem:$0x3F7C] =	sst s6  }
0xf: {  	[smem:$0x3F7D] =	sst s7  }
0x10: {  	[smem:$0x3F7E] =	sst s8  }
0x11: {  	[smem:$0x3F7F] =	sst s9;
	s0 =	simm.s32 @!p0 $0x0  }
0x12: {  	s1 =	sld [smem:$0x3F65];
	s0 =	simm.s32 @p0 $0x1  }
0x13: {  	[smem:$0x3F80] =	sst s0;
	s0 =	simm.s32 @!p1 $0x0  }
0x14: {  	s2 =	sld [smem:$0x3F64];
	s0 =	simm.s32 @p1 $0x1  }
0x15: {  	[smem:$0x3F81] =	sst s0;
	s0 =	simm.s32 @!p2 $0x0  }
0x16: {  	s3 =	sld [smem:$0x3FDB];
	s0 =	simm.s32 @p2 $0x1  }
0x17: {  	s4 =	simm.s32 $0x1BF5;
	[smem:$0x3F83] =	sst s0  }
0x18: {  	s0 =	sld [smem:$0x3F66];
	_ =	swait.ge [sflag:s4], $0x0  }
0x19: {  	s7 =	sld [smem:$0x3F67]  }
0x1a: {  	s8 =	sadd.s32 $0xFFFFE003, lr  }
0x1b: {  	s9 =	sadd.s32 $0xFFFFFEF7, lr;
	s5 =	simm.s32 $0xFFFFFFFF;
	p2 =	slt.u32 s8, $0xFFFFF086  }
0x1c: {  	p1 =	slt.u32 s9, $0xF7A;
	s5 =	simm.s32 @!p2 $0x0  }
0x1d: {  	s5 =	simm.s32 @p1 $0x1;
	p0 =	seq.s32 s7, s2  }
0x1e: {  	s7 =	smul.u32 @!p0 $0xF7A, s2;
	p2 =	seq.s32 @!p0 s5, $0x0  }
0x1f: {  	s9 =	smul.u32 $0xF7A, s1;
	s8 =	simm.s32 @!p0 $0x1BF5;
	p2 =	por !p2, p0  }
0x20: {  	[sflag:s8] =	ssyncset.s32 @!p0 $0xFFFFF086;
	s6 =	sadd.s32 @!p0 s3, s7;
	s7 =	simm.s32 @!p0 $0x108  }
0x21: {  	s3 =	sadd.s32 s3, s9;
	s6 =	sadd.s32 @!p0 $0x88, s6;
	s7 =	simm.s32 @p2 $0x1082  }
0x22: {  	[simem:s7], [sflag:s8] =	dma.local @!p0 [hbm:s6], $0xF7A  }
0x23: {  	s9 =	sor.u32 $0xD0000000, s2;
	s6 =	simm.s32 $0x108;
	_ =	swait.ge @!p0 [sflag:s8], $0x0  }
0x24: {  	s3 =	sadd.s32 $0x88, s3;
	s6 =	simm.s32 @!p1 $0x1082;
	[sflag:s4] =	ssyncset.s32 $0xFFFFF086  }
0x25: {  	[simem:s6], [sflag:s4] =	dma.local [hbm:s3], $0xF7A  }
0x26: {  	[smem:$0x3F67] =	sst s1;
	(tag) =	ssettag s2;
	_ =	strace s9  }
0x27: {  	s1 =	sld [smem:$0x3F77]  }
0x28: {  	s2 =	sld [smem:$0x3F78]  }
0x29: {  	s4 =	sld [smem:$0x3F7A]  }
0x2a: {  	p0 =	seq.s32 s5, $0x0;
	s5 =	sld [smem:$0x3F7B]  }
0x2b: {  	s6 =	sld [smem:$0x3F7C]  }
0x2c: {  	s7 =	sld [smem:$0x3F7D]  }
0x2d: {  	s3 =	simm.s32 $0x108;
	s8 =	sld [smem:$0x3F7E]  }
0x2e: {  	s3 =	simm.s32 @!p0 $0x1082;
	s9 =	sld [smem:$0x3F7F]  }
0x2f: {  	lr =	sadd.s32 s0, s3;
	s0 =	sld [smem:$0x3F76]  }
0x30: {  	s3 =	sld [smem:$0x3F79]  }
0x31: {  	[smem:$0x3F82] =	sst s10  }
0x32: {  	s10 =	sld [smem:$0x3F80];
	_ =	sdelay $0x3  }
0x33: {  	p0 =	seq.s32 s10, $0x1;
	s10 =	sld [smem:$0x3F82];
	_ =	sdelay $0x3  }
0x34: {  	[smem:$0x3F82] =	sst s10  }
0x35: {  	s10 =	sld [smem:$0x3F81];
	_ =	sdelay $0x3  }
0x36: {  	p1 =	seq.s32 s10, $0x1;
	s10 =	sld [smem:$0x3F82];
	_ =	sdelay $0x3  }
0x37: {  	[smem:$0x3F82] =	sst s10  }
0x38: {  	s10 =	sld [smem:$0x3F83]  }
0x39: {  	_ = 	snop;
	(pc) =	sbr.ind lr, $3  }
0x3a: {  	_ = 	snop  }
0x3b: {  	_ = 	snop  }
0x3c: {  	p2 =	seq.s32 s10, $0x1;
	s10 =	sld [smem:$0x3F82]  }
0x3d: {  	_ =	shalt  }
0x3e: {  	_ =	shalt  }
0x3f: {  	_ =	shalt  }
0x40: {  	_ =	shalt  }
0x41: {  	_ =	shalt  }
0x42: {  	_ =	shalt  }
0x43: {  	_ =	shalt  }
0x44: {  	_ =	shalt  }
0x45: {  	_ =	shalt  }
0x46: {  	_ =	shalt  }
0x47: {  	_ =	shalt  }
0x48: {  	_ =	shalt  }
0x49: {  	_ =	shalt  }
0x4a: {  	_ =	shalt  }
0x4b: {  	_ =	shalt  }
0x4c: {  	_ =	shalt  }
0x4d: {  	_ =	shalt  }
0x4e: {  	_ =	shalt  }
0x4f: {  	_ =	shalt  }
0x50: {  	_ =	shalt  }
0x51: {  	_ =	shalt  }
0x52: {  	_ =	shalt  }
0x53: {  	_ =	shalt  }
0x54: {  	_ =	shalt  }
0x55: {  	_ =	shalt  }
0x56: {  	_ =	shalt  }
0x57: {  	_ =	shalt  }
0x58: {  	_ =	shalt  }
0x59: {  	_ =	shalt  }
0x5a: {  	_ =	shalt  }
0x5b: {  	_ =	shalt  }
0x5c: {  	_ =	shalt  }
0x5d: {  	_ =	shalt  }
0x5e: {  	_ =	shalt  }
0x5f: {  	_ =	shalt  }
0x60: {  	_ =	shalt  }
0x61: {  	_ =	shalt  }
0x62: {  	_ =	shalt  }
0x63: {  	_ =	shalt  }
0x64: {  	_ =	shalt  }
0x65: {  	_ =	shalt  }
0x66: {  	_ =	shalt  }
0x67: {  	_ =	shalt  }
0x68: {  	_ =	shalt  }
0x69: {  	_ =	shalt  }
0x6a: {  	_ =	shalt  }
0x6b: {  	_ =	shalt  }
0x6c: {  	_ =	shalt  }
0x6d: {  	_ =	shalt  }
0x6e: {  	_ =	shalt  }
0x6f: {  	_ =	shalt  }
0x70: {  	_ =	shalt  }
0x71: {  	_ =	shalt  }
0x72: {  	_ =	shalt  }
0x73: {  	_ =	shalt  }
0x74: {  	_ =	shalt  }
0x75: {  	_ =	shalt  }
0x76: {  	_ =	shalt  }
0x77: {  	_ =	shalt  }
0x78: {  	_ =	shalt  }
0x79: {  	_ =	shalt  }
0x7a: {  	_ =	shalt  }
0x7b: {  	_ =	shalt  }
0x7c: {  	_ =	shalt  }
0x7d: {  	_ =	shalt  }
0x7e: {  	_ =	shalt  }
0x7f: {  	_ =	shalt  }
0x80: {  	_ =	shalt  }
0x81: {  	_ =	shalt  }
0x82: {  	_ =	shalt  }
0x83: {  	_ =	shalt  }
0x84: {  	_ =	shalt  }
0x85: {  	_ =	shalt  }
0x86: {  	_ =	shalt  }
0x87: {  	_ =	shalt  }
.Lfunc_end0:
.L_simem_size_0:
called_computation.1_lowered:
.L_overlay_start_0:
0x88: {  	s2 =	sld [smem:$0x3FD9]  }
0x89: {  	s3 =	sld [smem:$0x3FFE];
	_ =	sdelay $0x1  }
0x8a: {  	s1 =	srdreg.scid  }
0x8b: {  	s0 =	sand.u32 $0x1, s1  }
0x8c: {  	s14 =	sshll.u32 s0, $0xA;
	s2 =	sadd.s32 s3, s2  }
0x8d: {  	s2 =	sadd.s32 s2, s14  }
0x8e: {  	[smem:$0x3F8E] =	sst s2  }
0x8f: {  	_ = 	snop  }
0x90: {  	s2 =	sld [smem:$0x3FD0];
	_ =	sdelay $0x2  }
0x91: {  	s4 =	simm.s32 $0xB;
	s5 =	simm.s32 $0x10;
	s15 =	sld [smem:$0x3FC9]  }
0x92: {  	[smem:s5], [sflag:s4] =	dma.local [hbm:s2], $0x1  }
0x93: {  	_ =	swait.eq [sflag:s4], $0x1  }
0x94: {  	[sflag:s4] =	ssyncset.done $0x0  }
0x95: {  	s16 =	sld [smem:$0x10];
	[sflag:s4] =	ssyncadd.s32 $0xFFFFFFFF  }
0x96: {  	s17 =	sld [smem:$0x12];
	(tm) =	ssettm $0x1  }
0x97: {  	s18 =	sld [smem:$0x3FFB];
	_ =	sdelay $0x3  }
0x98: {  	_ =	strace s18  }
0x99: {  	s5 =	sld [smem:$0x3FFC];
	_ =	sdelay $0x3  }
0x9a: {  	_ =	strace s5  }
0x9b: {  	s5 =	sld [smem:$0x3FFD];
	_ =	sdelay $0x3  }
0x9c: {  	_ =	strace s5  }
0x9d: {  	_ =	strace $0x8FFFFFFF  }
0x9e: {  	s19 =	sld [smem:$0x3FDB];
	_ =	sdelay $0x1  }
0x9f: {  	s6 =	simm.s32 $_scs_section_size  }
0xa0: {  	s7 =	simm.s32 $_size__tile_overlayer_lowered;
	s8 =	simm.s32 $_tile_overlayer_lowered  }
0xa1: {  	s22 =	simm.s32 $0x1BFF;
	s21 =	sshll.u32 s8, $0x1;
	s5 =	sadd.s32 s6, s19  }
0xa2: {  	s9 =	simm.s32 $0x0;
	s20 =	sshll.u32 s7, $0x1;
	s7 =	sadd.s32 s21, s5  }
0xa3: {  	[timem:s9], [sflag:s22] =	dma.local [hbm:s7], s20  }
0xa4: {  	_ =	swait.ge [sflag:s22], s20  }
0xa5: {  	s6 =	ssub.s32 $0x0, s20;
	[sflag:s22] =	ssyncset.done $0x0  }
0xa6: {  	[sflag:s22] =	ssyncadd.s32 s6;
	_ =	sdelay $0x1  }
0xa7: {  	s23 =	simm.s32 $0x1B8B  }
0xa8: {  	_ =	swait.ge [sflag:s23], $0x1  }
0xa9: {  	[sflag:s23] =	ssyncset.done $0x0  }
0xaa: {  	s25 =	simm.s32 $0x1B8E;
	s24 =	sld [smem:$0x3FFE];
	[sflag:s23] =	ssyncadd.s32 $0xFFFFFFFF  }
0xab: {  	s26 =	simm.s32 $execute0_lowered;
	[smem:$0x3FD2] =	sst s25  }
0xac: {  	s7 =	sshll.u32 s26, $0x1;
	_ =	strace $0x80000046;
	[dreg:$0x1] =	wrdreg $0xFFFFFFFF  }
0xad: {  	s28 =	simm.s32 $_size_execute0_lowered;
	s5 =	sadd.s32 s5, s7;
	[dreg:$0x0] =	wrdreg $0x0  }
0xae: {  	s7 =	sshll.u32 s28, $0x1;
	[dreg:$0x2] =	wrdreg s5  }
0xaf: {  	[dreg:$0x3] =	wrdreg s7  }
0xb0: {  	[dreg:$0x4] =	wrdreg $0xC0  }
0xb1: {  	_ =	task [dreg:s9], $0x5FFFF  }
0xb2: {  	[dreg:$0x1] =	wrdreg $0xFFFFFFFF  }
0xb3: {  	[dreg:$0x0] =	wrdreg $0x60  }
0xb4: {  	[dreg:$0x2] =	wrdreg s15  }
0xb5: {  	[dreg:$0x3] =	wrdreg s24  }
0xb6: {  	[dreg:$0x4] =	wrdreg s17  }
0xb7: {  	[dreg:$0x5] =	wrdreg s16  }
0xb8: {  	[dreg:$0x6] =	wrdreg $0x90000  }
0xb9: {  	[dreg:$0x7] =	wrdreg $0x9  }
0xba: {  	_ =	task.clear_ibuf [dreg:s9], $0x8FFFF;
	_ =	strace $0x90000046  }
0xbb: {  	s29 =	simm.s32 $0x9;
	_ =	strace $0x80000048  }
0xbc: {  	_ =	swait.ge [sflag:s29], $0x1  }
0xbd: {  	[sflag:s29] =	ssyncadd.s32 $0xFFFFFFFF  }
0xbe: {  	_ =	strace $0x90000048  }
0xbf: {  	_ =	sfence  }
0xc0: {  	s30 =	sld [smem:$0x0];
	_ =	sdelay $0x2  }
0xc1: {  	s31 =	sshll.u32 s1, $0xD;
	s1 =	sshrl.u32 s1, $0x2  }
0xc2: {  	s3 =	sand.u32 $0x4000, s31;
	s1 =	sadd.s32 s1, s30  }
0xc3: {  	s0 =	sor.u32 s3, s0;
	s1 =	sshll.u32 s1, $0x11  }
0xc4: {  	s0 =	sor.u32 s1, s0  }
0xc5: {  	s0 =	sadd.s32 $0x8F2B, s0  }
0xc6: {  	[sflag:s0] =	ssyncadd.remote.s32 $0x1  }
0xc7: {  	_ =	sfence.sel $0xFFFF  }
0xc8: {  	[dreg:$0x0] =	wrdreg $0xFFFFFFFF;
	(pc) =	sbr.abs _section_cstart, $3  }
0xc9: {  	[dreg:$0x1] =	wrdreg $0xFFFFFFFF  }
0xca: {  	_ =	task.clear_ibuf [dreg:s9], $0x2FFFF;
	_ =	strace $0x9FFFFFFF  }
0xcb: {  	(tm) =	ssettm $0x7FFFFFFF  }
tec
execute0_lowered:
.L_overlay_start_1:
0x0: {  	(tag) =	ssettag $0x1  }
0x1: {  	s1 =	rddreg [dreg:$0x0]  }
0x2: {  	s0 =	rddreg [dreg:$0x1]  }
0x3: {  	s2 =	rddreg [dreg:$0x2]  }
0x4: {  	s10 =	rddreg [dreg:$0x3]  }
0x5: {  	s3 =	rddreg [dreg:$0x4]  }
0x6: {  	s5 =	srdreg.scid;
	s4 =	simm.s32 $0x0;
	s9 =	stileid.u32  }
0x7: {  	s12 =	simm.s32 $0x800;
	s13 =	simm.s32 $0x3;
	s14 =	simm.s32 $0x5000  }
0x8: {  	s15 =	simm.s32 $0x80;
	s16 =	simm.s32 $0x1000;
	s17 =	simm.s32 $0x11000  }
0x9: {  	s18 =	simm.s32 $0x1;
	s28 =	simm.s32 $0x600;
	s29 =	simm.s32 $0xD80  }
0xa: {  	s30 =	simm.s32 $0x680;
	s31 =	simm.s32 $0xE00;
	s19 =	simm.s32 $0x780  }
0xb: {  	s7 =	sand.u32 $0x1, s5;
	s20 =	sshll.u32 s9, $0x9;
	[smem:$0x7FF] =	sst s4  }
0xc: {  	s22 =	sshll.u32 s9, $0x8;
	s23 =	sshll.u32 s9, $0xF;
	s6 =	sshll.u32 s7, $0x8  }
0xd: {  	s8 =	ssub.s32 $0x2, s7;
	_ =	strace $0x80000047;
	s24 =	sor.u32 $0x80, s22  }
0xe: {  	s25 =	sshll.u32 s7, $0xC;
	s7 =	sadd.s32 s23, s3;
	s23 =	simm.s32 $0x0  }
0xf: {  	s5 =	sor.u32 s6, s20;
	s21 =	sshrl.u32 s8, $0x1;
	s26 =	sor.u32 s25, s24  }
0x10: {  	s20 =	simm.s32 $0x2;
	s0 =	sadd.s32 s5, s0;
	s11 =	ssub.s32 s8, s21  }
0x11: {  	s5 =	sadd.s32 s2, s5;
	s8 =	sshll.u32 s24, $0x7;
	s2 =	sshll.u32 s26, $0x4  }
0x12: {  	s26 =	simm.s32 $0xD00;
	s6 =	sadd.s32 $0x9E00, s0;
	s0 =	sor.u32 s22, s25  }
0x13: {  	s21 =	simm.s32 $0xF00;
	s8 =	sadd.s32 s8, s3;
	s0 =	sshll.u32 s0, $0x4  }
0x14: {  	s11 =	smax.u32 s11, $0x1;
	s22 =	simm.s32 $0xF80;
	s9 =	sadd.s32 s10, s0  }
0x15: {  	v0 =	vimm.f32 $0.0e+00;
	s10 =	sadd.s32 s10, s2;
	s0 =	simm.s32 $0x700;
	s2 =	simm.s32 $0xE80  }
.LBB2_1:
0x16: {  	[tilespmem:s12], [sflag:$0x3] =	stream.linear.gather [hbm4b:s5+s4], $0x800, $0x38;
	[tilespmem:$0x15000] =	vst v63  }
0x17: {  	_ =	swait.ge [sflag:s13], $0x800  }
0x18: {  	[sflag:s13] =	ssyncset.done $0x0  }
0x19: {  	[sflag:s13] =	ssyncadd.s32 $0xFFFFF800  }
0x1a: {  	[tilespmem:s4], [sflag:$0x3] =	stream.linear.gather [hbm4b:s6+s4], $0x800, $0x38;
	[tilespmem:$0x15000] =	vst v63  }
0x1b: {  	_ =	swait.ge [sflag:s13], $0x800  }
0x1c: {  	[sflag:s13] =	ssyncset.done $0x0  }
0x1d: {  	s24 =	simm.s32 $0x0;
	s25 =	simm.s32 $0x200;
	[sflag:s13] =	ssyncadd.s32 $0xFFFFF800  }
.LBB2_2:
0x1e: {  	p0 =	sne.s32 s25, $0xFE00;
	[tilespmem:s24+$0x5070] =	vst v0  }
0x1f: {  	[tilespmem:s24+$0x5000] =	vst v0  }
0x20: {  	[tilespmem:s24+$0x5010] =	vst v0  }
.Ltmp0:
0x21: {  	[tilespmem:s24+$0x5020] =	vst v0;
	(pc) =	sbr.rel @p0 .LBB2_2-.Ltmp0, $4  }
0x22: {  	[tilespmem:s24+$0x5030] =	vst v0  }
0x23: {  	[tilespmem:s24+$0x5040] =	vst v0  }
0x24: {  	[tilespmem:s24+$0x5050] =	vst v0  }
0x25: {  	[tilespmem:s24+$0x5060] =	vst v0;
	s24 =	sshra.s32 s25, $0x2;
	s25 =	sadd.s32 $0x200, s25  }
0x26: {  	[tilespmem:s24+$0x5070] =	vst v0  }
0x27: {  	[tilespmem:s24+$0x5000] =	vst v0  }
0x28: {  	[tilespmem:s24+$0x5010] =	vst v0  }
0x29: {  	[tilespmem:s24+$0x5020] =	vst v0  }
0x2a: {  	[tilespmem:s24+$0x5030] =	vst v0  }
0x2b: {  	[tilespmem:s24+$0x5040] =	vst v0  }
0x2c: {  	[tilespmem:s24+$0x5050] =	vst v0  }
0x2d: {  	[tilespmem:s24+$0x5060] =	vst v0  }
0x2e: {  	[spmem:s7] =	stream.linear.scatter [tilespmem:s14], [sflag:$0x3], $0x4000, $0x38;
	[tilespmem:$0x15000] =	vst v63  }
0x2f: {  	_ =	swait.ge [sflag:s13], $0x4000  }
0x30: {  	[sflag:s13] =	ssyncset.done $0x0  }
0x31: {  	[sflag:s13] =	ssyncadd.s32 $0xFFFFC000  }
0x32: {  	[spmem:s8] =	stream.linear.scatter [tilespmem:s14], [sflag:$0x3], $0x4000, $0x38;
	[tilespmem:$0x15000] =	vst v63  }
0x33: {  	_ =	swait.ge [sflag:s13], $0x4000  }
0x34: {  	[sflag:s13] =	ssyncset.done $0x0  }
0x35: {  	[sflag:s13] =	ssyncadd.s32 $0xFFFFC000  }
0x36: {  	[bflag:$0x0] =	sbarrier.arrive $0xFFFF  }
0x37: {  	[tilespmem:s16], [sflag:$0x1] =	stream.indirect.gather [hbm4b:s1+s15], $0x80, s4, s15, $0xb8;
	[tilespmem:$0x15000] =	vst v63  }
0x38: {  	_ = 	snop  }
0x39: {  	[tilespmem:s17], [sflag:$0x2] =	stream.indirect.gather [hbm4b:s1+s15], $0x80, s15, s15, $0xb8;
	[tilespmem:$0x15000] =	vst v63  }
0x3a: {  	_ =	swait.ge [sflag:s18], $0x4000  }
0x3b: {  	[sflag:s18] =	ssyncset.done $0x0  }
0x3c: {  	[sflag:s18] =	ssyncadd.s32 $0xFFFFC000  }
0x3d: {  	[spmem:s3] =	stream.indirect.scatter.add.f32 [tilespmem:s16], [sflag:$0x3], $0x80, s12, s15, $0xb8;
	[tilespmem:$0x15000] =	vst v63  }
0x3e: {  	_ =	swait.ge [sflag:s13], $0x4000  }
0x3f: {  	[sflag:s13] =	ssyncset.done $0x0  }
0x40: {  	s25 =	simm.s32 $0x100;
	[sflag:s13] =	ssyncadd.s32 $0xFFFFC000  }
0x41: {  	[tilespmem:s16], [sflag:$0x1] =	stream.indirect.gather [hbm4b:s1+s15], $0x80, s25, s15, $0xb8;
	[tilespmem:$0x15000] =	vst v63  }
0x42: {  	_ =	swait.ge [sflag:s20], $0x4000  }
0x43: {  	[sflag:s20] =	ssyncset.done $0x0  }
0x44: {  	s25 =	simm.s32 $0x880;
	[sflag:s20] =	ssyncadd.s32 $0xFFFFC000  }
0x45: {  	[spmem:s3] =	stream.indirect.scatter.add.f32 [tilespmem:s17], [sflag:$0x3], $0x80, s25, s15, $0xb8;
	[tilespmem:$0x15000] =	vst v63  }
0x46: {  	_ =	swait.ge [sflag:s13], $0x4000  }
0x47: {  	[sflag:s13] =	ssyncset.done $0x0  }
0x48: {  	s25 =	simm.s32 $0x180;
	[sflag:s13] =	ssyncadd.s32 $0xFFFFC000  }
0x49: {  	[tilespmem:s17], [sflag:$0x2] =	stream.indirect.gather [hbm4b:s1+s15], $0x80, s25, s15, $0xb8;
	[tilespmem:$0x15000] =	vst v63  }
0x4a: {  	_ =	swait.ge [sflag:s18], $0x4000  }
0x4b: {  	[sflag:s18] =	ssyncset.done $0x0  }
0x4c: {  	s25 =	simm.s32 $0x900;
	[sflag:s18] =	ssyncadd.s32 $0xFFFFC000  }
0x4d: {  	[spmem:s3] =	stream.indirect.scatter.add.f32 [tilespmem:s16], [sflag:$0x3], $0x80, s25, s15, $0xb8;
	[tilespmem:$0x15000] =	vst v63  }
0x4e: {  	_ =	swait.ge [sflag:s13], $0x4000  }
0x4f: {  	[sflag:s13] =	ssyncset.done $0x0  }
0x50: {  	s25 =	simm.s32 $0x200;
	[sflag:s13] =	ssyncadd.s32 $0xFFFFC000  }
0x51: {  	[tilespmem:s16], [sflag:$0x1] =	stream.indirect.gather [hbm4b:s1+s15], $0x80, s25, s15, $0xb8;
	[tilespmem:$0x15000] =	vst v63  }
0x52: {  	_ =	swait.ge [sflag:s20], $0x4000  }
0x53: {  	[sflag:s20] =	ssyncset.done $0x0  }
0x54: {  	s25 =	simm.s32 $0x980;
	[sflag:s20] =	ssyncadd.s32 $0xFFFFC000  }
0x55: {  	[spmem:s3] =	stream.indirect.scatter.add.f32 [tilespmem:s17], [sflag:$0x3], $0x80, s25, s15, $0xb8;
	[tilespmem:$0x15000] =	vst v63  }
0x56: {  	_ =	swait.ge [sflag:s13], $0x4000  }
0x57: {  	[sflag:s13] =	ssyncset.done $0x0  }
0x58: {  	s25 =	simm.s32 $0x280;
	[sflag:s13] =	ssyncadd.s32 $0xFFFFC000  }
0x59: {  	[tilespmem:s17], [sflag:$0x2] =	stream.indirect.gather [hbm4b:s1+s15], $0x80, s25, s15, $0xb8;
	[tilespmem:$0x15000] =	vst v63  }
0x5a: {  	_ =	swait.ge [sflag:s18], $0x4000  }
0x5b: {  	[sflag:s18] =	ssyncset.done $0x0  }
0x5c: {  	s25 =	simm.s32 $0xA00;
	[sflag:s18] =	ssyncadd.s32 $0xFFFFC000  }
0x5d: {  	[spmem:s3] =	stream.indirect.scatter.add.f32 [tilespmem:s16], [sflag:$0x3], $0x80, s25, s15, $0xb8;
	[tilespmem:$0x15000] =	vst v63  }
0x5e: {  	_ =	swait.ge [sflag:s13], $0x4000  }
0x5f: {  	[sflag:s13] =	ssyncset.done $0x0  }
0x60: {  	s25 =	simm.s32 $0x300;
	[sflag:s13] =	ssyncadd.s32 $0xFFFFC000  }
0x61: {  	[tilespmem:s16], [sflag:$0x1] =	stream.indirect.gather [hbm4b:s1+s15], $0x80, s25, s15, $0xb8;
	[tilespmem:$0x15000] =	vst v63  }
0x62: {  	_ =	swait.ge [sflag:s20], $0x4000  }
0x63: {  	[sflag:s20] =	ssyncset.done $0x0  }
0x64: {  	s25 =	simm.s32 $0xA80;
	[sflag:s20] =	ssyncadd.s32 $0xFFFFC000  }
0x65: {  	[spmem:s3] =	stream.indirect.scatter.add.f32 [tilespmem:s17], [sflag:$0x3], $0x80, s25, s15, $0xb8;
	[tilespmem:$0x15000] =	vst v63  }
0x66: {  	_ =	swait.ge [sflag:s13], $0x4000  }
0x67: {  	[sflag:s13] =	ssyncset.done $0x0  }
0x68: {  	s25 =	simm.s32 $0x380;
	[sflag:s13] =	ssyncadd.s32 $0xFFFFC000  }
0x69: {  	[tilespmem:s17], [sflag:$0x2] =	stream.indirect.gather [hbm4b:s1+s15], $0x80, s25, s15, $0xb8;
	[tilespmem:$0x15000] =	vst v63  }
0x6a: {  	_ =	swait.ge [sflag:s18], $0x4000  }
0x6b: {  	[sflag:s18] =	ssyncset.done $0x0  }
0x6c: {  	s25 =	simm.s32 $0xB00;
	[sflag:s18] =	ssyncadd.s32 $0xFFFFC000  }
0x6d: {  	[spmem:s3] =	stream.indirect.scatter.add.f32 [tilespmem:s16], [sflag:$0x3], $0x80, s25, s15, $0xb8;
	[tilespmem:$0x15000] =	vst v63  }
0x6e: {  	_ =	swait.ge [sflag:s13], $0x4000  }
0x6f: {  	[sflag:s13] =	ssyncset.done $0x0  }
0x70: {  	s25 =	simm.s32 $0x400;
	[sflag:s13] =	ssyncadd.s32 $0xFFFFC000  }
0x71: {  	[tilespmem:s16], [sflag:$0x1] =	stream.indirect.gather [hbm4b:s1+s15], $0x80, s25, s15, $0xb8;
	[tilespmem:$0x15000] =	vst v63  }
0x72: {  	_ =	swait.ge [sflag:s20], $0x4000  }
0x73: {  	[sflag:s20] =	ssyncset.done $0x0  }
0x74: {  	s25 =	simm.s32 $0xB80;
	[sflag:s20] =	ssyncadd.s32 $0xFFFFC000  }
0x75: {  	[spmem:s3] =	stream.indirect.scatter.add.f32 [tilespmem:s17], [sflag:$0x3], $0x80, s25, s15, $0xb8;
	[tilespmem:$0x15000] =	vst v63  }
0x76: {  	_ =	swait.ge [sflag:s13], $0x4000  }
0x77: {  	[sflag:s13] =	ssyncset.done $0x0  }
0x78: {  	s25 =	simm.s32 $0x480;
	[sflag:s13] =	ssyncadd.s32 $0xFFFFC000  }
0x79: {  	[tilespmem:s17], [sflag:$0x2] =	stream.indirect.gather [hbm4b:s1+s15], $0x80, s25, s15, $0xb8;
	[tilespmem:$0x15000] =	vst v63  }
0x7a: {  	_ =	swait.ge [sflag:s18], $0x4000  }
0x7b: {  	[sflag:s18] =	ssyncset.done $0x0  }
0x7c: {  	s25 =	simm.s32 $0xC00;
	[sflag:s18] =	ssyncadd.s32 $0xFFFFC000  }
0x7d: {  	[spmem:s3] =	stream.indirect.scatter.add.f32 [tilespmem:s16], [sflag:$0x3], $0x80, s25, s15, $0xb8;
	[tilespmem:$0x15000] =	vst v63  }
0x7e: {  	_ =	swait.ge [sflag:s13], $0x4000  }
0x7f: {  	[sflag:s13] =	ssyncset.done $0x0  }
0x80: {  	s25 =	simm.s32 $0x500;
	[sflag:s13] =	ssyncadd.s32 $0xFFFFC000  }
0x81: {  	[tilespmem:s16], [sflag:$0x1] =	stream.indirect.gather [hbm4b:s1+s15], $0x80, s25, s15, $0xb8;
	[tilespmem:$0x15000] =	vst v63  }
0x82: {  	_ =	swait.ge [sflag:s20], $0x4000  }
0x83: {  	[sflag:s20] =	ssyncset.done $0x0  }
0x84: {  	s25 =	simm.s32 $0xC80;
	[sflag:s20] =	ssyncadd.s32 $0xFFFFC000  }
0x85: {  	[spmem:s3] =	stream.indirect.scatter.add.f32 [tilespmem:s17], [sflag:$0x3], $0x80, s25, s15, $0xb8;
	[tilespmem:$0x15000] =	vst v63  }
0x86: {  	_ =	swait.ge [sflag:s13], $0x4000  }
0x87: {  	[sflag:s13] =	ssyncset.done $0x0  }
0x88: {  	s25 =	simm.s32 $0x580;
	[sflag:s13] =	ssyncadd.s32 $0xFFFFC000  }
0x89: {  	[tilespmem:s17], [sflag:$0x2] =	stream.indirect.gather [hbm4b:s1+s15], $0x80, s25, s15, $0xb8;
	[tilespmem:$0x15000] =	vst v63  }
0x8a: {  	_ =	swait.ge [sflag:s18], $0x4000  }
0x8b: {  	[sflag:s18] =	ssyncset.done $0x0  }
0x8c: {  	[sflag:s18] =	ssyncadd.s32 $0xFFFFC000  }
0x8d: {  	[spmem:s3] =	stream.indirect.scatter.add.f32 [tilespmem:s16], [sflag:$0x3], $0x80, s26, s15, $0xb8;
	[tilespmem:$0x15000] =	vst v63  }
0x8e: {  	_ =	swait.ge [sflag:s13], $0x4000  }
0x8f: {  	[sflag:s13] =	ssyncset.done $0x0  }
0x90: {  	[sflag:s13] =	ssyncadd.s32 $0xFFFFC000  }
0x91: {  	[tilespmem:s16], [sflag:$0x1] =	stream.indirect.gather [hbm4b:s1+s15], $0x80, s28, s15, $0xb8;
	[tilespmem:$0x15000] =	vst v63  }
0x92: {  	_ =	swait.ge [sflag:s20], $0x4000  }
0x93: {  	[sflag:s20] =	ssyncset.done $0x0  }
0x94: {  	[sflag:s20] =	ssyncadd.s32 $0xFFFFC000  }
0x95: {  	[spmem:s3] =	stream.indirect.scatter.add.f32 [tilespmem:s17], [sflag:$0x3], $0x80, s29, s15, $0xb8;
	[tilespmem:$0x15000] =	vst v63  }
0x96: {  	_ =	swait.ge [sflag:s13], $0x4000  }
0x97: {  	[sflag:s13] =	ssyncset.done $0x0  }
0x98: {  	[sflag:s13] =	ssyncadd.s32 $0xFFFFC000  }
0x99: {  	[tilespmem:s17], [sflag:$0x2] =	stream.indirect.gather [hbm4b:s1+s15], $0x80, s30, s15, $0xb8;
	[tilespmem:$0x15000] =	vst v63  }
0x9a: {  	_ =	swait.ge [sflag:s18], $0x4000  }
0x9b: {  	[sflag:s18] =	ssyncset.done $0x0  }
0x9c: {  	[sflag:s18] =	ssyncadd.s32 $0xFFFFC000  }
0x9d: {  	[spmem:s3] =	stream.indirect.scatter.add.f32 [tilespmem:s16], [sflag:$0x3], $0x80, s31, s15, $0xb8;
	[tilespmem:$0x15000] =	vst v63  }
0x9e: {  	_ =	swait.ge [sflag:s13], $0x4000  }
0x9f: {  	[sflag:s13] =	ssyncset.done $0x0  }
0xa0: {  	[sflag:s13] =	ssyncadd.s32 $0xFFFFC000  }
0xa1: {  	[tilespmem:s16], [sflag:$0x1] =	stream.indirect.gather [hbm4b:s1+s15], $0x80, s0, s15, $0xb8;
	[tilespmem:$0x15000] =	vst v63  }
0xa2: {  	_ =	swait.ge [sflag:s20], $0x4000  }
0xa3: {  	[sflag:s20] =	ssyncset.done $0x0  }
0xa4: {  	[sflag:s20] =	ssyncadd.s32 $0xFFFFC000  }
0xa5: {  	[spmem:s3] =	stream.indirect.scatter.add.f32 [tilespmem:s17], [sflag:$0x3], $0x80, s2, s15, $0xb8;
	[tilespmem:$0x15000] =	vst v63  }
0xa6: {  	_ =	swait.ge [sflag:s13], $0x4000  }
0xa7: {  	[sflag:s13] =	ssyncset.done $0x0  }
0xa8: {  	[sflag:s13] =	ssyncadd.s32 $0xFFFFC000  }
0xa9: {  	[tilespmem:s17], [sflag:$0x2] =	stream.indirect.gather [hbm4b:s1+s15], $0x80, s19, s15, $0xb8;
	[tilespmem:$0x15000] =	vst v63  }
0xaa: {  	_ =	swait.ge [sflag:s18], $0x4000  }
0xab: {  	[sflag:s18] =	ssyncset.done $0x0  }
0xac: {  	[sflag:s18] =	ssyncadd.s32 $0xFFFFC000  }
0xad: {  	[spmem:s3] =	stream.indirect.scatter.add.f32 [tilespmem:s16], [sflag:$0x3], $0x80, s21, s15, $0xb8;
	[tilespmem:$0x15000] =	vst v63  }
0xae: {  	_ =	swait.ge [sflag:s13], $0x4000  }
0xaf: {  	[sflag:s13] =	ssyncset.done $0x0  }
0xb0: {  	[sflag:s13] =	ssyncadd.s32 $0xFFFFC000  }
0xb1: {  	_ =	swait.ge [sflag:s20], $0x4000  }
0xb2: {  	[sflag:s20] =	ssyncset.done $0x0  }
0xb3: {  	[sflag:s20] =	ssyncadd.s32 $0xFFFFC000  }
0xb4: {  	[spmem:s3] =	stream.indirect.scatter.add.f32 [tilespmem:s17], [sflag:$0x3], $0x80, s22, s15, $0xb8;
	[tilespmem:$0x15000] =	vst v63  }
0xb5: {  	_ =	swait.ge [sflag:s13], $0x4000  }
0xb6: {  	[sflag:s13] =	ssyncset.done $0x0  }
0xb7: {  	[sflag:s13] =	ssyncadd.s32 $0xFFFFC000  }
0xb8: {  	[bflag:$0x0] =	sbarrier.arrive $0xFFFF  }
0xb9: {  	[tilespmem:s17], [sflag:$0x3] =	stream.linear.gather [spmem:s7], $0x4000, $0x38;
	[tilespmem:$0x15000] =	vst v63  }
0xba: {  	_ =	swait.ge [sflag:s13], $0x4000  }
0xbb: {  	[sflag:s13] =	ssyncset.done $0x0  }
0xbc: {  	[sflag:s13] =	ssyncadd.s32 $0xFFFFC000  }
0xbd: {  	[hbm4b:s9+s4] =	stream.linear.scatter [tilespmem:s17], [sflag:$0x3], $0x4000, $0x38;
	[tilespmem:$0x15000] =	vst v63  }
0xbe: {  	_ =	swait.ge [sflag:s13], $0x4000  }
0xbf: {  	[sflag:s13] =	ssyncset.done $0x0  }
0xc0: {  	[sflag:s13] =	ssyncadd.s32 $0xFFFFC000  }
0xc1: {  	[tilespmem:s17], [sflag:$0x3] =	stream.linear.gather [spmem:s8], $0x4000, $0x38;
	[tilespmem:$0x15000] =	vst v63  }
0xc2: {  	s23 =	sadd.s32 $0x1, s23;
	_ =	swait.ge [sflag:s13], $0x4000  }
0xc3: {  	p0 =	sne.s32 s23, s11;
	[sflag:s13] =	ssyncset.done $0x0  }
.Ltmp1:
0xc4: {  	[sflag:s13] =	ssyncadd.s32 $0xFFFFC000;
	(pc) =	sbr.rel @p0 .LBB2_1-.Ltmp1, $4  }
0xc5: {  	[hbm4b:s10+s4] =	stream.linear.scatter [tilespmem:s17], [sflag:$0x3], $0x4000, $0x38;
	[tilespmem:$0x15000] =	vst v63  }
0xc6: {  	_ =	swait.ge [sflag:s13], $0x4000  }
0xc7: {  	[sflag:s13] =	ssyncset.done $0x0  }
0xc8: {  	[sflag:s13] =	ssyncadd.s32 $0xFFFFC000  }
0xc9: {  	_ =	sfence.sel $0x180000  }
0xca: {  	[bflag:$0x0] =	sbarrier.arrive $0xFFFF  }
0xcb: {  	_ =	strace $0x90000047  }
0xcc: {  	s0 =	stileid.u32;
	[bflag:$0x2] =	sbarrier.arrive $0xFFFF  }
0xcd: {  	p0 =	sne.s32 s0, $0x0;
	s0 =	rddreg [dreg:$0x5]  }
0xce: {  	s0 =	sadd.s32 @!p0 $0x100000, s0  }
0xcf: {  	[sflag:s0] =	ssyncadd.tile.s32 @!p0 $0x1;
	_ =	shalt  }
.Lfunc_end2:
_tile_overlayer_lowered:
.L_overlay_start_2:
0xd0: {  	(tag) =	ssettag $0x2  }
0xd1: {  	s0 =	rddreg [dreg:$0x0];
	s2 =	stileid.u32  }
0xd2: {  	s1 =	rddreg [dreg:$0x1];
	p0 =	sne.s32 s2, $0x0  }
0xd3: {  	s3 =	rddreg [dreg:$0x2];
	[bflag:$0x3] =	sbarrier.arrive $0xFFFF;
	s2 =	simm.s32 @!p0 $0x1C03  }
0xd4: {  	[timem:s3], [sflag:s2] =	dma.local @!p0 [hbm:s0], s1  }
0xd5: {  	s0 =	simm.s32 @!p0 $0x3  }
0xd6: {  	_ =	swait.ge @!p0 [sflag:s0], s1  }
0xd7: {  	s1 =	ssub.s32 @!p0 $0x0, s1;
	[sflag:s0] =	ssyncset.done @!p0 $0x0  }
0xd8: {  	[sflag:s0] =	ssyncadd.s32 @!p0 s1  }
0xd9: {  	[bflag:$0x3] =	sbarrier.arrive $0xFFFF  }
0xda: {  	_ =	shalt  }

// kernel: kernel.19.cloned.1.call-start
scs
__scs_entry_jumppad:
0x0: {  	(pc) =	sbr.rel $0x88, $3  }
0x1: {  	(tag) =	ssettag $0x0;
	lr =	simm.s32 $0x1  }
0x2: {  	[smem:$0x3F67] =	sst lr;
	_ =	strace $0xD0000000  }
0x3: {  	_ = 	snop  }
0x4: {  	_ = 	snop  }
0x5: {  	_ = 	snop  }
0x6: {  	_ = 	snop  }
0x7: {  	_ = 	snop  }
__scs_overlays_trampoline_lowered:
0x8: {  	[smem:$0x3F76] =	sst s0  }
0x9: {  	[smem:$0x3F77] =	sst s1  }
0xa: {  	[smem:$0x3F78] =	sst s2  }
0xb: {  	[smem:$0x3F79] =	sst s3  }
0xc: {  	[smem:$0x3F7A] =	sst s4  }
0xd: {  	[smem:$0x3F7B] =	sst s5  }
0xe: {  	[smem:$0x3F7C] =	sst s6  }
0xf: {  	[smem:$0x3F7D] =	sst s7  }
0x10: {  	[smem:$0x3F7E] =	sst s8  }
0x11: {  	[smem:$0x3F7F] =	sst s9;
	s0 =	simm.s32 @!p0 $0x0  }
0x12: {  	s1 =	sld [smem:$0x3F65];
	s0 =	simm.s32 @p0 $0x1  }
0x13: {  	[smem:$0x3F80] =	sst s0;
	s0 =	simm.s32 @!p1 $0x0  }
0x14: {  	s2 =	sld [smem:$0x3F64];
	s0 =	simm.s32 @p1 $0x1  }
0x15: {  	[smem:$0x3F81] =	sst s0;
	s0 =	simm.s32 @!p2 $0x0  }
0x16: {  	s3 =	sld [smem:$0x3FDB];
	s0 =	simm.s32 @p2 $0x1  }
0x17: {  	s4 =	simm.s32 $0x1BF5;
	[smem:$0x3F83] =	sst s0  }
0x18: {  	s0 =	sld [smem:$0x3F66];
	_ =	swait.ge [sflag:s4], $0x0  }
0x19: {  	s7 =	sld [smem:$0x3F67]  }
0x1a: {  	s8 =	sadd.s32 $0xFFFFE003, lr  }
0x1b: {  	s9 =	sadd.s32 $0xFFFFFEF7, lr;
	s5 =	simm.s32 $0xFFFFFFFF;
	p2 =	slt.u32 s8, $0xFFFFF086  }
0x1c: {  	p1 =	slt.u32 s9, $0xF7A;
	s5 =	simm.s32 @!p2 $0x0  }
0x1d: {  	s5 =	simm.s32 @p1 $0x1;
	p0 =	seq.s32 s7, s2  }
0x1e: {  	s7 =	smul.u32 @!p0 $0xF7A, s2;
	p2 =	seq.s32 @!p0 s5, $0x0  }
0x1f: {  	s9 =	smul.u32 $0xF7A, s1;
	s8 =	simm.s32 @!p0 $0x1BF5;
	p2 =	por !p2, p0  }
0x20: {  	[sflag:s8] =	ssyncset.s32 @!p0 $0xFFFFF086;
	s6 =	sadd.s32 @!p0 s3, s7;
	s7 =	simm.s32 @!p0 $0x108  }
0x21: {  	s3 =	sadd.s32 s3, s9;
	s6 =	sadd.s32 @!p0 $0x88, s6;
	s7 =	simm.s32 @p2 $0x1082  }
0x22: {  	[simem:s7], [sflag:s8] =	dma.local @!p0 [hbm:s6], $0xF7A  }
0x23: {  	s9 =	sor.u32 $0xD0000000, s2;
	s6 =	simm.s32 $0x108;
	_ =	swait.ge @!p0 [sflag:s8], $0x0  }
0x24: {  	s3 =	sadd.s32 $0x88, s3;
	s6 =	simm.s32 @!p1 $0x1082;
	[sflag:s4] =	ssyncset.s32 $0xFFFFF086  }
0x25: {  	[simem:s6], [sflag:s4] =	dma.local [hbm:s3], $0xF7A  }
0x26: {  	[smem:$0x3F67] =	sst s1;
	(tag) =	ssettag s2;
	_ =	strace s9  }
0x27: {  	s1 =	sld [smem:$0x3F77]  }
0x28: {  	s2 =	sld [smem:$0x3F78]  }
0x29: {  	s4 =	sld [smem:$0x3F7A]  }
0x2a: {  	p0 =	seq.s32 s5, $0x0;
	s5 =	sld [smem:$0x3F7B]  }
0x2b: {  	s6 =	sld [smem:$0x3F7C]  }
0x2c: {  	s7 =	sld [smem:$0x3F7D]  }
0x2d: {  	s3 =	simm.s32 $0x108;
	s8 =	sld [smem:$0x3F7E]  }
0x2e: {  	s3 =	simm.s32 @!p0 $0x1082;
	s9 =	sld [smem:$0x3F7F]  }
0x2f: {  	lr =	sadd.s32 s0, s3;
	s0 =	sld [smem:$0x3F76]  }
0x30: {  	s3 =	sld [smem:$0x3F79]  }
0x31: {  	[smem:$0x3F82] =	sst s10  }
0x32: {  	s10 =	sld [smem:$0x3F80];
	_ =	sdelay $0x3  }
0x33: {  	p0 =	seq.s32 s10, $0x1;
	s10 =	sld [smem:$0x3F82];
	_ =	sdelay $0x3  }
0x34: {  	[smem:$0x3F82] =	sst s10  }
0x35: {  	s10 =	sld [smem:$0x3F81];
	_ =	sdelay $0x3  }
0x36: {  	p1 =	seq.s32 s10, $0x1;
	s10 =	sld [smem:$0x3F82];
	_ =	sdelay $0x3  }
0x37: {  	[smem:$0x3F82] =	sst s10  }
0x38: {  	s10 =	sld [smem:$0x3F83]  }
0x39: {  	_ = 	snop;
	(pc) =	sbr.ind lr, $3  }
0x3a: {  	_ = 	snop  }
0x3b: {  	_ = 	snop  }
0x3c: {  	p2 =	seq.s32 s10, $0x1;
	s10 =	sld [smem:$0x3F82]  }
0x3d: {  	_ =	shalt  }
0x3e: {  	_ =	shalt  }
0x3f: {  	_ =	shalt  }
0x40: {  	_ =	shalt  }
0x41: {  	_ =	shalt  }
0x42: {  	_ =	shalt  }
0x43: {  	_ =	shalt  }
0x44: {  	_ =	shalt  }
0x45: {  	_ =	shalt  }
0x46: {  	_ =	shalt  }
0x47: {  	_ =	shalt  }
0x48: {  	_ =	shalt  }
0x49: {  	_ =	shalt  }
0x4a: {  	_ =	shalt  }
0x4b: {  	_ =	shalt  }
0x4c: {  	_ =	shalt  }
0x4d: {  	_ =	shalt  }
0x4e: {  	_ =	shalt  }
0x4f: {  	_ =	shalt  }
0x50: {  	_ =	shalt  }
0x51: {  	_ =	shalt  }
0x52: {  	_ =	shalt  }
0x53: {  	_ =	shalt  }
0x54: {  	_ =	shalt  }
0x55: {  	_ =	shalt  }
0x56: {  	_ =	shalt  }
0x57: {  	_ =	shalt  }
0x58: {  	_ =	shalt  }
0x59: {  	_ =	shalt  }
0x5a: {  	_ =	shalt  }
0x5b: {  	_ =	shalt  }
0x5c: {  	_ =	shalt  }
0x5d: {  	_ =	shalt  }
0x5e: {  	_ =	shalt  }
0x5f: {  	_ =	shalt  }
0x60: {  	_ =	shalt  }
0x61: {  	_ =	shalt  }
0x62: {  	_ =	shalt  }
0x63: {  	_ =	shalt  }
0x64: {  	_ =	shalt  }
0x65: {  	_ =	shalt  }
0x66: {  	_ =	shalt  }
0x67: {  	_ =	shalt  }
0x68: {  	_ =	shalt  }
0x69: {  	_ =	shalt  }
0x6a: {  	_ =	shalt  }
0x6b: {  	_ =	shalt  }
0x6c: {  	_ =	shalt  }
0x6d: {  	_ =	shalt  }
0x6e: {  	_ =	shalt  }
0x6f: {  	_ =	shalt  }
0x70: {  	_ =	shalt  }
0x71: {  	_ =	shalt  }
0x72: {  	_ =	shalt  }
0x73: {  	_ =	shalt  }
0x74: {  	_ =	shalt  }
0x75: {  	_ =	shalt  }
0x76: {  	_ =	shalt  }
0x77: {  	_ =	shalt  }
0x78: {  	_ =	shalt  }
0x79: {  	_ =	shalt  }
0x7a: {  	_ =	shalt  }
0x7b: {  	_ =	shalt  }
0x7c: {  	_ =	shalt  }
0x7d: {  	_ =	shalt  }
0x7e: {  	_ =	shalt  }
0x7f: {  	_ =	shalt  }
0x80: {  	_ =	shalt  }
0x81: {  	_ =	shalt  }
0x82: {  	_ =	shalt  }
0x83: {  	_ =	shalt  }
0x84: {  	_ =	shalt  }
0x85: {  	_ =	shalt  }
0x86: {  	_ =	shalt  }
0x87: {  	_ =	shalt  }
.Lfunc_end0:
.L_simem_size_0:
called_computation.2_lowered:
.L_overlay_start_0:
0x88: {  	s2 =	sld [smem:$0x3FD9]  }
0x89: {  	s3 =	sld [smem:$0x3FFE];
	_ =	sdelay $0x1  }
0x8a: {  	s1 =	srdreg.scid  }
0x8b: {  	s0 =	sand.u32 $0x1, s1  }
0x8c: {  	s14 =	sshll.u32 s0, $0xA;
	s2 =	sadd.s32 s3, s2  }
0x8d: {  	s2 =	sadd.s32 s2, s14  }
0x8e: {  	[smem:$0x3F8E] =	sst s2  }
0x8f: {  	_ = 	snop  }
0x90: {  	s2 =	sld [smem:$0x3FD0];
	_ =	sdelay $0x2  }
0x91: {  	s15 =	simm.s32 $0xB;
	s4 =	simm.s32 $0x10  }
0x92: {  	[smem:s4], [sflag:s15] =	dma.local [hbm:s2], $0x1  }
0x93: {  	_ =	swait.eq [sflag:s15], $0x1  }
0x94: {  	[sflag:s15] =	ssyncset.done $0x0  }
0x95: {  	s16 =	sld [smem:$0x10];
	[sflag:s15] =	ssyncadd.s32 $0xFFFFFFFF  }
0x96: {  	s17 =	sld [smem:$0x12];
	(tm) =	ssettm $0x1  }
0x97: {  	s18 =	sld [smem:$0x3FFB];
	_ =	sdelay $0x3  }
0x98: {  	_ =	strace s18  }
0x99: {  	s4 =	sld [smem:$0x3FFC];
	_ =	sdelay $0x3  }
0x9a: {  	_ =	strace s4  }
0x9b: {  	s4 =	sld [smem:$0x3FFD];
	_ =	sdelay $0x3  }
0x9c: {  	_ =	strace s4  }
0x9d: {  	_ =	strace $0x8FFFFFFF  }
0x9e: {  	s19 =	sld [smem:$0x3FDB];
	_ =	sdelay $0x1  }
0x9f: {  	s5 =	simm.s32 $_scs_section_size  }
0xa0: {  	s6 =	simm.s32 $_size__tile_overlayer_lowered;
	s7 =	simm.s32 $_tile_overlayer_lowered  }
0xa1: {  	s22 =	simm.s32 $0x1BFF;
	s21 =	sshll.u32 s7, $0x1;
	s4 =	sadd.s32 s5, s19  }
0xa2: {  	s8 =	simm.s32 $0x0;
	s20 =	sshll.u32 s6, $0x1;
	s6 =	sadd.s32 s21, s4  }
0xa3: {  	[timem:s8], [sflag:s22] =	dma.local [hbm:s6], s20  }
0xa4: {  	_ =	swait.ge [sflag:s22], s20  }
0xa5: {  	s5 =	ssub.s32 $0x0, s20;
	[sflag:s22] =	ssyncset.done $0x0  }
0xa6: {  	[sflag:s22] =	ssyncadd.s32 s5;
	_ =	sdelay $0x1  }
0xa7: {  	s23 =	simm.s32 $0x1B8B  }
0xa8: {  	_ =	swait.ge [sflag:s23], $0x1  }
0xa9: {  	[sflag:s23] =	ssyncset.done $0x0  }
0xaa: {  	s25 =	simm.s32 $0x1B8E;
	s24 =	sld [smem:$0x3FFE];
	[sflag:s23] =	ssyncadd.s32 $0xFFFFFFFF  }
0xab: {  	s26 =	simm.s32 $execute0_lowered;
	[smem:$0x3FD2] =	sst s25  }
0xac: {  	s6 =	sshll.u32 s26, $0x1;
	_ =	strace $0x80000049;
	[dreg:$0x1] =	wrdreg $0xFFFFFFFF  }
0xad: {  	s28 =	simm.s32 $_size_execute0_lowered;
	s4 =	sadd.s32 s4, s6;
	[dreg:$0x0] =	wrdreg $0x0  }
0xae: {  	s6 =	sshll.u32 s28, $0x1;
	[dreg:$0x2] =	wrdreg s4  }
0xaf: {  	[dreg:$0x3] =	wrdreg s6  }
0xb0: {  	[dreg:$0x4] =	wrdreg $0xC0  }
0xb1: {  	_ =	task [dreg:s8], $0x5FFFF  }
0xb2: {  	[dreg:$0x1] =	wrdreg $0xFFFFFFFF  }
0xb3: {  	[dreg:$0x0] =	wrdreg $0x60  }
0xb4: {  	[dreg:$0x2] =	wrdreg s16  }
0xb5: {  	[dreg:$0x3] =	wrdreg s24  }
0xb6: {  	[dreg:$0x4] =	wrdreg s17  }
0xb7: {  	[dreg:$0x5] =	wrdreg $0xA0000  }
0xb8: {  	[dreg:$0x6] =	wrdreg $0xA  }
0xb9: {  	_ =	task.clear_ibuf [dreg:s8], $0x7FFFF;
	_ =	strace $0x90000049  }
0xba: {  	s29 =	simm.s32 $0xA;
	_ =	strace $0x8000004B  }
0xbb: {  	_ =	swait.ge [sflag:s29], $0x1  }
0xbc: {  	[sflag:s29] =	ssyncadd.s32 $0xFFFFFFFF  }
0xbd: {  	_ =	strace $0x9000004B  }
0xbe: {  	_ =	sfence  }
0xbf: {  	s30 =	sld [smem:$0x0];
	_ =	sdelay $0x2  }
0xc0: {  	s31 =	sshll.u32 s1, $0xD;
	s1 =	sshrl.u32 s1, $0x2  }
0xc1: {  	s3 =	sand.u32 $0x4000, s31;
	s1 =	sadd.s32 s1, s30  }
0xc2: {  	s0 =	sor.u32 s3, s0;
	s1 =	sshll.u32 s1, $0x11  }
0xc3: {  	s0 =	sor.u32 s1, s0  }
0xc4: {  	s0 =	sadd.s32 $0x8F2B, s0  }
0xc5: {  	[sflag:s0] =	ssyncadd.remote.s32 $0x1  }
0xc6: {  	_ =	sfence.sel $0xFFFF  }
0xc7: {  	[dreg:$0x0] =	wrdreg $0xFFFFFFFF;
	(pc) =	sbr.abs _section_cstart, $3  }
0xc8: {  	[dreg:$0x1] =	wrdreg $0xFFFFFFFF  }
0xc9: {  	_ =	task.clear_ibuf [dreg:s8], $0x2FFFF;
	_ =	strace $0x9FFFFFFF  }
0xca: {  	(tm) =	ssettm $0x7FFFFFFF  }
0xcb: {  	_ =	shalt  }
tec
execute0_lowered:
.L_overlay_start_1:
0x0: {  	(tag) =	ssettag $0x1  }
0x1: {  	s1 =	rddreg [dreg:$0x0]  }
0x2: {  	s5 =	rddreg [dreg:$0x1]  }
0x3: {  	s6 =	rddreg [dreg:$0x2]  }
0x4: {  	s3 =	rddreg [dreg:$0x3]  }
0x5: {  	s0 =	rddreg [dreg:$0x4];
	s7 =	srdreg.scid  }
0x6: {  	s4 =	simm.s32 $0x0;
	s2 =	stileid.u32;
	s14 =	simm.s32 $0x6000  }
0x7: {  	s15 =	simm.s32 $0x80;
	s16 =	simm.s32 $0x2000;
	s17 =	simm.s32 $0x12000  }
0x8: {  	s18 =	simm.s32 $0x1;
	s19 =	simm.s32 $0x2;
	s20 =	simm.s32 $0xF80  }
0x9: {  	s22 =	simm.s32 $0x1F80;
	s23 =	simm.s32 $0x0;
	s7 =	sand.u32 $0x1, s7  }
0xa: {  	[smem:$0x7FF] =	sst s4;
	s8 =	sshll.u32 s2, $0x9;
	s12 =	sadd.s32 $0xBE00, s5  }
0xb: {  	s25 =	sshll.u32 s2, $0x8;
	s26 =	sshll.u32 s2, $0xF;
	s9 =	ssub.s32 $0x2, s7  }
0xc: {  	_ =	strace $0x8000004A;
	s10 =	sadd.s32 s8, s5;
	s5 =	sadd.s32 s6, s8  }
0xd: {  	s21 =	sshll.u32 s7, $0xC;
	s7 =	sadd.s32 s26, s3;
	s28 =	sor.u32 $0x80, s25  }
0xe: {  	s11 =	sshrl.u32 s9, $0x1;
	s6 =	sadd.s32 $0x9E00, s10;
	s29 =	sshll.u32 s28, $0x7  }
0xf: {  	s13 =	sor.u32 s25, s21;
	s11 =	ssub.s32 s9, s11;
	s9 =	sor.u32 s21, s28  }
0x10: {  	s8 =	sadd.s32 s29, s3;
	s30 =	sshll.u32 s13, $0x4;
	s13 =	simm.s32 $0x3  }
0x11: {  	v0 =	vmov s21;
	s21 =	simm.s32 $0x1F00;
	s31 =	sshll.u32 s9, $0x4;
	s9 =	sadd.s32 s12, s30  }
0x12: {  	v1 =	vimm.f32 $0.0e+00;
	s11 =	smax.u32 s11, $0x1;
	s10 =	sadd.s32 s12, s31;
	s12 =	simm.s32 $0x1000  }
.LBB2_1:
0x13: {  	[tilespmem:s12], [sflag:$0x3] =	stream.linear.gather [hbm4b:s5+s4], $0x1000, $0x38;
	[tilespmem:$0x16000] =	vst v63  }
0x14: {  	_ =	swait.ge [sflag:s13], $0x1000  }
0x15: {  	[sflag:s13] =	ssyncset.done $0x0  }
0x16: {  	[sflag:s13] =	ssyncadd.s32 $0xFFFFF000  }
0x17: {  	[tilespmem:s4], [sflag:$0x3] =	stream.linear.gather [hbm4b:s6+s4], $0x1000, $0x38;
	[tilespmem:$0x16000] =	vst v63  }
0x18: {  	_ =	swait.ge [sflag:s13], $0x1000  }
0x19: {  	[sflag:s13] =	ssyncset.done $0x0  }
0x1a: {  	s24 =	simm.s32 $0x0;
	[sflag:s13] =	ssyncadd.s32 $0xFFFFF000  }
0x1b: {  	v4 =	vld [tilespmem:s24+$0x0]  }
0x1c: {  	v6 =	vld [tilespmem:s24+$0x10]  }
0x1d: {  	v5 =	vld [tilespmem:s24+$0x20]  }
0x1e: {  	v3 =	vld [tilespmem:s24+$0x30]  }
0x1f: {  	v2 =	vld [tilespmem:s24+$0x40]  }
0x20: {  	v7 =	vadd.s32 v0, v4;
	v4 =	vld [tilespmem:s24+$0x50]  }
0x21: {  	s25 =	simm.s32 $0x200;
	[tilespmem:s24+$0x0] =	vst v7;
	v7 =	vadd.s32 v0, v6;
	v6 =	vld [tilespmem:s24+$0x60]  }
.LBB2_2:
0x22: {  	s26 =	sshra.s32 s25, $0x2;
	p0 =	sne.s32 s25, $0x3E00;
	[tilespmem:s24+$0x10] =	vst v7;
	v5 =	vadd.s32 v0, v5;
	v7 =	vld [tilespmem:s24+$0x70]  }
0x23: {  	v8 =	vld [tilespmem:s26+$0x0];
	[tilespmem:s24+$0x20] =	vst v5;
	v3 =	vadd.s32 v0, v3  }
0x24: {  	v9 =	vld [tilespmem:s26+$0x10];
	[tilespmem:s24+$0x30] =	vst v3;
	v2 =	vadd.s32 v0, v2  }
.Ltmp0:
0x25: {  	v5 =	vld [tilespmem:s26+$0x20];
	[tilespmem:s24+$0x40] =	vst v2;
	v2 =	vadd.s32 v0, v4;
	(pc) =	sbr.rel @p0 .LBB2_2-.Ltmp0, $4  }
0x26: {  	v3 =	vld [tilespmem:s26+$0x30];
	[tilespmem:s24+$0x50] =	vst v2;
	v4 =	vadd.s32 v0, v6  }
0x27: {  	v2 =	vld [tilespmem:s26+$0x40];
	[tilespmem:s24+$0x60] =	vst v4;
	v6 =	vadd.s32 v0, v7  }
0x28: {  	v7 =	vadd.s32 v0, v8;
	v4 =	vld [tilespmem:s26+$0x50];
	[tilespmem:s24+$0x70] =	vst v6;
	s24 =	smov.u32 s26  }
0x29: {  	s25 =	sadd.s32 $0x200, s25;
	[tilespmem:s24+$0x0] =	vst v7;
	v7 =	vadd.s32 v0, v9;
	v6 =	vld [tilespmem:s24+$0x60]  }
0x2a: {  	[tilespmem:s24+$0x10] =	vst v7;
	v5 =	vadd.s32 v0, v5;
	v63 =	vld [tilespmem:s24+$0x70]  }
0x2b: {  	[tilespmem:s24+$0x20] =	vst v5;
	v3 =	vadd.s32 v0, v3  }
0x2c: {  	[tilespmem:s24+$0x30] =	vst v3;
	v2 =	vadd.s32 v0, v2  }
0x2d: {  	[tilespmem:s24+$0x40] =	vst v2;
	v2 =	vadd.s32 v0, v4  }
0x2e: {  	[tilespmem:s24+$0x50] =	vst v2;
	v2 =	vadd.s32 v0, v6  }
0x2f: {  	[tilespmem:s24+$0x60] =	vst v2;
	v2 =	vadd.s32 v0, v63  }
0x30: {  	s25 =	simm.s32 $0x200;
	[tilespmem:s24+$0x70] =	vst v2;
	s24 =	simm.s32 $0x0  }
.LBB2_4:
0x31: {  	p0 =	sne.s32 s25, $0xFE00;
	[tilespmem:s24+$0x6070] =	vst v1  }
0x32: {  	[tilespmem:s24+$0x6000] =	vst v1  }
0x33: {  	[tilespmem:s24+$0x6010] =	vst v1  }
.Ltmp1:
0x34: {  	[tilespmem:s24+$0x6020] =	vst v1;
	(pc) =	sbr.rel @p0 .LBB2_4-.Ltmp1, $4  }
0x35: {  	[tilespmem:s24+$0x6030] =	vst v1  }
0x36: {  	[tilespmem:s24+$0x6040] =	vst v1  }
0x37: {  	[tilespmem:s24+$0x6050] =	vst v1  }
0x38: {  	[tilespmem:s24+$0x6060] =	vst v1;
	s24 =	sshra.s32 s25, $0x2;
	s25 =	sadd.s32 $0x200, s25  }
0x39: {  	[tilespmem:s24+$0x6070] =	vst v1  }
0x3a: {  	[tilespmem:s24+$0x6000] =	vst v1  }
0x3b: {  	[tilespmem:s24+$0x6010] =	vst v1  }
0x3c: {  	[tilespmem:s24+$0x6020] =	vst v1  }
0x3d: {  	[tilespmem:s24+$0x6030] =	vst v1  }
0x3e: {  	[tilespmem:s24+$0x6040] =	vst v1  }
0x3f: {  	[tilespmem:s24+$0x6050] =	vst v1  }
0x40: {  	[tilespmem:s24+$0x6060] =	vst v1  }
0x41: {  	[spmem:s7] =	stream.linear.scatter [tilespmem:s14], [sflag:$0x3], $0x4000, $0x38;
	[tilespmem:$0x16000] =	vst v63  }
0x42: {  	_ =	swait.ge [sflag:s13], $0x4000  }
0x43: {  	[sflag:s13] =	ssyncset.done $0x0  }
0x44: {  	[sflag:s13] =	ssyncadd.s32 $0xFFFFC000  }
0x45: {  	[spmem:s8] =	stream.linear.scatter [tilespmem:s14], [sflag:$0x3], $0x4000, $0x38;
	[tilespmem:$0x16000] =	vst v63  }
0x46: {  	_ =	swait.ge [sflag:s13], $0x4000  }
0x47: {  	[sflag:s13] =	ssyncset.done $0x0  }
0x48: {  	[sflag:s13] =	ssyncadd.s32 $0xFFFFC000  }
0x49: {  	s26 =	simm.s32 $0x0;
	[bflag:$0x0] =	sbarrier.arrive $0xFFFF  }
0x4a: {  	[tilespmem:s16], [sflag:$0x1] =	stream.indirect.gather [hbm4b:s1+s15], $0x80, s26, s15, $0xb8;
	[tilespmem:$0x16000] =	vst v63  }
0x4b: {  	s28 =	simm.s32 $0x80  }
0x4c: {  	[tilespmem:s17], [sflag:$0x2] =	stream.indirect.gather [hbm4b:s1+s15], $0x80, s28, s15, $0xb8;
	[tilespmem:$0x16000] =	vst v63  }
0x4d: {  	_ =	swait.ge [sflag:s18], $0x4000  }
0x4e: {  	[sflag:s18] =	ssyncset.done $0x0  }
0x4f: {  	s29 =	simm.s32 $0x1000;
	[sflag:s18] =	ssyncadd.s32 $0xFFFFC000  }
0x50: {  	[spmem:s3] =	stream.indirect.scatter.add.f32 [tilespmem:s16], [sflag:$0x3], $0x80, s29, s15, $0xb8;
	[tilespmem:$0x16000] =	vst v63  }
0x51: {  	_ =	swait.ge [sflag:s13], $0x4000  }
0x52: {  	[sflag:s13] =	ssyncset.done $0x0  }
0x53: {  	s30 =	simm.s32 $0x100;
	[sflag:s13] =	ssyncadd.s32 $0xFFFFC000  }
0x54: {  	[tilespmem:s16], [sflag:$0x1] =	stream.indirect.gather [hbm4b:s1+s15], $0x80, s30, s15, $0xb8;
	[tilespmem:$0x16000] =	vst v63  }
0x55: {  	_ =	swait.ge [sflag:s19], $0x4000  }
0x56: {  	[sflag:s19] =	ssyncset.done $0x0  }
0x57: {  	s31 =	simm.s32 $0x1080;
	[sflag:s19] =	ssyncadd.s32 $0xFFFFC000  }
0x58: {  	[spmem:s3] =	stream.indirect.scatter.add.f32 [tilespmem:s17], [sflag:$0x3], $0x80, s31, s15, $0xb8;
	[tilespmem:$0x16000] =	vst v63  }
0x59: {  	_ =	swait.ge [sflag:s13], $0x4000  }
0x5a: {  	s25 =	simm.s32 $0x800;
	s24 =	simm.s32 $0x100;
	[sflag:s13] =	ssyncset.done $0x0  }
.LBB2_6:
0x5b: {  	s26 =	sadd.s32 $0x80, s24  }
0x5c: {  	[sflag:s13] =	ssyncadd.s32 $0xFFFFC000;
	s28 =	smov.u32 s25;
	s29 =	sadd.s32 $0x400, s25  }
0x5d: {  	[tilespmem:s17], [sflag:$0x2] =	stream.indirect.gather [hbm4b:s1+s15], $0x80, s26, s15, $0xb8;
	[tilespmem:$0x16000] =	vst v63  }
0x5e: {  	p0 =	sne.s32 s25, $0x3800;
	_ =	swait.ge [sflag:s18], $0x4000  }
0x5f: {  	[sflag:s18] =	ssyncset.done $0x0  }
0x60: {  	s25 =	sadd.s32 $0x1000, s24;
	[sflag:s18] =	ssyncadd.s32 $0xFFFFC000  }
0x61: {  	[spmem:s3] =	stream.indirect.scatter.add.f32 [tilespmem:s16], [sflag:$0x3], $0x80, s25, s15, $0xb8;
	[tilespmem:$0x16000] =	vst v63  }
0x62: {  	_ =	swait.ge [sflag:s13], $0x4000  }
0x63: {  	[sflag:s13] =	ssyncset.done $0x0  }
0x64: {  	s25 =	sadd.s32 $0x100, s24;
	[sflag:s13] =	ssyncadd.s32 $0xFFFFC000  }
0x65: {  	[tilespmem:s16], [sflag:$0x1] =	stream.indirect.gather [hbm4b:s1+s15], $0x80, s25, s15, $0xb8;
	[tilespmem:$0x16000] =	vst v63  }
0x66: {  	_ =	swait.ge [sflag:s19], $0x4000  }
.Ltmp2:
0x67: {  	[sflag:s19] =	ssyncset.done $0x0;
	(pc) =	sbr.rel @p0 .LBB2_6-.Ltmp2, $4  }
0x68: {  	s24 =	sadd.s32 $0x1080, s24;
	[sflag:s19] =	ssyncadd.s32 $0xFFFFC000  }
0x69: {  	[spmem:s3] =	stream.indirect.scatter.add.f32 [tilespmem:s17], [sflag:$0x3], $0x80, s24, s15, $0xb8;
	[tilespmem:$0x16000] =	vst v63  }
0x6a: {  	_ =	swait.ge [sflag:s13], $0x4000  }
0x6b: {  	s25 =	smov.u32 s29;
	s24 =	sshra.s32 s28, $0x2;
	[sflag:s13] =	ssyncset.done $0x0  }
0x6c: {  	s25 =	sadd.s32 $0x80, s24;
	[sflag:s13] =	ssyncadd.s32 $0xFFFFC000  }
0x6d: {  	[tilespmem:s17], [sflag:$0x2] =	stream.indirect.gather [hbm4b:s1+s15], $0x80, s25, s15, $0xb8;
	[tilespmem:$0x16000] =	vst v63  }
0x6e: {  	_ =	swait.ge [sflag:s18], $0x4000  }
0x6f: {  	[sflag:s18] =	ssyncset.done $0x0  }
0x70: {  	s29 =	sadd.s32 $0x1000, s24;
	[sflag:s18] =	ssyncadd.s32 $0xFFFFC000  }
0x71: {  	[spmem:s3] =	stream.indirect.scatter.add.f32 [tilespmem:s16], [sflag:$0x3], $0x80, s29, s15, $0xb8;
	[tilespmem:$0x16000] =	vst v63  }
0x72: {  	_ =	swait.ge [sflag:s13], $0x4000  }
0x73: {  	[sflag:s13] =	ssyncset.done $0x0  }
0x74: {  	s30 =	sadd.s32 $0x100, s24;
	[sflag:s13] =	ssyncadd.s32 $0xFFFFC000  }
0x75: {  	[tilespmem:s16], [sflag:$0x1] =	stream.indirect.gather [hbm4b:s1+s15], $0x80, s30, s15, $0xb8;
	[tilespmem:$0x16000] =	vst v63  }
0x76: {  	_ =	swait.ge [sflag:s19], $0x4000  }
0x77: {  	[sflag:s19] =	ssyncset.done $0x0  }
0x78: {  	s31 =	sadd.s32 $0x1080, s24;
	[sflag:s19] =	ssyncadd.s32 $0xFFFFC000  }
0x79: {  	[spmem:s3] =	stream.indirect.scatter.add.f32 [tilespmem:s17], [sflag:$0x3], $0x80, s31, s15, $0xb8;
	[tilespmem:$0x16000] =	vst v63  }
0x7a: {  	_ =	swait.ge [sflag:s13], $0x4000  }
0x7b: {  	[sflag:s13] =	ssyncset.done $0x0  }
0x7c: {  	[sflag:s13] =	ssyncadd.s32 $0xFFFFC000  }
0x7d: {  	[tilespmem:s17], [sflag:$0x2] =	stream.indirect.gather [hbm4b:s1+s15], $0x80, s20, s15, $0xb8;
	[tilespmem:$0x16000] =	vst v63  }
0x7e: {  	_ =	swait.ge [sflag:s18], $0x4000  }
0x7f: {  	[sflag:s18] =	ssyncset.done $0x0  }
0x80: {  	[sflag:s18] =	ssyncadd.s32 $0xFFFFC000  }
0x81: {  	[spmem:s3] =	stream.indirect.scatter.add.f32 [tilespmem:s16], [sflag:$0x3], $0x80, s21, s15, $0xb8;
	[tilespmem:$0x16000] =	vst v63  }
0x82: {  	_ =	swait.ge [sflag:s13], $0x4000  }
0x83: {  	[sflag:s13] =	ssyncset.done $0x0  }
0x84: {  	[sflag:s13] =	ssyncadd.s32 $0xFFFFC000  }
0x85: {  	_ =	swait.ge [sflag:s19], $0x4000  }
0x86: {  	[sflag:s19] =	ssyncset.done $0x0  }
0x87: {  	[sflag:s19] =	ssyncadd.s32 $0xFFFFC000  }
0x88: {  	[spmem:s3] =	stream.indirect.scatter.add.f32 [tilespmem:s17], [sflag:$0x3], $0x80, s22, s15, $0xb8;
	[tilespmem:$0x16000] =	vst v63  }
0x89: {  	_ =	swait.ge [sflag:s13], $0x4000  }
0x8a: {  	[sflag:s13] =	ssyncset.done $0x0  }
0x8b: {  	[sflag:s13] =	ssyncadd.s32 $0xFFFFC000  }
0x8c: {  	[bflag:$0x0] =	sbarrier.arrive $0xFFFF  }
0x8d: {  	[tilespmem:s17], [sflag:$0x3] =	stream.linear.gather [spmem:s7], $0x4000, $0x38;
	[tilespmem:$0x16000] =	vst v63  }
0x8e: {  	_ =	swait.ge [sflag:s13], $0x4000  }
0x8f: {  	[sflag:s13] =	ssyncset.done $0x0  }
0x90: {  	[sflag:s13] =	ssyncadd.s32 $0xFFFFC000  }
0x91: {  	[hbm4b:s9+s4] =	stream.linear.scatter [tilespmem:s17], [sflag:$0x3], $0x4000, $0x38;
	[tilespmem:$0x16000] =	vst v63  }
0x92: {  	_ =	swait.ge [sflag:s13], $0x4000  }
0x93: {  	[sflag:s13] =	ssyncset.done $0x0  }
0x94: {  	[sflag:s13] =	ssyncadd.s32 $0xFFFFC000  }
0x95: {  	[tilespmem:s17], [sflag:$0x3] =	stream.linear.gather [spmem:s8], $0x4000, $0x38;
	[tilespmem:$0x16000] =	vst v63  }
0x96: {  	s23 =	sadd.s32 $0x1, s23;
	_ =	swait.ge [sflag:s13], $0x4000  }
0x97: {  	p0 =	sne.s32 s23, s11;
	[sflag:s13] =	ssyncset.done $0x0  }
.Ltmp3:
0x98: {  	[sflag:s13] =	ssyncadd.s32 $0xFFFFC000;
	(pc) =	sbr.rel @p0 .LBB2_1-.Ltmp3, $4  }
0x99: {  	[hbm4b:s10+s4] =	stream.linear.scatter [tilespmem:s17], [sflag:$0x3], $0x4000, $0x38;
	[tilespmem:$0x16000] =	vst v63  }
0x9a: {  	_ =	swait.ge [sflag:s13], $0x4000  }
0x9b: {  	[sflag:s13] =	ssyncset.done $0x0  }
0x9c: {  	[sflag:s13] =	ssyncadd.s32 $0xFFFFC000  }
0x9d: {  	_ =	sfence.sel $0x180000  }
0x9e: {  	[bflag:$0x0] =	sbarrier.arrive $0xFFFF  }
0x9f: {  	p0 =	sne.s32 s2, $0x0;
	_ =	strace $0x9000004A  }
0xa0: {  	s0 =	sadd.s32 @!p0 $0x100000, s0;
	[bflag:$0x2] =	sbarrier.arrive $0xFFFF  }
0xa1: {  	[sflag:s0] =	ssyncadd.tile.s32 @!p0 $0x1;
	_ =	shalt  }
.Lfunc_end2:
_tile_overlayer_lowered:
.L_overlay_start_2:
0xa2: {  	(tag) =	ssettag $0x2  }
0xa3: {  	s0 =	rddreg [dreg:$0x0];
	s2 =	stileid.u32  }
0xa4: {  	s1 =	rddreg [dreg:$0x1];
	p0 =	sne.s32 s2, $0x0  }
0xa5: {  	s3 =	rddreg [dreg:$0x2];
	[bflag:$0x3] =	sbarrier.arrive $0xFFFF;
	s2 =	simm.s32 @!p0 $0x1C03  }
0xa6: {  	[timem:s3], [sflag:s2] =	dma.local @!p0 [hbm:s0], s1  }
0xa7: {  	s0 =	simm.s32 @!p0 $0x3  }
0xa8: {  	_ =	swait.ge @!p0 [sflag:s0], s1  }
0xa9: {  	s1 =	ssub.s32 @!p0 $0x0, s1;
	[sflag:s0] =	ssyncset.done @!p0 $0x0  }
0xaa: {  	[sflag:s0] =	ssyncadd.s32 @!p0 s1  }
0xab: {  	[bflag:$0x3] =	sbarrier.arrive $0xFFFF  }
0xac: {  	_ =	shalt  }

// kernel: kernel.22.cloned.1.call-start
scs
__scs_entry_jumppad:
0x0: {  	(pc) =	sbr.rel $0x88, $3  }
0x1: {  	(tag) =	ssettag $0x0;
	lr =	simm.s32 $0x1  }
0x2: {  	[smem:$0x3F67] =	sst lr;
	_ =	strace $0xD0000000  }
0x3: {  	_ = 	snop  }
0x4: {  	_ = 	snop  }
0x5: {  	_ = 	snop  }
0x6: {  	_ = 	snop  }
0x7: {  	_ = 	snop  }
__scs_overlays_trampoline_lowered:
0x8: {  	[smem:$0x3F76] =	sst s0  }
0x9: {  	[smem:$0x3F77] =	sst s1  }
0xa: {  	[smem:$0x3F78] =	sst s2  }
0xb: {  	[smem:$0x3F79] =	sst s3  }
0xc: {  	[smem:$0x3F7A] =	sst s4  }
0xd: {  	[smem:$0x3F7B] =	sst s5  }
0xe: {  	[smem:$0x3F7C] =	sst s6  }
0xf: {  	[smem:$0x3F7D] =	sst s7  }
0x10: {  	[smem:$0x3F7E] =	sst s8  }
0x11: {  	[smem:$0x3F7F] =	sst s9;
	s0 =	simm.s32 @!p0 $0x0  }
0x12: {  	s1 =	sld [smem:$0x3F65];
	s0 =	simm.s32 @p0 $0x1  }
0x13: {  	[smem:$0x3F80] =	sst s0;
	s0 =	simm.s32 @!p1 $0x0  }
0x14: {  	s2 =	sld [smem:$0x3F64];
	s0 =	simm.s32 @p1 $0x1  }
0x15: {  	[smem:$0x3F81] =	sst s0;
	s0 =	simm.s32 @!p2 $0x0  }
0x16: {  	s3 =	sld [smem:$0x3FDB];
	s0 =	simm.s32 @p2 $0x1  }
0x17: {  	s4 =	simm.s32 $0x1BF5;
	[smem:$0x3F83] =	sst s0  }
0x18: {  	s0 =	sld [smem:$0x3F66];
	_ =	swait.ge [sflag:s4], $0x0  }
0x19: {  	s7 =	sld [smem:$0x3F67]  }
0x1a: {  	s8 =	sadd.s32 $0xFFFFE003, lr  }
0x1b: {  	s9 =	sadd.s32 $0xFFFFFEF7, lr;
	s5 =	simm.s32 $0xFFFFFFFF;
	p2 =	slt.u32 s8, $0xFFFFF086  }
0x1c: {  	p1 =	slt.u32 s9, $0xF7A;
	s5 =	simm.s32 @!p2 $0x0  }
0x1d: {  	s5 =	simm.s32 @p1 $0x1;
	p0 =	seq.s32 s7, s2  }
0x1e: {  	s7 =	smul.u32 @!p0 $0xF7A, s2;
	p2 =	seq.s32 @!p0 s5, $0x0  }
0x1f: {  	s9 =	smul.u32 $0xF7A, s1;
	s8 =	simm.s32 @!p0 $0x1BF5;
	p2 =	por !p2, p0  }
0x20: {  	[sflag:s8] =	ssyncset.s32 @!p0 $0xFFFFF086;
	s6 =	sadd.s32 @!p0 s3, s7;
	s7 =	simm.s32 @!p0 $0x108  }
0x21: {  	s3 =	sadd.s32 s3, s9;
	s6 =	sadd.s32 @!p0 $0x88, s6;
	s7 =	simm.s32 @p2 $0x1082  }
0x22: {  	[simem:s7], [sflag:s8] =	dma.local @!p0 [hbm:s6], $0xF7A  }
0x23: {  	s9 =	sor.u32 $0xD0000000, s2;
	s6 =	simm.s32 $0x108;
	_ =	swait.ge @!p0 [sflag:s8], $0x0  }
0x24: {  	s3 =	sadd.s32 $0x88, s3;
	s6 =	simm.s32 @!p1 $0x1082;
	[sflag:s4] =	ssyncset.s32 $0xFFFFF086  }
0x25: {  	[simem:s6], [sflag:s4] =	dma.local [hbm:s3], $0xF7A  }
0x26: {  	[smem:$0x3F67] =	sst s1;
	(tag) =	ssettag s2;
	_ =	strace s9  }
0x27: {  	s1 =	sld [smem:$0x3F77]  }
0x28: {  	s2 =	sld [smem:$0x3F78]  }
0x29: {  	s4 =	sld [smem:$0x3F7A]  }
0x2a: {  	p0 =	seq.s32 s5, $0x0;
	s5 =	sld [smem:$0x3F7B]  }
0x2b: {  	s6 =	sld [smem:$0x3F7C]  }
0x2c: {  	s7 =	sld [smem:$0x3F7D]  }
0x2d: {  	s3 =	simm.s32 $0x108;
	s8 =	sld [smem:$0x3F7E]  }
0x2e: {  	s3 =	simm.s32 @!p0 $0x1082;
	s9 =	sld [smem:$0x3F7F]  }
0x2f: {  	lr =	sadd.s32 s0, s3;
	s0 =	sld [smem:$0x3F76]  }
0x30: {  	s3 =	sld [smem:$0x3F79]  }
0x31: {  	[smem:$0x3F82] =	sst s10  }
0x32: {  	s10 =	sld [smem:$0x3F80];
	_ =	sdelay $0x3  }
0x33: {  	p0 =	seq.s32 s10, $0x1;
	s10 =	sld [smem:$0x3F82];
	_ =	sdelay $0x3  }
0x34: {  	[smem:$0x3F82] =	sst s10  }
0x35: {  	s10 =	sld [smem:$0x3F81];
	_ =	sdelay $0x3  }
0x36: {  	p1 =	seq.s32 s10, $0x1;
	s10 =	sld [smem:$0x3F82];
	_ =	sdelay $0x3  }
0x37: {  	[smem:$0x3F82] =	sst s10  }
0x38: {  	s10 =	sld [smem:$0x3F83]  }
0x39: {  	_ = 	snop;
	(pc) =	sbr.ind lr, $3  }
0x3a: {  	_ = 	snop  }
0x3b: {  	_ = 	snop  }
0x3c: {  	p2 =	seq.s32 s10, $0x1;
	s10 =	sld [smem:$0x3F82]  }
0x3d: {  	_ =	shalt  }
0x3e: {  	_ =	shalt  }
0x3f: {  	_ =	shalt  }
0x40: {  	_ =	shalt  }
0x41: {  	_ =	shalt  }
0x42: {  	_ =	shalt  }
0x43: {  	_ =	shalt  }
0x44: {  	_ =	shalt  }
0x45: {  	_ =	shalt  }
0x46: {  	_ =	shalt  }
0x47: {  	_ =	shalt  }
0x48: {  	_ =	shalt  }
0x49: {  	_ =	shalt  }
0x4a: {  	_ =	shalt  }
0x4b: {  	_ =	shalt  }
0x4c: {  	_ =	shalt  }
0x4d: {  	_ =	shalt  }
0x4e: {  	_ =	shalt  }
0x4f: {  	_ =	shalt  }
0x50: {  	_ =	shalt  }
0x51: {  	_ =	shalt  }
0x52: {  	_ =	shalt  }
0x53: {  	_ =	shalt  }
0x54: {  	_ =	shalt  }
0x55: {  	_ =	shalt  }
0x56: {  	_ =	shalt  }
0x57: {  	_ =	shalt  }
0x58: {  	_ =	shalt  }
0x59: {  	_ =	shalt  }
0x5a: {  	_ =	shalt  }
0x5b: {  	_ =	shalt  }
0x5c: {  	_ =	shalt  }
0x5d: {  	_ =	shalt  }
0x5e: {  	_ =	shalt  }
0x5f: {  	_ =	shalt  }
0x60: {  	_ =	shalt  }
0x61: {  	_ =	shalt  }
0x62: {  	_ =	shalt  }
0x63: {  	_ =	shalt  }
0x64: {  	_ =	shalt  }
0x65: {  	_ =	shalt  }
0x66: {  	_ =	shalt  }
0x67: {  	_ =	shalt  }
0x68: {  	_ =	shalt  }
0x69: {  	_ =	shalt  }
0x6a: {  	_ =	shalt  }
0x6b: {  	_ =	shalt  }
0x6c: {  	_ =	shalt  }
0x6d: {  	_ =	shalt  }
0x6e: {  	_ =	shalt  }
0x6f: {  	_ =	shalt  }
0x70: {  	_ =	shalt  }
0x71: {  	_ =	shalt  }
0x72: {  	_ =	shalt  }
0x73: {  	_ =	shalt  }
0x74: {  	_ =	shalt  }
0x75: {  	_ =	shalt  }
0x76: {  	_ =	shalt  }
0x77: {  	_ =	shalt  }
0x78: {  	_ =	shalt  }
0x79: {  	_ =	shalt  }
0x7a: {  	_ =	shalt  }
0x7b: {  	_ =	shalt  }
0x7c: {  	_ =	shalt  }
0x7d: {  	_ =	shalt  }
0x7e: {  	_ =	shalt  }
0x7f: {  	_ =	shalt  }
0x80: {  	_ =	shalt  }
0x81: {  	_ =	shalt  }
0x82: {  	_ =	shalt  }
0x83: {  	_ =	shalt  }
0x84: {  	_ =	shalt  }
0x85: {  	_ =	shalt  }
0x86: {  	_ =	shalt  }
0x87: {  	_ =	shalt  }
.Lfunc_end0:
.L_simem_size_0:
called_computation.3_lowered:
.L_overlay_start_0:
0x88: {  	s2 =	sld [smem:$0x3FD9]  }
0x89: {  	s3 =	sld [smem:$0x3FFE];
	_ =	sdelay $0x1  }
0x8a: {  	s1 =	srdreg.scid  }
0x8b: {  	s0 =	sand.u32 $0x1, s1  }
0x8c: {  	s15 =	sshll.u32 s0, $0xA;
	s2 =	sadd.s32 s3, s2  }
0x8d: {  	s2 =	sadd.s32 s2, s15  }
0x8e: {  	[smem:$0x3F8E] =	sst s2  }
0x8f: {  	_ = 	snop  }
0x90: {  	s2 =	sld [smem:$0x3FD0];
	_ =	sdelay $0x2  }
0x91: {  	s16 =	simm.s32 $0xB;
	s4 =	simm.s32 $0x10  }
0x92: {  	[smem:s4], [sflag:s16] =	dma.local [hbm:s2], $0x1  }
0x93: {  	_ =	swait.eq [sflag:s16], $0x1  }
0x94: {  	[sflag:s16] =	ssyncset.done $0x0  }
0x95: {  	[sflag:s16] =	ssyncadd.s32 $0xFFFFFFFF  }
0x96: {  	s17 =	sld [smem:$0x12];
	(tm) =	ssettm $0x1  }
0x97: {  	s18 =	sld [smem:$0x3FFB];
	_ =	sdelay $0x3  }
0x98: {  	_ =	strace s18  }
0x99: {  	s2 =	sld [smem:$0x3FFC];
	_ =	sdelay $0x3  }
0x9a: {  	_ =	strace s2  }
0x9b: {  	s2 =	sld [smem:$0x3FFD];
	_ =	sdelay $0x3  }
0x9c: {  	_ =	strace s2  }
0x9d: {  	_ =	strace $0x8FFFFFFF  }
0x9e: {  	s19 =	sld [smem:$0x3FDB];
	_ =	sdelay $0x1  }
0x9f: {  	s20 =	simm.s32 $_scs_section_size  }
0xa0: {  	s5 =	simm.s32 $_size__tile_overlayer_lowered;
	s6 =	simm.s32 $_tile_overlayer_lowered  }
0xa1: {  	s7 =	simm.s32 $0x1BFF;
	s21 =	sshll.u32 s6, $0x1;
	s4 =	sadd.s32 s20, s19  }
0xa2: {  	s22 =	simm.s32 $0x0;
	s5 =	sshll.u32 s5, $0x1;
	s6 =	sadd.s32 s21, s4  }
0xa3: {  	[timem:s22], [sflag:s7] =	dma.local [hbm:s6], s5  }
0xa4: {  	_ =	swait.ge [sflag:s7], s5  }
0xa5: {  	s5 =	ssub.s32 $0x0, s5;
	[sflag:s7] =	ssyncset.done $0x0  }
0xa6: {  	[sflag:s7] =	ssyncadd.s32 s5;
	_ =	sdelay $0x1  }
0xa7: {  	s23 =	simm.s32 $0x1B8B  }
0xa8: {  	_ =	swait.ge [sflag:s23], $0x1  }
0xa9: {  	[sflag:s23] =	ssyncset.done $0x0  }
0xaa: {  	[sflag:s23] =	ssyncadd.s32 $0xFFFFFFFF  }
0xab: {  	s5 =	sld [smem:$0x0]  }
0xac: {  	s6 =	sand.u32 $0xFFFFFFFE, s1  }
0xad: {  	p0 =	sne.s32 s1, s6  }
0xae: {  	s6 =	sshll.u32 @p0 s6, $0xE  }
0xaf: {  	s6 =	sadd.s32 @p0 $0x11B8D, s6;
	s7 =	sshll.u32 @p0 s5, $0x11  }
0xb0: {  	s6 =	sor.u32 @p0 s7, s6  }
0xb1: {  	[sflag:s6] =	ssyncadd.remote.s32 @p0 $0x1;
	_ =	sdelay $0x1  }
0xb2: {  	s6 =	simm.s32 @p0 $0x1B8D  }
0xb3: {  	_ =	swait.eq @p0 [sflag:s6], $0x1  }
0xb4: {  	[sflag:s6] =	ssyncadd.s32 @p0 $0xFFFFFFFF  }
0xb5: {  	s7 =	sshll.u32 @!p0 s1, $0xE  }
0xb6: {  	s7 =	sor.u32 @!p0 $0x4000, s7;
	s6 =	simm.s32 @!p0 $0x1B8D  }
0xb7: {  	s5 =	sshll.u32 @!p0 s5, $0x11;
	s7 =	sadd.s32 @!p0 $0x11B8D, s7;
	_ =	swait.eq @!p0 [sflag:s6], $0x1  }
0xb8: {  	s5 =	sor.u32 @!p0 s5, s7;
	[sflag:s6] =	ssyncadd.s32 @!p0 $0xFFFFFFFF  }
0xb9: {  	s25 =	simm.s32 $0x1B8E;
	s24 =	sld [smem:$0x3FFE];
	[sflag:s5] =	ssyncadd.remote.s32 @!p0 $0x1  }
0xba: {  	s26 =	simm.s32 $execute0_lowered;
	[smem:$0x3FD2] =	sst s25  }
0xbb: {  	s6 =	sshll.u32 s26, $0x1;
	_ =	strace $0x8000004F;
	[dreg:$0x1] =	wrdreg $0xFFFFFFFF  }
0xbc: {  	s28 =	simm.s32 $_size_execute0_lowered;
	s4 =	sadd.s32 s4, s6;
	[dreg:$0x0] =	wrdreg $0x0  }
0xbd: {  	s6 =	sshll.u32 s28, $0x1;
	[dreg:$0x2] =	wrdreg s4  }
0xbe: {  	[dreg:$0x3] =	wrdreg s6  }
0xbf: {  	[dreg:$0x4] =	wrdreg $0xC0  }
0xc0: {  	_ =	task [dreg:s22], $0x5FFFF  }
0xc1: {  	[dreg:$0x1] =	wrdreg $0xFFFFFFFF  }
0xc2: {  	[dreg:$0x0] =	wrdreg $0x60  }
0xc3: {  	[dreg:$0x2] =	wrdreg s24  }
0xc4: {  	[dreg:$0x3] =	wrdreg s17  }
0xc5: {  	[dreg:$0x4] =	wrdreg $0xA0000  }
0xc6: {  	[dreg:$0x5] =	wrdreg $0xA  }
0xc7: {  	_ =	task.clear_ibuf [dreg:s22], $0x6FFFF;
	_ =	strace $0x9000004F  }
0xc8: {  	s29 =	simm.s32 $0xA;
	_ =	strace $0x80000051  }
0xc9: {  	_ =	swait.ge [sflag:s29], $0x1  }
0xca: {  	[sflag:s29] =	ssyncadd.s32 $0xFFFFFFFF  }
0xcb: {  	_ =	strace $0x90000051  }
0xcc: {  	_ =	sfence  }
0xcd: {  	s30 =	sld [smem:$0x0];
	_ =	sdelay $0x2  }
0xce: {  	s31 =	sshll.u32 s1, $0xD;
	s1 =	sshrl.u32 s1, $0x2  }
0xcf: {  	s4 =	sand.u32 $0x4000, s31;
	s1 =	sadd.s32 s1, s30  }
0xd0: {  	s0 =	sor.u32 s4, s0;
	s1 =	sshll.u32 s1, $0x11  }
0xd1: {  	s0 =	sor.u32 s1, s0  }
0xd2: {  	s0 =	sadd.s32 $0x8F2B, s0  }
0xd3: {  	[sflag:s0] =	ssyncadd.remote.s32 $0x1  }
0xd4: {  	_ =	sfence.sel $0xFFFF  }
0xd5: {  	[dreg:$0x0] =	wrdreg $0xFFFFFFFF;
	(pc) =	sbr.abs _section_cstart, $3  }
0xd6: {  	[dreg:$0x1] =	wrdreg $0xFFFFFFFF  }
0xd7: {  	_ =	task.clear_ibuf [dreg:s22], $0x2FFFF;
	_ =	strace $0x9FFFFFFF  }
0xd8: {  	(tm) =	ssettm $0x7FFFFFFF  }
0xd9: {  	_ =	shalt  }
tec
execute0_lowered:
.L_overlay_start_1:
0x0: {  	(tag) =	ssettag $0x1  }
0x1: {  	s5 =	rddreg [dreg:$0x0]  }
0x2: {  	s6 =	rddreg [dreg:$0x1]  }
0x3: {  	s1 =	rddreg [dreg:$0x2]  }
0x4: {  	s0 =	rddreg [dreg:$0x3];
	s3 =	simm.s32 $0x0;
	s4 =	srdreg.scid  }
0x5: {  	s2 =	stileid.u32;
	s14 =	simm.s32 $0x6000;
	s15 =	simm.s32 $0x80  }
0x6: {  	s16 =	simm.s32 $0x2000;
	s17 =	simm.s32 $0x12000;
	s18 =	simm.s32 $0x1  }
0x7: {  	s19 =	simm.s32 $0x2;
	s20 =	simm.s32 $0xF80;
	s22 =	simm.s32 $0x1F80  }
0x8: {  	s23 =	simm.s32 $0x0;
	[smem:$0x7FF] =	sst s3;
	s7 =	sand.u32 $0x1, s4  }
0x9: {  	s8 =	sshll.u32 s2, $0x9;
	s4 =	sadd.s32 $0xBE00, s5;
	s12 =	sadd.s32 $0x4BE00, s5  }
0xa: {  	s25 =	sshll.u32 s2, $0x8;
	s26 =	sshll.u32 s2, $0xF;
	_ =	strace $0x80000050  }
0xb: {  	s9 =	ssub.s32 $0x2, s7;
	s10 =	sadd.s32 s8, s5;
	s5 =	sadd.s32 s6, s8  }
0xc: {  	s21 =	sshll.u32 s7, $0xC;
	s7 =	sadd.s32 s26, s1;
	s28 =	sor.u32 $0x80, s25  }
0xd: {  	s11 =	sshrl.u32 s9, $0x1;
	s6 =	sadd.s32 $0x9E00, s10;
	s29 =	sshll.u32 s28, $0x7  }
0xe: {  	s13 =	sor.u32 s25, s21;
	s11 =	ssub.s32 s9, s11;
	s9 =	sor.u32 s21, s28  }
0xf: {  	s8 =	sadd.s32 s29, s1;
	s30 =	sshll.u32 s13, $0x4;
	s13 =	simm.s32 $0x3  }
0x10: {  	v0 =	vmov s21;
	s21 =	simm.s32 $0x1F00;
	s31 =	sshll.u32 s9, $0x4;
	s9 =	sadd.s32 s12, s30  }
0x11: {  	v1 =	vimm.f32 $0.0e+00;
	s11 =	smax.u32 s11, $0x1;
	s10 =	sadd.s32 s12, s31;
	s12 =	simm.s32 $0x1000  }
.LBB2_1:
0x12: {  	[tilespmem:s12], [sflag:$0x3] =	stream.linear.gather [hbm4b:s5+s3], $0x1000, $0x38;
	[tilespmem:$0x16000] =	vst v63  }
0x13: {  	_ =	swait.ge [sflag:s13], $0x1000  }
0x14: {  	[sflag:s13] =	ssyncset.done $0x0  }
0x15: {  	[sflag:s13] =	ssyncadd.s32 $0xFFFFF000  }
0x16: {  	[tilespmem:s3], [sflag:$0x3] =	stream.linear.gather [hbm4b:s6+s3], $0x1000, $0x38;
	[tilespmem:$0x16000] =	vst v63  }
0x17: {  	_ =	swait.ge [sflag:s13], $0x1000  }
0x18: {  	[sflag:s13] =	ssyncset.done $0x0  }
0x19: {  	s24 =	simm.s32 $0x0;
	[sflag:s13] =	ssyncadd.s32 $0xFFFFF000  }
0x1a: {  	v4 =	vld [tilespmem:s24+$0x0]  }
0x1b: {  	v6 =	vld [tilespmem:s24+$0x10]  }
0x1c: {  	v5 =	vld [tilespmem:s24+$0x20]  }
0x1d: {  	v3 =	vld [tilespmem:s24+$0x30]  }
0x1e: {  	v2 =	vld [tilespmem:s24+$0x40]  }
0x1f: {  	v7 =	vadd.s32 v0, v4;
	v4 =	vld [tilespmem:s24+$0x50]  }
0x20: {  	s25 =	simm.s32 $0x200;
	[tilespmem:s24+$0x0] =	vst v7;
	v7 =	vadd.s32 v0, v6;
	v6 =	vld [tilespmem:s24+$0x60]  }
.LBB2_2:
0x21: {  	s26 =	sshra.s32 s25, $0x2;
	p0 =	sne.s32 s25, $0x3E00;
	[tilespmem:s24+$0x10] =	vst v7;
	v5 =	vadd.s32 v0, v5;
	v7 =	vld [tilespmem:s24+$0x70]  }
0x22: {  	v8 =	vld [tilespmem:s26+$0x0];
	[tilespmem:s24+$0x20] =	vst v5;
	v3 =	vadd.s32 v0, v3  }
0x23: {  	v9 =	vld [tilespmem:s26+$0x10];
	[tilespmem:s24+$0x30] =	vst v3;
	v2 =	vadd.s32 v0, v2  }
.Ltmp0:
0x24: {  	v5 =	vld [tilespmem:s26+$0x20];
	[tilespmem:s24+$0x40] =	vst v2;
	v2 =	vadd.s32 v0, v4;
	(pc) =	sbr.rel @p0 .LBB2_2-.Ltmp0, $4  }
0x25: {  	v3 =	vld [tilespmem:s26+$0x30];
	[tilespmem:s24+$0x50] =	vst v2;
	v4 =	vadd.s32 v0, v6  }
0x26: {  	v2 =	vld [tilespmem:s26+$0x40];
	[tilespmem:s24+$0x60] =	vst v4;
	v6 =	vadd.s32 v0, v7  }
0x27: {  	v7 =	vadd.s32 v0, v8;
	v4 =	vld [tilespmem:s26+$0x50];
	[tilespmem:s24+$0x70] =	vst v6;
	s24 =	smov.u32 s26  }
0x28: {  	s25 =	sadd.s32 $0x200, s25;
	[tilespmem:s24+$0x0] =	vst v7;
	v7 =	vadd.s32 v0, v9;
	v6 =	vld [tilespmem:s24+$0x60]  }
0x29: {  	[tilespmem:s24+$0x10] =	vst v7;
	v5 =	vadd.s32 v0, v5;
	v63 =	vld [tilespmem:s24+$0x70]  }
0x2a: {  	[tilespmem:s24+$0x20] =	vst v5;
	v3 =	vadd.s32 v0, v3  }
0x2b: {  	[tilespmem:s24+$0x30] =	vst v3;
	v2 =	vadd.s32 v0, v2  }
0x2c: {  	[tilespmem:s24+$0x40] =	vst v2;
	v2 =	vadd.s32 v0, v4  }
0x2d: {  	[tilespmem:s24+$0x50] =	vst v2;
	v2 =	vadd.s32 v0, v6  }
0x2e: {  	[tilespmem:s24+$0x60] =	vst v2;
	v2 =	vadd.s32 v0, v63  }
0x2f: {  	s25 =	simm.s32 $0x200;
	[tilespmem:s24+$0x70] =	vst v2;
	s24 =	simm.s32 $0x0  }
.LBB2_4:
0x30: {  	p0 =	sne.s32 s25, $0xFE00;
	[tilespmem:s24+$0x6070] =	vst v1  }
0x31: {  	[tilespmem:s24+$0x6000] =	vst v1  }
0x32: {  	[tilespmem:s24+$0x6010] =	vst v1  }
.Ltmp1:
0x33: {  	[tilespmem:s24+$0x6020] =	vst v1;
	(pc) =	sbr.rel @p0 .LBB2_4-.Ltmp1, $4  }
0x34: {  	[tilespmem:s24+$0x6030] =	vst v1  }
0x35: {  	[tilespmem:s24+$0x6040] =	vst v1  }
0x36: {  	[tilespmem:s24+$0x6050] =	vst v1  }
0x37: {  	[tilespmem:s24+$0x6060] =	vst v1;
	s24 =	sshra.s32 s25, $0x2;
	s25 =	sadd.s32 $0x200, s25  }
0x38: {  	[tilespmem:s24+$0x6070] =	vst v1  }
0x39: {  	[tilespmem:s24+$0x6000] =	vst v1  }
0x3a: {  	[tilespmem:s24+$0x6010] =	vst v1  }
0x3b: {  	[tilespmem:s24+$0x6020] =	vst v1  }
0x3c: {  	[tilespmem:s24+$0x6030] =	vst v1  }
0x3d: {  	[tilespmem:s24+$0x6040] =	vst v1  }
0x3e: {  	[tilespmem:s24+$0x6050] =	vst v1  }
0x3f: {  	[tilespmem:s24+$0x6060] =	vst v1  }
0x40: {  	[spmem:s7] =	stream.linear.scatter [tilespmem:s14], [sflag:$0x3], $0x4000, $0x38;
	[tilespmem:$0x16000] =	vst v63  }
0x41: {  	_ =	swait.ge [sflag:s13], $0x4000  }
0x42: {  	[sflag:s13] =	ssyncset.done $0x0  }
0x43: {  	[sflag:s13] =	ssyncadd.s32 $0xFFFFC000  }
0x44: {  	[spmem:s8] =	stream.linear.scatter [tilespmem:s14], [sflag:$0x3], $0x4000, $0x38;
	[tilespmem:$0x16000] =	vst v63  }
0x45: {  	_ =	swait.ge [sflag:s13], $0x4000  }
0x46: {  	[sflag:s13] =	ssyncset.done $0x0  }
0x47: {  	[sflag:s13] =	ssyncadd.s32 $0xFFFFC000  }
0x48: {  	s26 =	simm.s32 $0x0;
	[bflag:$0x0] =	sbarrier.arrive $0xFFFF  }
0x49: {  	[tilespmem:s16], [sflag:$0x1] =	stream.indirect.gather [hbm4b:s4+s15], $0x80, s26, s15, $0xb8;
	[tilespmem:$0x16000] =	vst v63  }
0x4a: {  	s28 =	simm.s32 $0x80  }
0x4b: {  	[tilespmem:s17], [sflag:$0x2] =	stream.indirect.gather [hbm4b:s4+s15], $0x80, s28, s15, $0xb8;
	[tilespmem:$0x16000] =	vst v63  }
0x4c: {  	_ =	swait.ge [sflag:s18], $0x4000  }
0x4d: {  	[sflag:s18] =	ssyncset.done $0x0  }
0x4e: {  	s29 =	simm.s32 $0x1000;
	[sflag:s18] =	ssyncadd.s32 $0xFFFFC000  }
0x4f: {  	[spmem:s1] =	stream.indirect.scatter.add.f32 [tilespmem:s16], [sflag:$0x3], $0x80, s29, s15, $0xb8;
	[tilespmem:$0x16000] =	vst v63  }
0x50: {  	_ =	swait.ge [sflag:s13], $0x4000  }
0x51: {  	[sflag:s13] =	ssyncset.done $0x0  }
0x52: {  	s30 =	simm.s32 $0x100;
	[sflag:s13] =	ssyncadd.s32 $0xFFFFC000  }
0x53: {  	[tilespmem:s16], [sflag:$0x1] =	stream.indirect.gather [hbm4b:s4+s15], $0x80, s30, s15, $0xb8;
	[tilespmem:$0x16000] =	vst v63  }
0x54: {  	_ =	swait.ge [sflag:s19], $0x4000  }
0x55: {  	[sflag:s19] =	ssyncset.done $0x0  }
0x56: {  	s31 =	simm.s32 $0x1080;
	[sflag:s19] =	ssyncadd.s32 $0xFFFFC000  }
0x57: {  	[spmem:s1] =	stream.indirect.scatter.add.f32 [tilespmem:s17], [sflag:$0x3], $0x80, s31, s15, $0xb8;
	[tilespmem:$0x16000] =	vst v63  }
0x58: {  	_ =	swait.ge [sflag:s13], $0x4000  }
0x59: {  	s25 =	simm.s32 $0x800;
	s24 =	simm.s32 $0x100;
	[sflag:s13] =	ssyncset.done $0x0  }
.LBB2_6:
0x5a: {  	s26 =	sadd.s32 $0x80, s24  }
0x5b: {  	[sflag:s13] =	ssyncadd.s32 $0xFFFFC000;
	s28 =	smov.u32 s25;
	s29 =	sadd.s32 $0x400, s25  }
0x5c: {  	[tilespmem:s17], [sflag:$0x2] =	stream.indirect.gather [hbm4b:s4+s15], $0x80, s26, s15, $0xb8;
	[tilespmem:$0x16000] =	vst v63  }
0x5d: {  	p0 =	sne.s32 s25, $0x3800;
	_ =	swait.ge [sflag:s18], $0x4000  }
0x5e: {  	[sflag:s18] =	ssyncset.done $0x0  }
0x5f: {  	s25 =	sadd.s32 $0x1000, s24;
	[sflag:s18] =	ssyncadd.s32 $0xFFFFC000  }
0x60: {  	[spmem:s1] =	stream.indirect.scatter.add.f32 [tilespmem:s16], [sflag:$0x3], $0x80, s25, s15, $0xb8;
	[tilespmem:$0x16000] =	vst v63  }
0x61: {  	_ =	swait.ge [sflag:s13], $0x4000  }
0x62: {  	[sflag:s13] =	ssyncset.done $0x0  }
0x63: {  	s25 =	sadd.s32 $0x100, s24;
	[sflag:s13] =	ssyncadd.s32 $0xFFFFC000  }
0x64: {  	[tilespmem:s16], [sflag:$0x1] =	stream.indirect.gather [hbm4b:s4+s15], $0x80, s25, s15, $0xb8;
	[tilespmem:$0x16000] =	vst v63  }
0x65: {  	_ =	swait.ge [sflag:s19], $0x4000  }
.Ltmp2:
0x66: {  	[sflag:s19] =	ssyncset.done $0x0;
	(pc) =	sbr.rel @p0 .LBB2_6-.Ltmp2, $4  }
0x67: {  	s24 =	sadd.s32 $0x1080, s24;
	[sflag:s19] =	ssyncadd.s32 $0xFFFFC000  }
0x68: {  	[spmem:s1] =	stream.indirect.scatter.add.f32 [tilespmem:s17], [sflag:$0x3], $0x80, s24, s15, $0xb8;
	[tilespmem:$0x16000] =	vst v63  }
0x69: {  	_ =	swait.ge [sflag:s13], $0x4000  }
0x6a: {  	s25 =	smov.u32 s29;
	s24 =	sshra.s32 s28, $0x2;
	[sflag:s13] =	ssyncset.done $0x0  }
0x6b: {  	s25 =	sadd.s32 $0x80, s24;
	[sflag:s13] =	ssyncadd.s32 $0xFFFFC000  }
0x6c: {  	[tilespmem:s17], [sflag:$0x2] =	stream.indirect.gather [hbm4b:s4+s15], $0x80, s25, s15, $0xb8;
	[tilespmem:$0x16000] =	vst v63  }
0x6d: {  	_ =	swait.ge [sflag:s18], $0x4000  }
0x6e: {  	[sflag:s18] =	ssyncset.done $0x0  }
0x6f: {  	s29 =	sadd.s32 $0x1000, s24;
	[sflag:s18] =	ssyncadd.s32 $0xFFFFC000  }
0x70: {  	[spmem:s1] =	stream.indirect.scatter.add.f32 [tilespmem:s16], [sflag:$0x3], $0x80, s29, s15, $0xb8;
	[tilespmem:$0x16000] =	vst v63  }
0x71: {  	_ =	swait.ge [sflag:s13], $0x4000  }
0x72: {  	[sflag:s13] =	ssyncset.done $0x0  }
0x73: {  	s30 =	sadd.s32 $0x100, s24;
	[sflag:s13] =	ssyncadd.s32 $0xFFFFC000  }
0x74: {  	[tilespmem:s16], [sflag:$0x1] =	stream.indirect.gather [hbm4b:s4+s15], $0x80, s30, s15, $0xb8;
	[tilespmem:$0x16000] =	vst v63  }
0x75: {  	_ =	swait.ge [sflag:s19], $0x4000  }
0x76: {  	[sflag:s19] =	ssyncset.done $0x0  }
0x77: {  	s31 =	sadd.s32 $0x1080, s24;
	[sflag:s19] =	ssyncadd.s32 $0xFFFFC000  }
0x78: {  	[spmem:s1] =	stream.indirect.scatter.add.f32 [tilespmem:s17], [sflag:$0x3], $0x80, s31, s15, $0xb8;
	[tilespmem:$0x16000] =	vst v63  }
0x79: {  	_ =	swait.ge [sflag:s13], $0x4000  }
0x7a: {  	[sflag:s13] =	ssyncset.done $0x0  }
0x7b: {  	[sflag:s13] =	ssyncadd.s32 $0xFFFFC000  }
0x7c: {  	[tilespmem:s17], [sflag:$0x2] =	stream.indirect.gather [hbm4b:s4+s15], $0x80, s20, s15, $0xb8;
	[tilespmem:$0x16000] =	vst v63  }
0x7d: {  	_ =	swait.ge [sflag:s18], $0x4000  }
0x7e: {  	[sflag:s18] =	ssyncset.done $0x0  }
0x7f: {  	[sflag:s18] =	ssyncadd.s32 $0xFFFFC000  }
0x80: {  	[spmem:s1] =	stream.indirect.scatter.add.f32 [tilespmem:s16], [sflag:$0x3], $0x80, s21, s15, $0xb8;
	[tilespmem:$0x16000] =	vst v63  }
0x81: {  	_ =	swait.ge [sflag:s13], $0x4000  }
0x82: {  	[sflag:s13] =	ssyncset.done $0x0  }
0x83: {  	[sflag:s13] =	ssyncadd.s32 $0xFFFFC000  }
0x84: {  	_ =	swait.ge [sflag:s19], $0x4000  }
0x85: {  	[sflag:s19] =	ssyncset.done $0x0  }
0x86: {  	[sflag:s19] =	ssyncadd.s32 $0xFFFFC000  }
0x87: {  	[spmem:s1] =	stream.indirect.scatter.add.f32 [tilespmem:s17], [sflag:$0x3], $0x80, s22, s15, $0xb8;
	[tilespmem:$0x16000] =	vst v63  }
0x88: {  	_ =	swait.ge [sflag:s13], $0x4000  }
0x89: {  	[sflag:s13] =	ssyncset.done $0x0  }
0x8a: {  	[sflag:s13] =	ssyncadd.s32 $0xFFFFC000  }
0x8b: {  	[bflag:$0x0] =	sbarrier.arrive $0xFFFF  }
0x8c: {  	[tilespmem:s17], [sflag:$0x3] =	stream.linear.gather [spmem:s7], $0x4000, $0x38;
	[tilespmem:$0x16000] =	vst v63  }
0x8d: {  	_ =	swait.ge [sflag:s13], $0x4000  }
0x8e: {  	[sflag:s13] =	ssyncset.done $0x0  }
0x8f: {  	[sflag:s13] =	ssyncadd.s32 $0xFFFFC000  }
0x90: {  	[hbm4b:s9+s3] =	stream.linear.scatter [tilespmem:s17], [sflag:$0x3], $0x4000, $0x38;
	[tilespmem:$0x16000] =	vst v63  }
0x91: {  	_ =	swait.ge [sflag:s13], $0x4000  }
0x92: {  	[sflag:s13] =	ssyncset.done $0x0  }
0x93: {  	[sflag:s13] =	ssyncadd.s32 $0xFFFFC000  }
0x94: {  	[tilespmem:s17], [sflag:$0x3] =	stream.linear.gather [spmem:s8], $0x4000, $0x38;
	[tilespmem:$0x16000] =	vst v63  }
0x95: {  	s23 =	sadd.s32 $0x1, s23;
	_ =	swait.ge [sflag:s13], $0x4000  }
0x96: {  	p0 =	sne.s32 s23, s11;
	[sflag:s13] =	ssyncset.done $0x0  }
.Ltmp3:
0x97: {  	[sflag:s13] =	ssyncadd.s32 $0xFFFFC000;
	(pc) =	sbr.rel @p0 .LBB2_1-.Ltmp3, $4  }
0x98: {  	[hbm4b:s10+s3] =	stream.linear.scatter [tilespmem:s17], [sflag:$0x3], $0x4000, $0x38;
	[tilespmem:$0x16000] =	vst v63  }
0x99: {  	_ =	swait.ge [sflag:s13], $0x4000  }
0x9a: {  	[sflag:s13] =	ssyncset.done $0x0  }
0x9b: {  	[sflag:s13] =	ssyncadd.s32 $0xFFFFC000  }
0x9c: {  	_ =	sfence.sel $0x180000  }
0x9d: {  	[bflag:$0x0] =	sbarrier.arrive $0xFFFF  }
0x9e: {  	p0 =	sne.s32 s2, $0x0;
	_ =	strace $0x90000050  }
0x9f: {  	s0 =	sadd.s32 @!p0 $0x100000, s0;
	[bflag:$0x2] =	sbarrier.arrive $0xFFFF  }
0xa0: {  	[sflag:s0] =	ssyncadd.tile.s32 @!p0 $0x1;
	_ =	shalt  }
.Lfunc_end2:
_tile_overlayer_lowered:
.L_overlay_start_2:
0xa1: {  	(tag) =	ssettag $0x2  }
0xa2: {  	s0 =	rddreg [dreg:$0x0];
	s2 =	stileid.u32  }
0xa3: {  	s1 =	rddreg [dreg:$0x1];
	p0 =	sne.s32 s2, $0x0  }
0xa4: {  	s3 =	rddreg [dreg:$0x2];
	[bflag:$0x3] =	sbarrier.arrive $0xFFFF;
	s2 =	simm.s32 @!p0 $0x1C03  }
0xa5: {  	[timem:s3], [sflag:s2] =	dma.local @!p0 [hbm:s0], s1  }
0xa6: {  	s0 =	simm.s32 @!p0 $0x3  }
0xa7: {  	_ =	swait.ge @!p0 [sflag:s0], s1  }
0xa8: {  	s1 =	ssub.s32 @!p0 $0x0, s1;
	[sflag:s0] =	ssyncset.done @!p0 $0x0  }
0xa9: {  	[sflag:s0] =	ssyncadd.s32 @!p0 s1  }
0xaa: {  	[bflag:$0x3] =	sbarrier.arrive $0xFFFF  }
0xab: {  	_ =	shalt  }

// kernel: kernel.25.cloned.1.call-start
scs
__scs_entry_jumppad:
0x0: {  	(pc) =	sbr.rel $0x88, $3  }
0x1: {  	(tag) =	ssettag $0x0;
	lr =	simm.s32 $0x1  }
0x2: {  	[smem:$0x3F67] =	sst lr;
	_ =	strace $0xD0000000  }
0x3: {  	_ = 	snop  }
0x4: {  	_ = 	snop  }
0x5: {  	_ = 	snop  }
0x6: {  	_ = 	snop  }
0x7: {  	_ = 	snop  }
__scs_overlays_trampoline_lowered:
0x8: {  	[smem:$0x3F76] =	sst s0  }
0x9: {  	[smem:$0x3F77] =	sst s1  }
0xa: {  	[smem:$0x3F78] =	sst s2  }
0xb: {  	[smem:$0x3F79] =	sst s3  }
0xc: {  	[smem:$0x3F7A] =	sst s4  }
0xd: {  	[smem:$0x3F7B] =	sst s5  }
0xe: {  	[smem:$0x3F7C] =	sst s6  }
0xf: {  	[smem:$0x3F7D] =	sst s7  }
0x10: {  	[smem:$0x3F7E] =	sst s8  }
0x11: {  	[smem:$0x3F7F] =	sst s9;
	s0 =	simm.s32 @!p0 $0x0  }
0x12: {  	s1 =	sld [smem:$0x3F65];
	s0 =	simm.s32 @p0 $0x1  }
0x13: {  	[smem:$0x3F80] =	sst s0;
	s0 =	simm.s32 @!p1 $0x0  }
0x14: {  	s2 =	sld [smem:$0x3F64];
	s0 =	simm.s32 @p1 $0x1  }
0x15: {  	[smem:$0x3F81] =	sst s0;
	s0 =	simm.s32 @!p2 $0x0  }
0x16: {  	s3 =	sld [smem:$0x3FDB];
	s0 =	simm.s32 @p2 $0x1  }
0x17: {  	s4 =	simm.s32 $0x1BF5;
	[smem:$0x3F83] =	sst s0  }
0x18: {  	s0 =	sld [smem:$0x3F66];
	_ =	swait.ge [sflag:s4], $0x0  }
0x19: {  	s7 =	sld [smem:$0x3F67]  }
0x1a: {  	s8 =	sadd.s32 $0xFFFFE003, lr  }
0x1b: {  	s9 =	sadd.s32 $0xFFFFFEF7, lr;
	s5 =	simm.s32 $0xFFFFFFFF;
	p2 =	slt.u32 s8, $0xFFFFF086  }
0x1c: {  	p1 =	slt.u32 s9, $0xF7A;
	s5 =	simm.s32 @!p2 $0x0  }
0x1d: {  	s5 =	simm.s32 @p1 $0x1;
	p0 =	seq.s32 s7, s2  }
0x1e: {  	s7 =	smul.u32 @!p0 $0xF7A, s2;
	p2 =	seq.s32 @!p0 s5, $0x0  }
0x1f: {  	s9 =	smul.u32 $0xF7A, s1;
	s8 =	simm.s32 @!p0 $0x1BF5;
	p2 =	por !p2, p0  }
0x20: {  	[sflag:s8] =	ssyncset.s32 @!p0 $0xFFFFF086;
	s6 =	sadd.s32 @!p0 s3, s7;
	s7 =	simm.s32 @!p0 $0x108  }
0x21: {  	s3 =	sadd.s32 s3, s9;
	s6 =	sadd.s32 @!p0 $0x88, s6;
	s7 =	simm.s32 @p2 $0x1082  }
0x22: {  	[simem:s7], [sflag:s8] =	dma.local @!p0 [hbm:s6], $0xF7A  }
0x23: {  	s9 =	sor.u32 $0xD0000000, s2;
	s6 =	simm.s32 $0x108;
	_ =	swait.ge @!p0 [sflag:s8], $0x0  }
0x24: {  	s3 =	sadd.s32 $0x88, s3;
	s6 =	simm.s32 @!p1 $0x1082;
	[sflag:s4] =	ssyncset.s32 $0xFFFFF086  }
0x25: {  	[simem:s6], [sflag:s4] =	dma.local [hbm:s3], $0xF7A  }
0x26: {  	[smem:$0x3F67] =	sst s1;
	(tag) =	ssettag s2;
	_ =	strace s9  }
0x27: {  	s1 =	sld [smem:$0x3F77]  }
0x28: {  	s2 =	sld [smem:$0x3F78]  }
0x29: {  	s4 =	sld [smem:$0x3F7A]  }
0x2a: {  	p0 =	seq.s32 s5, $0x0;
	s5 =	sld [smem:$0x3F7B]  }
0x2b: {  	s6 =	sld [smem:$0x3F7C]  }
0x2c: {  	s7 =	sld [smem:$0x3F7D]  }
0x2d: {  	s3 =	simm.s32 $0x108;
	s8 =	sld [smem:$0x3F7E]  }
0x2e: {  	s3 =	simm.s32 @!p0 $0x1082;
	s9 =	sld [smem:$0x3F7F]  }
0x2f: {  	lr =	sadd.s32 s0, s3;
	s0 =	sld [smem:$0x3F76]  }
0x30: {  	s3 =	sld [smem:$0x3F79]  }
0x31: {  	[smem:$0x3F82] =	sst s10  }
0x32: {  	s10 =	sld [smem:$0x3F80];
	_ =	sdelay $0x3  }
0x33: {  	p0 =	seq.s32 s10, $0x1;
	s10 =	sld [smem:$0x3F82];
	_ =	sdelay $0x3  }
0x34: {  	[smem:$0x3F82] =	sst s10  }
0x35: {  	s10 =	sld [smem:$0x3F81];
	_ =	sdelay $0x3  }
0x36: {  	p1 =	seq.s32 s10, $0x1;
	s10 =	sld [smem:$0x3F82];
	_ =	sdelay $0x3  }
0x37: {  	[smem:$0x3F82] =	sst s10  }
0x38: {  	s10 =	sld [smem:$0x3F83]  }
0x39: {  	_ = 	snop;
	(pc) =	sbr.ind lr, $3  }
0x3a: {  	_ = 	snop  }
0x3b: {  	_ = 	snop  }
0x3c: {  	p2 =	seq.s32 s10, $0x1;
	s10 =	sld [smem:$0x3F82]  }
0x3d: {  	_ =	shalt  }
0x3e: {  	_ =	shalt  }
0x3f: {  	_ =	shalt  }
0x40: {  	_ =	shalt  }
0x41: {  	_ =	shalt  }
0x42: {  	_ =	shalt  }
0x43: {  	_ =	shalt  }
0x44: {  	_ =	shalt  }
0x45: {  	_ =	shalt  }
0x46: {  	_ =	shalt  }
0x47: {  	_ =	shalt  }
0x48: {  	_ =	shalt  }
0x49: {  	_ =	shalt  }
0x4a: {  	_ =	shalt  }
0x4b: {  	_ =	shalt  }
0x4c: {  	_ =	shalt  }
0x4d: {  	_ =	shalt  }
0x4e: {  	_ =	shalt  }
0x4f: {  	_ =	shalt  }
0x50: {  	_ =	shalt  }
0x51: {  	_ =	shalt  }
0x52: {  	_ =	shalt  }
0x53: {  	_ =	shalt  }
0x54: {  	_ =	shalt  }
0x55: {  	_ =	shalt  }
0x56: {  	_ =	shalt  }
0x57: {  	_ =	shalt  }
0x58: {  	_ =	shalt  }
0x59: {  	_ =	shalt  }
0x5a: {  	_ =	shalt  }
0x5b: {  	_ =	shalt  }
0x5c: {  	_ =	shalt  }
0x5d: {  	_ =	shalt  }
0x5e: {  	_ =	shalt  }
0x5f: {  	_ =	shalt  }
0x60: {  	_ =	shalt  }
0x61: {  	_ =	shalt  }
0x62: {  	_ =	shalt  }
0x63: {  	_ =	shalt  }
0x64: {  	_ =	shalt  }
0x65: {  	_ =	shalt  }
0x66: {  	_ =	shalt  }
0x67: {  	_ =	shalt  }
0x68: {  	_ =	shalt  }
0x69: {  	_ =	shalt  }
0x6a: {  	_ =	shalt  }
0x6b: {  	_ =	shalt  }
0x6c: {  	_ =	shalt  }
0x6d: {  	_ =	shalt  }
0x6e: {  	_ =	shalt  }
0x6f: {  	_ =	shalt  }
0x70: {  	_ =	shalt  }
0x71: {  	_ =	shalt  }
0x72: {  	_ =	shalt  }
0x73: {  	_ =	shalt  }
0x74: {  	_ =	shalt  }
0x75: {  	_ =	shalt  }
0x76: {  	_ =	shalt  }
0x77: {  	_ =	shalt  }
0x78: {  	_ =	shalt  }
0x79: {  	_ =	shalt  }
0x7a: {  	_ =	shalt  }
0x7b: {  	_ =	shalt  }
0x7c: {  	_ =	shalt  }
0x7d: {  	_ =	shalt  }
0x7e: {  	_ =	shalt  }
0x7f: {  	_ =	shalt  }
0x80: {  	_ =	shalt  }
0x81: {  	_ =	shalt  }
0x82: {  	_ =	shalt  }
0x83: {  	_ =	shalt  }
0x84: {  	_ =	shalt  }
0x85: {  	_ =	shalt  }
0x86: {  	_ =	shalt  }
0x87: {  	_ =	shalt  }
.Lfunc_end0:
.L_simem_size_0:
called_computation.4_lowered:
.L_overlay_start_0:
0x88: {  	s2 =	sld [smem:$0x3FD9]  }
0x89: {  	s3 =	sld [smem:$0x3FFE];
	_ =	sdelay $0x1  }
0x8a: {  	s1 =	srdreg.scid  }
0x8b: {  	s0 =	sand.u32 $0x1, s1  }
0x8c: {  	s14 =	sshll.u32 s0, $0xA;
	s2 =	sadd.s32 s3, s2  }
0x8d: {  	s2 =	sadd.s32 s2, s14  }
0x8e: {  	[smem:$0x3F8E] =	sst s2  }
0x8f: {  	_ = 	snop  }
0x90: {  	s2 =	sld [smem:$0x3FD0];
	_ =	sdelay $0x2  }
0x91: {  	s15 =	simm.s32 $0xB;
	s4 =	simm.s32 $0x10  }
0x92: {  	[smem:s4], [sflag:s15] =	dma.local [hbm:s2], $0x1  }
0x93: {  	_ =	swait.eq [sflag:s15], $0x1  }
0x94: {  	[sflag:s15] =	ssyncset.done $0x0  }
0x95: {  	[sflag:s15] =	ssyncadd.s32 $0xFFFFFFFF  }
0x96: {  	s16 =	sld [smem:$0x12];
	(tm) =	ssettm $0x1  }
0x97: {  	s17 =	sld [smem:$0x3FFB];
	_ =	sdelay $0x3  }
0x98: {  	_ =	strace s17  }
0x99: {  	s3 =	sld [smem:$0x3FFC];
	_ =	sdelay $0x3  }
0x9a: {  	_ =	strace s3  }
0x9b: {  	s3 =	sld [smem:$0x3FFD];
	_ =	sdelay $0x3  }
0x9c: {  	_ =	strace s3  }
0x9d: {  	_ =	strace $0x8FFFFFFF  }
0x9e: {  	s18 =	sld [smem:$0x3FDB];
	_ =	sdelay $0x1  }
0x9f: {  	s19 =	simm.s32 $_scs_section_size  }
0xa0: {  	s5 =	simm.s32 $_size__tile_overlayer_lowered;
	s6 =	simm.s32 $_tile_overlayer_lowered  }
0xa1: {  	s22 =	simm.s32 $0x1BFF;
	s21 =	sshll.u32 s6, $0x1;
	s3 =	sadd.s32 s19, s18  }
0xa2: {  	s7 =	simm.s32 $0x0;
	s20 =	sshll.u32 s5, $0x1;
	s5 =	sadd.s32 s21, s3  }
0xa3: {  	[timem:s7], [sflag:s22] =	dma.local [hbm:s5], s20  }
0xa4: {  	_ =	swait.ge [sflag:s22], s20  }
0xa5: {  	s4 =	ssub.s32 $0x0, s20;
	[sflag:s22] =	ssyncset.done $0x0  }
0xa6: {  	[sflag:s22] =	ssyncadd.s32 s4;
	_ =	sdelay $0x1  }
0xa7: {  	s23 =	simm.s32 $0x1B8B  }
0xa8: {  	_ =	swait.ge [sflag:s23], $0x1  }
0xa9: {  	[sflag:s23] =	ssyncset.done $0x0  }
0xaa: {  	s25 =	simm.s32 $0x1B8E;
	s24 =	sld [smem:$0x3FFE];
	[sflag:s23] =	ssyncadd.s32 $0xFFFFFFFF  }
0xab: {  	s26 =	simm.s32 $execute0_lowered;
	[smem:$0x3FD2] =	sst s25  }
0xac: {  	s5 =	sshll.u32 s26, $0x1;
	_ =	strace $0x80000052;
	[dreg:$0x1] =	wrdreg $0xFFFFFFFF  }
0xad: {  	s28 =	simm.s32 $_size_execute0_lowered;
	s3 =	sadd.s32 s3, s5;
	[dreg:$0x0] =	wrdreg $0x0  }
0xae: {  	s5 =	sshll.u32 s28, $0x1;
	[dreg:$0x2] =	wrdreg s3  }
0xaf: {  	[dreg:$0x3] =	wrdreg s5  }
0xb0: {  	[dreg:$0x4] =	wrdreg $0xC0  }
0xb1: {  	_ =	task [dreg:s7], $0x5FFFF  }
0xb2: {  	[dreg:$0x1] =	wrdreg $0xFFFFFFFF  }
0xb3: {  	[dreg:$0x0] =	wrdreg $0x60  }
0xb4: {  	[dreg:$0x2] =	wrdreg s24  }
0xb5: {  	[dreg:$0x3] =	wrdreg s16  }
0xb6: {  	[dreg:$0x4] =	wrdreg $0xA0000  }
0xb7: {  	[dreg:$0x5] =	wrdreg $0x9  }
0xb8: {  	_ =	task.clear_ibuf [dreg:s7], $0x6FFFF;
	_ =	strace $0x90000052  }
0xb9: {  	s29 =	simm.s32 $0x9;
	_ =	strace $0x80000054  }
0xba: {  	_ =	swait.ge [sflag:s29], $0x1  }
0xbb: {  	[sflag:s29] =	ssyncadd.s32 $0xFFFFFFFF  }
0xbc: {  	_ =	strace $0x90000054  }
0xbd: {  	_ =	sfence  }
0xbe: {  	s30 =	sld [smem:$0x0];
	_ =	sdelay $0x2  }
0xbf: {  	s31 =	sshll.u32 s1, $0xD;
	s1 =	sshrl.u32 s1, $0x2  }
0xc0: {  	s3 =	sand.u32 $0x4000, s31;
	s1 =	sadd.s32 s1, s30  }
0xc1: {  	s0 =	sor.u32 s3, s0;
	s1 =	sshll.u32 s1, $0x11  }
0xc2: {  	s0 =	sor.u32 s1, s0  }
0xc3: {  	s0 =	sadd.s32 $0x8F2B, s0  }
0xc4: {  	[sflag:s0] =	ssyncadd.remote.s32 $0x1  }
0xc5: {  	_ =	sfence.sel $0xFFFF  }
0xc6: {  	[dreg:$0x0] =	wrdreg $0xFFFFFFFF;
	(pc) =	sbr.abs _section_cstart, $3  }
0xc7: {  	[dreg:$0x1] =	wrdreg $0xFFFFFFFF  }
0xc8: {  	_ =	task.clear_ibuf [dreg:s7], $0x2FFFF;
	_ =	strace $0x9FFFFFFF  }
0xc9: {  	(tm) =	ssettm $0x7FFFFFFF  }
tec
execute0_lowered:
.L_overlay_start_1:
0x0: {  	(tag) =	ssettag $0x1  }
0x1: {  	s5 =	rddreg [dreg:$0x0]  }
0x2: {  	s6 =	rddreg [dreg:$0x1]  }
0x3: {  	s1 =	rddreg [dreg:$0x2]  }
0x4: {  	s0 =	rddreg [dreg:$0x3]  }
0x5: {  	s3 =	simm.s32 $0x0;
	s4 =	srdreg.scid;
	s2 =	stileid.u32  }
0x6: {  	s16 =	simm.s32 $0x6000;
	s17 =	simm.s32 $0x80;
	s18 =	simm.s32 $0x2000  }
0x7: {  	s19 =	simm.s32 $0x12000;
	s20 =	simm.s32 $0x1;
	s21 =	simm.s32 $0x2  }
0x8: {  	s22 =	simm.s32 $0xF80;
	s24 =	simm.s32 $0x1F80;
	[smem:$0x7FF] =	sst s3  }
0x9: {  	s7 =	sand.u32 $0x1, s4;
	s4 =	sadd.s32 $0x7BE00, s5;
	s8 =	sshll.u32 s2, $0x9  }
0xa: {  	s12 =	sadd.s32 $0xBBE00, s5;
	s11 =	sshll.u32 s2, $0x8;
	s28 =	sshll.u32 s2, $0xF  }
0xb: {  	_ =	strace $0x80000053;
	s9 =	ssub.s32 $0x2, s7;
	s10 =	sadd.s32 s8, s5  }
0xc: {  	s5 =	sadd.s32 s6, s8;
	s23 =	sshll.u32 s7, $0xD;
	s26 =	sor.u32 $0x80, s11  }
0xd: {  	s7 =	sadd.s32 s28, s1;
	s25 =	sshrl.u32 s9, $0x1;
	s6 =	sadd.s32 $0x9E00, s10  }
0xe: {  	s29 =	sshll.u32 s26, $0x7;
	s30 =	sor.u32 s11, s23;
	s14 =	sor.u32 s23, s26  }
0xf: {  	s15 =	sor.u32 $0x1000, s23;
	v0 =	vmov s23;
	s23 =	simm.s32 $0x1F00;
	s13 =	ssub.s32 s9, s25  }
0x10: {  	s8 =	sadd.s32 s29, s1;
	s9 =	sshll.u32 s30, $0x4;
	s14 =	sshll.u32 s14, $0x4  }
0x11: {  	s11 =	sor.u32 s11, s15;
	s15 =	sor.u32 s26, s15;
	s25 =	simm.s32 $0x0  }
0x12: {  	s9 =	sadd.s32 s12, s9;
	s10 =	sadd.s32 s12, s14;
	s11 =	sshll.u32 s11, $0x4  }
0x13: {  	s31 =	sshll.u32 s15, $0x4;
	s13 =	smax.u32 s13, $0x1;
	s14 =	simm.s32 $0x1000  }
0x14: {  	v1 =	vimm.f32 $0.0e+00;
	s15 =	simm.s32 $0x3;
	s11 =	sadd.s32 s12, s11;
	s12 =	sadd.s32 s12, s31  }
.LBB2_1:
0x15: {  	[tilespmem:s14], [sflag:$0x3] =	stream.linear.gather [hbm4b:s5+s3], $0x1000, $0x38;
	[tilespmem:$0x16000] =	vst v63  }
0x16: {  	_ =	swait.ge [sflag:s15], $0x1000  }
0x17: {  	[sflag:s15] =	ssyncset.done $0x0  }
0x18: {  	[sflag:s15] =	ssyncadd.s32 $0xFFFFF000  }
0x19: {  	[tilespmem:s3], [sflag:$0x3] =	stream.linear.gather [hbm4b:s6+s3], $0x1000, $0x38;
	[tilespmem:$0x16000] =	vst v63  }
0x1a: {  	_ =	swait.ge [sflag:s15], $0x1000  }
0x1b: {  	[sflag:s15] =	ssyncset.done $0x0  }
0x1c: {  	s26 =	simm.s32 $0x0;
	[sflag:s15] =	ssyncadd.s32 $0xFFFFF000  }
0x1d: {  	v4 =	vld [tilespmem:s26+$0x0]  }
0x1e: {  	v6 =	vld [tilespmem:s26+$0x10]  }
0x1f: {  	v5 =	vld [tilespmem:s26+$0x20]  }
0x20: {  	v3 =	vld [tilespmem:s26+$0x30]  }
0x21: {  	v2 =	vld [tilespmem:s26+$0x40]  }
0x22: {  	v7 =	vadd.s32 v0, v4;
	v4 =	vld [tilespmem:s26+$0x50]  }
0x23: {  	s28 =	simm.s32 $0x200;
	[tilespmem:s26+$0x0] =	vst v7;
	v7 =	vadd.s32 v0, v6;
	v6 =	vld [tilespmem:s26+$0x60]  }
.LBB2_2:
0x24: {  	s29 =	sshra.s32 s28, $0x2;
	p0 =	sne.s32 s28, $0x3E00;
	[tilespmem:s26+$0x10] =	vst v7;
	v5 =	vadd.s32 v0, v5;
	v7 =	vld [tilespmem:s26+$0x70]  }
0x25: {  	v8 =	vld [tilespmem:s29+$0x0];
	[tilespmem:s26+$0x20] =	vst v5;
	v3 =	vadd.s32 v0, v3  }
0x26: {  	v9 =	vld [tilespmem:s29+$0x10];
	[tilespmem:s26+$0x30] =	vst v3;
	v2 =	vadd.s32 v0, v2  }
.Ltmp0:
0x27: {  	v5 =	vld [tilespmem:s29+$0x20];
	[tilespmem:s26+$0x40] =	vst v2;
	v2 =	vadd.s32 v0, v4;
	(pc) =	sbr.rel @p0 .LBB2_2-.Ltmp0, $4  }
0x28: {  	v3 =	vld [tilespmem:s29+$0x30];
	[tilespmem:s26+$0x50] =	vst v2;
	v4 =	vadd.s32 v0, v6  }
0x29: {  	v2 =	vld [tilespmem:s29+$0x40];
	[tilespmem:s26+$0x60] =	vst v4;
	v6 =	vadd.s32 v0, v7  }
0x2a: {  	v7 =	vadd.s32 v0, v8;
	v4 =	vld [tilespmem:s29+$0x50];
	[tilespmem:s26+$0x70] =	vst v6;
	s26 =	smov.u32 s29  }
0x2b: {  	s28 =	sadd.s32 $0x200, s28;
	[tilespmem:s26+$0x0] =	vst v7;
	v7 =	vadd.s32 v0, v9;
	v6 =	vld [tilespmem:s26+$0x60]  }
0x2c: {  	[tilespmem:s26+$0x10] =	vst v7;
	v5 =	vadd.s32 v0, v5;
	v63 =	vld [tilespmem:s26+$0x70]  }
0x2d: {  	[tilespmem:s26+$0x20] =	vst v5;
	v3 =	vadd.s32 v0, v3  }
0x2e: {  	[tilespmem:s26+$0x30] =	vst v3;
	v2 =	vadd.s32 v0, v2  }
0x2f: {  	[tilespmem:s26+$0x40] =	vst v2;
	v2 =	vadd.s32 v0, v4  }
0x30: {  	[tilespmem:s26+$0x50] =	vst v2;
	v2 =	vadd.s32 v0, v6  }
0x31: {  	[tilespmem:s26+$0x60] =	vst v2;
	v2 =	vadd.s32 v0, v63  }
0x32: {  	s28 =	simm.s32 $0x200;
	[tilespmem:s26+$0x70] =	vst v2;
	s26 =	simm.s32 $0x0  }
.LBB2_4:
0x33: {  	p0 =	sne.s32 s28, $0xFE00;
	[tilespmem:s26+$0x6070] =	vst v1  }
0x34: {  	[tilespmem:s26+$0x6000] =	vst v1  }
0x35: {  	[tilespmem:s26+$0x6010] =	vst v1  }
.Ltmp1:
0x36: {  	[tilespmem:s26+$0x6020] =	vst v1;
	(pc) =	sbr.rel @p0 .LBB2_4-.Ltmp1, $4  }
0x37: {  	[tilespmem:s26+$0x6030] =	vst v1  }
0x38: {  	[tilespmem:s26+$0x6040] =	vst v1  }
0x39: {  	[tilespmem:s26+$0x6050] =	vst v1  }
0x3a: {  	[tilespmem:s26+$0x6060] =	vst v1;
	s26 =	sshra.s32 s28, $0x2;
	s28 =	sadd.s32 $0x200, s28  }
0x3b: {  	[tilespmem:s26+$0x6070] =	vst v1  }
0x3c: {  	[tilespmem:s26+$0x6000] =	vst v1  }
0x3d: {  	[tilespmem:s26+$0x6010] =	vst v1  }
0x3e: {  	[tilespmem:s26+$0x6020] =	vst v1  }
0x3f: {  	[tilespmem:s26+$0x6030] =	vst v1  }
0x40: {  	[tilespmem:s26+$0x6040] =	vst v1  }
0x41: {  	[tilespmem:s26+$0x6050] =	vst v1  }
0x42: {  	[tilespmem:s26+$0x6060] =	vst v1  }
0x43: {  	[spmem:s7] =	stream.linear.scatter [tilespmem:s16], [sflag:$0x3], $0x4000, $0x38;
	[tilespmem:$0x16000] =	vst v63  }
0x44: {  	_ =	swait.ge [sflag:s15], $0x4000  }
0x45: {  	[sflag:s15] =	ssyncset.done $0x0  }
0x46: {  	[sflag:s15] =	ssyncadd.s32 $0xFFFFC000  }
0x47: {  	[spmem:s8] =	stream.linear.scatter [tilespmem:s16], [sflag:$0x3], $0x4000, $0x38;
	[tilespmem:$0x16000] =	vst v63  }
0x48: {  	_ =	swait.ge [sflag:s15], $0x4000  }
0x49: {  	[sflag:s15] =	ssyncset.done $0x0  }
0x4a: {  	[sflag:s15] =	ssyncadd.s32 $0xFFFFC000  }
0x4b: {  	s30 =	simm.s32 $0x0;
	[bflag:$0x0] =	sbarrier.arrive $0xFFFF  }
0x4c: {  	[tilespmem:s18], [sflag:$0x1] =	stream.indirect.gather [hbm4b:s4+s17], $0x80, s30, s17, $0xb8;
	[tilespmem:$0x16000] =	vst v63  }
0x4d: {  	s31 =	simm.s32 $0x80  }
0x4e: {  	[tilespmem:s19], [sflag:$0x2] =	stream.indirect.gather [hbm4b:s4+s17], $0x80, s31, s17, $0xb8;
	[tilespmem:$0x16000] =	vst v63  }
0x4f: {  	_ =	swait.ge [sflag:s20], $0x4000  }
0x50: {  	[sflag:s20] =	ssyncset.done $0x0  }
0x51: {  	s29 =	simm.s32 $0x1000;
	[sflag:s20] =	ssyncadd.s32 $0xFFFFC000  }
0x52: {  	[spmem:s1] =	stream.indirect.scatter.add.f32 [tilespmem:s18], [sflag:$0x3], $0x80, s29, s17, $0xb8;
	[tilespmem:$0x16000] =	vst v63  }
0x53: {  	_ =	swait.ge [sflag:s15], $0x4000  }
0x54: {  	[sflag:s15] =	ssyncset.done $0x0  }
0x55: {  	s30 =	simm.s32 $0x100;
	[sflag:s15] =	ssyncadd.s32 $0xFFFFC000  }
0x56: {  	[tilespmem:s18], [sflag:$0x1] =	stream.indirect.gather [hbm4b:s4+s17], $0x80, s30, s17, $0xb8;
	[tilespmem:$0x16000] =	vst v63  }
0x57: {  	_ =	swait.ge [sflag:s21], $0x4000  }
0x58: {  	[sflag:s21] =	ssyncset.done $0x0  }
0x59: {  	s31 =	simm.s32 $0x1080;
	[sflag:s21] =	ssyncadd.s32 $0xFFFFC000  }
0x5a: {  	[spmem:s1] =	stream.indirect.scatter.add.f32 [tilespmem:s19], [sflag:$0x3], $0x80, s31, s17, $0xb8;
	[tilespmem:$0x16000] =	vst v63  }
0x5b: {  	_ =	swait.ge [sflag:s15], $0x4000  }
0x5c: {  	s28 =	simm.s32 $0x800;
	s26 =	simm.s32 $0x100;
	[sflag:s15] =	ssyncset.done $0x0  }
.LBB2_6:
0x5d: {  	s29 =	sadd.s32 $0x80, s26  }
0x5e: {  	[sflag:s15] =	ssyncadd.s32 $0xFFFFC000;
	s30 =	smov.u32 s28;
	s31 =	sadd.s32 $0x400, s28  }
0x5f: {  	[tilespmem:s19], [sflag:$0x2] =	stream.indirect.gather [hbm4b:s4+s17], $0x80, s29, s17, $0xb8;
	[tilespmem:$0x16000] =	vst v63  }
0x60: {  	p0 =	sne.s32 s28, $0x3800;
	_ =	swait.ge [sflag:s20], $0x4000  }
0x61: {  	[sflag:s20] =	ssyncset.done $0x0  }
0x62: {  	s28 =	sadd.s32 $0x1000, s26;
	[sflag:s20] =	ssyncadd.s32 $0xFFFFC000  }
0x63: {  	[spmem:s1] =	stream.indirect.scatter.add.f32 [tilespmem:s18], [sflag:$0x3], $0x80, s28, s17, $0xb8;
	[tilespmem:$0x16000] =	vst v63  }
0x64: {  	_ =	swait.ge [sflag:s15], $0x4000  }
0x65: {  	[sflag:s15] =	ssyncset.done $0x0  }
0x66: {  	s28 =	sadd.s32 $0x100, s26;
	[sflag:s15] =	ssyncadd.s32 $0xFFFFC000  }
0x67: {  	[tilespmem:s18], [sflag:$0x1] =	stream.indirect.gather [hbm4b:s4+s17], $0x80, s28, s17, $0xb8;
	[tilespmem:$0x16000] =	vst v63  }
0x68: {  	_ =	swait.ge [sflag:s21], $0x4000  }
.Ltmp2:
0x69: {  	[sflag:s21] =	ssyncset.done $0x0;
	(pc) =	sbr.rel @p0 .LBB2_6-.Ltmp2, $4  }
0x6a: {  	s26 =	sadd.s32 $0x1080, s26;
	[sflag:s21] =	ssyncadd.s32 $0xFFFFC000  }
0x6b: {  	[spmem:s1] =	stream.indirect.scatter.add.f32 [tilespmem:s19], [sflag:$0x3], $0x80, s26, s17, $0xb8;
	[tilespmem:$0x16000] =	vst v63  }
0x6c: {  	_ =	swait.ge [sflag:s15], $0x4000  }
0x6d: {  	s28 =	smov.u32 s31;
	s26 =	sshra.s32 s30, $0x2;
	[sflag:s15] =	ssyncset.done $0x0  }
0x6e: {  	s28 =	sadd.s32 $0x80, s26;
	[sflag:s15] =	ssyncadd.s32 $0xFFFFC000  }
0x6f: {  	[tilespmem:s19], [sflag:$0x2] =	stream.indirect.gather [hbm4b:s4+s17], $0x80, s28, s17, $0xb8;
	[tilespmem:$0x16000] =	vst v63  }
0x70: {  	_ =	swait.ge [sflag:s20], $0x4000  }
0x71: {  	[sflag:s20] =	ssyncset.done $0x0  }
0x72: {  	s28 =	sadd.s32 $0x1000, s26;
	[sflag:s20] =	ssyncadd.s32 $0xFFFFC000  }
0x73: {  	[spmem:s1] =	stream.indirect.scatter.add.f32 [tilespmem:s18], [sflag:$0x3], $0x80, s28, s17, $0xb8;
	[tilespmem:$0x16000] =	vst v63  }
0x74: {  	_ =	swait.ge [sflag:s15], $0x4000  }
0x75: {  	[sflag:s15] =	ssyncset.done $0x0  }
0x76: {  	s28 =	sadd.s32 $0x100, s26;
	[sflag:s15] =	ssyncadd.s32 $0xFFFFC000  }
0x77: {  	[tilespmem:s18], [sflag:$0x1] =	stream.indirect.gather [hbm4b:s4+s17], $0x80, s28, s17, $0xb8;
	[tilespmem:$0x16000] =	vst v63  }
0x78: {  	_ =	swait.ge [sflag:s21], $0x4000  }
0x79: {  	[sflag:s21] =	ssyncset.done $0x0  }
0x7a: {  	s30 =	sadd.s32 $0x1080, s26;
	[sflag:s21] =	ssyncadd.s32 $0xFFFFC000  }
0x7b: {  	[spmem:s1] =	stream.indirect.scatter.add.f32 [tilespmem:s19], [sflag:$0x3], $0x80, s30, s17, $0xb8;
	[tilespmem:$0x16000] =	vst v63  }
0x7c: {  	_ =	swait.ge [sflag:s15], $0x4000  }
0x7d: {  	[sflag:s15] =	ssyncset.done $0x0  }
0x7e: {  	[sflag:s15] =	ssyncadd.s32 $0xFFFFC000  }
0x7f: {  	[tilespmem:s19], [sflag:$0x2] =	stream.indirect.gather [hbm4b:s4+s17], $0x80, s22, s17, $0xb8;
	[tilespmem:$0x16000] =	vst v63  }
0x80: {  	_ =	swait.ge [sflag:s20], $0x4000  }
0x81: {  	[sflag:s20] =	ssyncset.done $0x0  }
0x82: {  	[sflag:s20] =	ssyncadd.s32 $0xFFFFC000  }
0x83: {  	[spmem:s1] =	stream.indirect.scatter.add.f32 [tilespmem:s18], [sflag:$0x3], $0x80, s23, s17, $0xb8;
	[tilespmem:$0x16000] =	vst v63  }
0x84: {  	_ =	swait.ge [sflag:s15], $0x4000  }
0x85: {  	[sflag:s15] =	ssyncset.done $0x0  }
0x86: {  	[sflag:s15] =	ssyncadd.s32 $0xFFFFC000  }
0x87: {  	_ =	swait.ge [sflag:s21], $0x4000  }
0x88: {  	[sflag:s21] =	ssyncset.done $0x0  }
0x89: {  	[sflag:s21] =	ssyncadd.s32 $0xFFFFC000  }
0x8a: {  	[spmem:s1] =	stream.indirect.scatter.add.f32 [tilespmem:s19], [sflag:$0x3], $0x80, s24, s17, $0xb8;
	[tilespmem:$0x16000] =	vst v63  }
0x8b: {  	_ =	swait.ge [sflag:s15], $0x4000  }
0x8c: {  	[sflag:s15] =	ssyncset.done $0x0  }
0x8d: {  	[sflag:s15] =	ssyncadd.s32 $0xFFFFC000  }
0x8e: {  	[bflag:$0x0] =	sbarrier.arrive $0xFFFF  }
0x8f: {  	[tilespmem:s19], [sflag:$0x3] =	stream.linear.gather [spmem:s7], $0x4000, $0x38;
	[tilespmem:$0x16000] =	vst v63  }
0x90: {  	_ =	swait.ge [sflag:s15], $0x4000  }
0x91: {  	[sflag:s15] =	ssyncset.done $0x0  }
0x92: {  	s31 =	simm.s32 $0x0;
	[sflag:s15] =	ssyncadd.s32 $0xFFFFC000  }
0x93: {  	[hbm4b:s9+s31] =	stream.linear.scatter [tilespmem:s19], [sflag:$0x3], $0x4000, $0x38;
	[tilespmem:$0x16000] =	vst v63  }
0x94: {  	_ =	swait.ge [sflag:s15], $0x4000  }
0x95: {  	[sflag:s15] =	ssyncset.done $0x0  }
0x96: {  	[sflag:s15] =	ssyncadd.s32 $0xFFFFC000  }
0x97: {  	[tilespmem:s19], [sflag:$0x3] =	stream.linear.gather [spmem:s8], $0x4000, $0x38;
	[tilespmem:$0x16000] =	vst v63  }
0x98: {  	_ =	swait.ge [sflag:s15], $0x4000  }
0x99: {  	[sflag:s15] =	ssyncset.done $0x0  }
0x9a: {  	[sflag:s15] =	ssyncadd.s32 $0xFFFFC000  }
0x9b: {  	[hbm4b:s10+s31] =	stream.linear.scatter [tilespmem:s19], [sflag:$0x3], $0x4000, $0x38;
	[tilespmem:$0x16000] =	vst v63  }
0x9c: {  	_ =	swait.ge [sflag:s15], $0x4000  }
0x9d: {  	[sflag:s15] =	ssyncset.done $0x0  }
0x9e: {  	s26 =	simm.s32 $0x0;
	[sflag:s15] =	ssyncadd.s32 $0xFFFFC000  }
0x9f: {  	v4 =	vld [tilespmem:s26+$0x0]  }
0xa0: {  	v6 =	vld [tilespmem:s26+$0x10]  }
0xa1: {  	v5 =	vld [tilespmem:s26+$0x20]  }
0xa2: {  	v3 =	vld [tilespmem:s26+$0x30]  }
0xa3: {  	v2 =	vld [tilespmem:s26+$0x40]  }
0xa4: {  	v7 =	vadd.s32 $0x1000, v4;
	v4 =	vld [tilespmem:s26+$0x50]  }
0xa5: {  	s28 =	simm.s32 $0x200;
	[tilespmem:s26+$0x0] =	vst v7;
	v7 =	vadd.s32 $0x1000, v6;
	v6 =	vld [tilespmem:s26+$0x60]  }
.LBB2_8:
0xa6: {  	s29 =	sshra.s32 s28, $0x2;
	p0 =	sne.s32 s28, $0x3E00;
	[tilespmem:s26+$0x10] =	vst v7;
	v5 =	vadd.s32 $0x1000, v5;
	v7 =	vld [tilespmem:s26+$0x70]  }
0xa7: {  	v8 =	vld [tilespmem:s29+$0x0];
	[tilespmem:s26+$0x20] =	vst v5;
	v3 =	vadd.s32 $0x1000, v3  }
0xa8: {  	v9 =	vld [tilespmem:s29+$0x10];
	[tilespmem:s26+$0x30] =	vst v3;
	v2 =	vadd.s32 $0x1000, v2  }
.Ltmp3:
0xa9: {  	v5 =	vld [tilespmem:s29+$0x20];
	[tilespmem:s26+$0x40] =	vst v2;
	v2 =	vadd.s32 $0x1000, v4;
	(pc) =	sbr.rel @p0 .LBB2_8-.Ltmp3, $4  }
0xaa: {  	v3 =	vld [tilespmem:s29+$0x30];
	[tilespmem:s26+$0x50] =	vst v2;
	v4 =	vadd.s32 $0x1000, v6  }
0xab: {  	v2 =	vld [tilespmem:s29+$0x40];
	[tilespmem:s26+$0x60] =	vst v4;
	v6 =	vadd.s32 $0x1000, v7  }
0xac: {  	v7 =	vadd.s32 $0x1000, v8;
	v4 =	vld [tilespmem:s29+$0x50];
	[tilespmem:s26+$0x70] =	vst v6;
	s26 =	smov.u32 s29  }
0xad: {  	s28 =	sadd.s32 $0x200, s28;
	[tilespmem:s26+$0x0] =	vst v7;
	v7 =	vadd.s32 $0x1000, v9;
	v6 =	vld [tilespmem:s26+$0x60]  }
0xae: {  	[tilespmem:s26+$0x10] =	vst v7;
	v5 =	vadd.s32 $0x1000, v5;
	v63 =	vld [tilespmem:s26+$0x70]  }
0xaf: {  	[tilespmem:s26+$0x20] =	vst v5;
	v3 =	vadd.s32 $0x1000, v3  }
0xb0: {  	[tilespmem:s26+$0x30] =	vst v3;
	v2 =	vadd.s32 $0x1000, v2  }
0xb1: {  	[tilespmem:s26+$0x40] =	vst v2;
	v2 =	vadd.s32 $0x1000, v4  }
0xb2: {  	[tilespmem:s26+$0x50] =	vst v2;
	v2 =	vadd.s32 $0x1000, v6  }
0xb3: {  	[tilespmem:s26+$0x60] =	vst v2;
	v2 =	vadd.s32 $0x1000, v63  }
0xb4: {  	[tilespmem:s26+$0x70] =	vst v2  }
0xb5: {  	[spmem:s7] =	stream.linear.scatter [tilespmem:s16], [sflag:$0x3], $0x4000, $0x38;
	[tilespmem:$0x16000] =	vst v63  }
0xb6: {  	_ =	swait.ge [sflag:s15], $0x4000  }
0xb7: {  	[sflag:s15] =	ssyncset.done $0x0  }
0xb8: {  	[sflag:s15] =	ssyncadd.s32 $0xFFFFC000  }
0xb9: {  	[spmem:s8] =	stream.linear.scatter [tilespmem:s16], [sflag:$0x3], $0x4000, $0x38;
	[tilespmem:$0x16000] =	vst v63  }
0xba: {  	_ =	swait.ge [sflag:s15], $0x4000  }
0xbb: {  	[sflag:s15] =	ssyncset.done $0x0  }
0xbc: {  	[sflag:s15] =	ssyncadd.s32 $0xFFFFC000  }
0xbd: {  	s30 =	simm.s32 $0x0;
	[bflag:$0x0] =	sbarrier.arrive $0xFFFF  }
0xbe: {  	[tilespmem:s18], [sflag:$0x1] =	stream.indirect.gather [hbm4b:s4+s17], $0x80, s30, s17, $0xb8;
	[tilespmem:$0x16000] =	vst v63  }
0xbf: {  	s31 =	simm.s32 $0x80  }
0xc0: {  	[tilespmem:s19], [sflag:$0x2] =	stream.indirect.gather [hbm4b:s4+s17], $0x80, s31, s17, $0xb8;
	[tilespmem:$0x16000] =	vst v63  }
0xc1: {  	_ =	swait.ge [sflag:s20], $0x4000  }
0xc2: {  	[sflag:s20] =	ssyncset.done $0x0  }
0xc3: {  	s29 =	simm.s32 $0x1000;
	[sflag:s20] =	ssyncadd.s32 $0xFFFFC000  }
0xc4: {  	[spmem:s1] =	stream.indirect.scatter.add.f32 [tilespmem:s18], [sflag:$0x3], $0x80, s29, s17, $0xb8;
	[tilespmem:$0x16000] =	vst v63  }
0xc5: {  	_ =	swait.ge [sflag:s15], $0x4000  }
0xc6: {  	[sflag:s15] =	ssyncset.done $0x0  }
0xc7: {  	s30 =	simm.s32 $0x100;
	[sflag:s15] =	ssyncadd.s32 $0xFFFFC000  }
0xc8: {  	[tilespmem:s18], [sflag:$0x1] =	stream.indirect.gather [hbm4b:s4+s17], $0x80, s30, s17, $0xb8;
	[tilespmem:$0x16000] =	vst v63  }
0xc9: {  	_ =	swait.ge [sflag:s21], $0x4000  }
0xca: {  	[sflag:s21] =	ssyncset.done $0x0  }
0xcb: {  	s31 =	simm.s32 $0x1080;
	[sflag:s21] =	ssyncadd.s32 $0xFFFFC000  }
0xcc: {  	[spmem:s1] =	stream.indirect.scatter.add.f32 [tilespmem:s19], [sflag:$0x3], $0x80, s31, s17, $0xb8;
	[tilespmem:$0x16000] =	vst v63  }
0xcd: {  	_ =	swait.ge [sflag:s15], $0x4000  }
0xce: {  	s28 =	simm.s32 $0x800;
	s26 =	simm.s32 $0x100;
	[sflag:s15] =	ssyncset.done $0x0  }
.LBB2_10:
0xcf: {  	s29 =	sadd.s32 $0x80, s26  }
0xd0: {  	[sflag:s15] =	ssyncadd.s32 $0xFFFFC000;
	s30 =	smov.u32 s28;
	s31 =	sadd.s32 $0x400, s28  }
0xd1: {  	[tilespmem:s19], [sflag:$0x2] =	stream.indirect.gather [hbm4b:s4+s17], $0x80, s29, s17, $0xb8;
	[tilespmem:$0x16000] =	vst v63  }
0xd2: {  	p0 =	sne.s32 s28, $0x3800;
	_ =	swait.ge [sflag:s20], $0x4000  }
0xd3: {  	[sflag:s20] =	ssyncset.done $0x0  }
0xd4: {  	s28 =	sadd.s32 $0x1000, s26;
	[sflag:s20] =	ssyncadd.s32 $0xFFFFC000  }
0xd5: {  	[spmem:s1] =	stream.indirect.scatter.add.f32 [tilespmem:s18], [sflag:$0x3], $0x80, s28, s17, $0xb8;
	[tilespmem:$0x16000] =	vst v63  }
0xd6: {  	_ =	swait.ge [sflag:s15], $0x4000  }
0xd7: {  	[sflag:s15] =	ssyncset.done $0x0  }
0xd8: {  	s28 =	sadd.s32 $0x100, s26;
	[sflag:s15] =	ssyncadd.s32 $0xFFFFC000  }
0xd9: {  	[tilespmem:s18], [sflag:$0x1] =	stream.indirect.gather [hbm4b:s4+s17], $0x80, s28, s17, $0xb8;
	[tilespmem:$0x16000] =	vst v63  }
0xda: {  	_ =	swait.ge [sflag:s21], $0x4000  }
.Ltmp4:
0xdb: {  	[sflag:s21] =	ssyncset.done $0x0;
	(pc) =	sbr.rel @p0 .LBB2_10-.Ltmp4, $4  }
0xdc: {  	s26 =	sadd.s32 $0x1080, s26;
	[sflag:s21] =	ssyncadd.s32 $0xFFFFC000  }
0xdd: {  	[spmem:s1] =	stream.indirect.scatter.add.f32 [tilespmem:s19], [sflag:$0x3], $0x80, s26, s17, $0xb8;
	[tilespmem:$0x16000] =	vst v63  }
0xde: {  	_ =	swait.ge [sflag:s15], $0x4000  }
0xdf: {  	s28 =	smov.u32 s31;
	s26 =	sshra.s32 s30, $0x2;
	[sflag:s15] =	ssyncset.done $0x0  }
0xe0: {  	s28 =	sadd.s32 $0x80, s26;
	[sflag:s15] =	ssyncadd.s32 $0xFFFFC000  }
0xe1: {  	[tilespmem:s19], [sflag:$0x2] =	stream.indirect.gather [hbm4b:s4+s17], $0x80, s28, s17, $0xb8;
	[tilespmem:$0x16000] =	vst v63  }
0xe2: {  	_ =	swait.ge [sflag:s20], $0x4000  }
0xe3: {  	[sflag:s20] =	ssyncset.done $0x0  }
0xe4: {  	s29 =	sadd.s32 $0x1000, s26;
	[sflag:s20] =	ssyncadd.s32 $0xFFFFC000  }
0xe5: {  	[spmem:s1] =	stream.indirect.scatter.add.f32 [tilespmem:s18], [sflag:$0x3], $0x80, s29, s17, $0xb8;
	[tilespmem:$0x16000] =	vst v63  }
0xe6: {  	_ =	swait.ge [sflag:s15], $0x4000  }
0xe7: {  	[sflag:s15] =	ssyncset.done $0x0  }
0xe8: {  	s30 =	sadd.s32 $0x100, s26;
	[sflag:s15] =	ssyncadd.s32 $0xFFFFC000  }
0xe9: {  	[tilespmem:s18], [sflag:$0x1] =	stream.indirect.gather [hbm4b:s4+s17], $0x80, s30, s17, $0xb8;
	[tilespmem:$0x16000] =	vst v63  }
0xea: {  	_ =	swait.ge [sflag:s21], $0x4000  }
0xeb: {  	[sflag:s21] =	ssyncset.done $0x0  }
0xec: {  	s31 =	sadd.s32 $0x1080, s26;
	[sflag:s21] =	ssyncadd.s32 $0xFFFFC000  }
0xed: {  	[spmem:s1] =	stream.indirect.scatter.add.f32 [tilespmem:s19], [sflag:$0x3], $0x80, s31, s17, $0xb8;
	[tilespmem:$0x16000] =	vst v63  }
0xee: {  	_ =	swait.ge [sflag:s15], $0x4000  }
0xef: {  	[sflag:s15] =	ssyncset.done $0x0  }
0xf0: {  	[sflag:s15] =	ssyncadd.s32 $0xFFFFC000  }
0xf1: {  	[tilespmem:s19], [sflag:$0x2] =	stream.indirect.gather [hbm4b:s4+s17], $0x80, s22, s17, $0xb8;
	[tilespmem:$0x16000] =	vst v63  }
0xf2: {  	_ =	swait.ge [sflag:s20], $0x4000  }
0xf3: {  	[sflag:s20] =	ssyncset.done $0x0  }
0xf4: {  	[sflag:s20] =	ssyncadd.s32 $0xFFFFC000  }
0xf5: {  	[spmem:s1] =	stream.indirect.scatter.add.f32 [tilespmem:s18], [sflag:$0x3], $0x80, s23, s17, $0xb8;
	[tilespmem:$0x16000] =	vst v63  }
0xf6: {  	_ =	swait.ge [sflag:s15], $0x4000  }
0xf7: {  	[sflag:s15] =	ssyncset.done $0x0  }
0xf8: {  	[sflag:s15] =	ssyncadd.s32 $0xFFFFC000  }
0xf9: {  	_ =	swait.ge [sflag:s21], $0x4000  }
0xfa: {  	[sflag:s21] =	ssyncset.done $0x0  }
0xfb: {  	[sflag:s21] =	ssyncadd.s32 $0xFFFFC000  }
0xfc: {  	[spmem:s1] =	stream.indirect.scatter.add.f32 [tilespmem:s19], [sflag:$0x3], $0x80, s24, s17, $0xb8;
	[tilespmem:$0x16000] =	vst v63  }
0xfd: {  	_ =	swait.ge [sflag:s15], $0x4000  }
0xfe: {  	[sflag:s15] =	ssyncset.done $0x0  }
0xff: {  	[sflag:s15] =	ssyncadd.s32 $0xFFFFC000  }
0x100: {  	[bflag:$0x0] =	sbarrier.arrive $0xFFFF  }
0x101: {  	[tilespmem:s19], [sflag:$0x3] =	stream.linear.gather [spmem:s7], $0x4000, $0x38;
	[tilespmem:$0x16000] =	vst v63  }
0x102: {  	_ =	swait.ge [sflag:s15], $0x4000  }
0x103: {  	[sflag:s15] =	ssyncset.done $0x0  }
0x104: {  	[sflag:s15] =	ssyncadd.s32 $0xFFFFC000  }
0x105: {  	[hbm4b:s11+s3] =	stream.linear.scatter [tilespmem:s19], [sflag:$0x3], $0x4000, $0x38;
	[tilespmem:$0x16000] =	vst v63  }
0x106: {  	_ =	swait.ge [sflag:s15], $0x4000  }
0x107: {  	[sflag:s15] =	ssyncset.done $0x0  }
0x108: {  	[sflag:s15] =	ssyncadd.s32 $0xFFFFC000  }
0x109: {  	[tilespmem:s19], [sflag:$0x3] =	stream.linear.gather [spmem:s8], $0x4000, $0x38;
	[tilespmem:$0x16000] =	vst v63  }
0x10a: {  	s25 =	sadd.s32 $0x1, s25;
	_ =	swait.ge [sflag:s15], $0x4000  }
0x10b: {  	p0 =	sne.s32 s25, s13;
	[sflag:s15] =	ssyncset.done $0x0  }
.Ltmp5:
0x10c: {  	[sflag:s15] =	ssyncadd.s32 $0xFFFFC000;
	(pc) =	sbr.rel @p0 .LBB2_1-.Ltmp5, $4  }
0x10d: {  	[hbm4b:s12+s3] =	stream.linear.scatter [tilespmem:s19], [sflag:$0x3], $0x4000, $0x38;
	[tilespmem:$0x16000] =	vst v63  }
0x10e: {  	_ =	swait.ge [sflag:s15], $0x4000  }
0x10f: {  	[sflag:s15] =	ssyncset.done $0x0  }
0x110: {  	[sflag:s15] =	ssyncadd.s32 $0xFFFFC000  }
0x111: {  	_ =	sfence.sel $0x180000  }
0x112: {  	[bflag:$0x0] =	sbarrier.arrive $0xFFFF  }
0x113: {  	p0 =	sne.s32 s2, $0x0;
	_ =	strace $0x90000053  }
0x114: {  	s0 =	sadd.s32 @!p0 $0x100000, s0;
	[bflag:$0x2] =	sbarrier.arrive $0xFFFF  }
0x115: {  	[sflag:s0] =	ssyncadd.tile.s32 @!p0 $0x1;
	_ =	shalt  }
.Lfunc_end2:
_tile_overlayer_lowered:
.L_overlay_start_2:
0x116: {  	(tag) =	ssettag $0x2  }
0x117: {  	s0 =	rddreg [dreg:$0x0];
	s2 =	stileid.u32  }
0x118: {  	s1 =	rddreg [dreg:$0x1];
	p0 =	sne.s32 s2, $0x0  }
0x119: {  	s3 =	rddreg [dreg:$0x2];
	[bflag:$0x3] =	sbarrier.arrive $0xFFFF;
	s2 =	simm.s32 @!p0 $0x1C03  }
0x11a: {  	[timem:s3], [sflag:s2] =	dma.local @!p0 [hbm:s0], s1  }
0x11b: {  	s0 =	simm.s32 @!p0 $0x3  }
0x11c: {  	_ =	swait.ge @!p0 [sflag:s0], s1  }
0x11d: {  	s1 =	ssub.s32 @!p0 $0x0, s1;
	[sflag:s0] =	ssyncset.done @!p0 $0x0  }
0x11e: {  	[sflag:s0] =	ssyncadd.s32 @!p0 s1  }
0x11f: {  	[bflag:$0x3] =	sbarrier.arrive $0xFFFF  }
0x120: {  	_ =	shalt  }

</sc_bundles>
